<compile_context>
chip_gen: v7x
topology: tpu7x:2x2x1
jax: 0.10.2.dev20260603
libtpu: 0.0.44.dev20260713+nightly
codegen_flags: <defaults>
</compile_context>

<pallas_src>
import functools

import jax
import jax.numpy as jnp
import numpy as np
from jax import lax
from jax.experimental import pallas as pl
from jax.experimental.pallas import tpu as pltpu
from jax.experimental.pallas import tpu_sc as plsc

_B, _N, _C, _K = 4, 4096, 128, 16
_EPS = 1e-5
_SCALE = float(np.sqrt(_C))

_BQ = 1024
_BN = 256


def _prep_body(xytp_ref, feat_ref, wpos_ref, bpos_ref, wlt_ref, blt_ref,
               st_ref, q_ref, pb_ref):
    x = xytp_ref[0]
    f = feat_ref[0]
    P = jnp.dot(x, wpos_ref[...], preferred_element_type=jnp.float32,
                precision=lax.Precision.HIGHEST)
    lt = jnp.dot(f, wlt_ref[...], preferred_element_type=jnp.float32,
                 precision=lax.Precision.HIGHEST) + blt_ref[...]
    varphi = lt[:, :_C]
    psi = lt[:, _C:2 * _C]
    alpha = lt[:, 2 * _C:]
    Pb = P + bpos_ref[...]
    sbits = lax.bitcast_convert_type(psi + P, jnp.int32)
    tbits = lax.bitcast_convert_type(alpha - P, jnp.int32)
    half = jnp.int32(0x8000)
    st_ref[0] = (((sbits + half) >> 16) & jnp.int32(0xFFFF)) | \
                ((tbits + half) & jnp.int32(-65536))
    q_ref[0] = varphi + Pb
    pb_ref[0] = Pb


def _prep(xytp, features, W_pos, b_pos, W_lt, b_lt):
    grid = (_B, _N // _BQ)
    return pl.pallas_call(
        _prep_body,
        grid=grid,
        in_specs=[
            pl.BlockSpec((1, _BQ, 4), lambda b, i: (b, i, 0)),
            pl.BlockSpec((1, _BQ, _C), lambda b, i: (b, i, 0)),
            pl.BlockSpec((4, _C), lambda b, i: (0, 0)),
            pl.BlockSpec((1, _C), lambda b, i: (0, 0)),
            pl.BlockSpec((_C, 3 * _C), lambda b, i: (0, 0)),
            pl.BlockSpec((1, 3 * _C), lambda b, i: (0, 0)),
        ],
        out_specs=[
            pl.BlockSpec((1, _BQ, _C), lambda b, i: (b, i, 0)),
            pl.BlockSpec((1, _BQ, _C), lambda b, i: (b, i, 0)),
            pl.BlockSpec((1, _BQ, _C), lambda b, i: (b, i, 0)),
        ],
        out_shape=[
            jax.ShapeDtypeStruct((_B, _N, _C), jnp.int32),
            jax.ShapeDtypeStruct((_B, _N, _C), jnp.float32),
            jax.ShapeDtypeStruct((_B, _N, _C), jnp.float32),
        ],
    )(xytp, features, W_pos, b_pos.reshape(1, _C), W_lt, b_lt.reshape(1, 3 * _C))


def _knn_body(xq_ref, xa_ref, idx_ref, *, base):
    lane4 = lax.broadcasted_iota(jnp.int32, (1, 4), 1)
    xq = jnp.where(lane4 < 3, xq_ref[0], 0.0)
    xa = jnp.where(lane4 < 3, xa_ref[0], 0.0)
    ones14 = jnp.full((1, 4), 1.0, jnp.float32)
    sqa_row = lax.dot_general(ones14, xa * xa, (((1,), (1,)), ((), ())),
                              preferred_element_type=jnp.float32,
                              precision=lax.Precision.HIGHEST)
    dot = lax.dot_general(xq, xa, (((1,), (1,)), ((), ())),
                          preferred_element_type=jnp.float32,
                          precision=lax.Precision.DEFAULT)
    d2 = sqa_row - 2.0 * dot

    kbits = lax.bitcast_convert_type(d2, jnp.int32)
    kmono = kbits ^ ((kbits >> 31) & jnp.int32(0x7FFFFFFF))
    nchunks = _N // 128
    v = [(kmono[:, c * 128:(c + 1) * 128] & jnp.int32(~0x1F)) | jnp.int32(c)
         for c in range(nchunks)]

    def _ce(a, b):
        return jnp.minimum(a, b), jnp.maximum(a, b)

    def _bitonic_sort16(w):
        n = 16
        k = 2
        while k <= n:
            j = k // 2
            while j >= 1:
                for i in range(n):
                    l = i ^ j
                    if l > i:
                        lo, hi = _ce(w[i], w[l])
                        if (i & k) == 0:
                            w[i], w[l] = lo, hi
                        else:
                            w[i], w[l] = hi, lo
                j //= 2
            k *= 2
        return w

    def _bitonic_merge16(w):
        for j in (8, 4, 2, 1):
            for i in range(16):
                l = i ^ j
                if l > i:
                    w[i], w[l] = _ce(w[i], w[l])
        return w

    a = _bitonic_sort16(v[:16])
    bb = _bitonic_sort16(v[16:])
    t16 = [jnp.minimum(a[i], bb[15 - i]) for i in range(16)]
    L = _bitonic_merge16(t16)

    lane = lax.broadcasted_iota(jnp.int32, (_BQ, 128), 1)
    big = jnp.int32(2 ** 30)
    for t in range(_K):
        m = jnp.min(L[0], axis=1, keepdims=True)
        cand = jnp.where(L[0] == m, lane, big)
        l = jnp.min(cand, axis=1, keepdims=True)
        idx_ref[0, :, t:t + 1] = (m & 31) * 128 + l + base
        if t < _K - 1:
            sel = lane == l
            for p in range(15 - t):
                L[p] = jnp.where(sel, L[p + 1], L[p])
    return


def _knn(x_b, base):
    grid = (_N // _BQ,)
    return pl.pallas_call(
        functools.partial(_knn_body, base=base),
        grid=grid,
        in_specs=[
            pl.BlockSpec((1, _BQ, 4), lambda i: (0, i, 0)),
            pl.BlockSpec((1, _N, 4), lambda i: (0, 0, 0)),
        ],
        out_specs=pl.BlockSpec((1, _BQ, _K), lambda i: (0, i, 0)),
        out_shape=jax.ShapeDtypeStruct((1, _N, _K), jnp.int32),
    )(x_b, x_b)


def _sc_gather(table, idxg):
    R, D = table.shape
    M = idxg.shape[0]
    NW = 32
    per_w = M // NW
    CH = 128
    mesh = plsc.VectorSubcoreMesh(core_axis_name="c", subcore_axis_name="s")

    @functools.partial(
        pl.kernel, mesh=mesh,
        out_type=jax.ShapeDtypeStruct((M, D), table.dtype),
        scratch_types=[
            pltpu.VMEM((CH,), jnp.int32),
            pltpu.VMEM((CH, D), table.dtype),
            pltpu.SemaphoreType.DMA,
        ],
    )
    def gather_k(tab_hbm, idx_hbm, out_hbm, idx_v, rows_v, sem):
        c = lax.axis_index("c")
        s = lax.axis_index("s")
        wid = s * 2 + c
        base = wid * per_w

        def body(i, carry):
            off = base + i * CH
            pltpu.sync_copy(idx_hbm.at[pl.ds(off, CH)], idx_v)
            pltpu.async_copy(tab_hbm.at[idx_v], rows_v, sem).wait()
            pltpu.sync_copy(rows_v, out_hbm.at[pl.ds(off, CH)])
            return carry

        lax.fori_loop(0, per_w // CH, body, 0)

    return gather_k(table, idxg)


def _attn_body(q_ref, pb_ref, g_ref, gamma_ref, beta_ref, o_ref):
    Q = q_ref[0]
    Pb = pb_ref[0]
    G = g_ref[0].reshape(_BN, _K, _C)
    S = lax.bitcast_convert_type(G << 16, jnp.float32)
    T = lax.bitcast_convert_type(G & jnp.int32(-65536), jnp.float32)
    pre = Q[:, None, :] - S
    mu = jnp.mean(pre, axis=2, keepdims=True)
    d = pre - mu
    var = jnp.mean(d * d, axis=2, keepdims=True)
    r = 1.0 / jnp.sqrt(var + _EPS)
    ln = d * r * gamma_ref[...] + beta_ref[...]
    z = ln * jnp.float32(1.0 / _SCALE)
    zm = jnp.max(z, axis=1, keepdims=True)
    e = jnp.exp(z - zm)
    w = e * (1.0 / jnp.sum(e, axis=1, keepdims=True))
    o_ref[0] = Pb + jnp.sum(w * T, axis=1)


def _attention(Q, Pb, G, gamma, beta):
    grid = (_N // _BN,)
    return pl.pallas_call(
        _attn_body,
        grid=grid,
        in_specs=[
            pl.BlockSpec((1, _BN, _C), lambda i: (0, i, 0)),
            pl.BlockSpec((1, _BN, _C), lambda i: (0, i, 0)),
            pl.BlockSpec((1, _BN * _K, _C), lambda i: (0, i, 0)),
            pl.BlockSpec((1, _C), lambda i: (0, 0)),
            pl.BlockSpec((1, _C), lambda i: (0, 0)),
        ],
        out_specs=pl.BlockSpec((1, _BN, _C), lambda i: (0, i, 0)),
        out_shape=jax.ShapeDtypeStruct((1, _N, _C), jnp.float32),
    )(Q, Pb, G, gamma.reshape(1, _C), beta.reshape(1, _C))


def kernel(xytp, features, W_pos, b_pos, W_lt, b_lt, gamma, beta):
    ST, Q, Pb = _prep(xytp, features, W_pos, b_pos, W_lt, b_lt)
    ST_flat = ST.reshape(_B * _N, _C)
    outs = []
    for b in range(_B):
        idx_b = _knn(lax.slice_in_dim(xytp, b, b + 1, axis=0), b * _N)
        G_b = _sc_gather(ST_flat, idx_b.reshape(_N * _K))
        outs.append(_attention(
            lax.slice_in_dim(Q, b, b + 1, axis=0),
            lax.slice_in_dim(Pb, b, b + 1, axis=0),
            G_b.reshape(1, _N * _K, _C), gamma, beta))
    return jnp.concatenate(outs, axis=0)

# --- scband reference (transcript-rebuilt; emitter-appended) ---
"""Pipeline reference for scband-lxformer-40303973105907 (READ-ONLY COPY).

The authoritative reference and input builder live on the scoring server;
editing this copy changes nothing except your own understanding.
"""

import jax, jax.numpy as jnp
import numpy as np

B, N, IN_C, OUT_C, K = 4, 4096, 128, 128, 16
EPS = 1e-5


def setup_inputs(seed: int = 0) -> dict:
    key = jax.random.key(seed)
    ks = jax.random.split(key, 8)
    return {
        "xytp": jax.random.normal(ks[0], (B, N, 4), dtype=jnp.float32),
        "features": jax.random.normal(ks[1], (B, N, IN_C), dtype=jnp.float32),
        "W_pos": jax.random.normal(ks[2], (4, OUT_C), dtype=jnp.float32) * 0.5,
        "b_pos": jnp.zeros((OUT_C,), dtype=jnp.float32),
        "W_lt": jax.random.normal(ks[3], (IN_C, 3 * OUT_C), dtype=jnp.float32) / np.sqrt(IN_C),
        "b_lt": jnp.zeros((3 * OUT_C,), dtype=jnp.float32),
        "gamma": jnp.ones((OUT_C,), dtype=jnp.float32),
        "beta": jnp.zeros((OUT_C,), dtype=jnp.float32),
    }


def _knn_idx(xyt, k):
    # knn_points(xyt, xyt, K=k).idx : brute-force squared-L2 kNN
    sq = jnp.sum(xyt * xyt, axis=-1)
    d2 = sq[:, :, None] + sq[:, None, :] - 2.0 * jnp.einsum('bnd,bmd->bnm', xyt, xyt)
    _, idx = jax.lax.top_k(-d2, k)  # smallest distances
    return idx  # [B, N, K]


def _knn_gather(x, idx):
    # pytorch3d.ops.knn_gather: x[b, idx[b, n, k], :] -> [B, N, K, C]
    return jax.vmap(lambda xb, ib: xb[ib])(x, idx)


def _layer_norm(x, gamma, beta):
    mu = jnp.mean(x, axis=-1, keepdims=True)
    var = jnp.var(x, axis=-1, keepdims=True)
    return (x - mu) / jnp.sqrt(var + EPS) * gamma + beta


def reference(xytp, features, W_pos, b_pos, W_lt, b_lt, gamma, beta):
    attn_scale = float(np.sqrt(OUT_C))
    # xyt = xytp[:, :, :3].clone().detach()
    xyt = jax.lax.stop_gradient(xytp[:, :, :3])
    idx = _knn_idx(xyt, K)
    # delta = PositionEncoder(xytp[:, :, None] - knn_gather(xytp, idx))  (Linear(4 -> out_channel))
    rel = xytp[:, :, None, :] - _knn_gather(xytp, idx)  # [B, N, K, 4]
    delta = rel @ W_pos + b_pos  # [B, N, K, C]
    lt = features @ W_lt + b_lt  # [B, N, 3C]
    c = lt.shape[-1] // 3
    varphi = lt[..., :c]
    psi = lt[..., c:2 * c]
    alpha = lt[..., 2 * c:]
    psi_g = _knn_gather(psi, idx)
    alpha_g = _knn_gather(alpha, idx)
    pre = varphi[:, :, None, :] - psi_g + delta
    local_attn = jax.nn.softmax(_layer_norm(pre, gamma, beta) / attn_scale, axis=2) * (alpha_g + delta)
    return jnp.sum(local_attn, axis=2)  # [B, N, C]

if __name__ == "__main__":
    import jax
    _d = setup_inputs()
    print(jax.jit(kernel)(*tuple(_d.values())))

</pallas_src>

<mosaic_0001>
#map = affine_map<(d0, d1) -> (0, 0)>
#map1 = affine_map<(d0, d1) -> (0)>
module attributes {stable_mosaic.version = 14 : i64} {
  func.func @gather_k(%arg0: i32, %arg1: i32, %arg2: memref<16384x128xi32, #tpu.memory_space<hbm>>, %arg3: memref<65536xi32, #tpu.memory_space<hbm>>, %arg4: memref<65536x128xi32, #tpu.memory_space<hbm>>, %arg5: memref<128xi32, #tpu.memory_space<vmem>>, %arg6: memref<128x128xi32, #tpu.memory_space<vmem>>, %arg7: memref<!tpu.dma_semaphore, #tpu.memory_space<semaphore_mem>>) attributes {dimension_semantics = [#tpu.dimension_semantics<core_parallel>, #tpu.dimension_semantics<subcore_parallel>], iteration_bounds = array<i64: 2, 16>, scalar_prefetch = 0 : i64, scratch_operands = 3 : i64, tpu.core_type = #tpu.core_type<sc_vector_subcore>, window_params = [{transform_indices = #map}, {transform_indices = #map1}, {transform_indices = #map}]} {
    %mul3A = arith.constant 2 : i32
    %mul3A_0 = arith.muli %arg1, %mul3A : i32
    %add3A = arith.addi %mul3A_0, %arg0 : i32
    %mul3A_1 = arith.constant 2048 : i32
    %mul3A_2 = arith.muli %add3A, %mul3A_1 : i32
    %scan3A = arith.constant 0 : i32
    %scan3A_3 = arith.constant 0 : i32
    %scan3A_4 = arith.constant 16 : i32
    %scan3A_5 = arith.addi %scan3A_3, %scan3A_4 : i32
    %scan3A_6 = arith.constant 1 : i32
    scf.for %scan3A_8 = %scan3A_3 to %scan3A_5 step %scan3A_6  : i32 {
      %mul3A_9 = arith.constant 128 : i32
      %mul3A_10 = arith.muli %scan3A_8, %mul3A_9 : i32
      %add3A_11 = arith.addi %mul3A_2, %mul3A_10 : i32
      "tpu.region"() ({
        %run_scoped3A = tpu.sem_alloc : memref<!tpu.dma_semaphore, #tpu.memory_space<semaphore_mem>>
        %dma_start3A_16 = tpu.memref_slice %arg3[%add3A_11] : memref<65536xi32, #tpu.memory_space<hbm>> -> memref<128xi32, #tpu.memory_space<hbm>>
        %dma_start3A_17 = tpu.memref_slice %arg3[%add3A_11] : memref<65536xi32, #tpu.memory_space<hbm>> -> memref<128xi32, #tpu.memory_space<hbm>>
        tpu.enqueue_dma source(%dma_start3A_17 : memref<128xi32, #tpu.memory_space<hbm>>) target(%arg5 : memref<128xi32, #tpu.memory_space<vmem>>) target_semaphore(%run_scoped3A : memref<!tpu.dma_semaphore, #tpu.memory_space<semaphore_mem>>)
        %dma_wait3A_18 = tpu.memref_slice %arg3[%add3A_11] : memref<65536xi32, #tpu.memory_space<hbm>> -> memref<128xi32, #tpu.memory_space<hbm>>
        %dma_wait3A_19 = tpu.memref_slice %arg3[%add3A_11] : memref<65536xi32, #tpu.memory_space<hbm>> -> memref<128xi32, #tpu.memory_space<hbm>>
        tpu.wait_dma2 semaphore(%run_scoped3A : memref<!tpu.dma_semaphore, #tpu.memory_space<semaphore_mem>>) src(%dma_wait3A_19 : memref<128xi32, #tpu.memory_space<hbm>>) dst(%arg5 : memref<128xi32, #tpu.memory_space<vmem>>)
        tpu.yield
      }) : () -> ()
      %dma_start3A = arith.constant 0 : i32
      %dma_start3A_12 = arith.constant 0 : i32
      %dma_start3A_13 = tpu.memref_slice %arg2[%dma_start3A, %dma_start3A_12] : memref<16384x128xi32, #tpu.memory_space<hbm>> -> memref<16384x128xi32, #tpu.memory_space<hbm>>
      tpu.enqueue_indirect_dma source(%dma_start3A_13 : memref<16384x128xi32, #tpu.memory_space<hbm>>) target(%arg6 : memref<128x128xi32, #tpu.memory_space<vmem>>) offsets(%arg5 : memref<128xi32, #tpu.memory_space<vmem>>) semaphore(%arg7 : memref<!tpu.dma_semaphore, #tpu.memory_space<semaphore_mem>>)
      %dma_wait3A = arith.constant 0 : i32
      %dma_wait3A_14 = arith.constant 0 : i32
      %dma_wait3A_15 = tpu.memref_slice %arg2[%dma_wait3A, %dma_wait3A_14] : memref<16384x128xi32, #tpu.memory_space<hbm>> -> memref<16384x128xi32, #tpu.memory_space<hbm>>
      tpu.wait_indirect_dma semaphore(%arg7 : memref<!tpu.dma_semaphore, #tpu.memory_space<semaphore_mem>>) src(%dma_wait3A_15 : memref<16384x128xi32, #tpu.memory_space<hbm>>) dst(%arg6 : memref<128x128xi32, #tpu.memory_space<vmem>>)
      "tpu.region"() ({
        %run_scoped3A = tpu.sem_alloc : memref<!tpu.dma_semaphore, #tpu.memory_space<semaphore_mem>>
        %dma_start3A_16 = arith.constant 0 : i32
        %dma_start3A_17 = tpu.memref_slice %arg4[%add3A_11, %dma_start3A_16] : memref<65536x128xi32, #tpu.memory_space<hbm>> -> memref<128x128xi32, #tpu.memory_space<hbm>>
        %dma_start3A_18 = arith.constant 0 : i32
        %dma_start3A_19 = tpu.memref_slice %arg4[%add3A_11, %dma_start3A_18] : memref<65536x128xi32, #tpu.memory_space<hbm>> -> memref<128x128xi32, #tpu.memory_space<hbm>>
        tpu.enqueue_dma source(%arg6 : memref<128x128xi32, #tpu.memory_space<vmem>>) target(%dma_start3A_19 : memref<128x128xi32, #tpu.memory_space<hbm>>) target_semaphore(%run_scoped3A : memref<!tpu.dma_semaphore, #tpu.memory_space<semaphore_mem>>)
        %dma_wait3A_20 = arith.constant 0 : i32
        %dma_wait3A_21 = tpu.memref_slice %arg4[%add3A_11, %dma_wait3A_20] : memref<65536x128xi32, #tpu.memory_space<hbm>> -> memref<128x128xi32, #tpu.memory_space<hbm>>
        %dma_wait3A_22 = arith.constant 0 : i32
        %dma_wait3A_23 = tpu.memref_slice %arg4[%add3A_11, %dma_wait3A_22] : memref<65536x128xi32, #tpu.memory_space<hbm>> -> memref<128x128xi32, #tpu.memory_space<hbm>>
        tpu.wait_dma2 semaphore(%run_scoped3A : memref<!tpu.dma_semaphore, #tpu.memory_space<semaphore_mem>>) src(%arg6 : memref<128x128xi32, #tpu.memory_space<vmem>>) dst(%dma_wait3A_23 : memref<128x128xi32, #tpu.memory_space<hbm>>)
        tpu.yield
      }) : () -> ()
    }
    %scan3A_7 = arith.constant 16 : i32
    return
  }
}

#map = affine_map<(d0, d1) -> (0, 0)>
#map1 = affine_map<(d0, d1) -> (0)>
module attributes {stable_mosaic.version = 14 : i64} {
  func.func @gather_k(%arg0: i32, %arg1: i32, %arg2: memref<16384x128xi32, #tpu.memory_space<hbm>>, %arg3: memref<65536xi32, #tpu.memory_space<hbm>>, %arg4: memref<65536x128xi32, #tpu.memory_space<hbm>>, %arg5: memref<128xi32, #tpu.memory_space<vmem>>, %arg6: memref<128x128xi32, #tpu.memory_space<vmem>>, %arg7: memref<!tpu.dma_semaphore, #tpu.memory_space<semaphore_mem>>) attributes {dimension_semantics = [#tpu.dimension_semantics<core_parallel>, #tpu.dimension_semantics<subcore_parallel>], iteration_bounds = array<i64: 2, 16>, scalar_prefetch = 0 : i64, scratch_operands = 3 : i64, tpu.core_type = #tpu.core_type<sc_vector_subcore>, window_params = [{transform_indices = #map}, {transform_indices = #map1}, {transform_indices = #map}]} {
    %mul3A = arith.constant 2 : i32
    %mul3A_0 = arith.muli %arg1, %mul3A : i32
    %add3A = arith.addi %mul3A_0, %arg0 : i32
    %mul3A_1 = arith.constant 2048 : i32
    %mul3A_2 = arith.muli %add3A, %mul3A_1 : i32
    %scan3A = arith.constant 0 : i32
    %scan3A_3 = arith.constant 0 : i32
    %scan3A_4 = arith.constant 16 : i32
    %scan3A_5 = arith.addi %scan3A_3, %scan3A_4 : i32
    %scan3A_6 = arith.constant 1 : i32
    scf.for %scan3A_8 = %scan3A_3 to %scan3A_5 step %scan3A_6  : i32 {
      %mul3A_9 = arith.constant 128 : i32
      %mul3A_10 = arith.muli %scan3A_8, %mul3A_9 : i32
      %add3A_11 = arith.addi %mul3A_2, %mul3A_10 : i32
      "tpu.region"() ({
        %run_scoped3A = tpu.sem_alloc : memref<!tpu.dma_semaphore, #tpu.memory_space<semaphore_mem>>
        %dma_start3A_16 = tpu.memref_slice %arg3[%add3A_11] : memref<65536xi32, #tpu.memory_space<hbm>> -> memref<128xi32, #tpu.memory_space<hbm>>
        %dma_start3A_17 = tpu.memref_slice %arg3[%add3A_11] : memref<65536xi32, #tpu.memory_space<hbm>> -> memref<128xi32, #tpu.memory_space<hbm>>
        tpu.enqueue_dma source(%dma_start3A_17 : memref<128xi32, #tpu.memory_space<hbm>>) target(%arg5 : memref<128xi32, #tpu.memory_space<vmem>>) target_semaphore(%run_scoped3A : memref<!tpu.dma_semaphore, #tpu.memory_space<semaphore_mem>>)
        %dma_wait3A_18 = tpu.memref_slice %arg3[%add3A_11] : memref<65536xi32, #tpu.memory_space<hbm>> -> memref<128xi32, #tpu.memory_space<hbm>>
        %dma_wait3A_19 = tpu.memref_slice %arg3[%add3A_11] : memref<65536xi32, #tpu.memory_space<hbm>> -> memref<128xi32, #tpu.memory_space<hbm>>
        tpu.wait_dma2 semaphore(%run_scoped3A : memref<!tpu.dma_semaphore, #tpu.memory_space<semaphore_mem>>) src(%dma_wait3A_19 : memref<128xi32, #tpu.memory_space<hbm>>) dst(%arg5 : memref<128xi32, #tpu.memory_space<vmem>>)
        tpu.yield
      }) : () -> ()
      %dma_start3A = arith.constant 0 : i32
      %dma_start3A_12 = arith.constant 0 : i32
      %dma_start3A_13 = tpu.memref_slice %arg2[%dma_start3A, %dma_start3A_12] : memref<16384x128xi32, #tpu.memory_space<hbm>> -> memref<16384x128xi32, #tpu.memory_space<hbm>>
      tpu.enqueue_indirect_dma source(%dma_start3A_13 : memref<16384x128xi32, #tpu.memory_space<hbm>>) target(%arg6 : memref<128x128xi32, #tpu.memory_space<vmem>>) offsets(%arg5 : memref<128xi32, #tpu.memory_space<vmem>>) semaphore(%arg7 : memref<!tpu.dma_semaphore, #tpu.memory_space<semaphore_mem>>)
      %dma_wait3A = arith.constant 0 : i32
      %dma_wait3A_14 = arith.constant 0 : i32
      %dma_wait3A_15 = tpu.memref_slice %arg2[%dma_wait3A, %dma_wait3A_14] : memref<16384x128xi32, #tpu.memory_space<hbm>> -> memref<16384x128xi32, #tpu.memory_space<hbm>>
      tpu.wait_indirect_dma semaphore(%arg7 : memref<!tpu.dma_semaphore, #tpu.memory_space<semaphore_mem>>) src(%dma_wait3A_15 : memref<16384x128xi32, #tpu.memory_space<hbm>>) dst(%arg6 : memref<128x128xi32, #tpu.memory_space<vmem>>)
      "tpu.region"() ({
        %run_scoped3A = tpu.sem_alloc : memref<!tpu.dma_semaphore, #tpu.memory_space<semaphore_mem>>
        %dma_start3A_16 = arith.constant 0 : i32
        %dma_start3A_17 = tpu.memref_slice %arg4[%add3A_11, %dma_start3A_16] : memref<65536x128xi32, #tpu.memory_space<hbm>> -> memref<128x128xi32, #tpu.memory_space<hbm>>
        %dma_start3A_18 = arith.constant 0 : i32
        %dma_start3A_19 = tpu.memref_slice %arg4[%add3A_11, %dma_start3A_18] : memref<65536x128xi32, #tpu.memory_space<hbm>> -> memref<128x128xi32, #tpu.memory_space<hbm>>
        tpu.enqueue_dma source(%arg6 : memref<128x128xi32, #tpu.memory_space<vmem>>) target(%dma_start3A_19 : memref<128x128xi32, #tpu.memory_space<hbm>>) target_semaphore(%run_scoped3A : memref<!tpu.dma_semaphore, #tpu.memory_space<semaphore_mem>>)
        %dma_wait3A_20 = arith.constant 0 : i32
        %dma_wait3A_21 = tpu.memref_slice %arg4[%add3A_11, %dma_wait3A_20] : memref<65536x128xi32, #tpu.memory_space<hbm>> -> memref<128x128xi32, #tpu.memory_space<hbm>>
        %dma_wait3A_22 = arith.constant 0 : i32
        %dma_wait3A_23 = tpu.memref_slice %arg4[%add3A_11, %dma_wait3A_22] : memref<65536x128xi32, #tpu.memory_space<hbm>> -> memref<128x128xi32, #tpu.memory_space<hbm>>
        tpu.wait_dma2 semaphore(%run_scoped3A : memref<!tpu.dma_semaphore, #tpu.memory_space<semaphore_mem>>) src(%arg6 : memref<128x128xi32, #tpu.memory_space<vmem>>) dst(%dma_wait3A_23 : memref<128x128xi32, #tpu.memory_space<hbm>>)
        tpu.yield
      }) : () -> ()
    }
    %scan3A_7 = arith.constant 16 : i32
    return
  }
}

#map = affine_map<(d0, d1) -> (0, 0)>
#map1 = affine_map<(d0, d1) -> (0)>
module attributes {stable_mosaic.version = 14 : i64} {
  func.func @gather_k(%arg0: i32, %arg1: i32, %arg2: memref<16384x128xi32, #tpu.memory_space<hbm>>, %arg3: memref<65536xi32, #tpu.memory_space<hbm>>, %arg4: memref<65536x128xi32, #tpu.memory_space<hbm>>, %arg5: memref<128xi32, #tpu.memory_space<vmem>>, %arg6: memref<128x128xi32, #tpu.memory_space<vmem>>, %arg7: memref<!tpu.dma_semaphore, #tpu.memory_space<semaphore_mem>>) attributes {dimension_semantics = [#tpu.dimension_semantics<core_parallel>, #tpu.dimension_semantics<subcore_parallel>], iteration_bounds = array<i64: 2, 16>, scalar_prefetch = 0 : i64, scratch_operands = 3 : i64, tpu.core_type = #tpu.core_type<sc_vector_subcore>, window_params = [{transform_indices = #map}, {transform_indices = #map1}, {transform_indices = #map}]} {
    %mul3A = arith.constant 2 : i32
    %mul3A_0 = arith.muli %arg1, %mul3A : i32
    %add3A = arith.addi %mul3A_0, %arg0 : i32
    %mul3A_1 = arith.constant 2048 : i32
    %mul3A_2 = arith.muli %add3A, %mul3A_1 : i32
    %scan3A = arith.constant 0 : i32
    %scan3A_3 = arith.constant 0 : i32
    %scan3A_4 = arith.constant 16 : i32
    %scan3A_5 = arith.addi %scan3A_3, %scan3A_4 : i32
    %scan3A_6 = arith.constant 1 : i32
    scf.for %scan3A_8 = %scan3A_3 to %scan3A_5 step %scan3A_6  : i32 {
      %mul3A_9 = arith.constant 128 : i32
      %mul3A_10 = arith.muli %scan3A_8, %mul3A_9 : i32
      %add3A_11 = arith.addi %mul3A_2, %mul3A_10 : i32
      "tpu.region"() ({
        %run_scoped3A = tpu.sem_alloc : memref<!tpu.dma_semaphore, #tpu.memory_space<semaphore_mem>>
        %dma_start3A_16 = tpu.memref_slice %arg3[%add3A_11] : memref<65536xi32, #tpu.memory_space<hbm>> -> memref<128xi32, #tpu.memory_space<hbm>>
        %dma_start3A_17 = tpu.memref_slice %arg3[%add3A_11] : memref<65536xi32, #tpu.memory_space<hbm>> -> memref<128xi32, #tpu.memory_space<hbm>>
        tpu.enqueue_dma source(%dma_start3A_17 : memref<128xi32, #tpu.memory_space<hbm>>) target(%arg5 : memref<128xi32, #tpu.memory_space<vmem>>) target_semaphore(%run_scoped3A : memref<!tpu.dma_semaphore, #tpu.memory_space<semaphore_mem>>)
        %dma_wait3A_18 = tpu.memref_slice %arg3[%add3A_11] : memref<65536xi32, #tpu.memory_space<hbm>> -> memref<128xi32, #tpu.memory_space<hbm>>
        %dma_wait3A_19 = tpu.memref_slice %arg3[%add3A_11] : memref<65536xi32, #tpu.memory_space<hbm>> -> memref<128xi32, #tpu.memory_space<hbm>>
        tpu.wait_dma2 semaphore(%run_scoped3A : memref<!tpu.dma_semaphore, #tpu.memory_space<semaphore_mem>>) src(%dma_wait3A_19 : memref<128xi32, #tpu.memory_space<hbm>>) dst(%arg5 : memref<128xi32, #tpu.memory_space<vmem>>)
        tpu.yield
      }) : () -> ()
      %dma_start3A = arith.constant 0 : i32
      %dma_start3A_12 = arith.constant 0 : i32
      %dma_start3A_13 = tpu.memref_slice %arg2[%dma_start3A, %dma_start3A_12] : memref<16384x128xi32, #tpu.memory_space<hbm>> -> memref<16384x128xi32, #tpu.memory_space<hbm>>
      tpu.enqueue_indirect_dma source(%dma_start3A_13 : memref<16384x128xi32, #tpu.memory_space<hbm>>) target(%arg6 : memref<128x128xi32, #tpu.memory_space<vmem>>) offsets(%arg5 : memref<128xi32, #tpu.memory_space<vmem>>) semaphore(%arg7 : memref<!tpu.dma_semaphore, #tpu.memory_space<semaphore_mem>>)
      %dma_wait3A = arith.constant 0 : i32
      %dma_wait3A_14 = arith.constant 0 : i32
      %dma_wait3A_15 = tpu.memref_slice %arg2[%dma_wait3A, %dma_wait3A_14] : memref<16384x128xi32, #tpu.memory_space<hbm>> -> memref<16384x128xi32, #tpu.memory_space<hbm>>
      tpu.wait_indirect_dma semaphore(%arg7 : memref<!tpu.dma_semaphore, #tpu.memory_space<semaphore_mem>>) src(%dma_wait3A_15 : memref<16384x128xi32, #tpu.memory_space<hbm>>) dst(%arg6 : memref<128x128xi32, #tpu.memory_space<vmem>>)
      "tpu.region"() ({
        %run_scoped3A = tpu.sem_alloc : memref<!tpu.dma_semaphore, #tpu.memory_space<semaphore_mem>>
        %dma_start3A_16 = arith.constant 0 : i32
        %dma_start3A_17 = tpu.memref_slice %arg4[%add3A_11, %dma_start3A_16] : memref<65536x128xi32, #tpu.memory_space<hbm>> -> memref<128x128xi32, #tpu.memory_space<hbm>>
        %dma_start3A_18 = arith.constant 0 : i32
        %dma_start3A_19 = tpu.memref_slice %arg4[%add3A_11, %dma_start3A_18] : memref<65536x128xi32, #tpu.memory_space<hbm>> -> memref<128x128xi32, #tpu.memory_space<hbm>>
        tpu.enqueue_dma source(%arg6 : memref<128x128xi32, #tpu.memory_space<vmem>>) target(%dma_start3A_19 : memref<128x128xi32, #tpu.memory_space<hbm>>) target_semaphore(%run_scoped3A : memref<!tpu.dma_semaphore, #tpu.memory_space<semaphore_mem>>)
        %dma_wait3A_20 = arith.constant 0 : i32
        %dma_wait3A_21 = tpu.memref_slice %arg4[%add3A_11, %dma_wait3A_20] : memref<65536x128xi32, #tpu.memory_space<hbm>> -> memref<128x128xi32, #tpu.memory_space<hbm>>
        %dma_wait3A_22 = arith.constant 0 : i32
        %dma_wait3A_23 = tpu.memref_slice %arg4[%add3A_11, %dma_wait3A_22] : memref<65536x128xi32, #tpu.memory_space<hbm>> -> memref<128x128xi32, #tpu.memory_space<hbm>>
        tpu.wait_dma2 semaphore(%run_scoped3A : memref<!tpu.dma_semaphore, #tpu.memory_space<semaphore_mem>>) src(%arg6 : memref<128x128xi32, #tpu.memory_space<vmem>>) dst(%dma_wait3A_23 : memref<128x128xi32, #tpu.memory_space<hbm>>)
        tpu.yield
      }) : () -> ()
    }
    %scan3A_7 = arith.constant 16 : i32
    return
  }
}

#map = affine_map<(d0, d1) -> (0, 0)>
#map1 = affine_map<(d0, d1) -> (0)>
module attributes {stable_mosaic.version = 14 : i64} {
  func.func @gather_k(%arg0: i32, %arg1: i32, %arg2: memref<16384x128xi32, #tpu.memory_space<hbm>>, %arg3: memref<65536xi32, #tpu.memory_space<hbm>>, %arg4: memref<65536x128xi32, #tpu.memory_space<hbm>>, %arg5: memref<128xi32, #tpu.memory_space<vmem>>, %arg6: memref<128x128xi32, #tpu.memory_space<vmem>>, %arg7: memref<!tpu.dma_semaphore, #tpu.memory_space<semaphore_mem>>) attributes {dimension_semantics = [#tpu.dimension_semantics<core_parallel>, #tpu.dimension_semantics<subcore_parallel>], iteration_bounds = array<i64: 2, 16>, scalar_prefetch = 0 : i64, scratch_operands = 3 : i64, tpu.core_type = #tpu.core_type<sc_vector_subcore>, window_params = [{transform_indices = #map}, {transform_indices = #map1}, {transform_indices = #map}]} {
    %mul3A = arith.constant 2 : i32
    %mul3A_0 = arith.muli %arg1, %mul3A : i32
    %add3A = arith.addi %mul3A_0, %arg0 : i32
    %mul3A_1 = arith.constant 2048 : i32
    %mul3A_2 = arith.muli %add3A, %mul3A_1 : i32
    %scan3A = arith.constant 0 : i32
    %scan3A_3 = arith.constant 0 : i32
    %scan3A_4 = arith.constant 16 : i32
    %scan3A_5 = arith.addi %scan3A_3, %scan3A_4 : i32
    %scan3A_6 = arith.constant 1 : i32
    scf.for %scan3A_8 = %scan3A_3 to %scan3A_5 step %scan3A_6  : i32 {
      %mul3A_9 = arith.constant 128 : i32
      %mul3A_10 = arith.muli %scan3A_8, %mul3A_9 : i32
      %add3A_11 = arith.addi %mul3A_2, %mul3A_10 : i32
      "tpu.region"() ({
        %run_scoped3A = tpu.sem_alloc : memref<!tpu.dma_semaphore, #tpu.memory_space<semaphore_mem>>
        %dma_start3A_16 = tpu.memref_slice %arg3[%add3A_11] : memref<65536xi32, #tpu.memory_space<hbm>> -> memref<128xi32, #tpu.memory_space<hbm>>
        %dma_start3A_17 = tpu.memref_slice %arg3[%add3A_11] : memref<65536xi32, #tpu.memory_space<hbm>> -> memref<128xi32, #tpu.memory_space<hbm>>
        tpu.enqueue_dma source(%dma_start3A_17 : memref<128xi32, #tpu.memory_space<hbm>>) target(%arg5 : memref<128xi32, #tpu.memory_space<vmem>>) target_semaphore(%run_scoped3A : memref<!tpu.dma_semaphore, #tpu.memory_space<semaphore_mem>>)
        %dma_wait3A_18 = tpu.memref_slice %arg3[%add3A_11] : memref<65536xi32, #tpu.memory_space<hbm>> -> memref<128xi32, #tpu.memory_space<hbm>>
        %dma_wait3A_19 = tpu.memref_slice %arg3[%add3A_11] : memref<65536xi32, #tpu.memory_space<hbm>> -> memref<128xi32, #tpu.memory_space<hbm>>
        tpu.wait_dma2 semaphore(%run_scoped3A : memref<!tpu.dma_semaphore, #tpu.memory_space<semaphore_mem>>) src(%dma_wait3A_19 : memref<128xi32, #tpu.memory_space<hbm>>) dst(%arg5 : memref<128xi32, #tpu.memory_space<vmem>>)
        tpu.yield
      }) : () -> ()
      %dma_start3A = arith.constant 0 : i32
      %dma_start3A_12 = arith.constant 0 : i32
      %dma_start3A_13 = tpu.memref_slice %arg2[%dma_start3A, %dma_start3A_12] : memref<16384x128xi32, #tpu.memory_space<hbm>> -> memref<16384x128xi32, #tpu.memory_space<hbm>>
      tpu.enqueue_indirect_dma source(%dma_start3A_13 : memref<16384x128xi32, #tpu.memory_space<hbm>>) target(%arg6 : memref<128x128xi32, #tpu.memory_space<vmem>>) offsets(%arg5 : memref<128xi32, #tpu.memory_space<vmem>>) semaphore(%arg7 : memref<!tpu.dma_semaphore, #tpu.memory_space<semaphore_mem>>)
      %dma_wait3A = arith.constant 0 : i32
      %dma_wait3A_14 = arith.constant 0 : i32
      %dma_wait3A_15 = tpu.memref_slice %arg2[%dma_wait3A, %dma_wait3A_14] : memref<16384x128xi32, #tpu.memory_space<hbm>> -> memref<16384x128xi32, #tpu.memory_space<hbm>>
      tpu.wait_indirect_dma semaphore(%arg7 : memref<!tpu.dma_semaphore, #tpu.memory_space<semaphore_mem>>) src(%dma_wait3A_15 : memref<16384x128xi32, #tpu.memory_space<hbm>>) dst(%arg6 : memref<128x128xi32, #tpu.memory_space<vmem>>)
      "tpu.region"() ({
        %run_scoped3A = tpu.sem_alloc : memref<!tpu.dma_semaphore, #tpu.memory_space<semaphore_mem>>
        %dma_start3A_16 = arith.constant 0 : i32
        %dma_start3A_17 = tpu.memref_slice %arg4[%add3A_11, %dma_start3A_16] : memref<65536x128xi32, #tpu.memory_space<hbm>> -> memref<128x128xi32, #tpu.memory_space<hbm>>
        %dma_start3A_18 = arith.constant 0 : i32
        %dma_start3A_19 = tpu.memref_slice %arg4[%add3A_11, %dma_start3A_18] : memref<65536x128xi32, #tpu.memory_space<hbm>> -> memref<128x128xi32, #tpu.memory_space<hbm>>
        tpu.enqueue_dma source(%arg6 : memref<128x128xi32, #tpu.memory_space<vmem>>) target(%dma_start3A_19 : memref<128x128xi32, #tpu.memory_space<hbm>>) target_semaphore(%run_scoped3A : memref<!tpu.dma_semaphore, #tpu.memory_space<semaphore_mem>>)
        %dma_wait3A_20 = arith.constant 0 : i32
        %dma_wait3A_21 = tpu.memref_slice %arg4[%add3A_11, %dma_wait3A_20] : memref<65536x128xi32, #tpu.memory_space<hbm>> -> memref<128x128xi32, #tpu.memory_space<hbm>>
        %dma_wait3A_22 = arith.constant 0 : i32
        %dma_wait3A_23 = tpu.memref_slice %arg4[%add3A_11, %dma_wait3A_22] : memref<65536x128xi32, #tpu.memory_space<hbm>> -> memref<128x128xi32, #tpu.memory_space<hbm>>
        tpu.wait_dma2 semaphore(%run_scoped3A : memref<!tpu.dma_semaphore, #tpu.memory_space<semaphore_mem>>) src(%arg6 : memref<128x128xi32, #tpu.memory_space<vmem>>) dst(%dma_wait3A_23 : memref<128x128xi32, #tpu.memory_space<hbm>>)
        tpu.yield
      }) : () -> ()
    }
    %scan3A_7 = arith.constant 16 : i32
    return
  }
}

module attributes {stable_mosaic.version = 14 : i64} {
  func.func @_knn_body(%arg0: i32, %arg1: memref<1x1024x4xf32, #tpu.memory_space<vmem>>, %arg2: memref<1x4096x4xf32, #tpu.memory_space<vmem>>, %arg3: memref<1x1024x16xi32, #tpu.memory_space<vmem>>) attributes {dimension_semantics = [#tpu.dimension_semantics<arbitrary>], iteration_bounds = array<i64: 4>, scalar_prefetch = 0 : i64, scratch_operands = 0 : i64, tpu.core_type = #tpu.core_type<tc>, window_params = [{transform_indices = @transform_0, window_bounds = array<i64: 1, 1024, 4>}, {pipeline_mode = #tpu.pipeline_mode<synchronous>, transform_indices = @transform_1, window_bounds = array<i64: 1, 4096, 4>}, {transform_indices = @transform_2, window_bounds = array<i64: 1, 1024, 16>}]} {
    %iota3A = tpu.iota {dimensions = array<i32: 1>} : vector<1x4xi32>
    %lt3A = arith.constant 3 : i32
    %lt3A_0 = vector.broadcast %lt3A : i32 to vector<1x4xi32>
    %lt3A_1 = arith.cmpi slt, %iota3A, %lt3A_0 : vector<1x4xi32>
    %get3A = arith.constant 0 : index
    %get3A_2 = arith.constant 0 : index
    %get3A_3 = arith.constant 0 : index
    %get3A_4 = vector.load %arg1[%get3A, %get3A_2, %get3A_3] : memref<1x1024x4xf32, #tpu.memory_space<vmem>>, vector<1x1024x4xf32>
    %get3A_5 = vector.shape_cast %get3A_4 : vector<1x1024x4xf32> to vector<1024x4xf32>
    %jit3A = arith.constant 0.000000e+00 : f32
    %broadcast_in_dim3A = vector.shape_cast %lt3A_1 : vector<1x4xi1> to vector<1x4xi1>
    %broadcast_in_dim3A_6 = vector.broadcast %broadcast_in_dim3A : vector<1x4xi1> to vector<1024x4xi1>
    %broadcast_in_dim3A_7 = vector.broadcast %jit3A : f32 to vector<1024x4xf32>
    %select_n3A = arith.select %broadcast_in_dim3A_6, %get3A_5, %broadcast_in_dim3A_7 : vector<1024x4xi1>, vector<1024x4xf32>
    %lt3A_8 = arith.constant 3 : i32
    %lt3A_9 = vector.broadcast %lt3A_8 : i32 to vector<1x4xi32>
    %lt3A_10 = arith.cmpi slt, %iota3A, %lt3A_9 : vector<1x4xi32>
    %get3A_11 = arith.constant 0 : index
    %get3A_12 = arith.constant 0 : index
    %get3A_13 = arith.constant 0 : index
    %get3A_14 = vector.load %arg2[%get3A_11, %get3A_12, %get3A_13] : memref<1x4096x4xf32, #tpu.memory_space<vmem>>, vector<1x4096x4xf32>
    %get3A_15 = vector.shape_cast %get3A_14 : vector<1x4096x4xf32> to vector<4096x4xf32>
    %jit3A_16 = arith.constant 0.000000e+00 : f32
    %broadcast_in_dim3A_17 = vector.shape_cast %lt3A_10 : vector<1x4xi1> to vector<1x4xi1>
    %broadcast_in_dim3A_18 = vector.broadcast %broadcast_in_dim3A_17 : vector<1x4xi1> to vector<4096x4xi1>
    %broadcast_in_dim3A_19 = vector.broadcast %jit3A_16 : f32 to vector<4096x4xf32>
    %select_n3A_20 = arith.select %broadcast_in_dim3A_18, %get3A_15, %broadcast_in_dim3A_19 : vector<4096x4xi1>, vector<4096x4xf32>
    %broadcast_in_dim3A_21 = arith.constant 1.000000e+00 : f32
    %broadcast_in_dim3A_22 = vector.broadcast %broadcast_in_dim3A_21 : f32 to vector<1x4xf32>
    %mul3A = arith.mulf %select_n3A_20, %select_n3A_20 : vector<4096x4xf32>
    %dot_general3A = arith.constant dense<0.000000e+00> : vector<1x4096xf32>
    %dot_general3A_23 = tpu.matmul %broadcast_in_dim3A_22, %mul3A, %dot_general3A {dimension_numbers = #tpu.dot_dimension_numbers<[1], [1], [0], [0], [0, 0, 1, 0], [], []>, precision = #tpu.contract_precision<fp32>, transpose_lhs_hint = false} : vector<1x4xf32>, vector<4096x4xf32>, vector<1x4096xf32> -> vector<1x4096xf32>
    %dot_general3A_24 = arith.constant dense<0.000000e+00> : vector<1024x4096xf32>
    %dot_general3A_25 = tpu.matmul %select_n3A, %select_n3A_20, %dot_general3A_24 {dimension_numbers = #tpu.dot_dimension_numbers<[1], [1], [0], [0], [0, 0, 1, 0], [], []>, transpose_lhs_hint = false} : vector<1024x4xf32>, vector<4096x4xf32>, vector<1024x4096xf32> -> vector<1024x4096xf32>
    %mul3A_26 = arith.constant 2.000000e+00 : f32
    %mul3A_27 = vector.broadcast %mul3A_26 : f32 to vector<1024x4096xf32>
    %mul3A_28 = arith.mulf %mul3A_27, %dot_general3A_25 : vector<1024x4096xf32>
    %sub3A = vector.broadcast %dot_general3A_23 : vector<1x4096xf32> to vector<1024x4096xf32>
    %sub3A_29 = arith.subf %sub3A, %mul3A_28 : vector<1024x4096xf32>
    %bitcast_convert_type3A = tpu.bitcast %sub3A_29 : vector<1024x4096xf32> -> vector<1024x4096xi32>
    %shift_right_arithmetic3A = arith.constant 31 : i32
    %shift_right_arithmetic3A_30 = vector.broadcast %shift_right_arithmetic3A : i32 to vector<1024x4096xi32>
    %shift_right_arithmetic3A_31 = arith.shrsi %bitcast_convert_type3A, %shift_right_arithmetic3A_30 : vector<1024x4096xi32>
    %and3A = arith.constant 2147483647 : i32
    %and3A_32 = vector.broadcast %and3A : i32 to vector<1024x4096xi32>
    %and3A_33 = arith.andi %shift_right_arithmetic3A_31, %and3A_32 : vector<1024x4096xi32>
    %xor3A = arith.xori %bitcast_convert_type3A, %and3A_33 : vector<1024x4096xi32>
    %slice3A = vector.extract_strided_slice %xor3A {offsets = [0, 0], sizes = [1024, 128], strides = [1, 1]} : vector<1024x4096xi32> to vector<1024x128xi32>
    %and3A_34 = arith.constant -32 : i32
    %and3A_35 = vector.broadcast %and3A_34 : i32 to vector<1024x128xi32>
    %and3A_36 = arith.andi %slice3A, %and3A_35 : vector<1024x128xi32>
    %or3A = arith.constant 0 : i32
    %or3A_37 = vector.broadcast %or3A : i32 to vector<1024x128xi32>
    %or3A_38 = arith.ori %and3A_36, %or3A_37 : vector<1024x128xi32>
    %slice3A_39 = vector.extract_strided_slice %xor3A {offsets = [0, 128], sizes = [1024, 128], strides = [1, 1]} : vector<1024x4096xi32> to vector<1024x128xi32>
    %and3A_40 = arith.constant -32 : i32
    %and3A_41 = vector.broadcast %and3A_40 : i32 to vector<1024x128xi32>
    %and3A_42 = arith.andi %slice3A_39, %and3A_41 : vector<1024x128xi32>
    %or3A_43 = arith.constant 1 : i32
    %or3A_44 = vector.broadcast %or3A_43 : i32 to vector<1024x128xi32>
    %or3A_45 = arith.ori %and3A_42, %or3A_44 : vector<1024x128xi32>
    %slice3A_46 = vector.extract_strided_slice %xor3A {offsets = [0, 256], sizes = [1024, 128], strides = [1, 1]} : vector<1024x4096xi32> to vector<1024x128xi32>
    %and3A_47 = arith.constant -32 : i32
    %and3A_48 = vector.broadcast %and3A_47 : i32 to vector<1024x128xi32>
    %and3A_49 = arith.andi %slice3A_46, %and3A_48 : vector<1024x128xi32>
    %or3A_50 = arith.constant 2 : i32
    %or3A_51 = vector.broadcast %or3A_50 : i32 to vector<1024x128xi32>
    %or3A_52 = arith.ori %and3A_49, %or3A_51 : vector<1024x128xi32>
    %slice3A_53 = vector.extract_strided_slice %xor3A {offsets = [0, 384], sizes = [1024, 128], strides = [1, 1]} : vector<1024x4096xi32> to vector<1024x128xi32>
    %and3A_54 = arith.constant -32 : i32
    %and3A_55 = vector.broadcast %and3A_54 : i32 to vector<1024x128xi32>
    %and3A_56 = arith.andi %slice3A_53, %and3A_55 : vector<1024x128xi32>
    %or3A_57 = arith.constant 3 : i32
    %or3A_58 = vector.broadcast %or3A_57 : i32 to vector<1024x128xi32>
    %or3A_59 = arith.ori %and3A_56, %or3A_58 : vector<1024x128xi32>
    %slice3A_60 = vector.extract_strided_slice %xor3A {offsets = [0, 512], sizes = [1024, 128], strides = [1, 1]} : vector<1024x4096xi32> to vector<1024x128xi32>
    %and3A_61 = arith.constant -32 : i32
    %and3A_62 = vector.broadcast %and3A_61 : i32 to vector<1024x128xi32>
    %and3A_63 = arith.andi %slice3A_60, %and3A_62 : vector<1024x128xi32>
    %or3A_64 = arith.constant 4 : i32
    %or3A_65 = vector.broadcast %or3A_64 : i32 to vector<1024x128xi32>
    %or3A_66 = arith.ori %and3A_63, %or3A_65 : vector<1024x128xi32>
    %slice3A_67 = vector.extract_strided_slice %xor3A {offsets = [0, 640], sizes = [1024, 128], strides = [1, 1]} : vector<1024x4096xi32> to vector<1024x128xi32>
    %and3A_68 = arith.constant -32 : i32
    %and3A_69 = vector.broadcast %and3A_68 : i32 to vector<1024x128xi32>
    %and3A_70 = arith.andi %slice3A_67, %and3A_69 : vector<1024x128xi32>
    %or3A_71 = arith.constant 5 : i32
    %or3A_72 = vector.broadcast %or3A_71 : i32 to vector<1024x128xi32>
    %or3A_73 = arith.ori %and3A_70, %or3A_72 : vector<1024x128xi32>
    %slice3A_74 = vector.extract_strided_slice %xor3A {offsets = [0, 768], sizes = [1024, 128], strides = [1, 1]} : vector<1024x4096xi32> to vector<1024x128xi32>
    %and3A_75 = arith.constant -32 : i32
    %and3A_76 = vector.broadcast %and3A_75 : i32 to vector<1024x128xi32>
    %and3A_77 = arith.andi %slice3A_74, %and3A_76 : vector<1024x128xi32>
    %or3A_78 = arith.constant 6 : i32
    %or3A_79 = vector.broadcast %or3A_78 : i32 to vector<1024x128xi32>
    %or3A_80 = arith.ori %and3A_77, %or3A_79 : vector<1024x128xi32>
    %slice3A_81 = vector.extract_strided_slice %xor3A {offsets = [0, 896], sizes = [1024, 128], strides = [1, 1]} : vector<1024x4096xi32> to vector<1024x128xi32>
    %and3A_82 = arith.constant -32 : i32
    %and3A_83 = vector.broadcast %and3A_82 : i32 to vector<1024x128xi32>
    %and3A_84 = arith.andi %slice3A_81, %and3A_83 : vector<1024x128xi32>
    %or3A_85 = arith.constant 7 : i32
    %or3A_86 = vector.broadcast %or3A_85 : i32 to vector<1024x128xi32>
    %or3A_87 = arith.ori %and3A_84, %or3A_86 : vector<1024x128xi32>
    %slice3A_88 = vector.extract_strided_slice %xor3A {offsets = [0, 1024], sizes = [1024, 128], strides = [1, 1]} : vector<1024x4096xi32> to vector<1024x128xi32>
    %and3A_89 = arith.constant -32 : i32
    %and3A_90 = vector.broadcast %and3A_89 : i32 to vector<1024x128xi32>
    %and3A_91 = arith.andi %slice3A_88, %and3A_90 : vector<1024x128xi32>
    %or3A_92 = arith.constant 8 : i32
    %or3A_93 = vector.broadcast %or3A_92 : i32 to vector<1024x128xi32>
    %or3A_94 = arith.ori %and3A_91, %or3A_93 : vector<1024x128xi32>
    %slice3A_95 = vector.extract_strided_slice %xor3A {offsets = [0, 1152], sizes = [1024, 128], strides = [1, 1]} : vector<1024x4096xi32> to vector<1024x128xi32>
    %and3A_96 = arith.constant -32 : i32
    %and3A_97 = vector.broadcast %and3A_96 : i32 to vector<1024x128xi32>
    %and3A_98 = arith.andi %slice3A_95, %and3A_97 : vector<1024x128xi32>
    %or3A_99 = arith.constant 9 : i32
    %or3A_100 = vector.broadcast %or3A_99 : i32 to vector<1024x128xi32>
    %or3A_101 = arith.ori %and3A_98, %or3A_100 : vector<1024x128xi32>
    %slice3A_102 = vector.extract_strided_slice %xor3A {offsets = [0, 1280], sizes = [1024, 128], strides = [1, 1]} : vector<1024x4096xi32> to vector<1024x128xi32>
    %and3A_103 = arith.constant -32 : i32
    %and3A_104 = vector.broadcast %and3A_103 : i32 to vector<1024x128xi32>
    %and3A_105 = arith.andi %slice3A_102, %and3A_104 : vector<1024x128xi32>
    %or3A_106 = arith.constant 10 : i32
    %or3A_107 = vector.broadcast %or3A_106 : i32 to vector<1024x128xi32>
    %or3A_108 = arith.ori %and3A_105, %or3A_107 : vector<1024x128xi32>
    %slice3A_109 = vector.extract_strided_slice %xor3A {offsets = [0, 1408], sizes = [1024, 128], strides = [1, 1]} : vector<1024x4096xi32> to vector<1024x128xi32>
    %and3A_110 = arith.constant -32 : i32
    %and3A_111 = vector.broadcast %and3A_110 : i32 to vector<1024x128xi32>
    %and3A_112 = arith.andi %slice3A_109, %and3A_111 : vector<1024x128xi32>
    %or3A_113 = arith.constant 11 : i32
    %or3A_114 = vector.broadcast %or3A_113 : i32 to vector<1024x128xi32>
    %or3A_115 = arith.ori %and3A_112, %or3A_114 : vector<1024x128xi32>
    %slice3A_116 = vector.extract_strided_slice %xor3A {offsets = [0, 1536], sizes = [1024, 128], strides = [1, 1]} : vector<1024x4096xi32> to vector<1024x128xi32>
    %and3A_117 = arith.constant -32 : i32
    %and3A_118 = vector.broadcast %and3A_117 : i32 to vector<1024x128xi32>
    %and3A_119 = arith.andi %slice3A_116, %and3A_118 : vector<1024x128xi32>
    %or3A_120 = arith.constant 12 : i32
    %or3A_121 = vector.broadcast %or3A_120 : i32 to vector<1024x128xi32>
    %or3A_122 = arith.ori %and3A_119, %or3A_121 : vector<1024x128xi32>
    %slice3A_123 = vector.extract_strided_slice %xor3A {offsets = [0, 1664], sizes = [1024, 128], strides = [1, 1]} : vector<1024x4096xi32> to vector<1024x128xi32>
    %and3A_124 = arith.constant -32 : i32
    %and3A_125 = vector.broadcast %and3A_124 : i32 to vector<1024x128xi32>
    %and3A_126 = arith.andi %slice3A_123, %and3A_125 : vector<1024x128xi32>
    %or3A_127 = arith.constant 13 : i32
    %or3A_128 = vector.broadcast %or3A_127 : i32 to vector<1024x128xi32>
    %or3A_129 = arith.ori %and3A_126, %or3A_128 : vector<1024x128xi32>
    %slice3A_130 = vector.extract_strided_slice %xor3A {offsets = [0, 1792], sizes = [1024, 128], strides = [1, 1]} : vector<1024x4096xi32> to vector<1024x128xi32>
    %and3A_131 = arith.constant -32 : i32
    %and3A_132 = vector.broadcast %and3A_131 : i32 to vector<1024x128xi32>
    %and3A_133 = arith.andi %slice3A_130, %and3A_132 : vector<1024x128xi32>
    %or3A_134 = arith.constant 14 : i32
    %or3A_135 = vector.broadcast %or3A_134 : i32 to vector<1024x128xi32>
    %or3A_136 = arith.ori %and3A_133, %or3A_135 : vector<1024x128xi32>
    %slice3A_137 = vector.extract_strided_slice %xor3A {offsets = [0, 1920], sizes = [1024, 128], strides = [1, 1]} : vector<1024x4096xi32> to vector<1024x128xi32>
    %and3A_138 = arith.constant -32 : i32
    %and3A_139 = vector.broadcast %and3A_138 : i32 to vector<1024x128xi32>
    %and3A_140 = arith.andi %slice3A_137, %and3A_139 : vector<1024x128xi32>
    %or3A_141 = arith.constant 15 : i32
    %or3A_142 = vector.broadcast %or3A_141 : i32 to vector<1024x128xi32>
    %or3A_143 = arith.ori %and3A_140, %or3A_142 : vector<1024x128xi32>
    %slice3A_144 = vector.extract_strided_slice %xor3A {offsets = [0, 2048], sizes = [1024, 128], strides = [1, 1]} : vector<1024x4096xi32> to vector<1024x128xi32>
    %and3A_145 = arith.constant -32 : i32
    %and3A_146 = vector.broadcast %and3A_145 : i32 to vector<1024x128xi32>
    %and3A_147 = arith.andi %slice3A_144, %and3A_146 : vector<1024x128xi32>
    %or3A_148 = arith.constant 16 : i32
    %or3A_149 = vector.broadcast %or3A_148 : i32 to vector<1024x128xi32>
    %or3A_150 = arith.ori %and3A_147, %or3A_149 : vector<1024x128xi32>
    %slice3A_151 = vector.extract_strided_slice %xor3A {offsets = [0, 2176], sizes = [1024, 128], strides = [1, 1]} : vector<1024x4096xi32> to vector<1024x128xi32>
    %and3A_152 = arith.constant -32 : i32
    %and3A_153 = vector.broadcast %and3A_152 : i32 to vector<1024x128xi32>
    %and3A_154 = arith.andi %slice3A_151, %and3A_153 : vector<1024x128xi32>
    %or3A_155 = arith.constant 17 : i32
    %or3A_156 = vector.broadcast %or3A_155 : i32 to vector<1024x128xi32>
    %or3A_157 = arith.ori %and3A_154, %or3A_156 : vector<1024x128xi32>
    %slice3A_158 = vector.extract_strided_slice %xor3A {offsets = [0, 2304], sizes = [1024, 128], strides = [1, 1]} : vector<1024x4096xi32> to vector<1024x128xi32>
    %and3A_159 = arith.constant -32 : i32
    %and3A_160 = vector.broadcast %and3A_159 : i32 to vector<1024x128xi32>
    %and3A_161 = arith.andi %slice3A_158, %and3A_160 : vector<1024x128xi32>
    %or3A_162 = arith.constant 18 : i32
    %or3A_163 = vector.broadcast %or3A_162 : i32 to vector<1024x128xi32>
    %or3A_164 = arith.ori %and3A_161, %or3A_163 : vector<1024x128xi32>
    %slice3A_165 = vector.extract_strided_slice %xor3A {offsets = [0, 2432], sizes = [1024, 128], strides = [1, 1]} : vector<1024x4096xi32> to vector<1024x128xi32>
    %and3A_166 = arith.constant -32 : i32
    %and3A_167 = vector.broadcast %and3A_166 : i32 to vector<1024x128xi32>
    %and3A_168 = arith.andi %slice3A_165, %and3A_167 : vector<1024x128xi32>
    %or3A_169 = arith.constant 19 : i32
    %or3A_170 = vector.broadcast %or3A_169 : i32 to vector<1024x128xi32>
    %or3A_171 = arith.ori %and3A_168, %or3A_170 : vector<1024x128xi32>
    %slice3A_172 = vector.extract_strided_slice %xor3A {offsets = [0, 2560], sizes = [1024, 128], strides = [1, 1]} : vector<1024x4096xi32> to vector<1024x128xi32>
    %and3A_173 = arith.constant -32 : i32
    %and3A_174 = vector.broadcast %and3A_173 : i32 to vector<1024x128xi32>
    %and3A_175 = arith.andi %slice3A_172, %and3A_174 : vector<1024x128xi32>
    %or3A_176 = arith.constant 20 : i32
    %or3A_177 = vector.broadcast %or3A_176 : i32 to vector<1024x128xi32>
    %or3A_178 = arith.ori %and3A_175, %or3A_177 : vector<1024x128xi32>
    %slice3A_179 = vector.extract_strided_slice %xor3A {offsets = [0, 2688], sizes = [1024, 128], strides = [1, 1]} : vector<1024x4096xi32> to vector<1024x128xi32>
    %and3A_180 = arith.constant -32 : i32
    %and3A_181 = vector.broadcast %and3A_180 : i32 to vector<1024x128xi32>
    %and3A_182 = arith.andi %slice3A_179, %and3A_181 : vector<1024x128xi32>
    %or3A_183 = arith.constant 21 : i32
    %or3A_184 = vector.broadcast %or3A_183 : i32 to vector<1024x128xi32>
    %or3A_185 = arith.ori %and3A_182, %or3A_184 : vector<1024x128xi32>
    %slice3A_186 = vector.extract_strided_slice %xor3A {offsets = [0, 2816], sizes = [1024, 128], strides = [1, 1]} : vector<1024x4096xi32> to vector<1024x128xi32>
    %and3A_187 = arith.constant -32 : i32
    %and3A_188 = vector.broadcast %and3A_187 : i32 to vector<1024x128xi32>
    %and3A_189 = arith.andi %slice3A_186, %and3A_188 : vector<1024x128xi32>
    %or3A_190 = arith.constant 22 : i32
    %or3A_191 = vector.broadcast %or3A_190 : i32 to vector<1024x128xi32>
    %or3A_192 = arith.ori %and3A_189, %or3A_191 : vector<1024x128xi32>
    %slice3A_193 = vector.extract_strided_slice %xor3A {offsets = [0, 2944], sizes = [1024, 128], strides = [1, 1]} : vector<1024x4096xi32> to vector<1024x128xi32>
    %and3A_194 = arith.constant -32 : i32
    %and3A_195 = vector.broadcast %and3A_194 : i32 to vector<1024x128xi32>
    %and3A_196 = arith.andi %slice3A_193, %and3A_195 : vector<1024x128xi32>
    %or3A_197 = arith.constant 23 : i32
    %or3A_198 = vector.broadcast %or3A_197 : i32 to vector<1024x128xi32>
    %or3A_199 = arith.ori %and3A_196, %or3A_198 : vector<1024x128xi32>
    %slice3A_200 = vector.extract_strided_slice %xor3A {offsets = [0, 3072], sizes = [1024, 128], strides = [1, 1]} : vector<1024x4096xi32> to vector<1024x128xi32>
    %and3A_201 = arith.constant -32 : i32
    %and3A_202 = vector.broadcast %and3A_201 : i32 to vector<1024x128xi32>
    %and3A_203 = arith.andi %slice3A_200, %and3A_202 : vector<1024x128xi32>
    %or3A_204 = arith.constant 24 : i32
    %or3A_205 = vector.broadcast %or3A_204 : i32 to vector<1024x128xi32>
    %or3A_206 = arith.ori %and3A_203, %or3A_205 : vector<1024x128xi32>
    %slice3A_207 = vector.extract_strided_slice %xor3A {offsets = [0, 3200], sizes = [1024, 128], strides = [1, 1]} : vector<1024x4096xi32> to vector<1024x128xi32>
    %and3A_208 = arith.constant -32 : i32
    %and3A_209 = vector.broadcast %and3A_208 : i32 to vector<1024x128xi32>
    %and3A_210 = arith.andi %slice3A_207, %and3A_209 : vector<1024x128xi32>
    %or3A_211 = arith.constant 25 : i32
    %or3A_212 = vector.broadcast %or3A_211 : i32 to vector<1024x128xi32>
    %or3A_213 = arith.ori %and3A_210, %or3A_212 : vector<1024x128xi32>
    %slice3A_214 = vector.extract_strided_slice %xor3A {offsets = [0, 3328], sizes = [1024, 128], strides = [1, 1]} : vector<1024x4096xi32> to vector<1024x128xi32>
    %and3A_215 = arith.constant -32 : i32
    %and3A_216 = vector.broadcast %and3A_215 : i32 to vector<1024x128xi32>
    %and3A_217 = arith.andi %slice3A_214, %and3A_216 : vector<1024x128xi32>
    %or3A_218 = arith.constant 26 : i32
    %or3A_219 = vector.broadcast %or3A_218 : i32 to vector<1024x128xi32>
    %or3A_220 = arith.ori %and3A_217, %or3A_219 : vector<1024x128xi32>
    %slice3A_221 = vector.extract_strided_slice %xor3A {offsets = [0, 3456], sizes = [1024, 128], strides = [1, 1]} : vector<1024x4096xi32> to vector<1024x128xi32>
    %and3A_222 = arith.constant -32 : i32
    %and3A_223 = vector.broadcast %and3A_222 : i32 to vector<1024x128xi32>
    %and3A_224 = arith.andi %slice3A_221, %and3A_223 : vector<1024x128xi32>
    %or3A_225 = arith.constant 27 : i32
    %or3A_226 = vector.broadcast %or3A_225 : i32 to vector<1024x128xi32>
    %or3A_227 = arith.ori %and3A_224, %or3A_226 : vector<1024x128xi32>
    %slice3A_228 = vector.extract_strided_slice %xor3A {offsets = [0, 3584], sizes = [1024, 128], strides = [1, 1]} : vector<1024x4096xi32> to vector<1024x128xi32>
    %and3A_229 = arith.constant -32 : i32
    %and3A_230 = vector.broadcast %and3A_229 : i32 to vector<1024x128xi32>
    %and3A_231 = arith.andi %slice3A_228, %and3A_230 : vector<1024x128xi32>
    %or3A_232 = arith.constant 28 : i32
    %or3A_233 = vector.broadcast %or3A_232 : i32 to vector<1024x128xi32>
    %or3A_234 = arith.ori %and3A_231, %or3A_233 : vector<1024x128xi32>
    %slice3A_235 = vector.extract_strided_slice %xor3A {offsets = [0, 3712], sizes = [1024, 128], strides = [1, 1]} : vector<1024x4096xi32> to vector<1024x128xi32>
    %and3A_236 = arith.constant -32 : i32
    %and3A_237 = vector.broadcast %and3A_236 : i32 to vector<1024x128xi32>
    %and3A_238 = arith.andi %slice3A_235, %and3A_237 : vector<1024x128xi32>
    %or3A_239 = arith.constant 29 : i32
    %or3A_240 = vector.broadcast %or3A_239 : i32 to vector<1024x128xi32>
    %or3A_241 = arith.ori %and3A_238, %or3A_240 : vector<1024x128xi32>
    %slice3A_242 = vector.extract_strided_slice %xor3A {offsets = [0, 3840], sizes = [1024, 128], strides = [1, 1]} : vector<1024x4096xi32> to vector<1024x128xi32>
    %and3A_243 = arith.constant -32 : i32
    %and3A_244 = vector.broadcast %and3A_243 : i32 to vector<1024x128xi32>
    %and3A_245 = arith.andi %slice3A_242, %and3A_244 : vector<1024x128xi32>
    %or3A_246 = arith.constant 30 : i32
    %or3A_247 = vector.broadcast %or3A_246 : i32 to vector<1024x128xi32>
    %or3A_248 = arith.ori %and3A_245, %or3A_247 : vector<1024x128xi32>
    %slice3A_249 = vector.extract_strided_slice %xor3A {offsets = [0, 3968], sizes = [1024, 128], strides = [1, 1]} : vector<1024x4096xi32> to vector<1024x128xi32>
    %and3A_250 = arith.constant -32 : i32
    %and3A_251 = vector.broadcast %and3A_250 : i32 to vector<1024x128xi32>
    %and3A_252 = arith.andi %slice3A_249, %and3A_251 : vector<1024x128xi32>
    %or3A_253 = arith.constant 31 : i32
    %or3A_254 = vector.broadcast %or3A_253 : i32 to vector<1024x128xi32>
    %or3A_255 = arith.ori %and3A_252, %or3A_254 : vector<1024x128xi32>
    %min3A = arith.minsi %or3A_38, %or3A_45 : vector<1024x128xi32>
    %max3A = arith.maxsi %or3A_38, %or3A_45 : vector<1024x128xi32>
    %min3A_256 = arith.minsi %or3A_52, %or3A_59 : vector<1024x128xi32>
    %max3A_257 = arith.maxsi %or3A_52, %or3A_59 : vector<1024x128xi32>
    %min3A_258 = arith.minsi %or3A_66, %or3A_73 : vector<1024x128xi32>
    %max3A_259 = arith.maxsi %or3A_66, %or3A_73 : vector<1024x128xi32>
    %min3A_260 = arith.minsi %or3A_80, %or3A_87 : vector<1024x128xi32>
    %max3A_261 = arith.maxsi %or3A_80, %or3A_87 : vector<1024x128xi32>
    %min3A_262 = arith.minsi %or3A_94, %or3A_101 : vector<1024x128xi32>
    %max3A_263 = arith.maxsi %or3A_94, %or3A_101 : vector<1024x128xi32>
    %min3A_264 = arith.minsi %or3A_108, %or3A_115 : vector<1024x128xi32>
    %max3A_265 = arith.maxsi %or3A_108, %or3A_115 : vector<1024x128xi32>
    %min3A_266 = arith.minsi %or3A_122, %or3A_129 : vector<1024x128xi32>
    %max3A_267 = arith.maxsi %or3A_122, %or3A_129 : vector<1024x128xi32>
    %min3A_268 = arith.minsi %or3A_136, %or3A_143 : vector<1024x128xi32>
    %max3A_269 = arith.maxsi %or3A_136, %or3A_143 : vector<1024x128xi32>
    %min3A_270 = arith.minsi %min3A, %max3A_257 : vector<1024x128xi32>
    %max3A_271 = arith.maxsi %min3A, %max3A_257 : vector<1024x128xi32>
    %min3A_272 = arith.minsi %max3A, %min3A_256 : vector<1024x128xi32>
    %max3A_273 = arith.maxsi %max3A, %min3A_256 : vector<1024x128xi32>
    %min3A_274 = arith.minsi %min3A_258, %max3A_261 : vector<1024x128xi32>
    %max3A_275 = arith.maxsi %min3A_258, %max3A_261 : vector<1024x128xi32>
    %min3A_276 = arith.minsi %max3A_259, %min3A_260 : vector<1024x128xi32>
    %max3A_277 = arith.maxsi %max3A_259, %min3A_260 : vector<1024x128xi32>
    %min3A_278 = arith.minsi %min3A_262, %max3A_265 : vector<1024x128xi32>
    %max3A_279 = arith.maxsi %min3A_262, %max3A_265 : vector<1024x128xi32>
    %min3A_280 = arith.minsi %max3A_263, %min3A_264 : vector<1024x128xi32>
    %max3A_281 = arith.maxsi %max3A_263, %min3A_264 : vector<1024x128xi32>
    %min3A_282 = arith.minsi %min3A_266, %max3A_269 : vector<1024x128xi32>
    %max3A_283 = arith.maxsi %min3A_266, %max3A_269 : vector<1024x128xi32>
    %min3A_284 = arith.minsi %max3A_267, %min3A_268 : vector<1024x128xi32>
    %max3A_285 = arith.maxsi %max3A_267, %min3A_268 : vector<1024x128xi32>
    %min3A_286 = arith.minsi %min3A_270, %min3A_272 : vector<1024x128xi32>
    %max3A_287 = arith.maxsi %min3A_270, %min3A_272 : vector<1024x128xi32>
    %min3A_288 = arith.minsi %max3A_271, %max3A_273 : vector<1024x128xi32>
    %max3A_289 = arith.maxsi %max3A_271, %max3A_273 : vector<1024x128xi32>
    %min3A_290 = arith.minsi %max3A_275, %max3A_277 : vector<1024x128xi32>
    %max3A_291 = arith.maxsi %max3A_275, %max3A_277 : vector<1024x128xi32>
    %min3A_292 = arith.minsi %min3A_274, %min3A_276 : vector<1024x128xi32>
    %max3A_293 = arith.maxsi %min3A_274, %min3A_276 : vector<1024x128xi32>
    %min3A_294 = arith.minsi %min3A_278, %min3A_280 : vector<1024x128xi32>
    %max3A_295 = arith.maxsi %min3A_278, %min3A_280 : vector<1024x128xi32>
    %min3A_296 = arith.minsi %max3A_279, %max3A_281 : vector<1024x128xi32>
    %max3A_297 = arith.maxsi %max3A_279, %max3A_281 : vector<1024x128xi32>
    %min3A_298 = arith.minsi %max3A_283, %max3A_285 : vector<1024x128xi32>
    %max3A_299 = arith.maxsi %max3A_283, %max3A_285 : vector<1024x128xi32>
    %min3A_300 = arith.minsi %min3A_282, %min3A_284 : vector<1024x128xi32>
    %max3A_301 = arith.maxsi %min3A_282, %min3A_284 : vector<1024x128xi32>
    %min3A_302 = arith.minsi %min3A_286, %max3A_291 : vector<1024x128xi32>
    %max3A_303 = arith.maxsi %min3A_286, %max3A_291 : vector<1024x128xi32>
    %min3A_304 = arith.minsi %max3A_287, %min3A_290 : vector<1024x128xi32>
    %max3A_305 = arith.maxsi %max3A_287, %min3A_290 : vector<1024x128xi32>
    %min3A_306 = arith.minsi %min3A_288, %max3A_293 : vector<1024x128xi32>
    %max3A_307 = arith.maxsi %min3A_288, %max3A_293 : vector<1024x128xi32>
    %min3A_308 = arith.minsi %max3A_289, %min3A_292 : vector<1024x128xi32>
    %max3A_309 = arith.maxsi %max3A_289, %min3A_292 : vector<1024x128xi32>
    %min3A_310 = arith.minsi %min3A_294, %max3A_299 : vector<1024x128xi32>
    %max3A_311 = arith.maxsi %min3A_294, %max3A_299 : vector<1024x128xi32>
    %min3A_312 = arith.minsi %max3A_295, %min3A_298 : vector<1024x128xi32>
    %max3A_313 = arith.maxsi %max3A_295, %min3A_298 : vector<1024x128xi32>
    %min3A_314 = arith.minsi %min3A_296, %max3A_301 : vector<1024x128xi32>
    %max3A_315 = arith.maxsi %min3A_296, %max3A_301 : vector<1024x128xi32>
    %min3A_316 = arith.minsi %max3A_297, %min3A_300 : vector<1024x128xi32>
    %max3A_317 = arith.maxsi %max3A_297, %min3A_300 : vector<1024x128xi32>
    %min3A_318 = arith.minsi %min3A_302, %min3A_306 : vector<1024x128xi32>
    %max3A_319 = arith.maxsi %min3A_302, %min3A_306 : vector<1024x128xi32>
    %min3A_320 = arith.minsi %min3A_304, %min3A_308 : vector<1024x128xi32>
    %max3A_321 = arith.maxsi %min3A_304, %min3A_308 : vector<1024x128xi32>
    %min3A_322 = arith.minsi %max3A_303, %max3A_307 : vector<1024x128xi32>
    %max3A_323 = arith.maxsi %max3A_303, %max3A_307 : vector<1024x128xi32>
    %min3A_324 = arith.minsi %max3A_305, %max3A_309 : vector<1024x128xi32>
    %max3A_325 = arith.maxsi %max3A_305, %max3A_309 : vector<1024x128xi32>
    %min3A_326 = arith.minsi %max3A_311, %max3A_315 : vector<1024x128xi32>
    %max3A_327 = arith.maxsi %max3A_311, %max3A_315 : vector<1024x128xi32>
    %min3A_328 = arith.minsi %max3A_313, %max3A_317 : vector<1024x128xi32>
    %max3A_329 = arith.maxsi %max3A_313, %max3A_317 : vector<1024x128xi32>
    %min3A_330 = arith.minsi %min3A_310, %min3A_314 : vector<1024x128xi32>
    %max3A_331 = arith.maxsi %min3A_310, %min3A_314 : vector<1024x128xi32>
    %min3A_332 = arith.minsi %min3A_312, %min3A_316 : vector<1024x128xi32>
    %max3A_333 = arith.maxsi %min3A_312, %min3A_316 : vector<1024x128xi32>
    %min3A_334 = arith.minsi %min3A_318, %min3A_320 : vector<1024x128xi32>
    %max3A_335 = arith.maxsi %min3A_318, %min3A_320 : vector<1024x128xi32>
    %min3A_336 = arith.minsi %max3A_319, %max3A_321 : vector<1024x128xi32>
    %max3A_337 = arith.maxsi %max3A_319, %max3A_321 : vector<1024x128xi32>
    %min3A_338 = arith.minsi %min3A_322, %min3A_324 : vector<1024x128xi32>
    %max3A_339 = arith.maxsi %min3A_322, %min3A_324 : vector<1024x128xi32>
    %min3A_340 = arith.minsi %max3A_323, %max3A_325 : vector<1024x128xi32>
    %max3A_341 = arith.maxsi %max3A_323, %max3A_325 : vector<1024x128xi32>
    %min3A_342 = arith.minsi %max3A_327, %max3A_329 : vector<1024x128xi32>
    %max3A_343 = arith.maxsi %max3A_327, %max3A_329 : vector<1024x128xi32>
    %min3A_344 = arith.minsi %min3A_326, %min3A_328 : vector<1024x128xi32>
    %max3A_345 = arith.maxsi %min3A_326, %min3A_328 : vector<1024x128xi32>
    %min3A_346 = arith.minsi %max3A_331, %max3A_333 : vector<1024x128xi32>
    %max3A_347 = arith.maxsi %max3A_331, %max3A_333 : vector<1024x128xi32>
    %min3A_348 = arith.minsi %min3A_330, %min3A_332 : vector<1024x128xi32>
    %max3A_349 = arith.maxsi %min3A_330, %min3A_332 : vector<1024x128xi32>
    %min3A_350 = arith.minsi %min3A_334, %max3A_343 : vector<1024x128xi32>
    %max3A_351 = arith.maxsi %min3A_334, %max3A_343 : vector<1024x128xi32>
    %min3A_352 = arith.minsi %max3A_335, %min3A_342 : vector<1024x128xi32>
    %max3A_353 = arith.maxsi %max3A_335, %min3A_342 : vector<1024x128xi32>
    %min3A_354 = arith.minsi %min3A_336, %max3A_345 : vector<1024x128xi32>
    %max3A_355 = arith.maxsi %min3A_336, %max3A_345 : vector<1024x128xi32>
    %min3A_356 = arith.minsi %max3A_337, %min3A_344 : vector<1024x128xi32>
    %max3A_357 = arith.maxsi %max3A_337, %min3A_344 : vector<1024x128xi32>
    %min3A_358 = arith.minsi %min3A_338, %max3A_347 : vector<1024x128xi32>
    %max3A_359 = arith.maxsi %min3A_338, %max3A_347 : vector<1024x128xi32>
    %min3A_360 = arith.minsi %max3A_339, %min3A_346 : vector<1024x128xi32>
    %max3A_361 = arith.maxsi %max3A_339, %min3A_346 : vector<1024x128xi32>
    %min3A_362 = arith.minsi %min3A_340, %max3A_349 : vector<1024x128xi32>
    %max3A_363 = arith.maxsi %min3A_340, %max3A_349 : vector<1024x128xi32>
    %min3A_364 = arith.minsi %max3A_341, %min3A_348 : vector<1024x128xi32>
    %max3A_365 = arith.maxsi %max3A_341, %min3A_348 : vector<1024x128xi32>
    %min3A_366 = arith.minsi %min3A_350, %min3A_358 : vector<1024x128xi32>
    %max3A_367 = arith.maxsi %min3A_350, %min3A_358 : vector<1024x128xi32>
    %min3A_368 = arith.minsi %min3A_352, %min3A_360 : vector<1024x128xi32>
    %max3A_369 = arith.maxsi %min3A_352, %min3A_360 : vector<1024x128xi32>
    %min3A_370 = arith.minsi %min3A_354, %min3A_362 : vector<1024x128xi32>
    %max3A_371 = arith.maxsi %min3A_354, %min3A_362 : vector<1024x128xi32>
    %min3A_372 = arith.minsi %min3A_356, %min3A_364 : vector<1024x128xi32>
    %max3A_373 = arith.maxsi %min3A_356, %min3A_364 : vector<1024x128xi32>
    %min3A_374 = arith.minsi %max3A_351, %max3A_359 : vector<1024x128xi32>
    %max3A_375 = arith.maxsi %max3A_351, %max3A_359 : vector<1024x128xi32>
    %min3A_376 = arith.minsi %max3A_353, %max3A_361 : vector<1024x128xi32>
    %max3A_377 = arith.maxsi %max3A_353, %max3A_361 : vector<1024x128xi32>
    %min3A_378 = arith.minsi %max3A_355, %max3A_363 : vector<1024x128xi32>
    %max3A_379 = arith.maxsi %max3A_355, %max3A_363 : vector<1024x128xi32>
    %min3A_380 = arith.minsi %max3A_357, %max3A_365 : vector<1024x128xi32>
    %max3A_381 = arith.maxsi %max3A_357, %max3A_365 : vector<1024x128xi32>
    %min3A_382 = arith.minsi %min3A_366, %min3A_370 : vector<1024x128xi32>
    %max3A_383 = arith.maxsi %min3A_366, %min3A_370 : vector<1024x128xi32>
    %min3A_384 = arith.minsi %min3A_368, %min3A_372 : vector<1024x128xi32>
    %max3A_385 = arith.maxsi %min3A_368, %min3A_372 : vector<1024x128xi32>
    %min3A_386 = arith.minsi %max3A_367, %max3A_371 : vector<1024x128xi32>
    %max3A_387 = arith.maxsi %max3A_367, %max3A_371 : vector<1024x128xi32>
    %min3A_388 = arith.minsi %max3A_369, %max3A_373 : vector<1024x128xi32>
    %max3A_389 = arith.maxsi %max3A_369, %max3A_373 : vector<1024x128xi32>
    %min3A_390 = arith.minsi %min3A_374, %min3A_378 : vector<1024x128xi32>
    %max3A_391 = arith.maxsi %min3A_374, %min3A_378 : vector<1024x128xi32>
    %min3A_392 = arith.minsi %min3A_376, %min3A_380 : vector<1024x128xi32>
    %max3A_393 = arith.maxsi %min3A_376, %min3A_380 : vector<1024x128xi32>
    %min3A_394 = arith.minsi %max3A_375, %max3A_379 : vector<1024x128xi32>
    %max3A_395 = arith.maxsi %max3A_375, %max3A_379 : vector<1024x128xi32>
    %min3A_396 = arith.minsi %max3A_377, %max3A_381 : vector<1024x128xi32>
    %max3A_397 = arith.maxsi %max3A_377, %max3A_381 : vector<1024x128xi32>
    %min3A_398 = arith.minsi %min3A_382, %min3A_384 : vector<1024x128xi32>
    %max3A_399 = arith.maxsi %min3A_382, %min3A_384 : vector<1024x128xi32>
    %min3A_400 = arith.minsi %max3A_383, %max3A_385 : vector<1024x128xi32>
    %max3A_401 = arith.maxsi %max3A_383, %max3A_385 : vector<1024x128xi32>
    %min3A_402 = arith.minsi %min3A_386, %min3A_388 : vector<1024x128xi32>
    %max3A_403 = arith.maxsi %min3A_386, %min3A_388 : vector<1024x128xi32>
    %min3A_404 = arith.minsi %max3A_387, %max3A_389 : vector<1024x128xi32>
    %max3A_405 = arith.maxsi %max3A_387, %max3A_389 : vector<1024x128xi32>
    %min3A_406 = arith.minsi %min3A_390, %min3A_392 : vector<1024x128xi32>
    %max3A_407 = arith.maxsi %min3A_390, %min3A_392 : vector<1024x128xi32>
    %min3A_408 = arith.minsi %max3A_391, %max3A_393 : vector<1024x128xi32>
    %max3A_409 = arith.maxsi %max3A_391, %max3A_393 : vector<1024x128xi32>
    %min3A_410 = arith.minsi %min3A_394, %min3A_396 : vector<1024x128xi32>
    %max3A_411 = arith.maxsi %min3A_394, %min3A_396 : vector<1024x128xi32>
    %min3A_412 = arith.minsi %max3A_395, %max3A_397 : vector<1024x128xi32>
    %max3A_413 = arith.maxsi %max3A_395, %max3A_397 : vector<1024x128xi32>
    %min3A_414 = arith.minsi %or3A_150, %or3A_157 : vector<1024x128xi32>
    %max3A_415 = arith.maxsi %or3A_150, %or3A_157 : vector<1024x128xi32>
    %min3A_416 = arith.minsi %or3A_164, %or3A_171 : vector<1024x128xi32>
    %max3A_417 = arith.maxsi %or3A_164, %or3A_171 : vector<1024x128xi32>
    %min3A_418 = arith.minsi %or3A_178, %or3A_185 : vector<1024x128xi32>
    %max3A_419 = arith.maxsi %or3A_178, %or3A_185 : vector<1024x128xi32>
    %min3A_420 = arith.minsi %or3A_192, %or3A_199 : vector<1024x128xi32>
    %max3A_421 = arith.maxsi %or3A_192, %or3A_199 : vector<1024x128xi32>
    %min3A_422 = arith.minsi %or3A_206, %or3A_213 : vector<1024x128xi32>
    %max3A_423 = arith.maxsi %or3A_206, %or3A_213 : vector<1024x128xi32>
    %min3A_424 = arith.minsi %or3A_220, %or3A_227 : vector<1024x128xi32>
    %max3A_425 = arith.maxsi %or3A_220, %or3A_227 : vector<1024x128xi32>
    %min3A_426 = arith.minsi %or3A_234, %or3A_241 : vector<1024x128xi32>
    %max3A_427 = arith.maxsi %or3A_234, %or3A_241 : vector<1024x128xi32>
    %min3A_428 = arith.minsi %or3A_248, %or3A_255 : vector<1024x128xi32>
    %max3A_429 = arith.maxsi %or3A_248, %or3A_255 : vector<1024x128xi32>
    %min3A_430 = arith.minsi %min3A_414, %max3A_417 : vector<1024x128xi32>
    %max3A_431 = arith.maxsi %min3A_414, %max3A_417 : vector<1024x128xi32>
    %min3A_432 = arith.minsi %max3A_415, %min3A_416 : vector<1024x128xi32>
    %max3A_433 = arith.maxsi %max3A_415, %min3A_416 : vector<1024x128xi32>
    %min3A_434 = arith.minsi %min3A_418, %max3A_421 : vector<1024x128xi32>
    %max3A_435 = arith.maxsi %min3A_418, %max3A_421 : vector<1024x128xi32>
    %min3A_436 = arith.minsi %max3A_419, %min3A_420 : vector<1024x128xi32>
    %max3A_437 = arith.maxsi %max3A_419, %min3A_420 : vector<1024x128xi32>
    %min3A_438 = arith.minsi %min3A_422, %max3A_425 : vector<1024x128xi32>
    %max3A_439 = arith.maxsi %min3A_422, %max3A_425 : vector<1024x128xi32>
    %min3A_440 = arith.minsi %max3A_423, %min3A_424 : vector<1024x128xi32>
    %max3A_441 = arith.maxsi %max3A_423, %min3A_424 : vector<1024x128xi32>
    %min3A_442 = arith.minsi %min3A_426, %max3A_429 : vector<1024x128xi32>
    %max3A_443 = arith.maxsi %min3A_426, %max3A_429 : vector<1024x128xi32>
    %min3A_444 = arith.minsi %max3A_427, %min3A_428 : vector<1024x128xi32>
    %max3A_445 = arith.maxsi %max3A_427, %min3A_428 : vector<1024x128xi32>
    %min3A_446 = arith.minsi %min3A_430, %min3A_432 : vector<1024x128xi32>
    %max3A_447 = arith.maxsi %min3A_430, %min3A_432 : vector<1024x128xi32>
    %min3A_448 = arith.minsi %max3A_431, %max3A_433 : vector<1024x128xi32>
    %max3A_449 = arith.maxsi %max3A_431, %max3A_433 : vector<1024x128xi32>
    %min3A_450 = arith.minsi %max3A_435, %max3A_437 : vector<1024x128xi32>
    %max3A_451 = arith.maxsi %max3A_435, %max3A_437 : vector<1024x128xi32>
    %min3A_452 = arith.minsi %min3A_434, %min3A_436 : vector<1024x128xi32>
    %max3A_453 = arith.maxsi %min3A_434, %min3A_436 : vector<1024x128xi32>
    %min3A_454 = arith.minsi %min3A_438, %min3A_440 : vector<1024x128xi32>
    %max3A_455 = arith.maxsi %min3A_438, %min3A_440 : vector<1024x128xi32>
    %min3A_456 = arith.minsi %max3A_439, %max3A_441 : vector<1024x128xi32>
    %max3A_457 = arith.maxsi %max3A_439, %max3A_441 : vector<1024x128xi32>
    %min3A_458 = arith.minsi %max3A_443, %max3A_445 : vector<1024x128xi32>
    %max3A_459 = arith.maxsi %max3A_443, %max3A_445 : vector<1024x128xi32>
    %min3A_460 = arith.minsi %min3A_442, %min3A_444 : vector<1024x128xi32>
    %max3A_461 = arith.maxsi %min3A_442, %min3A_444 : vector<1024x128xi32>
    %min3A_462 = arith.minsi %min3A_446, %max3A_451 : vector<1024x128xi32>
    %max3A_463 = arith.maxsi %min3A_446, %max3A_451 : vector<1024x128xi32>
    %min3A_464 = arith.minsi %max3A_447, %min3A_450 : vector<1024x128xi32>
    %max3A_465 = arith.maxsi %max3A_447, %min3A_450 : vector<1024x128xi32>
    %min3A_466 = arith.minsi %min3A_448, %max3A_453 : vector<1024x128xi32>
    %max3A_467 = arith.maxsi %min3A_448, %max3A_453 : vector<1024x128xi32>
    %min3A_468 = arith.minsi %max3A_449, %min3A_452 : vector<1024x128xi32>
    %max3A_469 = arith.maxsi %max3A_449, %min3A_452 : vector<1024x128xi32>
    %min3A_470 = arith.minsi %min3A_454, %max3A_459 : vector<1024x128xi32>
    %max3A_471 = arith.maxsi %min3A_454, %max3A_459 : vector<1024x128xi32>
    %min3A_472 = arith.minsi %max3A_455, %min3A_458 : vector<1024x128xi32>
    %max3A_473 = arith.maxsi %max3A_455, %min3A_458 : vector<1024x128xi32>
    %min3A_474 = arith.minsi %min3A_456, %max3A_461 : vector<1024x128xi32>
    %max3A_475 = arith.maxsi %min3A_456, %max3A_461 : vector<1024x128xi32>
    %min3A_476 = arith.minsi %max3A_457, %min3A_460 : vector<1024x128xi32>
    %max3A_477 = arith.maxsi %max3A_457, %min3A_460 : vector<1024x128xi32>
    %min3A_478 = arith.minsi %min3A_462, %min3A_466 : vector<1024x128xi32>
    %max3A_479 = arith.maxsi %min3A_462, %min3A_466 : vector<1024x128xi32>
    %min3A_480 = arith.minsi %min3A_464, %min3A_468 : vector<1024x128xi32>
    %max3A_481 = arith.maxsi %min3A_464, %min3A_468 : vector<1024x128xi32>
    %min3A_482 = arith.minsi %max3A_463, %max3A_467 : vector<1024x128xi32>
    %max3A_483 = arith.maxsi %max3A_463, %max3A_467 : vector<1024x128xi32>
    %min3A_484 = arith.minsi %max3A_465, %max3A_469 : vector<1024x128xi32>
    %max3A_485 = arith.maxsi %max3A_465, %max3A_469 : vector<1024x128xi32>
    %min3A_486 = arith.minsi %max3A_471, %max3A_475 : vector<1024x128xi32>
    %max3A_487 = arith.maxsi %max3A_471, %max3A_475 : vector<1024x128xi32>
    %min3A_488 = arith.minsi %max3A_473, %max3A_477 : vector<1024x128xi32>
    %max3A_489 = arith.maxsi %max3A_473, %max3A_477 : vector<1024x128xi32>
    %min3A_490 = arith.minsi %min3A_470, %min3A_474 : vector<1024x128xi32>
    %max3A_491 = arith.maxsi %min3A_470, %min3A_474 : vector<1024x128xi32>
    %min3A_492 = arith.minsi %min3A_472, %min3A_476 : vector<1024x128xi32>
    %max3A_493 = arith.maxsi %min3A_472, %min3A_476 : vector<1024x128xi32>
    %min3A_494 = arith.minsi %min3A_478, %min3A_480 : vector<1024x128xi32>
    %max3A_495 = arith.maxsi %min3A_478, %min3A_480 : vector<1024x128xi32>
    %min3A_496 = arith.minsi %max3A_479, %max3A_481 : vector<1024x128xi32>
    %max3A_497 = arith.maxsi %max3A_479, %max3A_481 : vector<1024x128xi32>
    %min3A_498 = arith.minsi %min3A_482, %min3A_484 : vector<1024x128xi32>
    %max3A_499 = arith.maxsi %min3A_482, %min3A_484 : vector<1024x128xi32>
    %min3A_500 = arith.minsi %max3A_483, %max3A_485 : vector<1024x128xi32>
    %max3A_501 = arith.maxsi %max3A_483, %max3A_485 : vector<1024x128xi32>
    %min3A_502 = arith.minsi %max3A_487, %max3A_489 : vector<1024x128xi32>
    %max3A_503 = arith.maxsi %max3A_487, %max3A_489 : vector<1024x128xi32>
    %min3A_504 = arith.minsi %min3A_486, %min3A_488 : vector<1024x128xi32>
    %max3A_505 = arith.maxsi %min3A_486, %min3A_488 : vector<1024x128xi32>
    %min3A_506 = arith.minsi %max3A_491, %max3A_493 : vector<1024x128xi32>
    %max3A_507 = arith.maxsi %max3A_491, %max3A_493 : vector<1024x128xi32>
    %min3A_508 = arith.minsi %min3A_490, %min3A_492 : vector<1024x128xi32>
    %max3A_509 = arith.maxsi %min3A_490, %min3A_492 : vector<1024x128xi32>
    %min3A_510 = arith.minsi %min3A_494, %max3A_503 : vector<1024x128xi32>
    %max3A_511 = arith.maxsi %min3A_494, %max3A_503 : vector<1024x128xi32>
    %min3A_512 = arith.minsi %max3A_495, %min3A_502 : vector<1024x128xi32>
    %max3A_513 = arith.maxsi %max3A_495, %min3A_502 : vector<1024x128xi32>
    %min3A_514 = arith.minsi %min3A_496, %max3A_505 : vector<1024x128xi32>
    %max3A_515 = arith.maxsi %min3A_496, %max3A_505 : vector<1024x128xi32>
    %min3A_516 = arith.minsi %max3A_497, %min3A_504 : vector<1024x128xi32>
    %max3A_517 = arith.maxsi %max3A_497, %min3A_504 : vector<1024x128xi32>
    %min3A_518 = arith.minsi %min3A_498, %max3A_507 : vector<1024x128xi32>
    %max3A_519 = arith.maxsi %min3A_498, %max3A_507 : vector<1024x128xi32>
    %min3A_520 = arith.minsi %max3A_499, %min3A_506 : vector<1024x128xi32>
    %max3A_521 = arith.maxsi %max3A_499, %min3A_506 : vector<1024x128xi32>
    %min3A_522 = arith.minsi %min3A_500, %max3A_509 : vector<1024x128xi32>
    %max3A_523 = arith.maxsi %min3A_500, %max3A_509 : vector<1024x128xi32>
    %min3A_524 = arith.minsi %max3A_501, %min3A_508 : vector<1024x128xi32>
    %max3A_525 = arith.maxsi %max3A_501, %min3A_508 : vector<1024x128xi32>
    %min3A_526 = arith.minsi %min3A_510, %min3A_518 : vector<1024x128xi32>
    %max3A_527 = arith.maxsi %min3A_510, %min3A_518 : vector<1024x128xi32>
    %min3A_528 = arith.minsi %min3A_512, %min3A_520 : vector<1024x128xi32>
    %max3A_529 = arith.maxsi %min3A_512, %min3A_520 : vector<1024x128xi32>
    %min3A_530 = arith.minsi %min3A_514, %min3A_522 : vector<1024x128xi32>
    %max3A_531 = arith.maxsi %min3A_514, %min3A_522 : vector<1024x128xi32>
    %min3A_532 = arith.minsi %min3A_516, %min3A_524 : vector<1024x128xi32>
    %max3A_533 = arith.maxsi %min3A_516, %min3A_524 : vector<1024x128xi32>
    %min3A_534 = arith.minsi %max3A_511, %max3A_519 : vector<1024x128xi32>
    %max3A_535 = arith.maxsi %max3A_511, %max3A_519 : vector<1024x128xi32>
    %min3A_536 = arith.minsi %max3A_513, %max3A_521 : vector<1024x128xi32>
    %max3A_537 = arith.maxsi %max3A_513, %max3A_521 : vector<1024x128xi32>
    %min3A_538 = arith.minsi %max3A_515, %max3A_523 : vector<1024x128xi32>
    %max3A_539 = arith.maxsi %max3A_515, %max3A_523 : vector<1024x128xi32>
    %min3A_540 = arith.minsi %max3A_517, %max3A_525 : vector<1024x128xi32>
    %max3A_541 = arith.maxsi %max3A_517, %max3A_525 : vector<1024x128xi32>
    %min3A_542 = arith.minsi %min3A_526, %min3A_530 : vector<1024x128xi32>
    %max3A_543 = arith.maxsi %min3A_526, %min3A_530 : vector<1024x128xi32>
    %min3A_544 = arith.minsi %min3A_528, %min3A_532 : vector<1024x128xi32>
    %max3A_545 = arith.maxsi %min3A_528, %min3A_532 : vector<1024x128xi32>
    %min3A_546 = arith.minsi %max3A_527, %max3A_531 : vector<1024x128xi32>
    %max3A_547 = arith.maxsi %max3A_527, %max3A_531 : vector<1024x128xi32>
    %min3A_548 = arith.minsi %max3A_529, %max3A_533 : vector<1024x128xi32>
    %max3A_549 = arith.maxsi %max3A_529, %max3A_533 : vector<1024x128xi32>
    %min3A_550 = arith.minsi %min3A_534, %min3A_538 : vector<1024x128xi32>
    %max3A_551 = arith.maxsi %min3A_534, %min3A_538 : vector<1024x128xi32>
    %min3A_552 = arith.minsi %min3A_536, %min3A_540 : vector<1024x128xi32>
    %max3A_553 = arith.maxsi %min3A_536, %min3A_540 : vector<1024x128xi32>
    %min3A_554 = arith.minsi %max3A_535, %max3A_539 : vector<1024x128xi32>
    %max3A_555 = arith.maxsi %max3A_535, %max3A_539 : vector<1024x128xi32>
    %min3A_556 = arith.minsi %max3A_537, %max3A_541 : vector<1024x128xi32>
    %max3A_557 = arith.maxsi %max3A_537, %max3A_541 : vector<1024x128xi32>
    %min3A_558 = arith.minsi %min3A_542, %min3A_544 : vector<1024x128xi32>
    %max3A_559 = arith.maxsi %min3A_542, %min3A_544 : vector<1024x128xi32>
    %min3A_560 = arith.minsi %max3A_543, %max3A_545 : vector<1024x128xi32>
    %max3A_561 = arith.maxsi %max3A_543, %max3A_545 : vector<1024x128xi32>
    %min3A_562 = arith.minsi %min3A_546, %min3A_548 : vector<1024x128xi32>
    %max3A_563 = arith.maxsi %min3A_546, %min3A_548 : vector<1024x128xi32>
    %min3A_564 = arith.minsi %max3A_547, %max3A_549 : vector<1024x128xi32>
    %max3A_565 = arith.maxsi %max3A_547, %max3A_549 : vector<1024x128xi32>
    %min3A_566 = arith.minsi %min3A_550, %min3A_552 : vector<1024x128xi32>
    %max3A_567 = arith.maxsi %min3A_550, %min3A_552 : vector<1024x128xi32>
    %min3A_568 = arith.minsi %max3A_551, %max3A_553 : vector<1024x128xi32>
    %max3A_569 = arith.maxsi %max3A_551, %max3A_553 : vector<1024x128xi32>
    %min3A_570 = arith.minsi %min3A_554, %min3A_556 : vector<1024x128xi32>
    %max3A_571 = arith.maxsi %min3A_554, %min3A_556 : vector<1024x128xi32>
    %min3A_572 = arith.minsi %max3A_555, %max3A_557 : vector<1024x128xi32>
    %max3A_573 = arith.maxsi %max3A_555, %max3A_557 : vector<1024x128xi32>
    %min3A_574 = arith.minsi %min3A_398, %max3A_573 : vector<1024x128xi32>
    %min3A_575 = arith.minsi %max3A_399, %min3A_572 : vector<1024x128xi32>
    %min3A_576 = arith.minsi %min3A_400, %max3A_571 : vector<1024x128xi32>
    %min3A_577 = arith.minsi %max3A_401, %min3A_570 : vector<1024x128xi32>
    %min3A_578 = arith.minsi %min3A_402, %max3A_569 : vector<1024x128xi32>
    %min3A_579 = arith.minsi %max3A_403, %min3A_568 : vector<1024x128xi32>
    %min3A_580 = arith.minsi %min3A_404, %max3A_567 : vector<1024x128xi32>
    %min3A_581 = arith.minsi %max3A_405, %min3A_566 : vector<1024x128xi32>
    %min3A_582 = arith.minsi %min3A_406, %max3A_565 : vector<1024x128xi32>
    %min3A_583 = arith.minsi %max3A_407, %min3A_564 : vector<1024x128xi32>
    %min3A_584 = arith.minsi %min3A_408, %max3A_563 : vector<1024x128xi32>
    %min3A_585 = arith.minsi %max3A_409, %min3A_562 : vector<1024x128xi32>
    %min3A_586 = arith.minsi %min3A_410, %max3A_561 : vector<1024x128xi32>
    %min3A_587 = arith.minsi %max3A_411, %min3A_560 : vector<1024x128xi32>
    %min3A_588 = arith.minsi %min3A_412, %max3A_559 : vector<1024x128xi32>
    %min3A_589 = arith.minsi %max3A_413, %min3A_558 : vector<1024x128xi32>
    %min3A_590 = arith.minsi %min3A_574, %min3A_582 : vector<1024x128xi32>
    %max3A_591 = arith.maxsi %min3A_574, %min3A_582 : vector<1024x128xi32>
    %min3A_592 = arith.minsi %min3A_575, %min3A_583 : vector<1024x128xi32>
    %max3A_593 = arith.maxsi %min3A_575, %min3A_583 : vector<1024x128xi32>
    %min3A_594 = arith.minsi %min3A_576, %min3A_584 : vector<1024x128xi32>
    %max3A_595 = arith.maxsi %min3A_576, %min3A_584 : vector<1024x128xi32>
    %min3A_596 = arith.minsi %min3A_577, %min3A_585 : vector<1024x128xi32>
    %max3A_597 = arith.maxsi %min3A_577, %min3A_585 : vector<1024x128xi32>
    %min3A_598 = arith.minsi %min3A_578, %min3A_586 : vector<1024x128xi32>
    %max3A_599 = arith.maxsi %min3A_578, %min3A_586 : vector<1024x128xi32>
    %min3A_600 = arith.minsi %min3A_579, %min3A_587 : vector<1024x128xi32>
    %max3A_601 = arith.maxsi %min3A_579, %min3A_587 : vector<1024x128xi32>
    %min3A_602 = arith.minsi %min3A_580, %min3A_588 : vector<1024x128xi32>
    %max3A_603 = arith.maxsi %min3A_580, %min3A_588 : vector<1024x128xi32>
    %min3A_604 = arith.minsi %min3A_581, %min3A_589 : vector<1024x128xi32>
    %max3A_605 = arith.maxsi %min3A_581, %min3A_589 : vector<1024x128xi32>
    %min3A_606 = arith.minsi %min3A_590, %min3A_598 : vector<1024x128xi32>
    %max3A_607 = arith.maxsi %min3A_590, %min3A_598 : vector<1024x128xi32>
    %min3A_608 = arith.minsi %min3A_592, %min3A_600 : vector<1024x128xi32>
    %max3A_609 = arith.maxsi %min3A_592, %min3A_600 : vector<1024x128xi32>
    %min3A_610 = arith.minsi %min3A_594, %min3A_602 : vector<1024x128xi32>
    %max3A_611 = arith.maxsi %min3A_594, %min3A_602 : vector<1024x128xi32>
    %min3A_612 = arith.minsi %min3A_596, %min3A_604 : vector<1024x128xi32>
    %max3A_613 = arith.maxsi %min3A_596, %min3A_604 : vector<1024x128xi32>
    %min3A_614 = arith.minsi %max3A_591, %max3A_599 : vector<1024x128xi32>
    %max3A_615 = arith.maxsi %max3A_591, %max3A_599 : vector<1024x128xi32>
    %min3A_616 = arith.minsi %max3A_593, %max3A_601 : vector<1024x128xi32>
    %max3A_617 = arith.maxsi %max3A_593, %max3A_601 : vector<1024x128xi32>
    %min3A_618 = arith.minsi %max3A_595, %max3A_603 : vector<1024x128xi32>
    %max3A_619 = arith.maxsi %max3A_595, %max3A_603 : vector<1024x128xi32>
    %min3A_620 = arith.minsi %max3A_597, %max3A_605 : vector<1024x128xi32>
    %max3A_621 = arith.maxsi %max3A_597, %max3A_605 : vector<1024x128xi32>
    %min3A_622 = arith.minsi %min3A_606, %min3A_610 : vector<1024x128xi32>
    %max3A_623 = arith.maxsi %min3A_606, %min3A_610 : vector<1024x128xi32>
    %min3A_624 = arith.minsi %min3A_608, %min3A_612 : vector<1024x128xi32>
    %max3A_625 = arith.maxsi %min3A_608, %min3A_612 : vector<1024x128xi32>
    %min3A_626 = arith.minsi %max3A_607, %max3A_611 : vector<1024x128xi32>
    %max3A_627 = arith.maxsi %max3A_607, %max3A_611 : vector<1024x128xi32>
    %min3A_628 = arith.minsi %max3A_609, %max3A_613 : vector<1024x128xi32>
    %max3A_629 = arith.maxsi %max3A_609, %max3A_613 : vector<1024x128xi32>
    %min3A_630 = arith.minsi %min3A_614, %min3A_618 : vector<1024x128xi32>
    %max3A_631 = arith.maxsi %min3A_614, %min3A_618 : vector<1024x128xi32>
    %min3A_632 = arith.minsi %min3A_616, %min3A_620 : vector<1024x128xi32>
    %max3A_633 = arith.maxsi %min3A_616, %min3A_620 : vector<1024x128xi32>
    %min3A_634 = arith.minsi %max3A_615, %max3A_619 : vector<1024x128xi32>
    %max3A_635 = arith.maxsi %max3A_615, %max3A_619 : vector<1024x128xi32>
    %min3A_636 = arith.minsi %max3A_617, %max3A_621 : vector<1024x128xi32>
    %max3A_637 = arith.maxsi %max3A_617, %max3A_621 : vector<1024x128xi32>
    %min3A_638 = arith.minsi %min3A_622, %min3A_624 : vector<1024x128xi32>
    %max3A_639 = arith.maxsi %min3A_622, %min3A_624 : vector<1024x128xi32>
    %min3A_640 = arith.minsi %max3A_623, %max3A_625 : vector<1024x128xi32>
    %max3A_641 = arith.maxsi %max3A_623, %max3A_625 : vector<1024x128xi32>
    %min3A_642 = arith.minsi %min3A_626, %min3A_628 : vector<1024x128xi32>
    %max3A_643 = arith.maxsi %min3A_626, %min3A_628 : vector<1024x128xi32>
    %min3A_644 = arith.minsi %max3A_627, %max3A_629 : vector<1024x128xi32>
    %max3A_645 = arith.maxsi %max3A_627, %max3A_629 : vector<1024x128xi32>
    %min3A_646 = arith.minsi %min3A_630, %min3A_632 : vector<1024x128xi32>
    %max3A_647 = arith.maxsi %min3A_630, %min3A_632 : vector<1024x128xi32>
    %min3A_648 = arith.minsi %max3A_631, %max3A_633 : vector<1024x128xi32>
    %max3A_649 = arith.maxsi %max3A_631, %max3A_633 : vector<1024x128xi32>
    %min3A_650 = arith.minsi %min3A_634, %min3A_636 : vector<1024x128xi32>
    %max3A_651 = arith.maxsi %min3A_634, %min3A_636 : vector<1024x128xi32>
    %min3A_652 = arith.minsi %max3A_635, %max3A_637 : vector<1024x128xi32>
    %max3A_653 = arith.maxsi %max3A_635, %max3A_637 : vector<1024x128xi32>
    %iota3A_654 = tpu.iota {dimensions = array<i32: 1>} : vector<1024x128xi32>
    %reduce_min3A = arith.constant dense<2147483647> : vector<1024xi32>
    %reduce_min3A_655 = vector.multi_reduction <minsi>, %min3A_638, %reduce_min3A [1] : vector<1024x128xi32> to vector<1024xi32>
    %broadcast_in_dim3A_656 = vector.shape_cast %reduce_min3A_655 : vector<1024xi32> to vector<1024x1xi32>
    %eq3A = vector.broadcast %broadcast_in_dim3A_656 : vector<1024x1xi32> to vector<1024x128xi32>
    %eq3A_657 = arith.cmpi eq, %min3A_638, %eq3A : vector<1024x128xi32>
    %jit3A_658 = arith.constant 1073741824 : i32
    %broadcast_in_dim3A_659 = vector.broadcast %jit3A_658 : i32 to vector<1024x128xi32>
    %select_n3A_660 = arith.select %eq3A_657, %iota3A_654, %broadcast_in_dim3A_659 : vector<1024x128xi1>, vector<1024x128xi32>
    %reduce_min3A_661 = arith.constant dense<2147483647> : vector<1024xi32>
    %reduce_min3A_662 = vector.multi_reduction <minsi>, %select_n3A_660, %reduce_min3A_661 [1] : vector<1024x128xi32> to vector<1024xi32>
    %broadcast_in_dim3A_663 = vector.shape_cast %reduce_min3A_662 : vector<1024xi32> to vector<1024x1xi32>
    %and3A_664 = arith.constant 31 : i32
    %and3A_665 = vector.broadcast %and3A_664 : i32 to vector<1024x1xi32>
    %and3A_666 = arith.andi %broadcast_in_dim3A_656, %and3A_665 : vector<1024x1xi32>
    %mul3A_667 = arith.constant 128 : i32
    %mul3A_668 = vector.broadcast %mul3A_667 : i32 to vector<1024x1xi32>
    %mul3A_669 = arith.muli %and3A_666, %mul3A_668 : vector<1024x1xi32>
    %add3A = arith.addi %mul3A_669, %broadcast_in_dim3A_663 : vector<1024x1xi32>
    %add3A_670 = arith.constant 12288 : i32
    %add3A_671 = vector.broadcast %add3A_670 : i32 to vector<1024x1xi32>
    %add3A_672 = arith.addi %add3A, %add3A_671 : vector<1024x1xi32>
    %swap3A = arith.constant 0 : index
    %swap3A_673 = arith.constant 0 : index
    %swap3A_674 = arith.constant 0 : index
    %swap3A_675 = vector.load %arg3[%swap3A, %swap3A_673, %swap3A_674] : memref<1x1024x16xi32, #tpu.memory_space<vmem>>, vector<1x1024x1xi32>
    %swap3A_676 = vector.shape_cast %swap3A_675 : vector<1x1024x1xi32> to vector<1024x1xi32>
    %swap3A_677 = vector.shape_cast %add3A_672 : vector<1024x1xi32> to vector<1x1024x1xi32>
    tpu.vector_store %arg3[%swap3A, %swap3A_673, %swap3A_674], %swap3A_677 {strides = array<i32>} : memref<1x1024x16xi32, #tpu.memory_space<vmem>>, vector<1x1024x1xi32>,
    %eq3A_678 = vector.broadcast %broadcast_in_dim3A_663 : vector<1024x1xi32> to vector<1024x128xi32>
    %eq3A_679 = arith.cmpi eq, %iota3A_654, %eq3A_678 : vector<1024x128xi32>
    %select_n3A_680 = arith.select %eq3A_679, %max3A_639, %min3A_638 : vector<1024x128xi1>, vector<1024x128xi32>
    %select_n3A_681 = arith.select %eq3A_679, %min3A_640, %max3A_639 : vector<1024x128xi1>, vector<1024x128xi32>
    %select_n3A_682 = arith.select %eq3A_679, %max3A_641, %min3A_640 : vector<1024x128xi1>, vector<1024x128xi32>
    %select_n3A_683 = arith.select %eq3A_679, %min3A_642, %max3A_641 : vector<1024x128xi1>, vector<1024x128xi32>
    %select_n3A_684 = arith.select %eq3A_679, %max3A_643, %min3A_642 : vector<1024x128xi1>, vector<1024x128xi32>
    %select_n3A_685 = arith.select %eq3A_679, %min3A_644, %max3A_643 : vector<1024x128xi1>, vector<1024x128xi32>
    %select_n3A_686 = arith.select %eq3A_679, %max3A_645, %min3A_644 : vector<1024x128xi1>, vector<1024x128xi32>
    %select_n3A_687 = arith.select %eq3A_679, %min3A_646, %max3A_645 : vector<1024x128xi1>, vector<1024x128xi32>
    %select_n3A_688 = arith.select %eq3A_679, %max3A_647, %min3A_646 : vector<1024x128xi1>, vector<1024x128xi32>
    %select_n3A_689 = arith.select %eq3A_679, %min3A_648, %max3A_647 : vector<1024x128xi1>, vector<1024x128xi32>
    %select_n3A_690 = arith.select %eq3A_679, %max3A_649, %min3A_648 : vector<1024x128xi1>, vector<1024x128xi32>
    %select_n3A_691 = arith.select %eq3A_679, %min3A_650, %max3A_649 : vector<1024x128xi1>, vector<1024x128xi32>
    %select_n3A_692 = arith.select %eq3A_679, %max3A_651, %min3A_650 : vector<1024x128xi1>, vector<1024x128xi32>
    %select_n3A_693 = arith.select %eq3A_679, %min3A_652, %max3A_651 : vector<1024x128xi1>, vector<1024x128xi32>
    %select_n3A_694 = arith.select %eq3A_679, %max3A_653, %min3A_652 : vector<1024x128xi1>, vector<1024x128xi32>
    %reduce_min3A_695 = arith.constant dense<2147483647> : vector<1024xi32>
    %reduce_min3A_696 = vector.multi_reduction <minsi>, %select_n3A_680, %reduce_min3A_695 [1] : vector<1024x128xi32> to vector<1024xi32>
    %broadcast_in_dim3A_697 = vector.shape_cast %reduce_min3A_696 : vector<1024xi32> to vector<1024x1xi32>
    %eq3A_698 = vector.broadcast %broadcast_in_dim3A_697 : vector<1024x1xi32> to vector<1024x128xi32>
    %eq3A_699 = arith.cmpi eq, %select_n3A_680, %eq3A_698 : vector<1024x128xi32>
    %jit3A_700 = arith.constant 1073741824 : i32
    %broadcast_in_dim3A_701 = vector.broadcast %jit3A_700 : i32 to vector<1024x128xi32>
    %select_n3A_702 = arith.select %eq3A_699, %iota3A_654, %broadcast_in_dim3A_701 : vector<1024x128xi1>, vector<1024x128xi32>
    %reduce_min3A_703 = arith.constant dense<2147483647> : vector<1024xi32>
    %reduce_min3A_704 = vector.multi_reduction <minsi>, %select_n3A_702, %reduce_min3A_703 [1] : vector<1024x128xi32> to vector<1024xi32>
    %broadcast_in_dim3A_705 = vector.shape_cast %reduce_min3A_704 : vector<1024xi32> to vector<1024x1xi32>
    %and3A_706 = arith.constant 31 : i32
    %and3A_707 = vector.broadcast %and3A_706 : i32 to vector<1024x1xi32>
    %and3A_708 = arith.andi %broadcast_in_dim3A_697, %and3A_707 : vector<1024x1xi32>
    %mul3A_709 = arith.constant 128 : i32
    %mul3A_710 = vector.broadcast %mul3A_709 : i32 to vector<1024x1xi32>
    %mul3A_711 = arith.muli %and3A_708, %mul3A_710 : vector<1024x1xi32>
    %add3A_712 = arith.addi %mul3A_711, %broadcast_in_dim3A_705 : vector<1024x1xi32>
    %add3A_713 = arith.constant 12288 : i32
    %add3A_714 = vector.broadcast %add3A_713 : i32 to vector<1024x1xi32>
    %add3A_715 = arith.addi %add3A_712, %add3A_714 : vector<1024x1xi32>
    %swap3A_716 = arith.constant 0 : index
    %swap3A_717 = arith.constant 0 : index
    %swap3A_718 = arith.constant 1 : index
    %swap3A_719 = vector.load %arg3[%swap3A_716, %swap3A_717, %swap3A_718] : memref<1x1024x16xi32, #tpu.memory_space<vmem>>, vector<1x1024x1xi32>
    %swap3A_720 = vector.shape_cast %swap3A_719 : vector<1x1024x1xi32> to vector<1024x1xi32>
    %swap3A_721 = vector.shape_cast %add3A_715 : vector<1024x1xi32> to vector<1x1024x1xi32>
    tpu.vector_store %arg3[%swap3A_716, %swap3A_717, %swap3A_718], %swap3A_721 {strides = array<i32>} : memref<1x1024x16xi32, #tpu.memory_space<vmem>>, vector<1x1024x1xi32>,
    %eq3A_722 = vector.broadcast %broadcast_in_dim3A_705 : vector<1024x1xi32> to vector<1024x128xi32>
    %eq3A_723 = arith.cmpi eq, %iota3A_654, %eq3A_722 : vector<1024x128xi32>
    %select_n3A_724 = arith.select %eq3A_723, %select_n3A_681, %select_n3A_680 : vector<1024x128xi1>, vector<1024x128xi32>
    %select_n3A_725 = arith.select %eq3A_723, %select_n3A_682, %select_n3A_681 : vector<1024x128xi1>, vector<1024x128xi32>
    %select_n3A_726 = arith.select %eq3A_723, %select_n3A_683, %select_n3A_682 : vector<1024x128xi1>, vector<1024x128xi32>
    %select_n3A_727 = arith.select %eq3A_723, %select_n3A_684, %select_n3A_683 : vector<1024x128xi1>, vector<1024x128xi32>
    %select_n3A_728 = arith.select %eq3A_723, %select_n3A_685, %select_n3A_684 : vector<1024x128xi1>, vector<1024x128xi32>
    %select_n3A_729 = arith.select %eq3A_723, %select_n3A_686, %select_n3A_685 : vector<1024x128xi1>, vector<1024x128xi32>
    %select_n3A_730 = arith.select %eq3A_723, %select_n3A_687, %select_n3A_686 : vector<1024x128xi1>, vector<1024x128xi32>
    %select_n3A_731 = arith.select %eq3A_723, %select_n3A_688, %select_n3A_687 : vector<1024x128xi1>, vector<1024x128xi32>
    %select_n3A_732 = arith.select %eq3A_723, %select_n3A_689, %select_n3A_688 : vector<1024x128xi1>, vector<1024x128xi32>
    %select_n3A_733 = arith.select %eq3A_723, %select_n3A_690, %select_n3A_689 : vector<1024x128xi1>, vector<1024x128xi32>
    %select_n3A_734 = arith.select %eq3A_723, %select_n3A_691, %select_n3A_690 : vector<1024x128xi1>, vector<1024x128xi32>
    %select_n3A_735 = arith.select %eq3A_723, %select_n3A_692, %select_n3A_691 : vector<1024x128xi1>, vector<1024x128xi32>
    %select_n3A_736 = arith.select %eq3A_723, %select_n3A_693, %select_n3A_692 : vector<1024x128xi1>, vector<1024x128xi32>
    %select_n3A_737 = arith.select %eq3A_723, %select_n3A_694, %select_n3A_693 : vector<1024x128xi1>, vector<1024x128xi32>
    %reduce_min3A_738 = arith.constant dense<2147483647> : vector<1024xi32>
    %reduce_min3A_739 = vector.multi_reduction <minsi>, %select_n3A_724, %reduce_min3A_738 [1] : vector<1024x128xi32> to vector<1024xi32>
    %broadcast_in_dim3A_740 = vector.shape_cast %reduce_min3A_739 : vector<1024xi32> to vector<1024x1xi32>
    %eq3A_741 = vector.broadcast %broadcast_in_dim3A_740 : vector<1024x1xi32> to vector<1024x128xi32>
    %eq3A_742 = arith.cmpi eq, %select_n3A_724, %eq3A_741 : vector<1024x128xi32>
    %jit3A_743 = arith.constant 1073741824 : i32
    %broadcast_in_dim3A_744 = vector.broadcast %jit3A_743 : i32 to vector<1024x128xi32>
    %select_n3A_745 = arith.select %eq3A_742, %iota3A_654, %broadcast_in_dim3A_744 : vector<1024x128xi1>, vector<1024x128xi32>
    %reduce_min3A_746 = arith.constant dense<2147483647> : vector<1024xi32>
    %reduce_min3A_747 = vector.multi_reduction <minsi>, %select_n3A_745, %reduce_min3A_746 [1] : vector<1024x128xi32> to vector<1024xi32>
    %broadcast_in_dim3A_748 = vector.shape_cast %reduce_min3A_747 : vector<1024xi32> to vector<1024x1xi32>
    %and3A_749 = arith.constant 31 : i32
    %and3A_750 = vector.broadcast %and3A_749 : i32 to vector<1024x1xi32>
    %and3A_751 = arith.andi %broadcast_in_dim3A_740, %and3A_750 : vector<1024x1xi32>
    %mul3A_752 = arith.constant 128 : i32
    %mul3A_753 = vector.broadcast %mul3A_752 : i32 to vector<1024x1xi32>
    %mul3A_754 = arith.muli %and3A_751, %mul3A_753 : vector<1024x1xi32>
    %add3A_755 = arith.addi %mul3A_754, %broadcast_in_dim3A_748 : vector<1024x1xi32>
    %add3A_756 = arith.constant 12288 : i32
    %add3A_757 = vector.broadcast %add3A_756 : i32 to vector<1024x1xi32>
    %add3A_758 = arith.addi %add3A_755, %add3A_757 : vector<1024x1xi32>
    %swap3A_759 = arith.constant 0 : index
    %swap3A_760 = arith.constant 0 : index
    %swap3A_761 = arith.constant 2 : index
    %swap3A_762 = vector.load %arg3[%swap3A_759, %swap3A_760, %swap3A_761] : memref<1x1024x16xi32, #tpu.memory_space<vmem>>, vector<1x1024x1xi32>
    %swap3A_763 = vector.shape_cast %swap3A_762 : vector<1x1024x1xi32> to vector<1024x1xi32>
    %swap3A_764 = vector.shape_cast %add3A_758 : vector<1024x1xi32> to vector<1x1024x1xi32>
    tpu.vector_store %arg3[%swap3A_759, %swap3A_760, %swap3A_761], %swap3A_764 {strides = array<i32>} : memref<1x1024x16xi32, #tpu.memory_space<vmem>>, vector<1x1024x1xi32>,
    %eq3A_765 = vector.broadcast %broadcast_in_dim3A_748 : vector<1024x1xi32> to vector<1024x128xi32>
    %eq3A_766 = arith.cmpi eq, %iota3A_654, %eq3A_765 : vector<1024x128xi32>
    %select_n3A_767 = arith.select %eq3A_766, %select_n3A_725, %select_n3A_724 : vector<1024x128xi1>, vector<1024x128xi32>
    %select_n3A_768 = arith.select %eq3A_766, %select_n3A_726, %select_n3A_725 : vector<1024x128xi1>, vector<1024x128xi32>
    %select_n3A_769 = arith.select %eq3A_766, %select_n3A_727, %select_n3A_726 : vector<1024x128xi1>, vector<1024x128xi32>
    %select_n3A_770 = arith.select %eq3A_766, %select_n3A_728, %select_n3A_727 : vector<1024x128xi1>, vector<1024x128xi32>
    %select_n3A_771 = arith.select %eq3A_766, %select_n3A_729, %select_n3A_728 : vector<1024x128xi1>, vector<1024x128xi32>
    %select_n3A_772 = arith.select %eq3A_766, %select_n3A_730, %select_n3A_729 : vector<1024x128xi1>, vector<1024x128xi32>
    %select_n3A_773 = arith.select %eq3A_766, %select_n3A_731, %select_n3A_730 : vector<1024x128xi1>, vector<1024x128xi32>
    %select_n3A_774 = arith.select %eq3A_766, %select_n3A_732, %select_n3A_731 : vector<1024x128xi1>, vector<1024x128xi32>
    %select_n3A_775 = arith.select %eq3A_766, %select_n3A_733, %select_n3A_732 : vector<1024x128xi1>, vector<1024x128xi32>
    %select_n3A_776 = arith.select %eq3A_766, %select_n3A_734, %select_n3A_733 : vector<1024x128xi1>, vector<1024x128xi32>
    %select_n3A_777 = arith.select %eq3A_766, %select_n3A_735, %select_n3A_734 : vector<1024x128xi1>, vector<1024x128xi32>
    %select_n3A_778 = arith.select %eq3A_766, %select_n3A_736, %select_n3A_735 : vector<1024x128xi1>, vector<1024x128xi32>
    %select_n3A_779 = arith.select %eq3A_766, %select_n3A_737, %select_n3A_736 : vector<1024x128xi1>, vector<1024x128xi32>
    %reduce_min3A_780 = arith.constant dense<2147483647> : vector<1024xi32>
    %reduce_min3A_781 = vector.multi_reduction <minsi>, %select_n3A_767, %reduce_min3A_780 [1] : vector<1024x128xi32> to vector<1024xi32>
    %broadcast_in_dim3A_782 = vector.shape_cast %reduce_min3A_781 : vector<1024xi32> to vector<1024x1xi32>
    %eq3A_783 = vector.broadcast %broadcast_in_dim3A_782 : vector<1024x1xi32> to vector<1024x128xi32>
    %eq3A_784 = arith.cmpi eq, %select_n3A_767, %eq3A_783 : vector<1024x128xi32>
    %jit3A_785 = arith.constant 1073741824 : i32
    %broadcast_in_dim3A_786 = vector.broadcast %jit3A_785 : i32 to vector<1024x128xi32>
    %select_n3A_787 = arith.select %eq3A_784, %iota3A_654, %broadcast_in_dim3A_786 : vector<1024x128xi1>, vector<1024x128xi32>
    %reduce_min3A_788 = arith.constant dense<2147483647> : vector<1024xi32>
    %reduce_min3A_789 = vector.multi_reduction <minsi>, %select_n3A_787, %reduce_min3A_788 [1] : vector<1024x128xi32> to vector<1024xi32>
    %broadcast_in_dim3A_790 = vector.shape_cast %reduce_min3A_789 : vector<1024xi32> to vector<1024x1xi32>
    %and3A_791 = arith.constant 31 : i32
    %and3A_792 = vector.broadcast %and3A_791 : i32 to vector<1024x1xi32>
    %and3A_793 = arith.andi %broadcast_in_dim3A_782, %and3A_792 : vector<1024x1xi32>
    %mul3A_794 = arith.constant 128 : i32
    %mul3A_795 = vector.broadcast %mul3A_794 : i32 to vector<1024x1xi32>
    %mul3A_796 = arith.muli %and3A_793, %mul3A_795 : vector<1024x1xi32>
    %add3A_797 = arith.addi %mul3A_796, %broadcast_in_dim3A_790 : vector<1024x1xi32>
    %add3A_798 = arith.constant 12288 : i32
    %add3A_799 = vector.broadcast %add3A_798 : i32 to vector<1024x1xi32>
    %add3A_800 = arith.addi %add3A_797, %add3A_799 : vector<1024x1xi32>
    %swap3A_801 = arith.constant 0 : index
    %swap3A_802 = arith.constant 0 : index
    %swap3A_803 = arith.constant 3 : index
    %swap3A_804 = vector.load %arg3[%swap3A_801, %swap3A_802, %swap3A_803] : memref<1x1024x16xi32, #tpu.memory_space<vmem>>, vector<1x1024x1xi32>
    %swap3A_805 = vector.shape_cast %swap3A_804 : vector<1x1024x1xi32> to vector<1024x1xi32>
    %swap3A_806 = vector.shape_cast %add3A_800 : vector<1024x1xi32> to vector<1x1024x1xi32>
    tpu.vector_store %arg3[%swap3A_801, %swap3A_802, %swap3A_803], %swap3A_806 {strides = array<i32>} : memref<1x1024x16xi32, #tpu.memory_space<vmem>>, vector<1x1024x1xi32>,
    %eq3A_807 = vector.broadcast %broadcast_in_dim3A_790 : vector<1024x1xi32> to vector<1024x128xi32>
    %eq3A_808 = arith.cmpi eq, %iota3A_654, %eq3A_807 : vector<1024x128xi32>
    %select_n3A_809 = arith.select %eq3A_808, %select_n3A_768, %select_n3A_767 : vector<1024x128xi1>, vector<1024x128xi32>
    %select_n3A_810 = arith.select %eq3A_808, %select_n3A_769, %select_n3A_768 : vector<1024x128xi1>, vector<1024x128xi32>
    %select_n3A_811 = arith.select %eq3A_808, %select_n3A_770, %select_n3A_769 : vector<1024x128xi1>, vector<1024x128xi32>
    %select_n3A_812 = arith.select %eq3A_808, %select_n3A_771, %select_n3A_770 : vector<1024x128xi1>, vector<1024x128xi32>
    %select_n3A_813 = arith.select %eq3A_808, %select_n3A_772, %select_n3A_771 : vector<1024x128xi1>, vector<1024x128xi32>
    %select_n3A_814 = arith.select %eq3A_808, %select_n3A_773, %select_n3A_772 : vector<1024x128xi1>, vector<1024x128xi32>
    %select_n3A_815 = arith.select %eq3A_808, %select_n3A_774, %select_n3A_773 : vector<1024x128xi1>, vector<1024x128xi32>
    %select_n3A_816 = arith.select %eq3A_808, %select_n3A_775, %select_n3A_774 : vector<1024x128xi1>, vector<1024x128xi32>
    %select_n3A_817 = arith.select %eq3A_808, %select_n3A_776, %select_n3A_775 : vector<1024x128xi1>, vector<1024x128xi32>
    %select_n3A_818 = arith.select %eq3A_808, %select_n3A_777, %select_n3A_776 : vector<1024x128xi1>, vector<1024x128xi32>
    %select_n3A_819 = arith.select %eq3A_808, %select_n3A_778, %select_n3A_777 : vector<1024x128xi1>, vector<1024x128xi32>
    %select_n3A_820 = arith.select %eq3A_808, %select_n3A_779, %select_n3A_778 : vector<1024x128xi1>, vector<1024x128xi32>
    %reduce_min3A_821 = arith.constant dense<2147483647> : vector<1024xi32>
    %reduce_min3A_822 = vector.multi_reduction <minsi>, %select_n3A_809, %reduce_min3A_821 [1] : vector<1024x128xi32> to vector<1024xi32>
    %broadcast_in_dim3A_823 = vector.shape_cast %reduce_min3A_822 : vector<1024xi32> to vector<1024x1xi32>
    %eq3A_824 = vector.broadcast %broadcast_in_dim3A_823 : vector<1024x1xi32> to vector<1024x128xi32>
    %eq3A_825 = arith.cmpi eq, %select_n3A_809, %eq3A_824 : vector<1024x128xi32>
    %jit3A_826 = arith.constant 1073741824 : i32
    %broadcast_in_dim3A_827 = vector.broadcast %jit3A_826 : i32 to vector<1024x128xi32>
    %select_n3A_828 = arith.select %eq3A_825, %iota3A_654, %broadcast_in_dim3A_827 : vector<1024x128xi1>, vector<1024x128xi32>
    %reduce_min3A_829 = arith.constant dense<2147483647> : vector<1024xi32>
    %reduce_min3A_830 = vector.multi_reduction <minsi>, %select_n3A_828, %reduce_min3A_829 [1] : vector<1024x128xi32> to vector<1024xi32>
    %broadcast_in_dim3A_831 = vector.shape_cast %reduce_min3A_830 : vector<1024xi32> to vector<1024x1xi32>
    %and3A_832 = arith.constant 31 : i32
    %and3A_833 = vector.broadcast %and3A_832 : i32 to vector<1024x1xi32>
    %and3A_834 = arith.andi %broadcast_in_dim3A_823, %and3A_833 : vector<1024x1xi32>
    %mul3A_835 = arith.constant 128 : i32
    %mul3A_836 = vector.broadcast %mul3A_835 : i32 to vector<1024x1xi32>
    %mul3A_837 = arith.muli %and3A_834, %mul3A_836 : vector<1024x1xi32>
    %add3A_838 = arith.addi %mul3A_837, %broadcast_in_dim3A_831 : vector<1024x1xi32>
    %add3A_839 = arith.constant 12288 : i32
    %add3A_840 = vector.broadcast %add3A_839 : i32 to vector<1024x1xi32>
    %add3A_841 = arith.addi %add3A_838, %add3A_840 : vector<1024x1xi32>
    %swap3A_842 = arith.constant 0 : index
    %swap3A_843 = arith.constant 0 : index
    %swap3A_844 = arith.constant 4 : index
    %swap3A_845 = vector.load %arg3[%swap3A_842, %swap3A_843, %swap3A_844] : memref<1x1024x16xi32, #tpu.memory_space<vmem>>, vector<1x1024x1xi32>
    %swap3A_846 = vector.shape_cast %swap3A_845 : vector<1x1024x1xi32> to vector<1024x1xi32>
    %swap3A_847 = vector.shape_cast %add3A_841 : vector<1024x1xi32> to vector<1x1024x1xi32>
    tpu.vector_store %arg3[%swap3A_842, %swap3A_843, %swap3A_844], %swap3A_847 {strides = array<i32>} : memref<1x1024x16xi32, #tpu.memory_space<vmem>>, vector<1x1024x1xi32>,
    %eq3A_848 = vector.broadcast %broadcast_in_dim3A_831 : vector<1024x1xi32> to vector<1024x128xi32>
    %eq3A_849 = arith.cmpi eq, %iota3A_654, %eq3A_848 : vector<1024x128xi32>
    %select_n3A_850 = arith.select %eq3A_849, %select_n3A_810, %select_n3A_809 : vector<1024x128xi1>, vector<1024x128xi32>
    %select_n3A_851 = arith.select %eq3A_849, %select_n3A_811, %select_n3A_810 : vector<1024x128xi1>, vector<1024x128xi32>
    %select_n3A_852 = arith.select %eq3A_849, %select_n3A_812, %select_n3A_811 : vector<1024x128xi1>, vector<1024x128xi32>
    %select_n3A_853 = arith.select %eq3A_849, %select_n3A_813, %select_n3A_812 : vector<1024x128xi1>, vector<1024x128xi32>
    %select_n3A_854 = arith.select %eq3A_849, %select_n3A_814, %select_n3A_813 : vector<1024x128xi1>, vector<1024x128xi32>
    %select_n3A_855 = arith.select %eq3A_849, %select_n3A_815, %select_n3A_814 : vector<1024x128xi1>, vector<1024x128xi32>
    %select_n3A_856 = arith.select %eq3A_849, %select_n3A_816, %select_n3A_815 : vector<1024x128xi1>, vector<1024x128xi32>
    %select_n3A_857 = arith.select %eq3A_849, %select_n3A_817, %select_n3A_816 : vector<1024x128xi1>, vector<1024x128xi32>
    %select_n3A_858 = arith.select %eq3A_849, %select_n3A_818, %select_n3A_817 : vector<1024x128xi1>, vector<1024x128xi32>
    %select_n3A_859 = arith.select %eq3A_849, %select_n3A_819, %select_n3A_818 : vector<1024x128xi1>, vector<1024x128xi32>
    %select_n3A_860 = arith.select %eq3A_849, %select_n3A_820, %select_n3A_819 : vector<1024x128xi1>, vector<1024x128xi32>
    %reduce_min3A_861 = arith.constant dense<2147483647> : vector<1024xi32>
    %reduce_min3A_862 = vector.multi_reduction <minsi>, %select_n3A_850, %reduce_min3A_861 [1] : vector<1024x128xi32> to vector<1024xi32>
    %broadcast_in_dim3A_863 = vector.shape_cast %reduce_min3A_862 : vector<1024xi32> to vector<1024x1xi32>
    %eq3A_864 = vector.broadcast %broadcast_in_dim3A_863 : vector<1024x1xi32> to vector<1024x128xi32>
    %eq3A_865 = arith.cmpi eq, %select_n3A_850, %eq3A_864 : vector<1024x128xi32>
    %jit3A_866 = arith.constant 1073741824 : i32
    %broadcast_in_dim3A_867 = vector.broadcast %jit3A_866 : i32 to vector<1024x128xi32>
    %select_n3A_868 = arith.select %eq3A_865, %iota3A_654, %broadcast_in_dim3A_867 : vector<1024x128xi1>, vector<1024x128xi32>
    %reduce_min3A_869 = arith.constant dense<2147483647> : vector<1024xi32>
    %reduce_min3A_870 = vector.multi_reduction <minsi>, %select_n3A_868, %reduce_min3A_869 [1] : vector<1024x128xi32> to vector<1024xi32>
    %broadcast_in_dim3A_871 = vector.shape_cast %reduce_min3A_870 : vector<1024xi32> to vector<1024x1xi32>
    %and3A_872 = arith.constant 31 : i32
    %and3A_873 = vector.broadcast %and3A_872 : i32 to vector<1024x1xi32>
    %and3A_874 = arith.andi %broadcast_in_dim3A_863, %and3A_873 : vector<1024x1xi32>
    %mul3A_875 = arith.constant 128 : i32
    %mul3A_876 = vector.broadcast %mul3A_875 : i32 to vector<1024x1xi32>
    %mul3A_877 = arith.muli %and3A_874, %mul3A_876 : vector<1024x1xi32>
    %add3A_878 = arith.addi %mul3A_877, %broadcast_in_dim3A_871 : vector<1024x1xi32>
    %add3A_879 = arith.constant 12288 : i32
    %add3A_880 = vector.broadcast %add3A_879 : i32 to vector<1024x1xi32>
    %add3A_881 = arith.addi %add3A_878, %add3A_880 : vector<1024x1xi32>
    %swap3A_882 = arith.constant 0 : index
    %swap3A_883 = arith.constant 0 : index
    %swap3A_884 = arith.constant 5 : index
    %swap3A_885 = vector.load %arg3[%swap3A_882, %swap3A_883, %swap3A_884] : memref<1x1024x16xi32, #tpu.memory_space<vmem>>, vector<1x1024x1xi32>
    %swap3A_886 = vector.shape_cast %swap3A_885 : vector<1x1024x1xi32> to vector<1024x1xi32>
    %swap3A_887 = vector.shape_cast %add3A_881 : vector<1024x1xi32> to vector<1x1024x1xi32>
    tpu.vector_store %arg3[%swap3A_882, %swap3A_883, %swap3A_884], %swap3A_887 {strides = array<i32>} : memref<1x1024x16xi32, #tpu.memory_space<vmem>>, vector<1x1024x1xi32>,
    %eq3A_888 = vector.broadcast %broadcast_in_dim3A_871 : vector<1024x1xi32> to vector<1024x128xi32>
    %eq3A_889 = arith.cmpi eq, %iota3A_654, %eq3A_888 : vector<1024x128xi32>
    %select_n3A_890 = arith.select %eq3A_889, %select_n3A_851, %select_n3A_850 : vector<1024x128xi1>, vector<1024x128xi32>
    %select_n3A_891 = arith.select %eq3A_889, %select_n3A_852, %select_n3A_851 : vector<1024x128xi1>, vector<1024x128xi32>
    %select_n3A_892 = arith.select %eq3A_889, %select_n3A_853, %select_n3A_852 : vector<1024x128xi1>, vector<1024x128xi32>
    %select_n3A_893 = arith.select %eq3A_889, %select_n3A_854, %select_n3A_853 : vector<1024x128xi1>, vector<1024x128xi32>
    %select_n3A_894 = arith.select %eq3A_889, %select_n3A_855, %select_n3A_854 : vector<1024x128xi1>, vector<1024x128xi32>
    %select_n3A_895 = arith.select %eq3A_889, %select_n3A_856, %select_n3A_855 : vector<1024x128xi1>, vector<1024x128xi32>
    %select_n3A_896 = arith.select %eq3A_889, %select_n3A_857, %select_n3A_856 : vector<1024x128xi1>, vector<1024x128xi32>
    %select_n3A_897 = arith.select %eq3A_889, %select_n3A_858, %select_n3A_857 : vector<1024x128xi1>, vector<1024x128xi32>
    %select_n3A_898 = arith.select %eq3A_889, %select_n3A_859, %select_n3A_858 : vector<1024x128xi1>, vector<1024x128xi32>
    %select_n3A_899 = arith.select %eq3A_889, %select_n3A_860, %select_n3A_859 : vector<1024x128xi1>, vector<1024x128xi32>
    %reduce_min3A_900 = arith.constant dense<2147483647> : vector<1024xi32>
    %reduce_min3A_901 = vector.multi_reduction <minsi>, %select_n3A_890, %reduce_min3A_900 [1] : vector<1024x128xi32> to vector<1024xi32>
    %broadcast_in_dim3A_902 = vector.shape_cast %reduce_min3A_901 : vector<1024xi32> to vector<1024x1xi32>
    %eq3A_903 = vector.broadcast %broadcast_in_dim3A_902 : vector<1024x1xi32> to vector<1024x128xi32>
    %eq3A_904 = arith.cmpi eq, %select_n3A_890, %eq3A_903 : vector<1024x128xi32>
    %jit3A_905 = arith.constant 1073741824 : i32
    %broadcast_in_dim3A_906 = vector.broadcast %jit3A_905 : i32 to vector<1024x128xi32>
    %select_n3A_907 = arith.select %eq3A_904, %iota3A_654, %broadcast_in_dim3A_906 : vector<1024x128xi1>, vector<1024x128xi32>
    %reduce_min3A_908 = arith.constant dense<2147483647> : vector<1024xi32>
    %reduce_min3A_909 = vector.multi_reduction <minsi>, %select_n3A_907, %reduce_min3A_908 [1] : vector<1024x128xi32> to vector<1024xi32>
    %broadcast_in_dim3A_910 = vector.shape_cast %reduce_min3A_909 : vector<1024xi32> to vector<1024x1xi32>
    %and3A_911 = arith.constant 31 : i32
    %and3A_912 = vector.broadcast %and3A_911 : i32 to vector<1024x1xi32>
    %and3A_913 = arith.andi %broadcast_in_dim3A_902, %and3A_912 : vector<1024x1xi32>
    %mul3A_914 = arith.constant 128 : i32
    %mul3A_915 = vector.broadcast %mul3A_914 : i32 to vector<1024x1xi32>
    %mul3A_916 = arith.muli %and3A_913, %mul3A_915 : vector<1024x1xi32>
    %add3A_917 = arith.addi %mul3A_916, %broadcast_in_dim3A_910 : vector<1024x1xi32>
    %add3A_918 = arith.constant 12288 : i32
    %add3A_919 = vector.broadcast %add3A_918 : i32 to vector<1024x1xi32>
    %add3A_920 = arith.addi %add3A_917, %add3A_919 : vector<1024x1xi32>
    %swap3A_921 = arith.constant 0 : index
    %swap3A_922 = arith.constant 0 : index
    %swap3A_923 = arith.constant 6 : index
    %swap3A_924 = vector.load %arg3[%swap3A_921, %swap3A_922, %swap3A_923] : memref<1x1024x16xi32, #tpu.memory_space<vmem>>, vector<1x1024x1xi32>
    %swap3A_925 = vector.shape_cast %swap3A_924 : vector<1x1024x1xi32> to vector<1024x1xi32>
    %swap3A_926 = vector.shape_cast %add3A_920 : vector<1024x1xi32> to vector<1x1024x1xi32>
    tpu.vector_store %arg3[%swap3A_921, %swap3A_922, %swap3A_923], %swap3A_926 {strides = array<i32>} : memref<1x1024x16xi32, #tpu.memory_space<vmem>>, vector<1x1024x1xi32>,
    %eq3A_927 = vector.broadcast %broadcast_in_dim3A_910 : vector<1024x1xi32> to vector<1024x128xi32>
    %eq3A_928 = arith.cmpi eq, %iota3A_654, %eq3A_927 : vector<1024x128xi32>
    %select_n3A_929 = arith.select %eq3A_928, %select_n3A_891, %select_n3A_890 : vector<1024x128xi1>, vector<1024x128xi32>
    %select_n3A_930 = arith.select %eq3A_928, %select_n3A_892, %select_n3A_891 : vector<1024x128xi1>, vector<1024x128xi32>
    %select_n3A_931 = arith.select %eq3A_928, %select_n3A_893, %select_n3A_892 : vector<1024x128xi1>, vector<1024x128xi32>
    %select_n3A_932 = arith.select %eq3A_928, %select_n3A_894, %select_n3A_893 : vector<1024x128xi1>, vector<1024x128xi32>
    %select_n3A_933 = arith.select %eq3A_928, %select_n3A_895, %select_n3A_894 : vector<1024x128xi1>, vector<1024x128xi32>
    %select_n3A_934 = arith.select %eq3A_928, %select_n3A_896, %select_n3A_895 : vector<1024x128xi1>, vector<1024x128xi32>
    %select_n3A_935 = arith.select %eq3A_928, %select_n3A_897, %select_n3A_896 : vector<1024x128xi1>, vector<1024x128xi32>
    %select_n3A_936 = arith.select %eq3A_928, %select_n3A_898, %select_n3A_897 : vector<1024x128xi1>, vector<1024x128xi32>
    %select_n3A_937 = arith.select %eq3A_928, %select_n3A_899, %select_n3A_898 : vector<1024x128xi1>, vector<1024x128xi32>
    %reduce_min3A_938 = arith.constant dense<2147483647> : vector<1024xi32>
    %reduce_min3A_939 = vector.multi_reduction <minsi>, %select_n3A_929, %reduce_min3A_938 [1] : vector<1024x128xi32> to vector<1024xi32>
    %broadcast_in_dim3A_940 = vector.shape_cast %reduce_min3A_939 : vector<1024xi32> to vector<1024x1xi32>
    %eq3A_941 = vector.broadcast %broadcast_in_dim3A_940 : vector<1024x1xi32> to vector<1024x128xi32>
    %eq3A_942 = arith.cmpi eq, %select_n3A_929, %eq3A_941 : vector<1024x128xi32>
    %jit3A_943 = arith.constant 1073741824 : i32
    %broadcast_in_dim3A_944 = vector.broadcast %jit3A_943 : i32 to vector<1024x128xi32>
    %select_n3A_945 = arith.select %eq3A_942, %iota3A_654, %broadcast_in_dim3A_944 : vector<1024x128xi1>, vector<1024x128xi32>
    %reduce_min3A_946 = arith.constant dense<2147483647> : vector<1024xi32>
    %reduce_min3A_947 = vector.multi_reduction <minsi>, %select_n3A_945, %reduce_min3A_946 [1] : vector<1024x128xi32> to vector<1024xi32>
    %broadcast_in_dim3A_948 = vector.shape_cast %reduce_min3A_947 : vector<1024xi32> to vector<1024x1xi32>
    %and3A_949 = arith.constant 31 : i32
    %and3A_950 = vector.broadcast %and3A_949 : i32 to vector<1024x1xi32>
    %and3A_951 = arith.andi %broadcast_in_dim3A_940, %and3A_950 : vector<1024x1xi32>
    %mul3A_952 = arith.constant 128 : i32
    %mul3A_953 = vector.broadcast %mul3A_952 : i32 to vector<1024x1xi32>
    %mul3A_954 = arith.muli %and3A_951, %mul3A_953 : vector<1024x1xi32>
    %add3A_955 = arith.addi %mul3A_954, %broadcast_in_dim3A_948 : vector<1024x1xi32>
    %add3A_956 = arith.constant 12288 : i32
    %add3A_957 = vector.broadcast %add3A_956 : i32 to vector<1024x1xi32>
    %add3A_958 = arith.addi %add3A_955, %add3A_957 : vector<1024x1xi32>
    %swap3A_959 = arith.constant 0 : index
    %swap3A_960 = arith.constant 0 : index
    %swap3A_961 = arith.constant 7 : index
    %swap3A_962 = vector.load %arg3[%swap3A_959, %swap3A_960, %swap3A_961] : memref<1x1024x16xi32, #tpu.memory_space<vmem>>, vector<1x1024x1xi32>
    %swap3A_963 = vector.shape_cast %swap3A_962 : vector<1x1024x1xi32> to vector<1024x1xi32>
    %swap3A_964 = vector.shape_cast %add3A_958 : vector<1024x1xi32> to vector<1x1024x1xi32>
    tpu.vector_store %arg3[%swap3A_959, %swap3A_960, %swap3A_961], %swap3A_964 {strides = array<i32>} : memref<1x1024x16xi32, #tpu.memory_space<vmem>>, vector<1x1024x1xi32>,
    %eq3A_965 = vector.broadcast %broadcast_in_dim3A_948 : vector<1024x1xi32> to vector<1024x128xi32>
    %eq3A_966 = arith.cmpi eq, %iota3A_654, %eq3A_965 : vector<1024x128xi32>
    %select_n3A_967 = arith.select %eq3A_966, %select_n3A_930, %select_n3A_929 : vector<1024x128xi1>, vector<1024x128xi32>
    %select_n3A_968 = arith.select %eq3A_966, %select_n3A_931, %select_n3A_930 : vector<1024x128xi1>, vector<1024x128xi32>
    %select_n3A_969 = arith.select %eq3A_966, %select_n3A_932, %select_n3A_931 : vector<1024x128xi1>, vector<1024x128xi32>
    %select_n3A_970 = arith.select %eq3A_966, %select_n3A_933, %select_n3A_932 : vector<1024x128xi1>, vector<1024x128xi32>
    %select_n3A_971 = arith.select %eq3A_966, %select_n3A_934, %select_n3A_933 : vector<1024x128xi1>, vector<1024x128xi32>
    %select_n3A_972 = arith.select %eq3A_966, %select_n3A_935, %select_n3A_934 : vector<1024x128xi1>, vector<1024x128xi32>
    %select_n3A_973 = arith.select %eq3A_966, %select_n3A_936, %select_n3A_935 : vector<1024x128xi1>, vector<1024x128xi32>
    %select_n3A_974 = arith.select %eq3A_966, %select_n3A_937, %select_n3A_936 : vector<1024x128xi1>, vector<1024x128xi32>
    %reduce_min3A_975 = arith.constant dense<2147483647> : vector<1024xi32>
    %reduce_min3A_976 = vector.multi_reduction <minsi>, %select_n3A_967, %reduce_min3A_975 [1] : vector<1024x128xi32> to vector<1024xi32>
    %broadcast_in_dim3A_977 = vector.shape_cast %reduce_min3A_976 : vector<1024xi32> to vector<1024x1xi32>
    %eq3A_978 = vector.broadcast %broadcast_in_dim3A_977 : vector<1024x1xi32> to vector<1024x128xi32>
    %eq3A_979 = arith.cmpi eq, %select_n3A_967, %eq3A_978 : vector<1024x128xi32>
    %jit3A_980 = arith.constant 1073741824 : i32
    %broadcast_in_dim3A_981 = vector.broadcast %jit3A_980 : i32 to vector<1024x128xi32>
    %select_n3A_982 = arith.select %eq3A_979, %iota3A_654, %broadcast_in_dim3A_981 : vector<1024x128xi1>, vector<1024x128xi32>
    %reduce_min3A_983 = arith.constant dense<2147483647> : vector<1024xi32>
    %reduce_min3A_984 = vector.multi_reduction <minsi>, %select_n3A_982, %reduce_min3A_983 [1] : vector<1024x128xi32> to vector<1024xi32>
    %broadcast_in_dim3A_985 = vector.shape_cast %reduce_min3A_984 : vector<1024xi32> to vector<1024x1xi32>
    %and3A_986 = arith.constant 31 : i32
    %and3A_987 = vector.broadcast %and3A_986 : i32 to vector<1024x1xi32>
    %and3A_988 = arith.andi %broadcast_in_dim3A_977, %and3A_987 : vector<1024x1xi32>
    %mul3A_989 = arith.constant 128 : i32
    %mul3A_990 = vector.broadcast %mul3A_989 : i32 to vector<1024x1xi32>
    %mul3A_991 = arith.muli %and3A_988, %mul3A_990 : vector<1024x1xi32>
    %add3A_992 = arith.addi %mul3A_991, %broadcast_in_dim3A_985 : vector<1024x1xi32>
    %add3A_993 = arith.constant 12288 : i32
    %add3A_994 = vector.broadcast %add3A_993 : i32 to vector<1024x1xi32>
    %add3A_995 = arith.addi %add3A_992, %add3A_994 : vector<1024x1xi32>
    %swap3A_996 = arith.constant 0 : index
    %swap3A_997 = arith.constant 0 : index
    %swap3A_998 = arith.constant 8 : index
    %swap3A_999 = vector.load %arg3[%swap3A_996, %swap3A_997, %swap3A_998] : memref<1x1024x16xi32, #tpu.memory_space<vmem>>, vector<1x1024x1xi32>
    %swap3A_1000 = vector.shape_cast %swap3A_999 : vector<1x1024x1xi32> to vector<1024x1xi32>
    %swap3A_1001 = vector.shape_cast %add3A_995 : vector<1024x1xi32> to vector<1x1024x1xi32>
    tpu.vector_store %arg3[%swap3A_996, %swap3A_997, %swap3A_998], %swap3A_1001 {strides = array<i32>} : memref<1x1024x16xi32, #tpu.memory_space<vmem>>, vector<1x1024x1xi32>,
    %eq3A_1002 = vector.broadcast %broadcast_in_dim3A_985 : vector<1024x1xi32> to vector<1024x128xi32>
    %eq3A_1003 = arith.cmpi eq, %iota3A_654, %eq3A_1002 : vector<1024x128xi32>
    %select_n3A_1004 = arith.select %eq3A_1003, %select_n3A_968, %select_n3A_967 : vector<1024x128xi1>, vector<1024x128xi32>
    %select_n3A_1005 = arith.select %eq3A_1003, %select_n3A_969, %select_n3A_968 : vector<1024x128xi1>, vector<1024x128xi32>
    %select_n3A_1006 = arith.select %eq3A_1003, %select_n3A_970, %select_n3A_969 : vector<1024x128xi1>, vector<1024x128xi32>
    %select_n3A_1007 = arith.select %eq3A_1003, %select_n3A_971, %select_n3A_970 : vector<1024x128xi1>, vector<1024x128xi32>
    %select_n3A_1008 = arith.select %eq3A_1003, %select_n3A_972, %select_n3A_971 : vector<1024x128xi1>, vector<1024x128xi32>
    %select_n3A_1009 = arith.select %eq3A_1003, %select_n3A_973, %select_n3A_972 : vector<1024x128xi1>, vector<1024x128xi32>
    %select_n3A_1010 = arith.select %eq3A_1003, %select_n3A_974, %select_n3A_973 : vector<1024x128xi1>, vector<1024x128xi32>
    %reduce_min3A_1011 = arith.constant dense<2147483647> : vector<1024xi32>
    %reduce_min3A_1012 = vector.multi_reduction <minsi>, %select_n3A_1004, %reduce_min3A_1011 [1] : vector<1024x128xi32> to vector<1024xi32>
    %broadcast_in_dim3A_1013 = vector.shape_cast %reduce_min3A_1012 : vector<1024xi32> to vector<1024x1xi32>
    %eq3A_1014 = vector.broadcast %broadcast_in_dim3A_1013 : vector<1024x1xi32> to vector<1024x128xi32>
    %eq3A_1015 = arith.cmpi eq, %select_n3A_1004, %eq3A_1014 : vector<1024x128xi32>
    %jit3A_1016 = arith.constant 1073741824 : i32
    %broadcast_in_dim3A_1017 = vector.broadcast %jit3A_1016 : i32 to vector<1024x128xi32>
    %select_n3A_1018 = arith.select %eq3A_1015, %iota3A_654, %broadcast_in_dim3A_1017 : vector<1024x128xi1>, vector<1024x128xi32>
    %reduce_min3A_1019 = arith.constant dense<2147483647> : vector<1024xi32>
    %reduce_min3A_1020 = vector.multi_reduction <minsi>, %select_n3A_1018, %reduce_min3A_1019 [1] : vector<1024x128xi32> to vector<1024xi32>
    %broadcast_in_dim3A_1021 = vector.shape_cast %reduce_min3A_1020 : vector<1024xi32> to vector<1024x1xi32>
    %and3A_1022 = arith.constant 31 : i32
    %and3A_1023 = vector.broadcast %and3A_1022 : i32 to vector<1024x1xi32>
    %and3A_1024 = arith.andi %broadcast_in_dim3A_1013, %and3A_1023 : vector<1024x1xi32>
    %mul3A_1025 = arith.constant 128 : i32
    %mul3A_1026 = vector.broadcast %mul3A_1025 : i32 to vector<1024x1xi32>
    %mul3A_1027 = arith.muli %and3A_1024, %mul3A_1026 : vector<1024x1xi32>
    %add3A_1028 = arith.addi %mul3A_1027, %broadcast_in_dim3A_1021 : vector<1024x1xi32>
    %add3A_1029 = arith.constant 12288 : i32
    %add3A_1030 = vector.broadcast %add3A_1029 : i32 to vector<1024x1xi32>
    %add3A_1031 = arith.addi %add3A_1028, %add3A_1030 : vector<1024x1xi32>
    %swap3A_1032 = arith.constant 0 : index
    %swap3A_1033 = arith.constant 0 : index
    %swap3A_1034 = arith.constant 9 : index
    %swap3A_1035 = vector.load %arg3[%swap3A_1032, %swap3A_1033, %swap3A_1034] : memref<1x1024x16xi32, #tpu.memory_space<vmem>>, vector<1x1024x1xi32>
    %swap3A_1036 = vector.shape_cast %swap3A_1035 : vector<1x1024x1xi32> to vector<1024x1xi32>
    %swap3A_1037 = vector.shape_cast %add3A_1031 : vector<1024x1xi32> to vector<1x1024x1xi32>
    tpu.vector_store %arg3[%swap3A_1032, %swap3A_1033, %swap3A_1034], %swap3A_1037 {strides = array<i32>} : memref<1x1024x16xi32, #tpu.memory_space<vmem>>, vector<1x1024x1xi32>,
    %eq3A_1038 = vector.broadcast %broadcast_in_dim3A_1021 : vector<1024x1xi32> to vector<1024x128xi32>
    %eq3A_1039 = arith.cmpi eq, %iota3A_654, %eq3A_1038 : vector<1024x128xi32>
    %select_n3A_1040 = arith.select %eq3A_1039, %select_n3A_1005, %select_n3A_1004 : vector<1024x128xi1>, vector<1024x128xi32>
    %select_n3A_1041 = arith.select %eq3A_1039, %select_n3A_1006, %select_n3A_1005 : vector<1024x128xi1>, vector<1024x128xi32>
    %select_n3A_1042 = arith.select %eq3A_1039, %select_n3A_1007, %select_n3A_1006 : vector<1024x128xi1>, vector<1024x128xi32>
    %select_n3A_1043 = arith.select %eq3A_1039, %select_n3A_1008, %select_n3A_1007 : vector<1024x128xi1>, vector<1024x128xi32>
    %select_n3A_1044 = arith.select %eq3A_1039, %select_n3A_1009, %select_n3A_1008 : vector<1024x128xi1>, vector<1024x128xi32>
    %select_n3A_1045 = arith.select %eq3A_1039, %select_n3A_1010, %select_n3A_1009 : vector<1024x128xi1>, vector<1024x128xi32>
    %reduce_min3A_1046 = arith.constant dense<2147483647> : vector<1024xi32>
    %reduce_min3A_1047 = vector.multi_reduction <minsi>, %select_n3A_1040, %reduce_min3A_1046 [1] : vector<1024x128xi32> to vector<1024xi32>
    %broadcast_in_dim3A_1048 = vector.shape_cast %reduce_min3A_1047 : vector<1024xi32> to vector<1024x1xi32>
    %eq3A_1049 = vector.broadcast %broadcast_in_dim3A_1048 : vector<1024x1xi32> to vector<1024x128xi32>
    %eq3A_1050 = arith.cmpi eq, %select_n3A_1040, %eq3A_1049 : vector<1024x128xi32>
    %jit3A_1051 = arith.constant 1073741824 : i32
    %broadcast_in_dim3A_1052 = vector.broadcast %jit3A_1051 : i32 to vector<1024x128xi32>
    %select_n3A_1053 = arith.select %eq3A_1050, %iota3A_654, %broadcast_in_dim3A_1052 : vector<1024x128xi1>, vector<1024x128xi32>
    %reduce_min3A_1054 = arith.constant dense<2147483647> : vector<1024xi32>
    %reduce_min3A_1055 = vector.multi_reduction <minsi>, %select_n3A_1053, %reduce_min3A_1054 [1] : vector<1024x128xi32> to vector<1024xi32>
    %broadcast_in_dim3A_1056 = vector.shape_cast %reduce_min3A_1055 : vector<1024xi32> to vector<1024x1xi32>
    %and3A_1057 = arith.constant 31 : i32
    %and3A_1058 = vector.broadcast %and3A_1057 : i32 to vector<1024x1xi32>
    %and3A_1059 = arith.andi %broadcast_in_dim3A_1048, %and3A_1058 : vector<1024x1xi32>
    %mul3A_1060 = arith.constant 128 : i32
    %mul3A_1061 = vector.broadcast %mul3A_1060 : i32 to vector<1024x1xi32>
    %mul3A_1062 = arith.muli %and3A_1059, %mul3A_1061 : vector<1024x1xi32>
    %add3A_1063 = arith.addi %mul3A_1062, %broadcast_in_dim3A_1056 : vector<1024x1xi32>
    %add3A_1064 = arith.constant 12288 : i32
    %add3A_1065 = vector.broadcast %add3A_1064 : i32 to vector<1024x1xi32>
    %add3A_1066 = arith.addi %add3A_1063, %add3A_1065 : vector<1024x1xi32>
    %swap3A_1067 = arith.constant 0 : index
    %swap3A_1068 = arith.constant 0 : index
    %swap3A_1069 = arith.constant 10 : index
    %swap3A_1070 = vector.load %arg3[%swap3A_1067, %swap3A_1068, %swap3A_1069] : memref<1x1024x16xi32, #tpu.memory_space<vmem>>, vector<1x1024x1xi32>
    %swap3A_1071 = vector.shape_cast %swap3A_1070 : vector<1x1024x1xi32> to vector<1024x1xi32>
    %swap3A_1072 = vector.shape_cast %add3A_1066 : vector<1024x1xi32> to vector<1x1024x1xi32>
    tpu.vector_store %arg3[%swap3A_1067, %swap3A_1068, %swap3A_1069], %swap3A_1072 {strides = array<i32>} : memref<1x1024x16xi32, #tpu.memory_space<vmem>>, vector<1x1024x1xi32>,
    %eq3A_1073 = vector.broadcast %broadcast_in_dim3A_1056 : vector<1024x1xi32> to vector<1024x128xi32>
    %eq3A_1074 = arith.cmpi eq, %iota3A_654, %eq3A_1073 : vector<1024x128xi32>
    %select_n3A_1075 = arith.select %eq3A_1074, %select_n3A_1041, %select_n3A_1040 : vector<1024x128xi1>, vector<1024x128xi32>
    %select_n3A_1076 = arith.select %eq3A_1074, %select_n3A_1042, %select_n3A_1041 : vector<1024x128xi1>, vector<1024x128xi32>
    %select_n3A_1077 = arith.select %eq3A_1074, %select_n3A_1043, %select_n3A_1042 : vector<1024x128xi1>, vector<1024x128xi32>
    %select_n3A_1078 = arith.select %eq3A_1074, %select_n3A_1044, %select_n3A_1043 : vector<1024x128xi1>, vector<1024x128xi32>
    %select_n3A_1079 = arith.select %eq3A_1074, %select_n3A_1045, %select_n3A_1044 : vector<1024x128xi1>, vector<1024x128xi32>
    %reduce_min3A_1080 = arith.constant dense<2147483647> : vector<1024xi32>
    %reduce_min3A_1081 = vector.multi_reduction <minsi>, %select_n3A_1075, %reduce_min3A_1080 [1] : vector<1024x128xi32> to vector<1024xi32>
    %broadcast_in_dim3A_1082 = vector.shape_cast %reduce_min3A_1081 : vector<1024xi32> to vector<1024x1xi32>
    %eq3A_1083 = vector.broadcast %broadcast_in_dim3A_1082 : vector<1024x1xi32> to vector<1024x128xi32>
    %eq3A_1084 = arith.cmpi eq, %select_n3A_1075, %eq3A_1083 : vector<1024x128xi32>
    %jit3A_1085 = arith.constant 1073741824 : i32
    %broadcast_in_dim3A_1086 = vector.broadcast %jit3A_1085 : i32 to vector<1024x128xi32>
    %select_n3A_1087 = arith.select %eq3A_1084, %iota3A_654, %broadcast_in_dim3A_1086 : vector<1024x128xi1>, vector<1024x128xi32>
    %reduce_min3A_1088 = arith.constant dense<2147483647> : vector<1024xi32>
    %reduce_min3A_1089 = vector.multi_reduction <minsi>, %select_n3A_1087, %reduce_min3A_1088 [1] : vector<1024x128xi32> to vector<1024xi32>
    %broadcast_in_dim3A_1090 = vector.shape_cast %reduce_min3A_1089 : vector<1024xi32> to vector<1024x1xi32>
    %and3A_1091 = arith.constant 31 : i32
    %and3A_1092 = vector.broadcast %and3A_1091 : i32 to vector<1024x1xi32>
    %and3A_1093 = arith.andi %broadcast_in_dim3A_1082, %and3A_1092 : vector<1024x1xi32>
    %mul3A_1094 = arith.constant 128 : i32
    %mul3A_1095 = vector.broadcast %mul3A_1094 : i32 to vector<1024x1xi32>
    %mul3A_1096 = arith.muli %and3A_1093, %mul3A_1095 : vector<1024x1xi32>
    %add3A_1097 = arith.addi %mul3A_1096, %broadcast_in_dim3A_1090 : vector<1024x1xi32>
    %add3A_1098 = arith.constant 12288 : i32
    %add3A_1099 = vector.broadcast %add3A_1098 : i32 to vector<1024x1xi32>
    %add3A_1100 = arith.addi %add3A_1097, %add3A_1099 : vector<1024x1xi32>
    %swap3A_1101 = arith.constant 0 : index
    %swap3A_1102 = arith.constant 0 : index
    %swap3A_1103 = arith.constant 11 : index
    %swap3A_1104 = vector.load %arg3[%swap3A_1101, %swap3A_1102, %swap3A_1103] : memref<1x1024x16xi32, #tpu.memory_space<vmem>>, vector<1x1024x1xi32>
    %swap3A_1105 = vector.shape_cast %swap3A_1104 : vector<1x1024x1xi32> to vector<1024x1xi32>
    %swap3A_1106 = vector.shape_cast %add3A_1100 : vector<1024x1xi32> to vector<1x1024x1xi32>
    tpu.vector_store %arg3[%swap3A_1101, %swap3A_1102, %swap3A_1103], %swap3A_1106 {strides = array<i32>} : memref<1x1024x16xi32, #tpu.memory_space<vmem>>, vector<1x1024x1xi32>,
    %eq3A_1107 = vector.broadcast %broadcast_in_dim3A_1090 : vector<1024x1xi32> to vector<1024x128xi32>
    %eq3A_1108 = arith.cmpi eq, %iota3A_654, %eq3A_1107 : vector<1024x128xi32>
    %select_n3A_1109 = arith.select %eq3A_1108, %select_n3A_1076, %select_n3A_1075 : vector<1024x128xi1>, vector<1024x128xi32>
    %select_n3A_1110 = arith.select %eq3A_1108, %select_n3A_1077, %select_n3A_1076 : vector<1024x128xi1>, vector<1024x128xi32>
    %select_n3A_1111 = arith.select %eq3A_1108, %select_n3A_1078, %select_n3A_1077 : vector<1024x128xi1>, vector<1024x128xi32>
    %select_n3A_1112 = arith.select %eq3A_1108, %select_n3A_1079, %select_n3A_1078 : vector<1024x128xi1>, vector<1024x128xi32>
    %reduce_min3A_1113 = arith.constant dense<2147483647> : vector<1024xi32>
    %reduce_min3A_1114 = vector.multi_reduction <minsi>, %select_n3A_1109, %reduce_min3A_1113 [1] : vector<1024x128xi32> to vector<1024xi32>
    %broadcast_in_dim3A_1115 = vector.shape_cast %reduce_min3A_1114 : vector<1024xi32> to vector<1024x1xi32>
    %eq3A_1116 = vector.broadcast %broadcast_in_dim3A_1115 : vector<1024x1xi32> to vector<1024x128xi32>
    %eq3A_1117 = arith.cmpi eq, %select_n3A_1109, %eq3A_1116 : vector<1024x128xi32>
    %jit3A_1118 = arith.constant 1073741824 : i32
    %broadcast_in_dim3A_1119 = vector.broadcast %jit3A_1118 : i32 to vector<1024x128xi32>
    %select_n3A_1120 = arith.select %eq3A_1117, %iota3A_654, %broadcast_in_dim3A_1119 : vector<1024x128xi1>, vector<1024x128xi32>
    %reduce_min3A_1121 = arith.constant dense<2147483647> : vector<1024xi32>
    %reduce_min3A_1122 = vector.multi_reduction <minsi>, %select_n3A_1120, %reduce_min3A_1121 [1] : vector<1024x128xi32> to vector<1024xi32>
    %broadcast_in_dim3A_1123 = vector.shape_cast %reduce_min3A_1122 : vector<1024xi32> to vector<1024x1xi32>
    %and3A_1124 = arith.constant 31 : i32
    %and3A_1125 = vector.broadcast %and3A_1124 : i32 to vector<1024x1xi32>
    %and3A_1126 = arith.andi %broadcast_in_dim3A_1115, %and3A_1125 : vector<1024x1xi32>
    %mul3A_1127 = arith.constant 128 : i32
    %mul3A_1128 = vector.broadcast %mul3A_1127 : i32 to vector<1024x1xi32>
    %mul3A_1129 = arith.muli %and3A_1126, %mul3A_1128 : vector<1024x1xi32>
    %add3A_1130 = arith.addi %mul3A_1129, %broadcast_in_dim3A_1123 : vector<1024x1xi32>
    %add3A_1131 = arith.constant 12288 : i32
    %add3A_1132 = vector.broadcast %add3A_1131 : i32 to vector<1024x1xi32>
    %add3A_1133 = arith.addi %add3A_1130, %add3A_1132 : vector<1024x1xi32>
    %swap3A_1134 = arith.constant 0 : index
    %swap3A_1135 = arith.constant 0 : index
    %swap3A_1136 = arith.constant 12 : index
    %swap3A_1137 = vector.load %arg3[%swap3A_1134, %swap3A_1135, %swap3A_1136] : memref<1x1024x16xi32, #tpu.memory_space<vmem>>, vector<1x1024x1xi32>
    %swap3A_1138 = vector.shape_cast %swap3A_1137 : vector<1x1024x1xi32> to vector<1024x1xi32>
    %swap3A_1139 = vector.shape_cast %add3A_1133 : vector<1024x1xi32> to vector<1x1024x1xi32>
    tpu.vector_store %arg3[%swap3A_1134, %swap3A_1135, %swap3A_1136], %swap3A_1139 {strides = array<i32>} : memref<1x1024x16xi32, #tpu.memory_space<vmem>>, vector<1x1024x1xi32>,
    %eq3A_1140 = vector.broadcast %broadcast_in_dim3A_1123 : vector<1024x1xi32> to vector<1024x128xi32>
    %eq3A_1141 = arith.cmpi eq, %iota3A_654, %eq3A_1140 : vector<1024x128xi32>
    %select_n3A_1142 = arith.select %eq3A_1141, %select_n3A_1110, %select_n3A_1109 : vector<1024x128xi1>, vector<1024x128xi32>
    %select_n3A_1143 = arith.select %eq3A_1141, %select_n3A_1111, %select_n3A_1110 : vector<1024x128xi1>, vector<1024x128xi32>
    %select_n3A_1144 = arith.select %eq3A_1141, %select_n3A_1112, %select_n3A_1111 : vector<1024x128xi1>, vector<1024x128xi32>
    %reduce_min3A_1145 = arith.constant dense<2147483647> : vector<1024xi32>
    %reduce_min3A_1146 = vector.multi_reduction <minsi>, %select_n3A_1142, %reduce_min3A_1145 [1] : vector<1024x128xi32> to vector<1024xi32>
    %broadcast_in_dim3A_1147 = vector.shape_cast %reduce_min3A_1146 : vector<1024xi32> to vector<1024x1xi32>
    %eq3A_1148 = vector.broadcast %broadcast_in_dim3A_1147 : vector<1024x1xi32> to vector<1024x128xi32>
    %eq3A_1149 = arith.cmpi eq, %select_n3A_1142, %eq3A_1148 : vector<1024x128xi32>
    %jit3A_1150 = arith.constant 1073741824 : i32
    %broadcast_in_dim3A_1151 = vector.broadcast %jit3A_1150 : i32 to vector<1024x128xi32>
    %select_n3A_1152 = arith.select %eq3A_1149, %iota3A_654, %broadcast_in_dim3A_1151 : vector<1024x128xi1>, vector<1024x128xi32>
    %reduce_min3A_1153 = arith.constant dense<2147483647> : vector<1024xi32>
    %reduce_min3A_1154 = vector.multi_reduction <minsi>, %select_n3A_1152, %reduce_min3A_1153 [1] : vector<1024x128xi32> to vector<1024xi32>
    %broadcast_in_dim3A_1155 = vector.shape_cast %reduce_min3A_1154 : vector<1024xi32> to vector<1024x1xi32>
    %and3A_1156 = arith.constant 31 : i32
    %and3A_1157 = vector.broadcast %and3A_1156 : i32 to vector<1024x1xi32>
    %and3A_1158 = arith.andi %broadcast_in_dim3A_1147, %and3A_1157 : vector<1024x1xi32>
    %mul3A_1159 = arith.constant 128 : i32
    %mul3A_1160 = vector.broadcast %mul3A_1159 : i32 to vector<1024x1xi32>
    %mul3A_1161 = arith.muli %and3A_1158, %mul3A_1160 : vector<1024x1xi32>
    %add3A_1162 = arith.addi %mul3A_1161, %broadcast_in_dim3A_1155 : vector<1024x1xi32>
    %add3A_1163 = arith.constant 12288 : i32
    %add3A_1164 = vector.broadcast %add3A_1163 : i32 to vector<1024x1xi32>
    %add3A_1165 = arith.addi %add3A_1162, %add3A_1164 : vector<1024x1xi32>
    %swap3A_1166 = arith.constant 0 : index
    %swap3A_1167 = arith.constant 0 : index
    %swap3A_1168 = arith.constant 13 : index
    %swap3A_1169 = vector.load %arg3[%swap3A_1166, %swap3A_1167, %swap3A_1168] : memref<1x1024x16xi32, #tpu.memory_space<vmem>>, vector<1x1024x1xi32>
    %swap3A_1170 = vector.shape_cast %swap3A_1169 : vector<1x1024x1xi32> to vector<1024x1xi32>
    %swap3A_1171 = vector.shape_cast %add3A_1165 : vector<1024x1xi32> to vector<1x1024x1xi32>
    tpu.vector_store %arg3[%swap3A_1166, %swap3A_1167, %swap3A_1168], %swap3A_1171 {strides = array<i32>} : memref<1x1024x16xi32, #tpu.memory_space<vmem>>, vector<1x1024x1xi32>,
    %eq3A_1172 = vector.broadcast %broadcast_in_dim3A_1155 : vector<1024x1xi32> to vector<1024x128xi32>
    %eq3A_1173 = arith.cmpi eq, %iota3A_654, %eq3A_1172 : vector<1024x128xi32>
    %select_n3A_1174 = arith.select %eq3A_1173, %select_n3A_1143, %select_n3A_1142 : vector<1024x128xi1>, vector<1024x128xi32>
    %select_n3A_1175 = arith.select %eq3A_1173, %select_n3A_1144, %select_n3A_1143 : vector<1024x128xi1>, vector<1024x128xi32>
    %reduce_min3A_1176 = arith.constant dense<2147483647> : vector<1024xi32>
    %reduce_min3A_1177 = vector.multi_reduction <minsi>, %select_n3A_1174, %reduce_min3A_1176 [1] : vector<1024x128xi32> to vector<1024xi32>
    %broadcast_in_dim3A_1178 = vector.shape_cast %reduce_min3A_1177 : vector<1024xi32> to vector<1024x1xi32>
    %eq3A_1179 = vector.broadcast %broadcast_in_dim3A_1178 : vector<1024x1xi32> to vector<1024x128xi32>
    %eq3A_1180 = arith.cmpi eq, %select_n3A_1174, %eq3A_1179 : vector<1024x128xi32>
    %jit3A_1181 = arith.constant 1073741824 : i32
    %broadcast_in_dim3A_1182 = vector.broadcast %jit3A_1181 : i32 to vector<1024x128xi32>
    %select_n3A_1183 = arith.select %eq3A_1180, %iota3A_654, %broadcast_in_dim3A_1182 : vector<1024x128xi1>, vector<1024x128xi32>
    %reduce_min3A_1184 = arith.constant dense<2147483647> : vector<1024xi32>
    %reduce_min3A_1185 = vector.multi_reduction <minsi>, %select_n3A_1183, %reduce_min3A_1184 [1] : vector<1024x128xi32> to vector<1024xi32>
    %broadcast_in_dim3A_1186 = vector.shape_cast %reduce_min3A_1185 : vector<1024xi32> to vector<1024x1xi32>
    %and3A_1187 = arith.constant 31 : i32
    %and3A_1188 = vector.broadcast %and3A_1187 : i32 to vector<1024x1xi32>
    %and3A_1189 = arith.andi %broadcast_in_dim3A_1178, %and3A_1188 : vector<1024x1xi32>
    %mul3A_1190 = arith.constant 128 : i32
    %mul3A_1191 = vector.broadcast %mul3A_1190 : i32 to vector<1024x1xi32>
    %mul3A_1192 = arith.muli %and3A_1189, %mul3A_1191 : vector<1024x1xi32>
    %add3A_1193 = arith.addi %mul3A_1192, %broadcast_in_dim3A_1186 : vector<1024x1xi32>
    %add3A_1194 = arith.constant 12288 : i32
    %add3A_1195 = vector.broadcast %add3A_1194 : i32 to vector<1024x1xi32>
    %add3A_1196 = arith.addi %add3A_1193, %add3A_1195 : vector<1024x1xi32>
    %swap3A_1197 = arith.constant 0 : index
    %swap3A_1198 = arith.constant 0 : index
    %swap3A_1199 = arith.constant 14 : index
    %swap3A_1200 = vector.load %arg3[%swap3A_1197, %swap3A_1198, %swap3A_1199] : memref<1x1024x16xi32, #tpu.memory_space<vmem>>, vector<1x1024x1xi32>
    %swap3A_1201 = vector.shape_cast %swap3A_1200 : vector<1x1024x1xi32> to vector<1024x1xi32>
    %swap3A_1202 = vector.shape_cast %add3A_1196 : vector<1024x1xi32> to vector<1x1024x1xi32>
    tpu.vector_store %arg3[%swap3A_1197, %swap3A_1198, %swap3A_1199], %swap3A_1202 {strides = array<i32>} : memref<1x1024x16xi32, #tpu.memory_space<vmem>>, vector<1x1024x1xi32>,
    %eq3A_1203 = vector.broadcast %broadcast_in_dim3A_1186 : vector<1024x1xi32> to vector<1024x128xi32>
    %eq3A_1204 = arith.cmpi eq, %iota3A_654, %eq3A_1203 : vector<1024x128xi32>
    %select_n3A_1205 = arith.select %eq3A_1204, %select_n3A_1175, %select_n3A_1174 : vector<1024x128xi1>, vector<1024x128xi32>
    %reduce_min3A_1206 = arith.constant dense<2147483647> : vector<1024xi32>
    %reduce_min3A_1207 = vector.multi_reduction <minsi>, %select_n3A_1205, %reduce_min3A_1206 [1] : vector<1024x128xi32> to vector<1024xi32>
    %broadcast_in_dim3A_1208 = vector.shape_cast %reduce_min3A_1207 : vector<1024xi32> to vector<1024x1xi32>
    %eq3A_1209 = vector.broadcast %broadcast_in_dim3A_1208 : vector<1024x1xi32> to vector<1024x128xi32>
    %eq3A_1210 = arith.cmpi eq, %select_n3A_1205, %eq3A_1209 : vector<1024x128xi32>
    %jit3A_1211 = arith.constant 1073741824 : i32
    %broadcast_in_dim3A_1212 = vector.broadcast %jit3A_1211 : i32 to vector<1024x128xi32>
    %select_n3A_1213 = arith.select %eq3A_1210, %iota3A_654, %broadcast_in_dim3A_1212 : vector<1024x128xi1>, vector<1024x128xi32>
    %reduce_min3A_1214 = arith.constant dense<2147483647> : vector<1024xi32>
    %reduce_min3A_1215 = vector.multi_reduction <minsi>, %select_n3A_1213, %reduce_min3A_1214 [1] : vector<1024x128xi32> to vector<1024xi32>
    %broadcast_in_dim3A_1216 = vector.shape_cast %reduce_min3A_1215 : vector<1024xi32> to vector<1024x1xi32>
    %and3A_1217 = arith.constant 31 : i32
    %and3A_1218 = vector.broadcast %and3A_1217 : i32 to vector<1024x1xi32>
    %and3A_1219 = arith.andi %broadcast_in_dim3A_1208, %and3A_1218 : vector<1024x1xi32>
    %mul3A_1220 = arith.constant 128 : i32
    %mul3A_1221 = vector.broadcast %mul3A_1220 : i32 to vector<1024x1xi32>
    %mul3A_1222 = arith.muli %and3A_1219, %mul3A_1221 : vector<1024x1xi32>
    %add3A_1223 = arith.addi %mul3A_1222, %broadcast_in_dim3A_1216 : vector<1024x1xi32>
    %add3A_1224 = arith.constant 12288 : i32
    %add3A_1225 = vector.broadcast %add3A_1224 : i32 to vector<1024x1xi32>
    %add3A_1226 = arith.addi %add3A_1223, %add3A_1225 : vector<1024x1xi32>
    %swap3A_1227 = arith.constant 0 : index
    %swap3A_1228 = arith.constant 0 : index
    %swap3A_1229 = arith.constant 15 : index
    %swap3A_1230 = vector.load %arg3[%swap3A_1227, %swap3A_1228, %swap3A_1229] : memref<1x1024x16xi32, #tpu.memory_space<vmem>>, vector<1x1024x1xi32>
    %swap3A_1231 = vector.shape_cast %swap3A_1230 : vector<1x1024x1xi32> to vector<1024x1xi32>
    %swap3A_1232 = vector.shape_cast %add3A_1226 : vector<1024x1xi32> to vector<1x1024x1xi32>
    tpu.vector_store %arg3[%swap3A_1227, %swap3A_1228, %swap3A_1229], %swap3A_1232 {strides = array<i32>} : memref<1x1024x16xi32, #tpu.memory_space<vmem>>, vector<1x1024x1xi32>,
    return
  }
  func.func @transform_0(%arg0: i32) -> (i32, i32, i32) {
    %c0_i32 = arith.constant 0 : i32
    %c0_i32_0 = arith.constant 0 : i32
    %c0_i32_1 = arith.constant 0 : i32
    return %c0_i32, %arg0, %c0_i32_0 : i32, i32, i32
  }
  func.func @transform_1(%arg0: i32) -> (i32, i32, i32) {
    %c0_i32 = arith.constant 0 : i32
    %c0_i32_0 = arith.constant 0 : i32
    %c0_i32_1 = arith.constant 0 : i32
    %c0_i32_2 = arith.constant 0 : i32
    return %c0_i32, %c0_i32_0, %c0_i32_1 : i32, i32, i32
  }
  func.func @transform_2(%arg0: i32) -> (i32, i32, i32) {
    %c0_i32 = arith.constant 0 : i32
    %c0_i32_0 = arith.constant 0 : i32
    %c0_i32_1 = arith.constant 0 : i32
    return %c0_i32, %arg0, %c0_i32_0 : i32, i32, i32
  }
}

module attributes {stable_mosaic.version = 14 : i64} {
  func.func @_prep_body(%arg0: i32, %arg1: i32, %arg2: memref<1x1024x4xf32, #tpu.memory_space<vmem>>, %arg3: memref<1x1024x128xf32, #tpu.memory_space<vmem>>, %arg4: memref<4x128xf32, #tpu.memory_space<vmem>>, %arg5: memref<1x128xf32, #tpu.memory_space<vmem>>, %arg6: memref<128x384xf32, #tpu.memory_space<vmem>>, %arg7: memref<1x384xf32, #tpu.memory_space<vmem>>, %arg8: memref<1x1024x128xi32, #tpu.memory_space<vmem>>, %arg9: memref<1x1024x128xf32, #tpu.memory_space<vmem>>, %arg10: memref<1x1024x128xf32, #tpu.memory_space<vmem>>) attributes {dimension_semantics = [#tpu.dimension_semantics<arbitrary>, #tpu.dimension_semantics<arbitrary>], iteration_bounds = array<i64: 4, 4>, scalar_prefetch = 0 : i64, scratch_operands = 0 : i64, tpu.core_type = #tpu.core_type<tc>, window_params = [{transform_indices = @transform_0, window_bounds = array<i64: 1, 1024, 4>}, {transform_indices = @transform_1, window_bounds = array<i64: 1, 1024, 128>}, {pipeline_mode = #tpu.pipeline_mode<synchronous>, transform_indices = @transform_2, window_bounds = array<i64: 4, 128>}, {pipeline_mode = #tpu.pipeline_mode<synchronous>, transform_indices = @transform_3, window_bounds = array<i64: 1, 128>}, {pipeline_mode = #tpu.pipeline_mode<synchronous>, transform_indices = @transform_4, window_bounds = array<i64: 128, 384>}, {pipeline_mode = #tpu.pipeline_mode<synchronous>, transform_indices = @transform_5, window_bounds = array<i64: 1, 384>}, {transform_indices = @transform_6, window_bounds = array<i64: 1, 1024, 128>}, {transform_indices = @transform_7, window_bounds = array<i64: 1, 1024, 128>}, {transform_indices = @transform_8, window_bounds = array<i64: 1, 1024, 128>}]} {
    %get3A = arith.constant 0 : index
    %get3A_0 = arith.constant 0 : index
    %get3A_1 = arith.constant 0 : index
    %get3A_2 = vector.load %arg2[%get3A, %get3A_0, %get3A_1] : memref<1x1024x4xf32, #tpu.memory_space<vmem>>, vector<1x1024x4xf32>
    %get3A_3 = vector.shape_cast %get3A_2 : vector<1x1024x4xf32> to vector<1024x4xf32>
    %get3A_4 = arith.constant 0 : index
    %get3A_5 = arith.constant 0 : index
    %get3A_6 = arith.constant 0 : index
    %get3A_7 = vector.load %arg3[%get3A_4, %get3A_5, %get3A_6] : memref<1x1024x128xf32, #tpu.memory_space<vmem>>, vector<1x1024x128xf32>
    %get3A_8 = vector.shape_cast %get3A_7 : vector<1x1024x128xf32> to vector<1024x128xf32>
    %get3A_9 = arith.constant 0 : index
    %get3A_10 = arith.constant 0 : index
    %get3A_11 = vector.load %arg4[%get3A_9, %get3A_10] : memref<4x128xf32, #tpu.memory_space<vmem>>, vector<4x128xf32>
    %dot_general3A = arith.constant dense<0.000000e+00> : vector<1024x128xf32>
    %dot_general3A_12 = tpu.matmul %get3A_3, %get3A_11, %dot_general3A {dimension_numbers = #tpu.dot_dimension_numbers<[1], [0], [0], [1], [0, 0, 1, 1], [], []>, precision = #tpu.contract_precision<fp32>, transpose_lhs_hint = false} : vector<1024x4xf32>, vector<4x128xf32>, vector<1024x128xf32> -> vector<1024x128xf32>
    %get3A_13 = arith.constant 0 : index
    %get3A_14 = arith.constant 0 : index
    %get3A_15 = vector.load %arg6[%get3A_13, %get3A_14] : memref<128x384xf32, #tpu.memory_space<vmem>>, vector<128x384xf32>
    %dot_general3A_16 = arith.constant dense<0.000000e+00> : vector<1024x384xf32>
    %dot_general3A_17 = tpu.matmul %get3A_8, %get3A_15, %dot_general3A_16 {dimension_numbers = #tpu.dot_dimension_numbers<[1], [0], [0], [1], [0, 0, 1, 1], [], []>, precision = #tpu.contract_precision<fp32>, transpose_lhs_hint = false} : vector<1024x128xf32>, vector<128x384xf32>, vector<1024x384xf32> -> vector<1024x384xf32>
    %get3A_18 = arith.constant 0 : index
    %get3A_19 = arith.constant 0 : index
    %get3A_20 = vector.load %arg7[%get3A_18, %get3A_19] : memref<1x384xf32, #tpu.memory_space<vmem>>, vector<1x384xf32>
    %add3A = vector.broadcast %get3A_20 : vector<1x384xf32> to vector<1024x384xf32>
    %add3A_21 = arith.addf %dot_general3A_17, %add3A : vector<1024x384xf32>
    %slice3A = vector.extract_strided_slice %add3A_21 {offsets = [0, 0], sizes = [1024, 128], strides = [1, 1]} : vector<1024x384xf32> to vector<1024x128xf32>
    %slice3A_22 = vector.extract_strided_slice %add3A_21 {offsets = [0, 128], sizes = [1024, 128], strides = [1, 1]} : vector<1024x384xf32> to vector<1024x128xf32>
    %slice3A_23 = vector.extract_strided_slice %add3A_21 {offsets = [0, 256], sizes = [1024, 128], strides = [1, 1]} : vector<1024x384xf32> to vector<1024x128xf32>
    %get3A_24 = arith.constant 0 : index
    %get3A_25 = arith.constant 0 : index
    %get3A_26 = vector.load %arg5[%get3A_24, %get3A_25] : memref<1x128xf32, #tpu.memory_space<vmem>>, vector<1x128xf32>
    %add3A_27 = vector.broadcast %get3A_26 : vector<1x128xf32> to vector<1024x128xf32>
    %add3A_28 = arith.addf %dot_general3A_12, %add3A_27 : vector<1024x128xf32>
    %add3A_29 = arith.addf %slice3A_22, %dot_general3A_12 : vector<1024x128xf32>
    %bitcast_convert_type3A = tpu.bitcast %add3A_29 : vector<1024x128xf32> -> vector<1024x128xi32>
    %sub3A = arith.subf %slice3A_23, %dot_general3A_12 : vector<1024x128xf32>
    %bitcast_convert_type3A_30 = tpu.bitcast %sub3A : vector<1024x128xf32> -> vector<1024x128xi32>
    %add3A_31 = arith.constant 32768 : i32
    %add3A_32 = vector.broadcast %add3A_31 : i32 to vector<1024x128xi32>
    %add3A_33 = arith.addi %bitcast_convert_type3A, %add3A_32 : vector<1024x128xi32>
    %shift_right_arithmetic3A = arith.constant 16 : i32
    %shift_right_arithmetic3A_34 = vector.broadcast %shift_right_arithmetic3A : i32 to vector<1024x128xi32>
    %shift_right_arithmetic3A_35 = arith.shrsi %add3A_33, %shift_right_arithmetic3A_34 : vector<1024x128xi32>
    %and3A = arith.constant 65535 : i32
    %and3A_36 = vector.broadcast %and3A : i32 to vector<1024x128xi32>
    %and3A_37 = arith.andi %shift_right_arithmetic3A_35, %and3A_36 : vector<1024x128xi32>
    %add3A_38 = arith.constant 32768 : i32
    %add3A_39 = vector.broadcast %add3A_38 : i32 to vector<1024x128xi32>
    %add3A_40 = arith.addi %bitcast_convert_type3A_30, %add3A_39 : vector<1024x128xi32>
    %and3A_41 = arith.constant -65536 : i32
    %and3A_42 = vector.broadcast %and3A_41 : i32 to vector<1024x128xi32>
    %and3A_43 = arith.andi %add3A_40, %and3A_42 : vector<1024x128xi32>
    %or3A = arith.ori %and3A_37, %and3A_43 : vector<1024x128xi32>
    %swap3A = arith.constant 0 : index
    %swap3A_44 = arith.constant 0 : index
    %swap3A_45 = arith.constant 0 : index
    %swap3A_46 = vector.load %arg8[%swap3A, %swap3A_44, %swap3A_45] : memref<1x1024x128xi32, #tpu.memory_space<vmem>>, vector<1x1024x128xi32>
    %swap3A_47 = vector.shape_cast %swap3A_46 : vector<1x1024x128xi32> to vector<1024x128xi32>
    %swap3A_48 = vector.shape_cast %or3A : vector<1024x128xi32> to vector<1x1024x128xi32>
    tpu.vector_store %arg8[%swap3A, %swap3A_44, %swap3A_45], %swap3A_48 {strides = array<i32>} : memref<1x1024x128xi32, #tpu.memory_space<vmem>>, vector<1x1024x128xi32>,
    %add3A_49 = arith.addf %slice3A, %add3A_28 : vector<1024x128xf32>
    %swap3A_50 = arith.constant 0 : index
    %swap3A_51 = arith.constant 0 : index
    %swap3A_52 = arith.constant 0 : index
    %swap3A_53 = vector.load %arg9[%swap3A_50, %swap3A_51, %swap3A_52] : memref<1x1024x128xf32, #tpu.memory_space<vmem>>, vector<1x1024x128xf32>
    %swap3A_54 = vector.shape_cast %swap3A_53 : vector<1x1024x128xf32> to vector<1024x128xf32>
    %swap3A_55 = vector.shape_cast %add3A_49 : vector<1024x128xf32> to vector<1x1024x128xf32>
    tpu.vector_store %arg9[%swap3A_50, %swap3A_51, %swap3A_52], %swap3A_55 {strides = array<i32>} : memref<1x1024x128xf32, #tpu.memory_space<vmem>>, vector<1x1024x128xf32>,
    %swap3A_56 = arith.constant 0 : index
    %swap3A_57 = arith.constant 0 : index
    %swap3A_58 = arith.constant 0 : index
    %swap3A_59 = vector.load %arg10[%swap3A_56, %swap3A_57, %swap3A_58] : memref<1x1024x128xf32, #tpu.memory_space<vmem>>, vector<1x1024x128xf32>
    %swap3A_60 = vector.shape_cast %swap3A_59 : vector<1x1024x128xf32> to vector<1024x128xf32>
    %swap3A_61 = vector.shape_cast %add3A_28 : vector<1024x128xf32> to vector<1x1024x128xf32>
    tpu.vector_store %arg10[%swap3A_56, %swap3A_57, %swap3A_58], %swap3A_61 {strides = array<i32>} : memref<1x1024x128xf32, #tpu.memory_space<vmem>>, vector<1x1024x128xf32>,
    return
  }
  func.func @transform_0(%arg0: i32, %arg1: i32) -> (i32, i32, i32) {
    %c0_i32 = arith.constant 0 : i32
    %c0_i32_0 = arith.constant 0 : i32
    return %arg0, %arg1, %c0_i32 : i32, i32, i32
  }
  func.func @transform_1(%arg0: i32, %arg1: i32) -> (i32, i32, i32) {
    %c0_i32 = arith.constant 0 : i32
    %c0_i32_0 = arith.constant 0 : i32
    return %arg0, %arg1, %c0_i32 : i32, i32, i32
  }
  func.func @transform_2(%arg0: i32, %arg1: i32) -> (i32, i32) {
    %c0_i32 = arith.constant 0 : i32
    %c0_i32_0 = arith.constant 0 : i32
    %c0_i32_1 = arith.constant 0 : i32
    return %c0_i32, %c0_i32_0 : i32, i32
  }
  func.func @transform_3(%arg0: i32, %arg1: i32) -> (i32, i32) {
    %c0_i32 = arith.constant 0 : i32
    %c0_i32_0 = arith.constant 0 : i32
    %c0_i32_1 = arith.constant 0 : i32
    return %c0_i32, %c0_i32_0 : i32, i32
  }
  func.func @transform_4(%arg0: i32, %arg1: i32) -> (i32, i32) {
    %c0_i32 = arith.constant 0 : i32
    %c0_i32_0 = arith.constant 0 : i32
    %c0_i32_1 = arith.constant 0 : i32
    return %c0_i32, %c0_i32_0 : i32, i32
  }
  func.func @transform_5(%arg0: i32, %arg1: i32) -> (i32, i32) {
    %c0_i32 = arith.constant 0 : i32
    %c0_i32_0 = arith.constant 0 : i32
    %c0_i32_1 = arith.constant 0 : i32
    return %c0_i32, %c0_i32_0 : i32, i32
  }
  func.func @transform_6(%arg0: i32, %arg1: i32) -> (i32, i32, i32) {
    %c0_i32 = arith.constant 0 : i32
    %c0_i32_0 = arith.constant 0 : i32
    return %arg0, %arg1, %c0_i32 : i32, i32, i32
  }
  func.func @transform_7(%arg0: i32, %arg1: i32) -> (i32, i32, i32) {
    %c0_i32 = arith.constant 0 : i32
    %c0_i32_0 = arith.constant 0 : i32
    return %arg0, %arg1, %c0_i32 : i32, i32, i32
  }
  func.func @transform_8(%arg0: i32, %arg1: i32) -> (i32, i32, i32) {
    %c0_i32 = arith.constant 0 : i32
    %c0_i32_0 = arith.constant 0 : i32
    return %arg0, %arg1, %c0_i32 : i32, i32, i32
  }
}

module attributes {stable_mosaic.version = 14 : i64} {
  func.func @_knn_body(%arg0: i32, %arg1: memref<1x1024x4xf32, #tpu.memory_space<vmem>>, %arg2: memref<1x4096x4xf32, #tpu.memory_space<vmem>>, %arg3: memref<1x1024x16xi32, #tpu.memory_space<vmem>>) attributes {dimension_semantics = [#tpu.dimension_semantics<arbitrary>], iteration_bounds = array<i64: 4>, scalar_prefetch = 0 : i64, scratch_operands = 0 : i64, tpu.core_type = #tpu.core_type<tc>, window_params = [{transform_indices = @transform_0, window_bounds = array<i64: 1, 1024, 4>}, {pipeline_mode = #tpu.pipeline_mode<synchronous>, transform_indices = @transform_1, window_bounds = array<i64: 1, 4096, 4>}, {transform_indices = @transform_2, window_bounds = array<i64: 1, 1024, 16>}]} {
    %iota3A = tpu.iota {dimensions = array<i32: 1>} : vector<1x4xi32>
    %lt3A = arith.constant 3 : i32
    %lt3A_0 = vector.broadcast %lt3A : i32 to vector<1x4xi32>
    %lt3A_1 = arith.cmpi slt, %iota3A, %lt3A_0 : vector<1x4xi32>
    %get3A = arith.constant 0 : index
    %get3A_2 = arith.constant 0 : index
    %get3A_3 = arith.constant 0 : index
    %get3A_4 = vector.load %arg1[%get3A, %get3A_2, %get3A_3] : memref<1x1024x4xf32, #tpu.memory_space<vmem>>, vector<1x1024x4xf32>
    %get3A_5 = vector.shape_cast %get3A_4 : vector<1x1024x4xf32> to vector<1024x4xf32>
    %jit3A = arith.constant 0.000000e+00 : f32
    %broadcast_in_dim3A = vector.shape_cast %lt3A_1 : vector<1x4xi1> to vector<1x4xi1>
    %broadcast_in_dim3A_6 = vector.broadcast %broadcast_in_dim3A : vector<1x4xi1> to vector<1024x4xi1>
    %broadcast_in_dim3A_7 = vector.broadcast %jit3A : f32 to vector<1024x4xf32>
    %select_n3A = arith.select %broadcast_in_dim3A_6, %get3A_5, %broadcast_in_dim3A_7 : vector<1024x4xi1>, vector<1024x4xf32>
    %lt3A_8 = arith.constant 3 : i32
    %lt3A_9 = vector.broadcast %lt3A_8 : i32 to vector<1x4xi32>
    %lt3A_10 = arith.cmpi slt, %iota3A, %lt3A_9 : vector<1x4xi32>
    %get3A_11 = arith.constant 0 : index
    %get3A_12 = arith.constant 0 : index
    %get3A_13 = arith.constant 0 : index
    %get3A_14 = vector.load %arg2[%get3A_11, %get3A_12, %get3A_13] : memref<1x4096x4xf32, #tpu.memory_space<vmem>>, vector<1x4096x4xf32>
    %get3A_15 = vector.shape_cast %get3A_14 : vector<1x4096x4xf32> to vector<4096x4xf32>
    %jit3A_16 = arith.constant 0.000000e+00 : f32
    %broadcast_in_dim3A_17 = vector.shape_cast %lt3A_10 : vector<1x4xi1> to vector<1x4xi1>
    %broadcast_in_dim3A_18 = vector.broadcast %broadcast_in_dim3A_17 : vector<1x4xi1> to vector<4096x4xi1>
    %broadcast_in_dim3A_19 = vector.broadcast %jit3A_16 : f32 to vector<4096x4xf32>
    %select_n3A_20 = arith.select %broadcast_in_dim3A_18, %get3A_15, %broadcast_in_dim3A_19 : vector<4096x4xi1>, vector<4096x4xf32>
    %broadcast_in_dim3A_21 = arith.constant 1.000000e+00 : f32
    %broadcast_in_dim3A_22 = vector.broadcast %broadcast_in_dim3A_21 : f32 to vector<1x4xf32>
    %mul3A = arith.mulf %select_n3A_20, %select_n3A_20 : vector<4096x4xf32>
    %dot_general3A = arith.constant dense<0.000000e+00> : vector<1x4096xf32>
    %dot_general3A_23 = tpu.matmul %broadcast_in_dim3A_22, %mul3A, %dot_general3A {dimension_numbers = #tpu.dot_dimension_numbers<[1], [1], [0], [0], [0, 0, 1, 0], [], []>, precision = #tpu.contract_precision<fp32>, transpose_lhs_hint = false} : vector<1x4xf32>, vector<4096x4xf32>, vector<1x4096xf32> -> vector<1x4096xf32>
    %dot_general3A_24 = arith.constant dense<0.000000e+00> : vector<1024x4096xf32>
    %dot_general3A_25 = tpu.matmul %select_n3A, %select_n3A_20, %dot_general3A_24 {dimension_numbers = #tpu.dot_dimension_numbers<[1], [1], [0], [0], [0, 0, 1, 0], [], []>, transpose_lhs_hint = false} : vector<1024x4xf32>, vector<4096x4xf32>, vector<1024x4096xf32> -> vector<1024x4096xf32>
    %mul3A_26 = arith.constant 2.000000e+00 : f32
    %mul3A_27 = vector.broadcast %mul3A_26 : f32 to vector<1024x4096xf32>
    %mul3A_28 = arith.mulf %mul3A_27, %dot_general3A_25 : vector<1024x4096xf32>
    %sub3A = vector.broadcast %dot_general3A_23 : vector<1x4096xf32> to vector<1024x4096xf32>
    %sub3A_29 = arith.subf %sub3A, %mul3A_28 : vector<1024x4096xf32>
    %bitcast_convert_type3A = tpu.bitcast %sub3A_29 : vector<1024x4096xf32> -> vector<1024x4096xi32>
    %shift_right_arithmetic3A = arith.constant 31 : i32
    %shift_right_arithmetic3A_30 = vector.broadcast %shift_right_arithmetic3A : i32 to vector<1024x4096xi32>
    %shift_right_arithmetic3A_31 = arith.shrsi %bitcast_convert_type3A, %shift_right_arithmetic3A_30 : vector<1024x4096xi32>
    %and3A = arith.constant 2147483647 : i32
    %and3A_32 = vector.broadcast %and3A : i32 to vector<1024x4096xi32>
    %and3A_33 = arith.andi %shift_right_arithmetic3A_31, %and3A_32 : vector<1024x4096xi32>
    %xor3A = arith.xori %bitcast_convert_type3A, %and3A_33 : vector<1024x4096xi32>
    %slice3A = vector.extract_strided_slice %xor3A {offsets = [0, 0], sizes = [1024, 128], strides = [1, 1]} : vector<1024x4096xi32> to vector<1024x128xi32>
    %and3A_34 = arith.constant -32 : i32
    %and3A_35 = vector.broadcast %and3A_34 : i32 to vector<1024x128xi32>
    %and3A_36 = arith.andi %slice3A, %and3A_35 : vector<1024x128xi32>
    %or3A = arith.constant 0 : i32
    %or3A_37 = vector.broadcast %or3A : i32 to vector<1024x128xi32>
    %or3A_38 = arith.ori %and3A_36, %or3A_37 : vector<1024x128xi32>
    %slice3A_39 = vector.extract_strided_slice %xor3A {offsets = [0, 128], sizes = [1024, 128], strides = [1, 1]} : vector<1024x4096xi32> to vector<1024x128xi32>
    %and3A_40 = arith.constant -32 : i32
    %and3A_41 = vector.broadcast %and3A_40 : i32 to vector<1024x128xi32>
    %and3A_42 = arith.andi %slice3A_39, %and3A_41 : vector<1024x128xi32>
    %or3A_43 = arith.constant 1 : i32
    %or3A_44 = vector.broadcast %or3A_43 : i32 to vector<1024x128xi32>
    %or3A_45 = arith.ori %and3A_42, %or3A_44 : vector<1024x128xi32>
    %slice3A_46 = vector.extract_strided_slice %xor3A {offsets = [0, 256], sizes = [1024, 128], strides = [1, 1]} : vector<1024x4096xi32> to vector<1024x128xi32>
    %and3A_47 = arith.constant -32 : i32
    %and3A_48 = vector.broadcast %and3A_47 : i32 to vector<1024x128xi32>
    %and3A_49 = arith.andi %slice3A_46, %and3A_48 : vector<1024x128xi32>
    %or3A_50 = arith.constant 2 : i32
    %or3A_51 = vector.broadcast %or3A_50 : i32 to vector<1024x128xi32>
    %or3A_52 = arith.ori %and3A_49, %or3A_51 : vector<1024x128xi32>
    %slice3A_53 = vector.extract_strided_slice %xor3A {offsets = [0, 384], sizes = [1024, 128], strides = [1, 1]} : vector<1024x4096xi32> to vector<1024x128xi32>
    %and3A_54 = arith.constant -32 : i32
    %and3A_55 = vector.broadcast %and3A_54 : i32 to vector<1024x128xi32>
    %and3A_56 = arith.andi %slice3A_53, %and3A_55 : vector<1024x128xi32>
    %or3A_57 = arith.constant 3 : i32
    %or3A_58 = vector.broadcast %or3A_57 : i32 to vector<1024x128xi32>
    %or3A_59 = arith.ori %and3A_56, %or3A_58 : vector<1024x128xi32>
    %slice3A_60 = vector.extract_strided_slice %xor3A {offsets = [0, 512], sizes = [1024, 128], strides = [1, 1]} : vector<1024x4096xi32> to vector<1024x128xi32>
    %and3A_61 = arith.constant -32 : i32
    %and3A_62 = vector.broadcast %and3A_61 : i32 to vector<1024x128xi32>
    %and3A_63 = arith.andi %slice3A_60, %and3A_62 : vector<1024x128xi32>
    %or3A_64 = arith.constant 4 : i32
    %or3A_65 = vector.broadcast %or3A_64 : i32 to vector<1024x128xi32>
    %or3A_66 = arith.ori %and3A_63, %or3A_65 : vector<1024x128xi32>
    %slice3A_67 = vector.extract_strided_slice %xor3A {offsets = [0, 640], sizes = [1024, 128], strides = [1, 1]} : vector<1024x4096xi32> to vector<1024x128xi32>
    %and3A_68 = arith.constant -32 : i32
    %and3A_69 = vector.broadcast %and3A_68 : i32 to vector<1024x128xi32>
    %and3A_70 = arith.andi %slice3A_67, %and3A_69 : vector<1024x128xi32>
    %or3A_71 = arith.constant 5 : i32
    %or3A_72 = vector.broadcast %or3A_71 : i32 to vector<1024x128xi32>
    %or3A_73 = arith.ori %and3A_70, %or3A_72 : vector<1024x128xi32>
    %slice3A_74 = vector.extract_strided_slice %xor3A {offsets = [0, 768], sizes = [1024, 128], strides = [1, 1]} : vector<1024x4096xi32> to vector<1024x128xi32>
    %and3A_75 = arith.constant -32 : i32
    %and3A_76 = vector.broadcast %and3A_75 : i32 to vector<1024x128xi32>
    %and3A_77 = arith.andi %slice3A_74, %and3A_76 : vector<1024x128xi32>
    %or3A_78 = arith.constant 6 : i32
    %or3A_79 = vector.broadcast %or3A_78 : i32 to vector<1024x128xi32>
    %or3A_80 = arith.ori %and3A_77, %or3A_79 : vector<1024x128xi32>
    %slice3A_81 = vector.extract_strided_slice %xor3A {offsets = [0, 896], sizes = [1024, 128], strides = [1, 1]} : vector<1024x4096xi32> to vector<1024x128xi32>
    %and3A_82 = arith.constant -32 : i32
    %and3A_83 = vector.broadcast %and3A_82 : i32 to vector<1024x128xi32>
    %and3A_84 = arith.andi %slice3A_81, %and3A_83 : vector<1024x128xi32>
    %or3A_85 = arith.constant 7 : i32
    %or3A_86 = vector.broadcast %or3A_85 : i32 to vector<1024x128xi32>
    %or3A_87 = arith.ori %and3A_84, %or3A_86 : vector<1024x128xi32>
    %slice3A_88 = vector.extract_strided_slice %xor3A {offsets = [0, 1024], sizes = [1024, 128], strides = [1, 1]} : vector<1024x4096xi32> to vector<1024x128xi32>
    %and3A_89 = arith.constant -32 : i32
    %and3A_90 = vector.broadcast %and3A_89 : i32 to vector<1024x128xi32>
    %and3A_91 = arith.andi %slice3A_88, %and3A_90 : vector<1024x128xi32>
    %or3A_92 = arith.constant 8 : i32
    %or3A_93 = vector.broadcast %or3A_92 : i32 to vector<1024x128xi32>
    %or3A_94 = arith.ori %and3A_91, %or3A_93 : vector<1024x128xi32>
    %slice3A_95 = vector.extract_strided_slice %xor3A {offsets = [0, 1152], sizes = [1024, 128], strides = [1, 1]} : vector<1024x4096xi32> to vector<1024x128xi32>
    %and3A_96 = arith.constant -32 : i32
    %and3A_97 = vector.broadcast %and3A_96 : i32 to vector<1024x128xi32>
    %and3A_98 = arith.andi %slice3A_95, %and3A_97 : vector<1024x128xi32>
    %or3A_99 = arith.constant 9 : i32
    %or3A_100 = vector.broadcast %or3A_99 : i32 to vector<1024x128xi32>
    %or3A_101 = arith.ori %and3A_98, %or3A_100 : vector<1024x128xi32>
    %slice3A_102 = vector.extract_strided_slice %xor3A {offsets = [0, 1280], sizes = [1024, 128], strides = [1, 1]} : vector<1024x4096xi32> to vector<1024x128xi32>
    %and3A_103 = arith.constant -32 : i32
    %and3A_104 = vector.broadcast %and3A_103 : i32 to vector<1024x128xi32>
    %and3A_105 = arith.andi %slice3A_102, %and3A_104 : vector<1024x128xi32>
    %or3A_106 = arith.constant 10 : i32
    %or3A_107 = vector.broadcast %or3A_106 : i32 to vector<1024x128xi32>
    %or3A_108 = arith.ori %and3A_105, %or3A_107 : vector<1024x128xi32>
    %slice3A_109 = vector.extract_strided_slice %xor3A {offsets = [0, 1408], sizes = [1024, 128], strides = [1, 1]} : vector<1024x4096xi32> to vector<1024x128xi32>
    %and3A_110 = arith.constant -32 : i32
    %and3A_111 = vector.broadcast %and3A_110 : i32 to vector<1024x128xi32>
    %and3A_112 = arith.andi %slice3A_109, %and3A_111 : vector<1024x128xi32>
    %or3A_113 = arith.constant 11 : i32
    %or3A_114 = vector.broadcast %or3A_113 : i32 to vector<1024x128xi32>
    %or3A_115 = arith.ori %and3A_112, %or3A_114 : vector<1024x128xi32>
    %slice3A_116 = vector.extract_strided_slice %xor3A {offsets = [0, 1536], sizes = [1024, 128], strides = [1, 1]} : vector<1024x4096xi32> to vector<1024x128xi32>
    %and3A_117 = arith.constant -32 : i32
    %and3A_118 = vector.broadcast %and3A_117 : i32 to vector<1024x128xi32>
    %and3A_119 = arith.andi %slice3A_116, %and3A_118 : vector<1024x128xi32>
    %or3A_120 = arith.constant 12 : i32
    %or3A_121 = vector.broadcast %or3A_120 : i32 to vector<1024x128xi32>
    %or3A_122 = arith.ori %and3A_119, %or3A_121 : vector<1024x128xi32>
    %slice3A_123 = vector.extract_strided_slice %xor3A {offsets = [0, 1664], sizes = [1024, 128], strides = [1, 1]} : vector<1024x4096xi32> to vector<1024x128xi32>
    %and3A_124 = arith.constant -32 : i32
    %and3A_125 = vector.broadcast %and3A_124 : i32 to vector<1024x128xi32>
    %and3A_126 = arith.andi %slice3A_123, %and3A_125 : vector<1024x128xi32>
    %or3A_127 = arith.constant 13 : i32
    %or3A_128 = vector.broadcast %or3A_127 : i32 to vector<1024x128xi32>
    %or3A_129 = arith.ori %and3A_126, %or3A_128 : vector<1024x128xi32>
    %slice3A_130 = vector.extract_strided_slice %xor3A {offsets = [0, 1792], sizes = [1024, 128], strides = [1, 1]} : vector<1024x4096xi32> to vector<1024x128xi32>
    %and3A_131 = arith.constant -32 : i32
    %and3A_132 = vector.broadcast %and3A_131 : i32 to vector<1024x128xi32>
    %and3A_133 = arith.andi %slice3A_130, %and3A_132 : vector<1024x128xi32>
    %or3A_134 = arith.constant 14 : i32
    %or3A_135 = vector.broadcast %or3A_134 : i32 to vector<1024x128xi32>
    %or3A_136 = arith.ori %and3A_133, %or3A_135 : vector<1024x128xi32>
    %slice3A_137 = vector.extract_strided_slice %xor3A {offsets = [0, 1920], sizes = [1024, 128], strides = [1, 1]} : vector<1024x4096xi32> to vector<1024x128xi32>
    %and3A_138 = arith.constant -32 : i32
    %and3A_139 = vector.broadcast %and3A_138 : i32 to vector<1024x128xi32>
    %and3A_140 = arith.andi %slice3A_137, %and3A_139 : vector<1024x128xi32>
    %or3A_141 = arith.constant 15 : i32
    %or3A_142 = vector.broadcast %or3A_141 : i32 to vector<1024x128xi32>
    %or3A_143 = arith.ori %and3A_140, %or3A_142 : vector<1024x128xi32>
    %slice3A_144 = vector.extract_strided_slice %xor3A {offsets = [0, 2048], sizes = [1024, 128], strides = [1, 1]} : vector<1024x4096xi32> to vector<1024x128xi32>
    %and3A_145 = arith.constant -32 : i32
    %and3A_146 = vector.broadcast %and3A_145 : i32 to vector<1024x128xi32>
    %and3A_147 = arith.andi %slice3A_144, %and3A_146 : vector<1024x128xi32>
    %or3A_148 = arith.constant 16 : i32
    %or3A_149 = vector.broadcast %or3A_148 : i32 to vector<1024x128xi32>
    %or3A_150 = arith.ori %and3A_147, %or3A_149 : vector<1024x128xi32>
    %slice3A_151 = vector.extract_strided_slice %xor3A {offsets = [0, 2176], sizes = [1024, 128], strides = [1, 1]} : vector<1024x4096xi32> to vector<1024x128xi32>
    %and3A_152 = arith.constant -32 : i32
    %and3A_153 = vector.broadcast %and3A_152 : i32 to vector<1024x128xi32>
    %and3A_154 = arith.andi %slice3A_151, %and3A_153 : vector<1024x128xi32>
    %or3A_155 = arith.constant 17 : i32
    %or3A_156 = vector.broadcast %or3A_155 : i32 to vector<1024x128xi32>
    %or3A_157 = arith.ori %and3A_154, %or3A_156 : vector<1024x128xi32>
    %slice3A_158 = vector.extract_strided_slice %xor3A {offsets = [0, 2304], sizes = [1024, 128], strides = [1, 1]} : vector<1024x4096xi32> to vector<1024x128xi32>
    %and3A_159 = arith.constant -32 : i32
    %and3A_160 = vector.broadcast %and3A_159 : i32 to vector<1024x128xi32>
    %and3A_161 = arith.andi %slice3A_158, %and3A_160 : vector<1024x128xi32>
    %or3A_162 = arith.constant 18 : i32
    %or3A_163 = vector.broadcast %or3A_162 : i32 to vector<1024x128xi32>
    %or3A_164 = arith.ori %and3A_161, %or3A_163 : vector<1024x128xi32>
    %slice3A_165 = vector.extract_strided_slice %xor3A {offsets = [0, 2432], sizes = [1024, 128], strides = [1, 1]} : vector<1024x4096xi32> to vector<1024x128xi32>
    %and3A_166 = arith.constant -32 : i32
    %and3A_167 = vector.broadcast %and3A_166 : i32 to vector<1024x128xi32>
    %and3A_168 = arith.andi %slice3A_165, %and3A_167 : vector<1024x128xi32>
    %or3A_169 = arith.constant 19 : i32
    %or3A_170 = vector.broadcast %or3A_169 : i32 to vector<1024x128xi32>
    %or3A_171 = arith.ori %and3A_168, %or3A_170 : vector<1024x128xi32>
    %slice3A_172 = vector.extract_strided_slice %xor3A {offsets = [0, 2560], sizes = [1024, 128], strides = [1, 1]} : vector<1024x4096xi32> to vector<1024x128xi32>
    %and3A_173 = arith.constant -32 : i32
    %and3A_174 = vector.broadcast %and3A_173 : i32 to vector<1024x128xi32>
    %and3A_175 = arith.andi %slice3A_172, %and3A_174 : vector<1024x128xi32>
    %or3A_176 = arith.constant 20 : i32
    %or3A_177 = vector.broadcast %or3A_176 : i32 to vector<1024x128xi32>
    %or3A_178 = arith.ori %and3A_175, %or3A_177 : vector<1024x128xi32>
    %slice3A_179 = vector.extract_strided_slice %xor3A {offsets = [0, 2688], sizes = [1024, 128], strides = [1, 1]} : vector<1024x4096xi32> to vector<1024x128xi32>
    %and3A_180 = arith.constant -32 : i32
    %and3A_181 = vector.broadcast %and3A_180 : i32 to vector<1024x128xi32>
    %and3A_182 = arith.andi %slice3A_179, %and3A_181 : vector<1024x128xi32>
    %or3A_183 = arith.constant 21 : i32
    %or3A_184 = vector.broadcast %or3A_183 : i32 to vector<1024x128xi32>
    %or3A_185 = arith.ori %and3A_182, %or3A_184 : vector<1024x128xi32>
    %slice3A_186 = vector.extract_strided_slice %xor3A {offsets = [0, 2816], sizes = [1024, 128], strides = [1, 1]} : vector<1024x4096xi32> to vector<1024x128xi32>
    %and3A_187 = arith.constant -32 : i32
    %and3A_188 = vector.broadcast %and3A_187 : i32 to vector<1024x128xi32>
    %and3A_189 = arith.andi %slice3A_186, %and3A_188 : vector<1024x128xi32>
    %or3A_190 = arith.constant 22 : i32
    %or3A_191 = vector.broadcast %or3A_190 : i32 to vector<1024x128xi32>
    %or3A_192 = arith.ori %and3A_189, %or3A_191 : vector<1024x128xi32>
    %slice3A_193 = vector.extract_strided_slice %xor3A {offsets = [0, 2944], sizes = [1024, 128], strides = [1, 1]} : vector<1024x4096xi32> to vector<1024x128xi32>
    %and3A_194 = arith.constant -32 : i32
    %and3A_195 = vector.broadcast %and3A_194 : i32 to vector<1024x128xi32>
    %and3A_196 = arith.andi %slice3A_193, %and3A_195 : vector<1024x128xi32>
    %or3A_197 = arith.constant 23 : i32
    %or3A_198 = vector.broadcast %or3A_197 : i32 to vector<1024x128xi32>
    %or3A_199 = arith.ori %and3A_196, %or3A_198 : vector<1024x128xi32>
    %slice3A_200 = vector.extract_strided_slice %xor3A {offsets = [0, 3072], sizes = [1024, 128], strides = [1, 1]} : vector<1024x4096xi32> to vector<1024x128xi32>
    %and3A_201 = arith.constant -32 : i32
    %and3A_202 = vector.broadcast %and3A_201 : i32 to vector<1024x128xi32>
    %and3A_203 = arith.andi %slice3A_200, %and3A_202 : vector<1024x128xi32>
    %or3A_204 = arith.constant 24 : i32
    %or3A_205 = vector.broadcast %or3A_204 : i32 to vector<1024x128xi32>
    %or3A_206 = arith.ori %and3A_203, %or3A_205 : vector<1024x128xi32>
    %slice3A_207 = vector.extract_strided_slice %xor3A {offsets = [0, 3200], sizes = [1024, 128], strides = [1, 1]} : vector<1024x4096xi32> to vector<1024x128xi32>
    %and3A_208 = arith.constant -32 : i32
    %and3A_209 = vector.broadcast %and3A_208 : i32 to vector<1024x128xi32>
    %and3A_210 = arith.andi %slice3A_207, %and3A_209 : vector<1024x128xi32>
    %or3A_211 = arith.constant 25 : i32
    %or3A_212 = vector.broadcast %or3A_211 : i32 to vector<1024x128xi32>
    %or3A_213 = arith.ori %and3A_210, %or3A_212 : vector<1024x128xi32>
    %slice3A_214 = vector.extract_strided_slice %xor3A {offsets = [0, 3328], sizes = [1024, 128], strides = [1, 1]} : vector<1024x4096xi32> to vector<1024x128xi32>
    %and3A_215 = arith.constant -32 : i32
    %and3A_216 = vector.broadcast %and3A_215 : i32 to vector<1024x128xi32>
    %and3A_217 = arith.andi %slice3A_214, %and3A_216 : vector<1024x128xi32>
    %or3A_218 = arith.constant 26 : i32
    %or3A_219 = vector.broadcast %or3A_218 : i32 to vector<1024x128xi32>
    %or3A_220 = arith.ori %and3A_217, %or3A_219 : vector<1024x128xi32>
    %slice3A_221 = vector.extract_strided_slice %xor3A {offsets = [0, 3456], sizes = [1024, 128], strides = [1, 1]} : vector<1024x4096xi32> to vector<1024x128xi32>
    %and3A_222 = arith.constant -32 : i32
    %and3A_223 = vector.broadcast %and3A_222 : i32 to vector<1024x128xi32>
    %and3A_224 = arith.andi %slice3A_221, %and3A_223 : vector<1024x128xi32>
    %or3A_225 = arith.constant 27 : i32
    %or3A_226 = vector.broadcast %or3A_225 : i32 to vector<1024x128xi32>
    %or3A_227 = arith.ori %and3A_224, %or3A_226 : vector<1024x128xi32>
    %slice3A_228 = vector.extract_strided_slice %xor3A {offsets = [0, 3584], sizes = [1024, 128], strides = [1, 1]} : vector<1024x4096xi32> to vector<1024x128xi32>
    %and3A_229 = arith.constant -32 : i32
    %and3A_230 = vector.broadcast %and3A_229 : i32 to vector<1024x128xi32>
    %and3A_231 = arith.andi %slice3A_228, %and3A_230 : vector<1024x128xi32>
    %or3A_232 = arith.constant 28 : i32
    %or3A_233 = vector.broadcast %or3A_232 : i32 to vector<1024x128xi32>
    %or3A_234 = arith.ori %and3A_231, %or3A_233 : vector<1024x128xi32>
    %slice3A_235 = vector.extract_strided_slice %xor3A {offsets = [0, 3712], sizes = [1024, 128], strides = [1, 1]} : vector<1024x4096xi32> to vector<1024x128xi32>
    %and3A_236 = arith.constant -32 : i32
    %and3A_237 = vector.broadcast %and3A_236 : i32 to vector<1024x128xi32>
    %and3A_238 = arith.andi %slice3A_235, %and3A_237 : vector<1024x128xi32>
    %or3A_239 = arith.constant 29 : i32
    %or3A_240 = vector.broadcast %or3A_239 : i32 to vector<1024x128xi32>
    %or3A_241 = arith.ori %and3A_238, %or3A_240 : vector<1024x128xi32>
    %slice3A_242 = vector.extract_strided_slice %xor3A {offsets = [0, 3840], sizes = [1024, 128], strides = [1, 1]} : vector<1024x4096xi32> to vector<1024x128xi32>
    %and3A_243 = arith.constant -32 : i32
    %and3A_244 = vector.broadcast %and3A_243 : i32 to vector<1024x128xi32>
    %and3A_245 = arith.andi %slice3A_242, %and3A_244 : vector<1024x128xi32>
    %or3A_246 = arith.constant 30 : i32
    %or3A_247 = vector.broadcast %or3A_246 : i32 to vector<1024x128xi32>
    %or3A_248 = arith.ori %and3A_245, %or3A_247 : vector<1024x128xi32>
    %slice3A_249 = vector.extract_strided_slice %xor3A {offsets = [0, 3968], sizes = [1024, 128], strides = [1, 1]} : vector<1024x4096xi32> to vector<1024x128xi32>
    %and3A_250 = arith.constant -32 : i32
    %and3A_251 = vector.broadcast %and3A_250 : i32 to vector<1024x128xi32>
    %and3A_252 = arith.andi %slice3A_249, %and3A_251 : vector<1024x128xi32>
    %or3A_253 = arith.constant 31 : i32
    %or3A_254 = vector.broadcast %or3A_253 : i32 to vector<1024x128xi32>
    %or3A_255 = arith.ori %and3A_252, %or3A_254 : vector<1024x128xi32>
    %min3A = arith.minsi %or3A_38, %or3A_45 : vector<1024x128xi32>
    %max3A = arith.maxsi %or3A_38, %or3A_45 : vector<1024x128xi32>
    %min3A_256 = arith.minsi %or3A_52, %or3A_59 : vector<1024x128xi32>
    %max3A_257 = arith.maxsi %or3A_52, %or3A_59 : vector<1024x128xi32>
    %min3A_258 = arith.minsi %or3A_66, %or3A_73 : vector<1024x128xi32>
    %max3A_259 = arith.maxsi %or3A_66, %or3A_73 : vector<1024x128xi32>
    %min3A_260 = arith.minsi %or3A_80, %or3A_87 : vector<1024x128xi32>
    %max3A_261 = arith.maxsi %or3A_80, %or3A_87 : vector<1024x128xi32>
    %min3A_262 = arith.minsi %or3A_94, %or3A_101 : vector<1024x128xi32>
    %max3A_263 = arith.maxsi %or3A_94, %or3A_101 : vector<1024x128xi32>
    %min3A_264 = arith.minsi %or3A_108, %or3A_115 : vector<1024x128xi32>
    %max3A_265 = arith.maxsi %or3A_108, %or3A_115 : vector<1024x128xi32>
    %min3A_266 = arith.minsi %or3A_122, %or3A_129 : vector<1024x128xi32>
    %max3A_267 = arith.maxsi %or3A_122, %or3A_129 : vector<1024x128xi32>
    %min3A_268 = arith.minsi %or3A_136, %or3A_143 : vector<1024x128xi32>
    %max3A_269 = arith.maxsi %or3A_136, %or3A_143 : vector<1024x128xi32>
    %min3A_270 = arith.minsi %min3A, %max3A_257 : vector<1024x128xi32>
    %max3A_271 = arith.maxsi %min3A, %max3A_257 : vector<1024x128xi32>
    %min3A_272 = arith.minsi %max3A, %min3A_256 : vector<1024x128xi32>
    %max3A_273 = arith.maxsi %max3A, %min3A_256 : vector<1024x128xi32>
    %min3A_274 = arith.minsi %min3A_258, %max3A_261 : vector<1024x128xi32>
    %max3A_275 = arith.maxsi %min3A_258, %max3A_261 : vector<1024x128xi32>
    %min3A_276 = arith.minsi %max3A_259, %min3A_260 : vector<1024x128xi32>
    %max3A_277 = arith.maxsi %max3A_259, %min3A_260 : vector<1024x128xi32>
    %min3A_278 = arith.minsi %min3A_262, %max3A_265 : vector<1024x128xi32>
    %max3A_279 = arith.maxsi %min3A_262, %max3A_265 : vector<1024x128xi32>
    %min3A_280 = arith.minsi %max3A_263, %min3A_264 : vector<1024x128xi32>
    %max3A_281 = arith.maxsi %max3A_263, %min3A_264 : vector<1024x128xi32>
    %min3A_282 = arith.minsi %min3A_266, %max3A_269 : vector<1024x128xi32>
    %max3A_283 = arith.maxsi %min3A_266, %max3A_269 : vector<1024x128xi32>
    %min3A_284 = arith.minsi %max3A_267, %min3A_268 : vector<1024x128xi32>
    %max3A_285 = arith.maxsi %max3A_267, %min3A_268 : vector<1024x128xi32>
    %min3A_286 = arith.minsi %min3A_270, %min3A_272 : vector<1024x128xi32>
    %max3A_287 = arith.maxsi %min3A_270, %min3A_272 : vector<1024x128xi32>
    %min3A_288 = arith.minsi %max3A_271, %max3A_273 : vector<1024x128xi32>
    %max3A_289 = arith.maxsi %max3A_271, %max3A_273 : vector<1024x128xi32>
    %min3A_290 = arith.minsi %max3A_275, %max3A_277 : vector<1024x128xi32>
    %max3A_291 = arith.maxsi %max3A_275, %max3A_277 : vector<1024x128xi32>
    %min3A_292 = arith.minsi %min3A_274, %min3A_276 : vector<1024x128xi32>
    %max3A_293 = arith.maxsi %min3A_274, %min3A_276 : vector<1024x128xi32>
    %min3A_294 = arith.minsi %min3A_278, %min3A_280 : vector<1024x128xi32>
    %max3A_295 = arith.maxsi %min3A_278, %min3A_280 : vector<1024x128xi32>
    %min3A_296 = arith.minsi %max3A_279, %max3A_281 : vector<1024x128xi32>
    %max3A_297 = arith.maxsi %max3A_279, %max3A_281 : vector<1024x128xi32>
    %min3A_298 = arith.minsi %max3A_283, %max3A_285 : vector<1024x128xi32>
    %max3A_299 = arith.maxsi %max3A_283, %max3A_285 : vector<1024x128xi32>
    %min3A_300 = arith.minsi %min3A_282, %min3A_284 : vector<1024x128xi32>
    %max3A_301 = arith.maxsi %min3A_282, %min3A_284 : vector<1024x128xi32>
    %min3A_302 = arith.minsi %min3A_286, %max3A_291 : vector<1024x128xi32>
    %max3A_303 = arith.maxsi %min3A_286, %max3A_291 : vector<1024x128xi32>
    %min3A_304 = arith.minsi %max3A_287, %min3A_290 : vector<1024x128xi32>
    %max3A_305 = arith.maxsi %max3A_287, %min3A_290 : vector<1024x128xi32>
    %min3A_306 = arith.minsi %min3A_288, %max3A_293 : vector<1024x128xi32>
    %max3A_307 = arith.maxsi %min3A_288, %max3A_293 : vector<1024x128xi32>
    %min3A_308 = arith.minsi %max3A_289, %min3A_292 : vector<1024x128xi32>
    %max3A_309 = arith.maxsi %max3A_289, %min3A_292 : vector<1024x128xi32>
    %min3A_310 = arith.minsi %min3A_294, %max3A_299 : vector<1024x128xi32>
    %max3A_311 = arith.maxsi %min3A_294, %max3A_299 : vector<1024x128xi32>
    %min3A_312 = arith.minsi %max3A_295, %min3A_298 : vector<1024x128xi32>
    %max3A_313 = arith.maxsi %max3A_295, %min3A_298 : vector<1024x128xi32>
    %min3A_314 = arith.minsi %min3A_296, %max3A_301 : vector<1024x128xi32>
    %max3A_315 = arith.maxsi %min3A_296, %max3A_301 : vector<1024x128xi32>
    %min3A_316 = arith.minsi %max3A_297, %min3A_300 : vector<1024x128xi32>
    %max3A_317 = arith.maxsi %max3A_297, %min3A_300 : vector<1024x128xi32>
    %min3A_318 = arith.minsi %min3A_302, %min3A_306 : vector<1024x128xi32>
    %max3A_319 = arith.maxsi %min3A_302, %min3A_306 : vector<1024x128xi32>
    %min3A_320 = arith.minsi %min3A_304, %min3A_308 : vector<1024x128xi32>
    %max3A_321 = arith.maxsi %min3A_304, %min3A_308 : vector<1024x128xi32>
    %min3A_322 = arith.minsi %max3A_303, %max3A_307 : vector<1024x128xi32>
    %max3A_323 = arith.maxsi %max3A_303, %max3A_307 : vector<1024x128xi32>
    %min3A_324 = arith.minsi %max3A_305, %max3A_309 : vector<1024x128xi32>
    %max3A_325 = arith.maxsi %max3A_305, %max3A_309 : vector<1024x128xi32>
    %min3A_326 = arith.minsi %max3A_311, %max3A_315 : vector<1024x128xi32>
    %max3A_327 = arith.maxsi %max3A_311, %max3A_315 : vector<1024x128xi32>
    %min3A_328 = arith.minsi %max3A_313, %max3A_317 : vector<1024x128xi32>
    %max3A_329 = arith.maxsi %max3A_313, %max3A_317 : vector<1024x128xi32>
    %min3A_330 = arith.minsi %min3A_310, %min3A_314 : vector<1024x128xi32>
    %max3A_331 = arith.maxsi %min3A_310, %min3A_314 : vector<1024x128xi32>
    %min3A_332 = arith.minsi %min3A_312, %min3A_316 : vector<1024x128xi32>
    %max3A_333 = arith.maxsi %min3A_312, %min3A_316 : vector<1024x128xi32>
    %min3A_334 = arith.minsi %min3A_318, %min3A_320 : vector<1024x128xi32>
    %max3A_335 = arith.maxsi %min3A_318, %min3A_320 : vector<1024x128xi32>
    %min3A_336 = arith.minsi %max3A_319, %max3A_321 : vector<1024x128xi32>
    %max3A_337 = arith.maxsi %max3A_319, %max3A_321 : vector<1024x128xi32>
    %min3A_338 = arith.minsi %min3A_322, %min3A_324 : vector<1024x128xi32>
    %max3A_339 = arith.maxsi %min3A_322, %min3A_324 : vector<1024x128xi32>
    %min3A_340 = arith.minsi %max3A_323, %max3A_325 : vector<1024x128xi32>
    %max3A_341 = arith.maxsi %max3A_323, %max3A_325 : vector<1024x128xi32>
    %min3A_342 = arith.minsi %max3A_327, %max3A_329 : vector<1024x128xi32>
    %max3A_343 = arith.maxsi %max3A_327, %max3A_329 : vector<1024x128xi32>
    %min3A_344 = arith.minsi %min3A_326, %min3A_328 : vector<1024x128xi32>
    %max3A_345 = arith.maxsi %min3A_326, %min3A_328 : vector<1024x128xi32>
    %min3A_346 = arith.minsi %max3A_331, %max3A_333 : vector<1024x128xi32>
    %max3A_347 = arith.maxsi %max3A_331, %max3A_333 : vector<1024x128xi32>
    %min3A_348 = arith.minsi %min3A_330, %min3A_332 : vector<1024x128xi32>
    %max3A_349 = arith.maxsi %min3A_330, %min3A_332 : vector<1024x128xi32>
    %min3A_350 = arith.minsi %min3A_334, %max3A_343 : vector<1024x128xi32>
    %max3A_351 = arith.maxsi %min3A_334, %max3A_343 : vector<1024x128xi32>
    %min3A_352 = arith.minsi %max3A_335, %min3A_342 : vector<1024x128xi32>
    %max3A_353 = arith.maxsi %max3A_335, %min3A_342 : vector<1024x128xi32>
    %min3A_354 = arith.minsi %min3A_336, %max3A_345 : vector<1024x128xi32>
    %max3A_355 = arith.maxsi %min3A_336, %max3A_345 : vector<1024x128xi32>
    %min3A_356 = arith.minsi %max3A_337, %min3A_344 : vector<1024x128xi32>
    %max3A_357 = arith.maxsi %max3A_337, %min3A_344 : vector<1024x128xi32>
    %min3A_358 = arith.minsi %min3A_338, %max3A_347 : vector<1024x128xi32>
    %max3A_359 = arith.maxsi %min3A_338, %max3A_347 : vector<1024x128xi32>
    %min3A_360 = arith.minsi %max3A_339, %min3A_346 : vector<1024x128xi32>
    %max3A_361 = arith.maxsi %max3A_339, %min3A_346 : vector<1024x128xi32>
    %min3A_362 = arith.minsi %min3A_340, %max3A_349 : vector<1024x128xi32>
    %max3A_363 = arith.maxsi %min3A_340, %max3A_349 : vector<1024x128xi32>
    %min3A_364 = arith.minsi %max3A_341, %min3A_348 : vector<1024x128xi32>
    %max3A_365 = arith.maxsi %max3A_341, %min3A_348 : vector<1024x128xi32>
    %min3A_366 = arith.minsi %min3A_350, %min3A_358 : vector<1024x128xi32>
    %max3A_367 = arith.maxsi %min3A_350, %min3A_358 : vector<1024x128xi32>
    %min3A_368 = arith.minsi %min3A_352, %min3A_360 : vector<1024x128xi32>
    %max3A_369 = arith.maxsi %min3A_352, %min3A_360 : vector<1024x128xi32>
    %min3A_370 = arith.minsi %min3A_354, %min3A_362 : vector<1024x128xi32>
    %max3A_371 = arith.maxsi %min3A_354, %min3A_362 : vector<1024x128xi32>
    %min3A_372 = arith.minsi %min3A_356, %min3A_364 : vector<1024x128xi32>
    %max3A_373 = arith.maxsi %min3A_356, %min3A_364 : vector<1024x128xi32>
    %min3A_374 = arith.minsi %max3A_351, %max3A_359 : vector<1024x128xi32>
    %max3A_375 = arith.maxsi %max3A_351, %max3A_359 : vector<1024x128xi32>
    %min3A_376 = arith.minsi %max3A_353, %max3A_361 : vector<1024x128xi32>
    %max3A_377 = arith.maxsi %max3A_353, %max3A_361 : vector<1024x128xi32>
    %min3A_378 = arith.minsi %max3A_355, %max3A_363 : vector<1024x128xi32>
    %max3A_379 = arith.maxsi %max3A_355, %max3A_363 : vector<1024x128xi32>
    %min3A_380 = arith.minsi %max3A_357, %max3A_365 : vector<1024x128xi32>
    %max3A_381 = arith.maxsi %max3A_357, %max3A_365 : vector<1024x128xi32>
    %min3A_382 = arith.minsi %min3A_366, %min3A_370 : vector<1024x128xi32>
    %max3A_383 = arith.maxsi %min3A_366, %min3A_370 : vector<1024x128xi32>
    %min3A_384 = arith.minsi %min3A_368, %min3A_372 : vector<1024x128xi32>
    %max3A_385 = arith.maxsi %min3A_368, %min3A_372 : vector<1024x128xi32>
    %min3A_386 = arith.minsi %max3A_367, %max3A_371 : vector<1024x128xi32>
    %max3A_387 = arith.maxsi %max3A_367, %max3A_371 : vector<1024x128xi32>
    %min3A_388 = arith.minsi %max3A_369, %max3A_373 : vector<1024x128xi32>
    %max3A_389 = arith.maxsi %max3A_369, %max3A_373 : vector<1024x128xi32>
    %min3A_390 = arith.minsi %min3A_374, %min3A_378 : vector<1024x128xi32>
    %max3A_391 = arith.maxsi %min3A_374, %min3A_378 : vector<1024x128xi32>
    %min3A_392 = arith.minsi %min3A_376, %min3A_380 : vector<1024x128xi32>
    %max3A_393 = arith.maxsi %min3A_376, %min3A_380 : vector<1024x128xi32>
    %min3A_394 = arith.minsi %max3A_375, %max3A_379 : vector<1024x128xi32>
    %max3A_395 = arith.maxsi %max3A_375, %max3A_379 : vector<1024x128xi32>
    %min3A_396 = arith.minsi %max3A_377, %max3A_381 : vector<1024x128xi32>
    %max3A_397 = arith.maxsi %max3A_377, %max3A_381 : vector<1024x128xi32>
    %min3A_398 = arith.minsi %min3A_382, %min3A_384 : vector<1024x128xi32>
    %max3A_399 = arith.maxsi %min3A_382, %min3A_384 : vector<1024x128xi32>
    %min3A_400 = arith.minsi %max3A_383, %max3A_385 : vector<1024x128xi32>
    %max3A_401 = arith.maxsi %max3A_383, %max3A_385 : vector<1024x128xi32>
    %min3A_402 = arith.minsi %min3A_386, %min3A_388 : vector<1024x128xi32>
    %max3A_403 = arith.maxsi %min3A_386, %min3A_388 : vector<1024x128xi32>
    %min3A_404 = arith.minsi %max3A_387, %max3A_389 : vector<1024x128xi32>
    %max3A_405 = arith.maxsi %max3A_387, %max3A_389 : vector<1024x128xi32>
    %min3A_406 = arith.minsi %min3A_390, %min3A_392 : vector<1024x128xi32>
    %max3A_407 = arith.maxsi %min3A_390, %min3A_392 : vector<1024x128xi32>
    %min3A_408 = arith.minsi %max3A_391, %max3A_393 : vector<1024x128xi32>
    %max3A_409 = arith.maxsi %max3A_391, %max3A_393 : vector<1024x128xi32>
    %min3A_410 = arith.minsi %min3A_394, %min3A_396 : vector<1024x128xi32>
    %max3A_411 = arith.maxsi %min3A_394, %min3A_396 : vector<1024x128xi32>
    %min3A_412 = arith.minsi %max3A_395, %max3A_397 : vector<1024x128xi32>
    %max3A_413 = arith.maxsi %max3A_395, %max3A_397 : vector<1024x128xi32>
    %min3A_414 = arith.minsi %or3A_150, %or3A_157 : vector<1024x128xi32>
    %max3A_415 = arith.maxsi %or3A_150, %or3A_157 : vector<1024x128xi32>
    %min3A_416 = arith.minsi %or3A_164, %or3A_171 : vector<1024x128xi32>
    %max3A_417 = arith.maxsi %or3A_164, %or3A_171 : vector<1024x128xi32>
    %min3A_418 = arith.minsi %or3A_178, %or3A_185 : vector<1024x128xi32>
    %max3A_419 = arith.maxsi %or3A_178, %or3A_185 : vector<1024x128xi32>
    %min3A_420 = arith.minsi %or3A_192, %or3A_199 : vector<1024x128xi32>
    %max3A_421 = arith.maxsi %or3A_192, %or3A_199 : vector<1024x128xi32>
    %min3A_422 = arith.minsi %or3A_206, %or3A_213 : vector<1024x128xi32>
    %max3A_423 = arith.maxsi %or3A_206, %or3A_213 : vector<1024x128xi32>
    %min3A_424 = arith.minsi %or3A_220, %or3A_227 : vector<1024x128xi32>
    %max3A_425 = arith.maxsi %or3A_220, %or3A_227 : vector<1024x128xi32>
    %min3A_426 = arith.minsi %or3A_234, %or3A_241 : vector<1024x128xi32>
    %max3A_427 = arith.maxsi %or3A_234, %or3A_241 : vector<1024x128xi32>
    %min3A_428 = arith.minsi %or3A_248, %or3A_255 : vector<1024x128xi32>
    %max3A_429 = arith.maxsi %or3A_248, %or3A_255 : vector<1024x128xi32>
    %min3A_430 = arith.minsi %min3A_414, %max3A_417 : vector<1024x128xi32>
    %max3A_431 = arith.maxsi %min3A_414, %max3A_417 : vector<1024x128xi32>
    %min3A_432 = arith.minsi %max3A_415, %min3A_416 : vector<1024x128xi32>
    %max3A_433 = arith.maxsi %max3A_415, %min3A_416 : vector<1024x128xi32>
    %min3A_434 = arith.minsi %min3A_418, %max3A_421 : vector<1024x128xi32>
    %max3A_435 = arith.maxsi %min3A_418, %max3A_421 : vector<1024x128xi32>
    %min3A_436 = arith.minsi %max3A_419, %min3A_420 : vector<1024x128xi32>
    %max3A_437 = arith.maxsi %max3A_419, %min3A_420 : vector<1024x128xi32>
    %min3A_438 = arith.minsi %min3A_422, %max3A_425 : vector<1024x128xi32>
    %max3A_439 = arith.maxsi %min3A_422, %max3A_425 : vector<1024x128xi32>
    %min3A_440 = arith.minsi %max3A_423, %min3A_424 : vector<1024x128xi32>
    %max3A_441 = arith.maxsi %max3A_423, %min3A_424 : vector<1024x128xi32>
    %min3A_442 = arith.minsi %min3A_426, %max3A_429 : vector<1024x128xi32>
    %max3A_443 = arith.maxsi %min3A_426, %max3A_429 : vector<1024x128xi32>
    %min3A_444 = arith.minsi %max3A_427, %min3A_428 : vector<1024x128xi32>
    %max3A_445 = arith.maxsi %max3A_427, %min3A_428 : vector<1024x128xi32>
    %min3A_446 = arith.minsi %min3A_430, %min3A_432 : vector<1024x128xi32>
    %max3A_447 = arith.maxsi %min3A_430, %min3A_432 : vector<1024x128xi32>
    %min3A_448 = arith.minsi %max3A_431, %max3A_433 : vector<1024x128xi32>
    %max3A_449 = arith.maxsi %max3A_431, %max3A_433 : vector<1024x128xi32>
    %min3A_450 = arith.minsi %max3A_435, %max3A_437 : vector<1024x128xi32>
    %max3A_451 = arith.maxsi %max3A_435, %max3A_437 : vector<1024x128xi32>
    %min3A_452 = arith.minsi %min3A_434, %min3A_436 : vector<1024x128xi32>
    %max3A_453 = arith.maxsi %min3A_434, %min3A_436 : vector<1024x128xi32>
    %min3A_454 = arith.minsi %min3A_438, %min3A_440 : vector<1024x128xi32>
    %max3A_455 = arith.maxsi %min3A_438, %min3A_440 : vector<1024x128xi32>
    %min3A_456 = arith.minsi %max3A_439, %max3A_441 : vector<1024x128xi32>
    %max3A_457 = arith.maxsi %max3A_439, %max3A_441 : vector<1024x128xi32>
    %min3A_458 = arith.minsi %max3A_443, %max3A_445 : vector<1024x128xi32>
    %max3A_459 = arith.maxsi %max3A_443, %max3A_445 : vector<1024x128xi32>
    %min3A_460 = arith.minsi %min3A_442, %min3A_444 : vector<1024x128xi32>
    %max3A_461 = arith.maxsi %min3A_442, %min3A_444 : vector<1024x128xi32>
    %min3A_462 = arith.minsi %min3A_446, %max3A_451 : vector<1024x128xi32>
    %max3A_463 = arith.maxsi %min3A_446, %max3A_451 : vector<1024x128xi32>
    %min3A_464 = arith.minsi %max3A_447, %min3A_450 : vector<1024x128xi32>
    %max3A_465 = arith.maxsi %max3A_447, %min3A_450 : vector<1024x128xi32>
    %min3A_466 = arith.minsi %min3A_448, %max3A_453 : vector<1024x128xi32>
    %max3A_467 = arith.maxsi %min3A_448, %max3A_453 : vector<1024x128xi32>
    %min3A_468 = arith.minsi %max3A_449, %min3A_452 : vector<1024x128xi32>
    %max3A_469 = arith.maxsi %max3A_449, %min3A_452 : vector<1024x128xi32>
    %min3A_470 = arith.minsi %min3A_454, %max3A_459 : vector<1024x128xi32>
    %max3A_471 = arith.maxsi %min3A_454, %max3A_459 : vector<1024x128xi32>
    %min3A_472 = arith.minsi %max3A_455, %min3A_458 : vector<1024x128xi32>
    %max3A_473 = arith.maxsi %max3A_455, %min3A_458 : vector<1024x128xi32>
    %min3A_474 = arith.minsi %min3A_456, %max3A_461 : vector<1024x128xi32>
    %max3A_475 = arith.maxsi %min3A_456, %max3A_461 : vector<1024x128xi32>
    %min3A_476 = arith.minsi %max3A_457, %min3A_460 : vector<1024x128xi32>
    %max3A_477 = arith.maxsi %max3A_457, %min3A_460 : vector<1024x128xi32>
    %min3A_478 = arith.minsi %min3A_462, %min3A_466 : vector<1024x128xi32>
    %max3A_479 = arith.maxsi %min3A_462, %min3A_466 : vector<1024x128xi32>
    %min3A_480 = arith.minsi %min3A_464, %min3A_468 : vector<1024x128xi32>
    %max3A_481 = arith.maxsi %min3A_464, %min3A_468 : vector<1024x128xi32>
    %min3A_482 = arith.minsi %max3A_463, %max3A_467 : vector<1024x128xi32>
    %max3A_483 = arith.maxsi %max3A_463, %max3A_467 : vector<1024x128xi32>
    %min3A_484 = arith.minsi %max3A_465, %max3A_469 : vector<1024x128xi32>
    %max3A_485 = arith.maxsi %max3A_465, %max3A_469 : vector<1024x128xi32>
    %min3A_486 = arith.minsi %max3A_471, %max3A_475 : vector<1024x128xi32>
    %max3A_487 = arith.maxsi %max3A_471, %max3A_475 : vector<1024x128xi32>
    %min3A_488 = arith.minsi %max3A_473, %max3A_477 : vector<1024x128xi32>
    %max3A_489 = arith.maxsi %max3A_473, %max3A_477 : vector<1024x128xi32>
    %min3A_490 = arith.minsi %min3A_470, %min3A_474 : vector<1024x128xi32>
    %max3A_491 = arith.maxsi %min3A_470, %min3A_474 : vector<1024x128xi32>
    %min3A_492 = arith.minsi %min3A_472, %min3A_476 : vector<1024x128xi32>
    %max3A_493 = arith.maxsi %min3A_472, %min3A_476 : vector<1024x128xi32>
    %min3A_494 = arith.minsi %min3A_478, %min3A_480 : vector<1024x128xi32>
    %max3A_495 = arith.maxsi %min3A_478, %min3A_480 : vector<1024x128xi32>
    %min3A_496 = arith.minsi %max3A_479, %max3A_481 : vector<1024x128xi32>
    %max3A_497 = arith.maxsi %max3A_479, %max3A_481 : vector<1024x128xi32>
    %min3A_498 = arith.minsi %min3A_482, %min3A_484 : vector<1024x128xi32>
    %max3A_499 = arith.maxsi %min3A_482, %min3A_484 : vector<1024x128xi32>
    %min3A_500 = arith.minsi %max3A_483, %max3A_485 : vector<1024x128xi32>
    %max3A_501 = arith.maxsi %max3A_483, %max3A_485 : vector<1024x128xi32>
    %min3A_502 = arith.minsi %max3A_487, %max3A_489 : vector<1024x128xi32>
    %max3A_503 = arith.maxsi %max3A_487, %max3A_489 : vector<1024x128xi32>
    %min3A_504 = arith.minsi %min3A_486, %min3A_488 : vector<1024x128xi32>
    %max3A_505 = arith.maxsi %min3A_486, %min3A_488 : vector<1024x128xi32>
    %min3A_506 = arith.minsi %max3A_491, %max3A_493 : vector<1024x128xi32>
    %max3A_507 = arith.maxsi %max3A_491, %max3A_493 : vector<1024x128xi32>
    %min3A_508 = arith.minsi %min3A_490, %min3A_492 : vector<1024x128xi32>
    %max3A_509 = arith.maxsi %min3A_490, %min3A_492 : vector<1024x128xi32>
    %min3A_510 = arith.minsi %min3A_494, %max3A_503 : vector<1024x128xi32>
    %max3A_511 = arith.maxsi %min3A_494, %max3A_503 : vector<1024x128xi32>
    %min3A_512 = arith.minsi %max3A_495, %min3A_502 : vector<1024x128xi32>
    %max3A_513 = arith.maxsi %max3A_495, %min3A_502 : vector<1024x128xi32>
    %min3A_514 = arith.minsi %min3A_496, %max3A_505 : vector<1024x128xi32>
    %max3A_515 = arith.maxsi %min3A_496, %max3A_505 : vector<1024x128xi32>
    %min3A_516 = arith.minsi %max3A_497, %min3A_504 : vector<1024x128xi32>
    %max3A_517 = arith.maxsi %max3A_497, %min3A_504 : vector<1024x128xi32>
    %min3A_518 = arith.minsi %min3A_498, %max3A_507 : vector<1024x128xi32>
    %max3A_519 = arith.maxsi %min3A_498, %max3A_507 : vector<1024x128xi32>
    %min3A_520 = arith.minsi %max3A_499, %min3A_506 : vector<1024x128xi32>
    %max3A_521 = arith.maxsi %max3A_499, %min3A_506 : vector<1024x128xi32>
    %min3A_522 = arith.minsi %min3A_500, %max3A_509 : vector<1024x128xi32>
    %max3A_523 = arith.maxsi %min3A_500, %max3A_509 : vector<1024x128xi32>
    %min3A_524 = arith.minsi %max3A_501, %min3A_508 : vector<1024x128xi32>
    %max3A_525 = arith.maxsi %max3A_501, %min3A_508 : vector<1024x128xi32>
    %min3A_526 = arith.minsi %min3A_510, %min3A_518 : vector<1024x128xi32>
    %max3A_527 = arith.maxsi %min3A_510, %min3A_518 : vector<1024x128xi32>
    %min3A_528 = arith.minsi %min3A_512, %min3A_520 : vector<1024x128xi32>
    %max3A_529 = arith.maxsi %min3A_512, %min3A_520 : vector<1024x128xi32>
    %min3A_530 = arith.minsi %min3A_514, %min3A_522 : vector<1024x128xi32>
    %max3A_531 = arith.maxsi %min3A_514, %min3A_522 : vector<1024x128xi32>
    %min3A_532 = arith.minsi %min3A_516, %min3A_524 : vector<1024x128xi32>
    %max3A_533 = arith.maxsi %min3A_516, %min3A_524 : vector<1024x128xi32>
    %min3A_534 = arith.minsi %max3A_511, %max3A_519 : vector<1024x128xi32>
    %max3A_535 = arith.maxsi %max3A_511, %max3A_519 : vector<1024x128xi32>
    %min3A_536 = arith.minsi %max3A_513, %max3A_521 : vector<1024x128xi32>
    %max3A_537 = arith.maxsi %max3A_513, %max3A_521 : vector<1024x128xi32>
    %min3A_538 = arith.minsi %max3A_515, %max3A_523 : vector<1024x128xi32>
    %max3A_539 = arith.maxsi %max3A_515, %max3A_523 : vector<1024x128xi32>
    %min3A_540 = arith.minsi %max3A_517, %max3A_525 : vector<1024x128xi32>
    %max3A_541 = arith.maxsi %max3A_517, %max3A_525 : vector<1024x128xi32>
    %min3A_542 = arith.minsi %min3A_526, %min3A_530 : vector<1024x128xi32>
    %max3A_543 = arith.maxsi %min3A_526, %min3A_530 : vector<1024x128xi32>
    %min3A_544 = arith.minsi %min3A_528, %min3A_532 : vector<1024x128xi32>
    %max3A_545 = arith.maxsi %min3A_528, %min3A_532 : vector<1024x128xi32>
    %min3A_546 = arith.minsi %max3A_527, %max3A_531 : vector<1024x128xi32>
    %max3A_547 = arith.maxsi %max3A_527, %max3A_531 : vector<1024x128xi32>
    %min3A_548 = arith.minsi %max3A_529, %max3A_533 : vector<1024x128xi32>
    %max3A_549 = arith.maxsi %max3A_529, %max3A_533 : vector<1024x128xi32>
    %min3A_550 = arith.minsi %min3A_534, %min3A_538 : vector<1024x128xi32>
    %max3A_551 = arith.maxsi %min3A_534, %min3A_538 : vector<1024x128xi32>
    %min3A_552 = arith.minsi %min3A_536, %min3A_540 : vector<1024x128xi32>
    %max3A_553 = arith.maxsi %min3A_536, %min3A_540 : vector<1024x128xi32>
    %min3A_554 = arith.minsi %max3A_535, %max3A_539 : vector<1024x128xi32>
    %max3A_555 = arith.maxsi %max3A_535, %max3A_539 : vector<1024x128xi32>
    %min3A_556 = arith.minsi %max3A_537, %max3A_541 : vector<1024x128xi32>
    %max3A_557 = arith.maxsi %max3A_537, %max3A_541 : vector<1024x128xi32>
    %min3A_558 = arith.minsi %min3A_542, %min3A_544 : vector<1024x128xi32>
    %max3A_559 = arith.maxsi %min3A_542, %min3A_544 : vector<1024x128xi32>
    %min3A_560 = arith.minsi %max3A_543, %max3A_545 : vector<1024x128xi32>
    %max3A_561 = arith.maxsi %max3A_543, %max3A_545 : vector<1024x128xi32>
    %min3A_562 = arith.minsi %min3A_546, %min3A_548 : vector<1024x128xi32>
    %max3A_563 = arith.maxsi %min3A_546, %min3A_548 : vector<1024x128xi32>
    %min3A_564 = arith.minsi %max3A_547, %max3A_549 : vector<1024x128xi32>
    %max3A_565 = arith.maxsi %max3A_547, %max3A_549 : vector<1024x128xi32>
    %min3A_566 = arith.minsi %min3A_550, %min3A_552 : vector<1024x128xi32>
    %max3A_567 = arith.maxsi %min3A_550, %min3A_552 : vector<1024x128xi32>
    %min3A_568 = arith.minsi %max3A_551, %max3A_553 : vector<1024x128xi32>
    %max3A_569 = arith.maxsi %max3A_551, %max3A_553 : vector<1024x128xi32>
    %min3A_570 = arith.minsi %min3A_554, %min3A_556 : vector<1024x128xi32>
    %max3A_571 = arith.maxsi %min3A_554, %min3A_556 : vector<1024x128xi32>
    %min3A_572 = arith.minsi %max3A_555, %max3A_557 : vector<1024x128xi32>
    %max3A_573 = arith.maxsi %max3A_555, %max3A_557 : vector<1024x128xi32>
    %min3A_574 = arith.minsi %min3A_398, %max3A_573 : vector<1024x128xi32>
    %min3A_575 = arith.minsi %max3A_399, %min3A_572 : vector<1024x128xi32>
    %min3A_576 = arith.minsi %min3A_400, %max3A_571 : vector<1024x128xi32>
    %min3A_577 = arith.minsi %max3A_401, %min3A_570 : vector<1024x128xi32>
    %min3A_578 = arith.minsi %min3A_402, %max3A_569 : vector<1024x128xi32>
    %min3A_579 = arith.minsi %max3A_403, %min3A_568 : vector<1024x128xi32>
    %min3A_580 = arith.minsi %min3A_404, %max3A_567 : vector<1024x128xi32>
    %min3A_581 = arith.minsi %max3A_405, %min3A_566 : vector<1024x128xi32>
    %min3A_582 = arith.minsi %min3A_406, %max3A_565 : vector<1024x128xi32>
    %min3A_583 = arith.minsi %max3A_407, %min3A_564 : vector<1024x128xi32>
    %min3A_584 = arith.minsi %min3A_408, %max3A_563 : vector<1024x128xi32>
    %min3A_585 = arith.minsi %max3A_409, %min3A_562 : vector<1024x128xi32>
    %min3A_586 = arith.minsi %min3A_410, %max3A_561 : vector<1024x128xi32>
    %min3A_587 = arith.minsi %max3A_411, %min3A_560 : vector<1024x128xi32>
    %min3A_588 = arith.minsi %min3A_412, %max3A_559 : vector<1024x128xi32>
    %min3A_589 = arith.minsi %max3A_413, %min3A_558 : vector<1024x128xi32>
    %min3A_590 = arith.minsi %min3A_574, %min3A_582 : vector<1024x128xi32>
    %max3A_591 = arith.maxsi %min3A_574, %min3A_582 : vector<1024x128xi32>
    %min3A_592 = arith.minsi %min3A_575, %min3A_583 : vector<1024x128xi32>
    %max3A_593 = arith.maxsi %min3A_575, %min3A_583 : vector<1024x128xi32>
    %min3A_594 = arith.minsi %min3A_576, %min3A_584 : vector<1024x128xi32>
    %max3A_595 = arith.maxsi %min3A_576, %min3A_584 : vector<1024x128xi32>
    %min3A_596 = arith.minsi %min3A_577, %min3A_585 : vector<1024x128xi32>
    %max3A_597 = arith.maxsi %min3A_577, %min3A_585 : vector<1024x128xi32>
    %min3A_598 = arith.minsi %min3A_578, %min3A_586 : vector<1024x128xi32>
    %max3A_599 = arith.maxsi %min3A_578, %min3A_586 : vector<1024x128xi32>
    %min3A_600 = arith.minsi %min3A_579, %min3A_587 : vector<1024x128xi32>
    %max3A_601 = arith.maxsi %min3A_579, %min3A_587 : vector<1024x128xi32>
    %min3A_602 = arith.minsi %min3A_580, %min3A_588 : vector<1024x128xi32>
    %max3A_603 = arith.maxsi %min3A_580, %min3A_588 : vector<1024x128xi32>
    %min3A_604 = arith.minsi %min3A_581, %min3A_589 : vector<1024x128xi32>
    %max3A_605 = arith.maxsi %min3A_581, %min3A_589 : vector<1024x128xi32>
    %min3A_606 = arith.minsi %min3A_590, %min3A_598 : vector<1024x128xi32>
    %max3A_607 = arith.maxsi %min3A_590, %min3A_598 : vector<1024x128xi32>
    %min3A_608 = arith.minsi %min3A_592, %min3A_600 : vector<1024x128xi32>
    %max3A_609 = arith.maxsi %min3A_592, %min3A_600 : vector<1024x128xi32>
    %min3A_610 = arith.minsi %min3A_594, %min3A_602 : vector<1024x128xi32>
    %max3A_611 = arith.maxsi %min3A_594, %min3A_602 : vector<1024x128xi32>
    %min3A_612 = arith.minsi %min3A_596, %min3A_604 : vector<1024x128xi32>
    %max3A_613 = arith.maxsi %min3A_596, %min3A_604 : vector<1024x128xi32>
    %min3A_614 = arith.minsi %max3A_591, %max3A_599 : vector<1024x128xi32>
    %max3A_615 = arith.maxsi %max3A_591, %max3A_599 : vector<1024x128xi32>
    %min3A_616 = arith.minsi %max3A_593, %max3A_601 : vector<1024x128xi32>
    %max3A_617 = arith.maxsi %max3A_593, %max3A_601 : vector<1024x128xi32>
    %min3A_618 = arith.minsi %max3A_595, %max3A_603 : vector<1024x128xi32>
    %max3A_619 = arith.maxsi %max3A_595, %max3A_603 : vector<1024x128xi32>
    %min3A_620 = arith.minsi %max3A_597, %max3A_605 : vector<1024x128xi32>
    %max3A_621 = arith.maxsi %max3A_597, %max3A_605 : vector<1024x128xi32>
    %min3A_622 = arith.minsi %min3A_606, %min3A_610 : vector<1024x128xi32>
    %max3A_623 = arith.maxsi %min3A_606, %min3A_610 : vector<1024x128xi32>
    %min3A_624 = arith.minsi %min3A_608, %min3A_612 : vector<1024x128xi32>
    %max3A_625 = arith.maxsi %min3A_608, %min3A_612 : vector<1024x128xi32>
    %min3A_626 = arith.minsi %max3A_607, %max3A_611 : vector<1024x128xi32>
    %max3A_627 = arith.maxsi %max3A_607, %max3A_611 : vector<1024x128xi32>
    %min3A_628 = arith.minsi %max3A_609, %max3A_613 : vector<1024x128xi32>
    %max3A_629 = arith.maxsi %max3A_609, %max3A_613 : vector<1024x128xi32>
    %min3A_630 = arith.minsi %min3A_614, %min3A_618 : vector<1024x128xi32>
    %max3A_631 = arith.maxsi %min3A_614, %min3A_618 : vector<1024x128xi32>
    %min3A_632 = arith.minsi %min3A_616, %min3A_620 : vector<1024x128xi32>
    %max3A_633 = arith.maxsi %min3A_616, %min3A_620 : vector<1024x128xi32>
    %min3A_634 = arith.minsi %max3A_615, %max3A_619 : vector<1024x128xi32>
    %max3A_635 = arith.maxsi %max3A_615, %max3A_619 : vector<1024x128xi32>
    %min3A_636 = arith.minsi %max3A_617, %max3A_621 : vector<1024x128xi32>
    %max3A_637 = arith.maxsi %max3A_617, %max3A_621 : vector<1024x128xi32>
    %min3A_638 = arith.minsi %min3A_622, %min3A_624 : vector<1024x128xi32>
    %max3A_639 = arith.maxsi %min3A_622, %min3A_624 : vector<1024x128xi32>
    %min3A_640 = arith.minsi %max3A_623, %max3A_625 : vector<1024x128xi32>
    %max3A_641 = arith.maxsi %max3A_623, %max3A_625 : vector<1024x128xi32>
    %min3A_642 = arith.minsi %min3A_626, %min3A_628 : vector<1024x128xi32>
    %max3A_643 = arith.maxsi %min3A_626, %min3A_628 : vector<1024x128xi32>
    %min3A_644 = arith.minsi %max3A_627, %max3A_629 : vector<1024x128xi32>
    %max3A_645 = arith.maxsi %max3A_627, %max3A_629 : vector<1024x128xi32>
    %min3A_646 = arith.minsi %min3A_630, %min3A_632 : vector<1024x128xi32>
    %max3A_647 = arith.maxsi %min3A_630, %min3A_632 : vector<1024x128xi32>
    %min3A_648 = arith.minsi %max3A_631, %max3A_633 : vector<1024x128xi32>
    %max3A_649 = arith.maxsi %max3A_631, %max3A_633 : vector<1024x128xi32>
    %min3A_650 = arith.minsi %min3A_634, %min3A_636 : vector<1024x128xi32>
    %max3A_651 = arith.maxsi %min3A_634, %min3A_636 : vector<1024x128xi32>
    %min3A_652 = arith.minsi %max3A_635, %max3A_637 : vector<1024x128xi32>
    %max3A_653 = arith.maxsi %max3A_635, %max3A_637 : vector<1024x128xi32>
    %iota3A_654 = tpu.iota {dimensions = array<i32: 1>} : vector<1024x128xi32>
    %reduce_min3A = arith.constant dense<2147483647> : vector<1024xi32>
    %reduce_min3A_655 = vector.multi_reduction <minsi>, %min3A_638, %reduce_min3A [1] : vector<1024x128xi32> to vector<1024xi32>
    %broadcast_in_dim3A_656 = vector.shape_cast %reduce_min3A_655 : vector<1024xi32> to vector<1024x1xi32>
    %eq3A = vector.broadcast %broadcast_in_dim3A_656 : vector<1024x1xi32> to vector<1024x128xi32>
    %eq3A_657 = arith.cmpi eq, %min3A_638, %eq3A : vector<1024x128xi32>
    %jit3A_658 = arith.constant 1073741824 : i32
    %broadcast_in_dim3A_659 = vector.broadcast %jit3A_658 : i32 to vector<1024x128xi32>
    %select_n3A_660 = arith.select %eq3A_657, %iota3A_654, %broadcast_in_dim3A_659 : vector<1024x128xi1>, vector<1024x128xi32>
    %reduce_min3A_661 = arith.constant dense<2147483647> : vector<1024xi32>
    %reduce_min3A_662 = vector.multi_reduction <minsi>, %select_n3A_660, %reduce_min3A_661 [1] : vector<1024x128xi32> to vector<1024xi32>
    %broadcast_in_dim3A_663 = vector.shape_cast %reduce_min3A_662 : vector<1024xi32> to vector<1024x1xi32>
    %and3A_664 = arith.constant 31 : i32
    %and3A_665 = vector.broadcast %and3A_664 : i32 to vector<1024x1xi32>
    %and3A_666 = arith.andi %broadcast_in_dim3A_656, %and3A_665 : vector<1024x1xi32>
    %mul3A_667 = arith.constant 128 : i32
    %mul3A_668 = vector.broadcast %mul3A_667 : i32 to vector<1024x1xi32>
    %mul3A_669 = arith.muli %and3A_666, %mul3A_668 : vector<1024x1xi32>
    %add3A = arith.addi %mul3A_669, %broadcast_in_dim3A_663 : vector<1024x1xi32>
    %add3A_670 = arith.constant 8192 : i32
    %add3A_671 = vector.broadcast %add3A_670 : i32 to vector<1024x1xi32>
    %add3A_672 = arith.addi %add3A, %add3A_671 : vector<1024x1xi32>
    %swap3A = arith.constant 0 : index
    %swap3A_673 = arith.constant 0 : index
    %swap3A_674 = arith.constant 0 : index
    %swap3A_675 = vector.load %arg3[%swap3A, %swap3A_673, %swap3A_674] : memref<1x1024x16xi32, #tpu.memory_space<vmem>>, vector<1x1024x1xi32>
    %swap3A_676 = vector.shape_cast %swap3A_675 : vector<1x1024x1xi32> to vector<1024x1xi32>
    %swap3A_677 = vector.shape_cast %add3A_672 : vector<1024x1xi32> to vector<1x1024x1xi32>
    tpu.vector_store %arg3[%swap3A, %swap3A_673, %swap3A_674], %swap3A_677 {strides = array<i32>} : memref<1x1024x16xi32, #tpu.memory_space<vmem>>, vector<1x1024x1xi32>,
    %eq3A_678 = vector.broadcast %broadcast_in_dim3A_663 : vector<1024x1xi32> to vector<1024x128xi32>
    %eq3A_679 = arith.cmpi eq, %iota3A_654, %eq3A_678 : vector<1024x128xi32>
    %select_n3A_680 = arith.select %eq3A_679, %max3A_639, %min3A_638 : vector<1024x128xi1>, vector<1024x128xi32>
    %select_n3A_681 = arith.select %eq3A_679, %min3A_640, %max3A_639 : vector<1024x128xi1>, vector<1024x128xi32>
    %select_n3A_682 = arith.select %eq3A_679, %max3A_641, %min3A_640 : vector<1024x128xi1>, vector<1024x128xi32>
    %select_n3A_683 = arith.select %eq3A_679, %min3A_642, %max3A_641 : vector<1024x128xi1>, vector<1024x128xi32>
    %select_n3A_684 = arith.select %eq3A_679, %max3A_643, %min3A_642 : vector<1024x128xi1>, vector<1024x128xi32>
    %select_n3A_685 = arith.select %eq3A_679, %min3A_644, %max3A_643 : vector<1024x128xi1>, vector<1024x128xi32>
    %select_n3A_686 = arith.select %eq3A_679, %max3A_645, %min3A_644 : vector<1024x128xi1>, vector<1024x128xi32>
    %select_n3A_687 = arith.select %eq3A_679, %min3A_646, %max3A_645 : vector<1024x128xi1>, vector<1024x128xi32>
    %select_n3A_688 = arith.select %eq3A_679, %max3A_647, %min3A_646 : vector<1024x128xi1>, vector<1024x128xi32>
    %select_n3A_689 = arith.select %eq3A_679, %min3A_648, %max3A_647 : vector<1024x128xi1>, vector<1024x128xi32>
    %select_n3A_690 = arith.select %eq3A_679, %max3A_649, %min3A_648 : vector<1024x128xi1>, vector<1024x128xi32>
    %select_n3A_691 = arith.select %eq3A_679, %min3A_650, %max3A_649 : vector<1024x128xi1>, vector<1024x128xi32>
    %select_n3A_692 = arith.select %eq3A_679, %max3A_651, %min3A_650 : vector<1024x128xi1>, vector<1024x128xi32>
    %select_n3A_693 = arith.select %eq3A_679, %min3A_652, %max3A_651 : vector<1024x128xi1>, vector<1024x128xi32>
    %select_n3A_694 = arith.select %eq3A_679, %max3A_653, %min3A_652 : vector<1024x128xi1>, vector<1024x128xi32>
    %reduce_min3A_695 = arith.constant dense<2147483647> : vector<1024xi32>
    %reduce_min3A_696 = vector.multi_reduction <minsi>, %select_n3A_680, %reduce_min3A_695 [1] : vector<1024x128xi32> to vector<1024xi32>
    %broadcast_in_dim3A_697 = vector.shape_cast %reduce_min3A_696 : vector<1024xi32> to vector<1024x1xi32>
    %eq3A_698 = vector.broadcast %broadcast_in_dim3A_697 : vector<1024x1xi32> to vector<1024x128xi32>
    %eq3A_699 = arith.cmpi eq, %select_n3A_680, %eq3A_698 : vector<1024x128xi32>
    %jit3A_700 = arith.constant 1073741824 : i32
    %broadcast_in_dim3A_701 = vector.broadcast %jit3A_700 : i32 to vector<1024x128xi32>
    %select_n3A_702 = arith.select %eq3A_699, %iota3A_654, %broadcast_in_dim3A_701 : vector<1024x128xi1>, vector<1024x128xi32>
    %reduce_min3A_703 = arith.constant dense<2147483647> : vector<1024xi32>
    %reduce_min3A_704 = vector.multi_reduction <minsi>, %select_n3A_702, %reduce_min3A_703 [1] : vector<1024x128xi32> to vector<1024xi32>
    %broadcast_in_dim3A_705 = vector.shape_cast %reduce_min3A_704 : vector<1024xi32> to vector<1024x1xi32>
    %and3A_706 = arith.constant 31 : i32
    %and3A_707 = vector.broadcast %and3A_706 : i32 to vector<1024x1xi32>
    %and3A_708 = arith.andi %broadcast_in_dim3A_697, %and3A_707 : vector<1024x1xi32>
    %mul3A_709 = arith.constant 128 : i32
    %mul3A_710 = vector.broadcast %mul3A_709 : i32 to vector<1024x1xi32>
    %mul3A_711 = arith.muli %and3A_708, %mul3A_710 : vector<1024x1xi32>
    %add3A_712 = arith.addi %mul3A_711, %broadcast_in_dim3A_705 : vector<1024x1xi32>
    %add3A_713 = arith.constant 8192 : i32
    %add3A_714 = vector.broadcast %add3A_713 : i32 to vector<1024x1xi32>
    %add3A_715 = arith.addi %add3A_712, %add3A_714 : vector<1024x1xi32>
    %swap3A_716 = arith.constant 0 : index
    %swap3A_717 = arith.constant 0 : index
    %swap3A_718 = arith.constant 1 : index
    %swap3A_719 = vector.load %arg3[%swap3A_716, %swap3A_717, %swap3A_718] : memref<1x1024x16xi32, #tpu.memory_space<vmem>>, vector<1x1024x1xi32>
    %swap3A_720 = vector.shape_cast %swap3A_719 : vector<1x1024x1xi32> to vector<1024x1xi32>
    %swap3A_721 = vector.shape_cast %add3A_715 : vector<1024x1xi32> to vector<1x1024x1xi32>
    tpu.vector_store %arg3[%swap3A_716, %swap3A_717, %swap3A_718], %swap3A_721 {strides = array<i32>} : memref<1x1024x16xi32, #tpu.memory_space<vmem>>, vector<1x1024x1xi32>,
    %eq3A_722 = vector.broadcast %broadcast_in_dim3A_705 : vector<1024x1xi32> to vector<1024x128xi32>
    %eq3A_723 = arith.cmpi eq, %iota3A_654, %eq3A_722 : vector<1024x128xi32>
    %select_n3A_724 = arith.select %eq3A_723, %select_n3A_681, %select_n3A_680 : vector<1024x128xi1>, vector<1024x128xi32>
    %select_n3A_725 = arith.select %eq3A_723, %select_n3A_682, %select_n3A_681 : vector<1024x128xi1>, vector<1024x128xi32>
    %select_n3A_726 = arith.select %eq3A_723, %select_n3A_683, %select_n3A_682 : vector<1024x128xi1>, vector<1024x128xi32>
    %select_n3A_727 = arith.select %eq3A_723, %select_n3A_684, %select_n3A_683 : vector<1024x128xi1>, vector<1024x128xi32>
    %select_n3A_728 = arith.select %eq3A_723, %select_n3A_685, %select_n3A_684 : vector<1024x128xi1>, vector<1024x128xi32>
    %select_n3A_729 = arith.select %eq3A_723, %select_n3A_686, %select_n3A_685 : vector<1024x128xi1>, vector<1024x128xi32>
    %select_n3A_730 = arith.select %eq3A_723, %select_n3A_687, %select_n3A_686 : vector<1024x128xi1>, vector<1024x128xi32>
    %select_n3A_731 = arith.select %eq3A_723, %select_n3A_688, %select_n3A_687 : vector<1024x128xi1>, vector<1024x128xi32>
    %select_n3A_732 = arith.select %eq3A_723, %select_n3A_689, %select_n3A_688 : vector<1024x128xi1>, vector<1024x128xi32>
    %select_n3A_733 = arith.select %eq3A_723, %select_n3A_690, %select_n3A_689 : vector<1024x128xi1>, vector<1024x128xi32>
    %select_n3A_734 = arith.select %eq3A_723, %select_n3A_691, %select_n3A_690 : vector<1024x128xi1>, vector<1024x128xi32>
    %select_n3A_735 = arith.select %eq3A_723, %select_n3A_692, %select_n3A_691 : vector<1024x128xi1>, vector<1024x128xi32>
    %select_n3A_736 = arith.select %eq3A_723, %select_n3A_693, %select_n3A_692 : vector<1024x128xi1>, vector<1024x128xi32>
    %select_n3A_737 = arith.select %eq3A_723, %select_n3A_694, %select_n3A_693 : vector<1024x128xi1>, vector<1024x128xi32>
    %reduce_min3A_738 = arith.constant dense<2147483647> : vector<1024xi32>
    %reduce_min3A_739 = vector.multi_reduction <minsi>, %select_n3A_724, %reduce_min3A_738 [1] : vector<1024x128xi32> to vector<1024xi32>
    %broadcast_in_dim3A_740 = vector.shape_cast %reduce_min3A_739 : vector<1024xi32> to vector<1024x1xi32>
    %eq3A_741 = vector.broadcast %broadcast_in_dim3A_740 : vector<1024x1xi32> to vector<1024x128xi32>
    %eq3A_742 = arith.cmpi eq, %select_n3A_724, %eq3A_741 : vector<1024x128xi32>
    %jit3A_743 = arith.constant 1073741824 : i32
    %broadcast_in_dim3A_744 = vector.broadcast %jit3A_743 : i32 to vector<1024x128xi32>
    %select_n3A_745 = arith.select %eq3A_742, %iota3A_654, %broadcast_in_dim3A_744 : vector<1024x128xi1>, vector<1024x128xi32>
    %reduce_min3A_746 = arith.constant dense<2147483647> : vector<1024xi32>
    %reduce_min3A_747 = vector.multi_reduction <minsi>, %select_n3A_745, %reduce_min3A_746 [1] : vector<1024x128xi32> to vector<1024xi32>
    %broadcast_in_dim3A_748 = vector.shape_cast %reduce_min3A_747 : vector<1024xi32> to vector<1024x1xi32>
    %and3A_749 = arith.constant 31 : i32
    %and3A_750 = vector.broadcast %and3A_749 : i32 to vector<1024x1xi32>
    %and3A_751 = arith.andi %broadcast_in_dim3A_740, %and3A_750 : vector<1024x1xi32>
    %mul3A_752 = arith.constant 128 : i32
    %mul3A_753 = vector.broadcast %mul3A_752 : i32 to vector<1024x1xi32>
    %mul3A_754 = arith.muli %and3A_751, %mul3A_753 : vector<1024x1xi32>
    %add3A_755 = arith.addi %mul3A_754, %broadcast_in_dim3A_748 : vector<1024x1xi32>
    %add3A_756 = arith.constant 8192 : i32
    %add3A_757 = vector.broadcast %add3A_756 : i32 to vector<1024x1xi32>
    %add3A_758 = arith.addi %add3A_755, %add3A_757 : vector<1024x1xi32>
    %swap3A_759 = arith.constant 0 : index
    %swap3A_760 = arith.constant 0 : index
    %swap3A_761 = arith.constant 2 : index
    %swap3A_762 = vector.load %arg3[%swap3A_759, %swap3A_760, %swap3A_761] : memref<1x1024x16xi32, #tpu.memory_space<vmem>>, vector<1x1024x1xi32>
    %swap3A_763 = vector.shape_cast %swap3A_762 : vector<1x1024x1xi32> to vector<1024x1xi32>
    %swap3A_764 = vector.shape_cast %add3A_758 : vector<1024x1xi32> to vector<1x1024x1xi32>
    tpu.vector_store %arg3[%swap3A_759, %swap3A_760, %swap3A_761], %swap3A_764 {strides = array<i32>} : memref<1x1024x16xi32, #tpu.memory_space<vmem>>, vector<1x1024x1xi32>,
    %eq3A_765 = vector.broadcast %broadcast_in_dim3A_748 : vector<1024x1xi32> to vector<1024x128xi32>
    %eq3A_766 = arith.cmpi eq, %iota3A_654, %eq3A_765 : vector<1024x128xi32>
    %select_n3A_767 = arith.select %eq3A_766, %select_n3A_725, %select_n3A_724 : vector<1024x128xi1>, vector<1024x128xi32>
    %select_n3A_768 = arith.select %eq3A_766, %select_n3A_726, %select_n3A_725 : vector<1024x128xi1>, vector<1024x128xi32>
    %select_n3A_769 = arith.select %eq3A_766, %select_n3A_727, %select_n3A_726 : vector<1024x128xi1>, vector<1024x128xi32>
    %select_n3A_770 = arith.select %eq3A_766, %select_n3A_728, %select_n3A_727 : vector<1024x128xi1>, vector<1024x128xi32>
    %select_n3A_771 = arith.select %eq3A_766, %select_n3A_729, %select_n3A_728 : vector<1024x128xi1>, vector<1024x128xi32>
    %select_n3A_772 = arith.select %eq3A_766, %select_n3A_730, %select_n3A_729 : vector<1024x128xi1>, vector<1024x128xi32>
    %select_n3A_773 = arith.select %eq3A_766, %select_n3A_731, %select_n3A_730 : vector<1024x128xi1>, vector<1024x128xi32>
    %select_n3A_774 = arith.select %eq3A_766, %select_n3A_732, %select_n3A_731 : vector<1024x128xi1>, vector<1024x128xi32>
    %select_n3A_775 = arith.select %eq3A_766, %select_n3A_733, %select_n3A_732 : vector<1024x128xi1>, vector<1024x128xi32>
    %select_n3A_776 = arith.select %eq3A_766, %select_n3A_734, %select_n3A_733 : vector<1024x128xi1>, vector<1024x128xi32>
    %select_n3A_777 = arith.select %eq3A_766, %select_n3A_735, %select_n3A_734 : vector<1024x128xi1>, vector<1024x128xi32>
    %select_n3A_778 = arith.select %eq3A_766, %select_n3A_736, %select_n3A_735 : vector<1024x128xi1>, vector<1024x128xi32>
    %select_n3A_779 = arith.select %eq3A_766, %select_n3A_737, %select_n3A_736 : vector<1024x128xi1>, vector<1024x128xi32>
    %reduce_min3A_780 = arith.constant dense<2147483647> : vector<1024xi32>
    %reduce_min3A_781 = vector.multi_reduction <minsi>, %select_n3A_767, %reduce_min3A_780 [1] : vector<1024x128xi32> to vector<1024xi32>
    %broadcast_in_dim3A_782 = vector.shape_cast %reduce_min3A_781 : vector<1024xi32> to vector<1024x1xi32>
    %eq3A_783 = vector.broadcast %broadcast_in_dim3A_782 : vector<1024x1xi32> to vector<1024x128xi32>
    %eq3A_784 = arith.cmpi eq, %select_n3A_767, %eq3A_783 : vector<1024x128xi32>
    %jit3A_785 = arith.constant 1073741824 : i32
    %broadcast_in_dim3A_786 = vector.broadcast %jit3A_785 : i32 to vector<1024x128xi32>
    %select_n3A_787 = arith.select %eq3A_784, %iota3A_654, %broadcast_in_dim3A_786 : vector<1024x128xi1>, vector<1024x128xi32>
    %reduce_min3A_788 = arith.constant dense<2147483647> : vector<1024xi32>
    %reduce_min3A_789 = vector.multi_reduction <minsi>, %select_n3A_787, %reduce_min3A_788 [1] : vector<1024x128xi32> to vector<1024xi32>
    %broadcast_in_dim3A_790 = vector.shape_cast %reduce_min3A_789 : vector<1024xi32> to vector<1024x1xi32>
    %and3A_791 = arith.constant 31 : i32
    %and3A_792 = vector.broadcast %and3A_791 : i32 to vector<1024x1xi32>
    %and3A_793 = arith.andi %broadcast_in_dim3A_782, %and3A_792 : vector<1024x1xi32>
    %mul3A_794 = arith.constant 128 : i32
    %mul3A_795 = vector.broadcast %mul3A_794 : i32 to vector<1024x1xi32>
    %mul3A_796 = arith.muli %and3A_793, %mul3A_795 : vector<1024x1xi32>
    %add3A_797 = arith.addi %mul3A_796, %broadcast_in_dim3A_790 : vector<1024x1xi32>
    %add3A_798 = arith.constant 8192 : i32
    %add3A_799 = vector.broadcast %add3A_798 : i32 to vector<1024x1xi32>
    %add3A_800 = arith.addi %add3A_797, %add3A_799 : vector<1024x1xi32>
    %swap3A_801 = arith.constant 0 : index
    %swap3A_802 = arith.constant 0 : index
    %swap3A_803 = arith.constant 3 : index
    %swap3A_804 = vector.load %arg3[%swap3A_801, %swap3A_802, %swap3A_803] : memref<1x1024x16xi32, #tpu.memory_space<vmem>>, vector<1x1024x1xi32>
    %swap3A_805 = vector.shape_cast %swap3A_804 : vector<1x1024x1xi32> to vector<1024x1xi32>
    %swap3A_806 = vector.shape_cast %add3A_800 : vector<1024x1xi32> to vector<1x1024x1xi32>
    tpu.vector_store %arg3[%swap3A_801, %swap3A_802, %swap3A_803], %swap3A_806 {strides = array<i32>} : memref<1x1024x16xi32, #tpu.memory_space<vmem>>, vector<1x1024x1xi32>,
    %eq3A_807 = vector.broadcast %broadcast_in_dim3A_790 : vector<1024x1xi32> to vector<1024x128xi32>
    %eq3A_808 = arith.cmpi eq, %iota3A_654, %eq3A_807 : vector<1024x128xi32>
    %select_n3A_809 = arith.select %eq3A_808, %select_n3A_768, %select_n3A_767 : vector<1024x128xi1>, vector<1024x128xi32>
    %select_n3A_810 = arith.select %eq3A_808, %select_n3A_769, %select_n3A_768 : vector<1024x128xi1>, vector<1024x128xi32>
    %select_n3A_811 = arith.select %eq3A_808, %select_n3A_770, %select_n3A_769 : vector<1024x128xi1>, vector<1024x128xi32>
    %select_n3A_812 = arith.select %eq3A_808, %select_n3A_771, %select_n3A_770 : vector<1024x128xi1>, vector<1024x128xi32>
    %select_n3A_813 = arith.select %eq3A_808, %select_n3A_772, %select_n3A_771 : vector<1024x128xi1>, vector<1024x128xi32>
    %select_n3A_814 = arith.select %eq3A_808, %select_n3A_773, %select_n3A_772 : vector<1024x128xi1>, vector<1024x128xi32>
    %select_n3A_815 = arith.select %eq3A_808, %select_n3A_774, %select_n3A_773 : vector<1024x128xi1>, vector<1024x128xi32>
    %select_n3A_816 = arith.select %eq3A_808, %select_n3A_775, %select_n3A_774 : vector<1024x128xi1>, vector<1024x128xi32>
    %select_n3A_817 = arith.select %eq3A_808, %select_n3A_776, %select_n3A_775 : vector<1024x128xi1>, vector<1024x128xi32>
    %select_n3A_818 = arith.select %eq3A_808, %select_n3A_777, %select_n3A_776 : vector<1024x128xi1>, vector<1024x128xi32>
    %select_n3A_819 = arith.select %eq3A_808, %select_n3A_778, %select_n3A_777 : vector<1024x128xi1>, vector<1024x128xi32>
    %select_n3A_820 = arith.select %eq3A_808, %select_n3A_779, %select_n3A_778 : vector<1024x128xi1>, vector<1024x128xi32>
    %reduce_min3A_821 = arith.constant dense<2147483647> : vector<1024xi32>
    %reduce_min3A_822 = vector.multi_reduction <minsi>, %select_n3A_809, %reduce_min3A_821 [1] : vector<1024x128xi32> to vector<1024xi32>
    %broadcast_in_dim3A_823 = vector.shape_cast %reduce_min3A_822 : vector<1024xi32> to vector<1024x1xi32>
    %eq3A_824 = vector.broadcast %broadcast_in_dim3A_823 : vector<1024x1xi32> to vector<1024x128xi32>
    %eq3A_825 = arith.cmpi eq, %select_n3A_809, %eq3A_824 : vector<1024x128xi32>
    %jit3A_826 = arith.constant 1073741824 : i32
    %broadcast_in_dim3A_827 = vector.broadcast %jit3A_826 : i32 to vector<1024x128xi32>
    %select_n3A_828 = arith.select %eq3A_825, %iota3A_654, %broadcast_in_dim3A_827 : vector<1024x128xi1>, vector<1024x128xi32>
    %reduce_min3A_829 = arith.constant dense<2147483647> : vector<1024xi32>
    %reduce_min3A_830 = vector.multi_reduction <minsi>, %select_n3A_828, %reduce_min3A_829 [1] : vector<1024x128xi32> to vector<1024xi32>
    %broadcast_in_dim3A_831 = vector.shape_cast %reduce_min3A_830 : vector<1024xi32> to vector<1024x1xi32>
    %and3A_832 = arith.constant 31 : i32
    %and3A_833 = vector.broadcast %and3A_832 : i32 to vector<1024x1xi32>
    %and3A_834 = arith.andi %broadcast_in_dim3A_823, %and3A_833 : vector<1024x1xi32>
    %mul3A_835 = arith.constant 128 : i32
    %mul3A_836 = vector.broadcast %mul3A_835 : i32 to vector<1024x1xi32>
    %mul3A_837 = arith.muli %and3A_834, %mul3A_836 : vector<1024x1xi32>
    %add3A_838 = arith.addi %mul3A_837, %broadcast_in_dim3A_831 : vector<1024x1xi32>
    %add3A_839 = arith.constant 8192 : i32
    %add3A_840 = vector.broadcast %add3A_839 : i32 to vector<1024x1xi32>
    %add3A_841 = arith.addi %add3A_838, %add3A_840 : vector<1024x1xi32>
    %swap3A_842 = arith.constant 0 : index
    %swap3A_843 = arith.constant 0 : index
    %swap3A_844 = arith.constant 4 : index
    %swap3A_845 = vector.load %arg3[%swap3A_842, %swap3A_843, %swap3A_844] : memref<1x1024x16xi32, #tpu.memory_space<vmem>>, vector<1x1024x1xi32>
    %swap3A_846 = vector.shape_cast %swap3A_845 : vector<1x1024x1xi32> to vector<1024x1xi32>
    %swap3A_847 = vector.shape_cast %add3A_841 : vector<1024x1xi32> to vector<1x1024x1xi32>
    tpu.vector_store %arg3[%swap3A_842, %swap3A_843, %swap3A_844], %swap3A_847 {strides = array<i32>} : memref<1x1024x16xi32, #tpu.memory_space<vmem>>, vector<1x1024x1xi32>,
    %eq3A_848 = vector.broadcast %broadcast_in_dim3A_831 : vector<1024x1xi32> to vector<1024x128xi32>
    %eq3A_849 = arith.cmpi eq, %iota3A_654, %eq3A_848 : vector<1024x128xi32>
    %select_n3A_850 = arith.select %eq3A_849, %select_n3A_810, %select_n3A_809 : vector<1024x128xi1>, vector<1024x128xi32>
    %select_n3A_851 = arith.select %eq3A_849, %select_n3A_811, %select_n3A_810 : vector<1024x128xi1>, vector<1024x128xi32>
    %select_n3A_852 = arith.select %eq3A_849, %select_n3A_812, %select_n3A_811 : vector<1024x128xi1>, vector<1024x128xi32>
    %select_n3A_853 = arith.select %eq3A_849, %select_n3A_813, %select_n3A_812 : vector<1024x128xi1>, vector<1024x128xi32>
    %select_n3A_854 = arith.select %eq3A_849, %select_n3A_814, %select_n3A_813 : vector<1024x128xi1>, vector<1024x128xi32>
    %select_n3A_855 = arith.select %eq3A_849, %select_n3A_815, %select_n3A_814 : vector<1024x128xi1>, vector<1024x128xi32>
    %select_n3A_856 = arith.select %eq3A_849, %select_n3A_816, %select_n3A_815 : vector<1024x128xi1>, vector<1024x128xi32>
    %select_n3A_857 = arith.select %eq3A_849, %select_n3A_817, %select_n3A_816 : vector<1024x128xi1>, vector<1024x128xi32>
    %select_n3A_858 = arith.select %eq3A_849, %select_n3A_818, %select_n3A_817 : vector<1024x128xi1>, vector<1024x128xi32>
    %select_n3A_859 = arith.select %eq3A_849, %select_n3A_819, %select_n3A_818 : vector<1024x128xi1>, vector<1024x128xi32>
    %select_n3A_860 = arith.select %eq3A_849, %select_n3A_820, %select_n3A_819 : vector<1024x128xi1>, vector<1024x128xi32>
    %reduce_min3A_861 = arith.constant dense<2147483647> : vector<1024xi32>
    %reduce_min3A_862 = vector.multi_reduction <minsi>, %select_n3A_850, %reduce_min3A_861 [1] : vector<1024x128xi32> to vector<1024xi32>
    %broadcast_in_dim3A_863 = vector.shape_cast %reduce_min3A_862 : vector<1024xi32> to vector<1024x1xi32>
    %eq3A_864 = vector.broadcast %broadcast_in_dim3A_863 : vector<1024x1xi32> to vector<1024x128xi32>
    %eq3A_865 = arith.cmpi eq, %select_n3A_850, %eq3A_864 : vector<1024x128xi32>
    %jit3A_866 = arith.constant 1073741824 : i32
    %broadcast_in_dim3A_867 = vector.broadcast %jit3A_866 : i32 to vector<1024x128xi32>
    %select_n3A_868 = arith.select %eq3A_865, %iota3A_654, %broadcast_in_dim3A_867 : vector<1024x128xi1>, vector<1024x128xi32>
    %reduce_min3A_869 = arith.constant dense<2147483647> : vector<1024xi32>
    %reduce_min3A_870 = vector.multi_reduction <minsi>, %select_n3A_868, %reduce_min3A_869 [1] : vector<1024x128xi32> to vector<1024xi32>
    %broadcast_in_dim3A_871 = vector.shape_cast %reduce_min3A_870 : vector<1024xi32> to vector<1024x1xi32>
    %and3A_872 = arith.constant 31 : i32
    %and3A_873 = vector.broadcast %and3A_872 : i32 to vector<1024x1xi32>
    %and3A_874 = arith.andi %broadcast_in_dim3A_863, %and3A_873 : vector<1024x1xi32>
    %mul3A_875 = arith.constant 128 : i32
    %mul3A_876 = vector.broadcast %mul3A_875 : i32 to vector<1024x1xi32>
    %mul3A_877 = arith.muli %and3A_874, %mul3A_876 : vector<1024x1xi32>
    %add3A_878 = arith.addi %mul3A_877, %broadcast_in_dim3A_871 : vector<1024x1xi32>
    %add3A_879 = arith.constant 8192 : i32
    %add3A_880 = vector.broadcast %add3A_879 : i32 to vector<1024x1xi32>
    %add3A_881 = arith.addi %add3A_878, %add3A_880 : vector<1024x1xi32>
    %swap3A_882 = arith.constant 0 : index
    %swap3A_883 = arith.constant 0 : index
    %swap3A_884 = arith.constant 5 : index
    %swap3A_885 = vector.load %arg3[%swap3A_882, %swap3A_883, %swap3A_884] : memref<1x1024x16xi32, #tpu.memory_space<vmem>>, vector<1x1024x1xi32>
    %swap3A_886 = vector.shape_cast %swap3A_885 : vector<1x1024x1xi32> to vector<1024x1xi32>
    %swap3A_887 = vector.shape_cast %add3A_881 : vector<1024x1xi32> to vector<1x1024x1xi32>
    tpu.vector_store %arg3[%swap3A_882, %swap3A_883, %swap3A_884], %swap3A_887 {strides = array<i32>} : memref<1x1024x16xi32, #tpu.memory_space<vmem>>, vector<1x1024x1xi32>,
    %eq3A_888 = vector.broadcast %broadcast_in_dim3A_871 : vector<1024x1xi32> to vector<1024x128xi32>
    %eq3A_889 = arith.cmpi eq, %iota3A_654, %eq3A_888 : vector<1024x128xi32>
    %select_n3A_890 = arith.select %eq3A_889, %select_n3A_851, %select_n3A_850 : vector<1024x128xi1>, vector<1024x128xi32>
    %select_n3A_891 = arith.select %eq3A_889, %select_n3A_852, %select_n3A_851 : vector<1024x128xi1>, vector<1024x128xi32>
    %select_n3A_892 = arith.select %eq3A_889, %select_n3A_853, %select_n3A_852 : vector<1024x128xi1>, vector<1024x128xi32>
    %select_n3A_893 = arith.select %eq3A_889, %select_n3A_854, %select_n3A_853 : vector<1024x128xi1>, vector<1024x128xi32>
    %select_n3A_894 = arith.select %eq3A_889, %select_n3A_855, %select_n3A_854 : vector<1024x128xi1>, vector<1024x128xi32>
    %select_n3A_895 = arith.select %eq3A_889, %select_n3A_856, %select_n3A_855 : vector<1024x128xi1>, vector<1024x128xi32>
    %select_n3A_896 = arith.select %eq3A_889, %select_n3A_857, %select_n3A_856 : vector<1024x128xi1>, vector<1024x128xi32>
    %select_n3A_897 = arith.select %eq3A_889, %select_n3A_858, %select_n3A_857 : vector<1024x128xi1>, vector<1024x128xi32>
    %select_n3A_898 = arith.select %eq3A_889, %select_n3A_859, %select_n3A_858 : vector<1024x128xi1>, vector<1024x128xi32>
    %select_n3A_899 = arith.select %eq3A_889, %select_n3A_860, %select_n3A_859 : vector<1024x128xi1>, vector<1024x128xi32>
    %reduce_min3A_900 = arith.constant dense<2147483647> : vector<1024xi32>
    %reduce_min3A_901 = vector.multi_reduction <minsi>, %select_n3A_890, %reduce_min3A_900 [1] : vector<1024x128xi32> to vector<1024xi32>
    %broadcast_in_dim3A_902 = vector.shape_cast %reduce_min3A_901 : vector<1024xi32> to vector<1024x1xi32>
    %eq3A_903 = vector.broadcast %broadcast_in_dim3A_902 : vector<1024x1xi32> to vector<1024x128xi32>
    %eq3A_904 = arith.cmpi eq, %select_n3A_890, %eq3A_903 : vector<1024x128xi32>
    %jit3A_905 = arith.constant 1073741824 : i32
    %broadcast_in_dim3A_906 = vector.broadcast %jit3A_905 : i32 to vector<1024x128xi32>
    %select_n3A_907 = arith.select %eq3A_904, %iota3A_654, %broadcast_in_dim3A_906 : vector<1024x128xi1>, vector<1024x128xi32>
    %reduce_min3A_908 = arith.constant dense<2147483647> : vector<1024xi32>
    %reduce_min3A_909 = vector.multi_reduction <minsi>, %select_n3A_907, %reduce_min3A_908 [1] : vector<1024x128xi32> to vector<1024xi32>
    %broadcast_in_dim3A_910 = vector.shape_cast %reduce_min3A_909 : vector<1024xi32> to vector<1024x1xi32>
    %and3A_911 = arith.constant 31 : i32
    %and3A_912 = vector.broadcast %and3A_911 : i32 to vector<1024x1xi32>
    %and3A_913 = arith.andi %broadcast_in_dim3A_902, %and3A_912 : vector<1024x1xi32>
    %mul3A_914 = arith.constant 128 : i32
    %mul3A_915 = vector.broadcast %mul3A_914 : i32 to vector<1024x1xi32>
    %mul3A_916 = arith.muli %and3A_913, %mul3A_915 : vector<1024x1xi32>
    %add3A_917 = arith.addi %mul3A_916, %broadcast_in_dim3A_910 : vector<1024x1xi32>
    %add3A_918 = arith.constant 8192 : i32
    %add3A_919 = vector.broadcast %add3A_918 : i32 to vector<1024x1xi32>
    %add3A_920 = arith.addi %add3A_917, %add3A_919 : vector<1024x1xi32>
    %swap3A_921 = arith.constant 0 : index
    %swap3A_922 = arith.constant 0 : index
    %swap3A_923 = arith.constant 6 : index
    %swap3A_924 = vector.load %arg3[%swap3A_921, %swap3A_922, %swap3A_923] : memref<1x1024x16xi32, #tpu.memory_space<vmem>>, vector<1x1024x1xi32>
    %swap3A_925 = vector.shape_cast %swap3A_924 : vector<1x1024x1xi32> to vector<1024x1xi32>
    %swap3A_926 = vector.shape_cast %add3A_920 : vector<1024x1xi32> to vector<1x1024x1xi32>
    tpu.vector_store %arg3[%swap3A_921, %swap3A_922, %swap3A_923], %swap3A_926 {strides = array<i32>} : memref<1x1024x16xi32, #tpu.memory_space<vmem>>, vector<1x1024x1xi32>,
    %eq3A_927 = vector.broadcast %broadcast_in_dim3A_910 : vector<1024x1xi32> to vector<1024x128xi32>
    %eq3A_928 = arith.cmpi eq, %iota3A_654, %eq3A_927 : vector<1024x128xi32>
    %select_n3A_929 = arith.select %eq3A_928, %select_n3A_891, %select_n3A_890 : vector<1024x128xi1>, vector<1024x128xi32>
    %select_n3A_930 = arith.select %eq3A_928, %select_n3A_892, %select_n3A_891 : vector<1024x128xi1>, vector<1024x128xi32>
    %select_n3A_931 = arith.select %eq3A_928, %select_n3A_893, %select_n3A_892 : vector<1024x128xi1>, vector<1024x128xi32>
    %select_n3A_932 = arith.select %eq3A_928, %select_n3A_894, %select_n3A_893 : vector<1024x128xi1>, vector<1024x128xi32>
    %select_n3A_933 = arith.select %eq3A_928, %select_n3A_895, %select_n3A_894 : vector<1024x128xi1>, vector<1024x128xi32>
    %select_n3A_934 = arith.select %eq3A_928, %select_n3A_896, %select_n3A_895 : vector<1024x128xi1>, vector<1024x128xi32>
    %select_n3A_935 = arith.select %eq3A_928, %select_n3A_897, %select_n3A_896 : vector<1024x128xi1>, vector<1024x128xi32>
    %select_n3A_936 = arith.select %eq3A_928, %select_n3A_898, %select_n3A_897 : vector<1024x128xi1>, vector<1024x128xi32>
    %select_n3A_937 = arith.select %eq3A_928, %select_n3A_899, %select_n3A_898 : vector<1024x128xi1>, vector<1024x128xi32>
    %reduce_min3A_938 = arith.constant dense<2147483647> : vector<1024xi32>
    %reduce_min3A_939 = vector.multi_reduction <minsi>, %select_n3A_929, %reduce_min3A_938 [1] : vector<1024x128xi32> to vector<1024xi32>
    %broadcast_in_dim3A_940 = vector.shape_cast %reduce_min3A_939 : vector<1024xi32> to vector<1024x1xi32>
    %eq3A_941 = vector.broadcast %broadcast_in_dim3A_940 : vector<1024x1xi32> to vector<1024x128xi32>
    %eq3A_942 = arith.cmpi eq, %select_n3A_929, %eq3A_941 : vector<1024x128xi32>
    %jit3A_943 = arith.constant 1073741824 : i32
    %broadcast_in_dim3A_944 = vector.broadcast %jit3A_943 : i32 to vector<1024x128xi32>
    %select_n3A_945 = arith.select %eq3A_942, %iota3A_654, %broadcast_in_dim3A_944 : vector<1024x128xi1>, vector<1024x128xi32>
    %reduce_min3A_946 = arith.constant dense<2147483647> : vector<1024xi32>
    %reduce_min3A_947 = vector.multi_reduction <minsi>, %select_n3A_945, %reduce_min3A_946 [1] : vector<1024x128xi32> to vector<1024xi32>
    %broadcast_in_dim3A_948 = vector.shape_cast %reduce_min3A_947 : vector<1024xi32> to vector<1024x1xi32>
    %and3A_949 = arith.constant 31 : i32
    %and3A_950 = vector.broadcast %and3A_949 : i32 to vector<1024x1xi32>
    %and3A_951 = arith.andi %broadcast_in_dim3A_940, %and3A_950 : vector<1024x1xi32>
    %mul3A_952 = arith.constant 128 : i32
    %mul3A_953 = vector.broadcast %mul3A_952 : i32 to vector<1024x1xi32>
    %mul3A_954 = arith.muli %and3A_951, %mul3A_953 : vector<1024x1xi32>
    %add3A_955 = arith.addi %mul3A_954, %broadcast_in_dim3A_948 : vector<1024x1xi32>
    %add3A_956 = arith.constant 8192 : i32
    %add3A_957 = vector.broadcast %add3A_956 : i32 to vector<1024x1xi32>
    %add3A_958 = arith.addi %add3A_955, %add3A_957 : vector<1024x1xi32>
    %swap3A_959 = arith.constant 0 : index
    %swap3A_960 = arith.constant 0 : index
    %swap3A_961 = arith.constant 7 : index
    %swap3A_962 = vector.load %arg3[%swap3A_959, %swap3A_960, %swap3A_961] : memref<1x1024x16xi32, #tpu.memory_space<vmem>>, vector<1x1024x1xi32>
    %swap3A_963 = vector.shape_cast %swap3A_962 : vector<1x1024x1xi32> to vector<1024x1xi32>
    %swap3A_964 = vector.shape_cast %add3A_958 : vector<1024x1xi32> to vector<1x1024x1xi32>
    tpu.vector_store %arg3[%swap3A_959, %swap3A_960, %swap3A_961], %swap3A_964 {strides = array<i32>} : memref<1x1024x16xi32, #tpu.memory_space<vmem>>, vector<1x1024x1xi32>,
    %eq3A_965 = vector.broadcast %broadcast_in_dim3A_948 : vector<1024x1xi32> to vector<1024x128xi32>
    %eq3A_966 = arith.cmpi eq, %iota3A_654, %eq3A_965 : vector<1024x128xi32>
    %select_n3A_967 = arith.select %eq3A_966, %select_n3A_930, %select_n3A_929 : vector<1024x128xi1>, vector<1024x128xi32>
    %select_n3A_968 = arith.select %eq3A_966, %select_n3A_931, %select_n3A_930 : vector<1024x128xi1>, vector<1024x128xi32>
    %select_n3A_969 = arith.select %eq3A_966, %select_n3A_932, %select_n3A_931 : vector<1024x128xi1>, vector<1024x128xi32>
    %select_n3A_970 = arith.select %eq3A_966, %select_n3A_933, %select_n3A_932 : vector<1024x128xi1>, vector<1024x128xi32>
    %select_n3A_971 = arith.select %eq3A_966, %select_n3A_934, %select_n3A_933 : vector<1024x128xi1>, vector<1024x128xi32>
    %select_n3A_972 = arith.select %eq3A_966, %select_n3A_935, %select_n3A_934 : vector<1024x128xi1>, vector<1024x128xi32>
    %select_n3A_973 = arith.select %eq3A_966, %select_n3A_936, %select_n3A_935 : vector<1024x128xi1>, vector<1024x128xi32>
    %select_n3A_974 = arith.select %eq3A_966, %select_n3A_937, %select_n3A_936 : vector<1024x128xi1>, vector<1024x128xi32>
    %reduce_min3A_975 = arith.constant dense<2147483647> : vector<1024xi32>
    %reduce_min3A_976 = vector.multi_reduction <minsi>, %select_n3A_967, %reduce_min3A_975 [1] : vector<1024x128xi32> to vector<1024xi32>
    %broadcast_in_dim3A_977 = vector.shape_cast %reduce_min3A_976 : vector<1024xi32> to vector<1024x1xi32>
    %eq3A_978 = vector.broadcast %broadcast_in_dim3A_977 : vector<1024x1xi32> to vector<1024x128xi32>
    %eq3A_979 = arith.cmpi eq, %select_n3A_967, %eq3A_978 : vector<1024x128xi32>
    %jit3A_980 = arith.constant 1073741824 : i32
    %broadcast_in_dim3A_981 = vector.broadcast %jit3A_980 : i32 to vector<1024x128xi32>
    %select_n3A_982 = arith.select %eq3A_979, %iota3A_654, %broadcast_in_dim3A_981 : vector<1024x128xi1>, vector<1024x128xi32>
    %reduce_min3A_983 = arith.constant dense<2147483647> : vector<1024xi32>
    %reduce_min3A_984 = vector.multi_reduction <minsi>, %select_n3A_982, %reduce_min3A_983 [1] : vector<1024x128xi32> to vector<1024xi32>
    %broadcast_in_dim3A_985 = vector.shape_cast %reduce_min3A_984 : vector<1024xi32> to vector<1024x1xi32>
    %and3A_986 = arith.constant 31 : i32
    %and3A_987 = vector.broadcast %and3A_986 : i32 to vector<1024x1xi32>
    %and3A_988 = arith.andi %broadcast_in_dim3A_977, %and3A_987 : vector<1024x1xi32>
    %mul3A_989 = arith.constant 128 : i32
    %mul3A_990 = vector.broadcast %mul3A_989 : i32 to vector<1024x1xi32>
    %mul3A_991 = arith.muli %and3A_988, %mul3A_990 : vector<1024x1xi32>
    %add3A_992 = arith.addi %mul3A_991, %broadcast_in_dim3A_985 : vector<1024x1xi32>
    %add3A_993 = arith.constant 8192 : i32
    %add3A_994 = vector.broadcast %add3A_993 : i32 to vector<1024x1xi32>
    %add3A_995 = arith.addi %add3A_992, %add3A_994 : vector<1024x1xi32>
    %swap3A_996 = arith.constant 0 : index
    %swap3A_997 = arith.constant 0 : index
    %swap3A_998 = arith.constant 8 : index
    %swap3A_999 = vector.load %arg3[%swap3A_996, %swap3A_997, %swap3A_998] : memref<1x1024x16xi32, #tpu.memory_space<vmem>>, vector<1x1024x1xi32>
    %swap3A_1000 = vector.shape_cast %swap3A_999 : vector<1x1024x1xi32> to vector<1024x1xi32>
    %swap3A_1001 = vector.shape_cast %add3A_995 : vector<1024x1xi32> to vector<1x1024x1xi32>
    tpu.vector_store %arg3[%swap3A_996, %swap3A_997, %swap3A_998], %swap3A_1001 {strides = array<i32>} : memref<1x1024x16xi32, #tpu.memory_space<vmem>>, vector<1x1024x1xi32>,
    %eq3A_1002 = vector.broadcast %broadcast_in_dim3A_985 : vector<1024x1xi32> to vector<1024x128xi32>
    %eq3A_1003 = arith.cmpi eq, %iota3A_654, %eq3A_1002 : vector<1024x128xi32>
    %select_n3A_1004 = arith.select %eq3A_1003, %select_n3A_968, %select_n3A_967 : vector<1024x128xi1>, vector<1024x128xi32>
    %select_n3A_1005 = arith.select %eq3A_1003, %select_n3A_969, %select_n3A_968 : vector<1024x128xi1>, vector<1024x128xi32>
    %select_n3A_1006 = arith.select %eq3A_1003, %select_n3A_970, %select_n3A_969 : vector<1024x128xi1>, vector<1024x128xi32>
    %select_n3A_1007 = arith.select %eq3A_1003, %select_n3A_971, %select_n3A_970 : vector<1024x128xi1>, vector<1024x128xi32>
    %select_n3A_1008 = arith.select %eq3A_1003, %select_n3A_972, %select_n3A_971 : vector<1024x128xi1>, vector<1024x128xi32>
    %select_n3A_1009 = arith.select %eq3A_1003, %select_n3A_973, %select_n3A_972 : vector<1024x128xi1>, vector<1024x128xi32>
    %select_n3A_1010 = arith.select %eq3A_1003, %select_n3A_974, %select_n3A_973 : vector<1024x128xi1>, vector<1024x128xi32>
    %reduce_min3A_1011 = arith.constant dense<2147483647> : vector<1024xi32>
    %reduce_min3A_1012 = vector.multi_reduction <minsi>, %select_n3A_1004, %reduce_min3A_1011 [1] : vector<1024x128xi32> to vector<1024xi32>
    %broadcast_in_dim3A_1013 = vector.shape_cast %reduce_min3A_1012 : vector<1024xi32> to vector<1024x1xi32>
    %eq3A_1014 = vector.broadcast %broadcast_in_dim3A_1013 : vector<1024x1xi32> to vector<1024x128xi32>
    %eq3A_1015 = arith.cmpi eq, %select_n3A_1004, %eq3A_1014 : vector<1024x128xi32>
    %jit3A_1016 = arith.constant 1073741824 : i32
    %broadcast_in_dim3A_1017 = vector.broadcast %jit3A_1016 : i32 to vector<1024x128xi32>
    %select_n3A_1018 = arith.select %eq3A_1015, %iota3A_654, %broadcast_in_dim3A_1017 : vector<1024x128xi1>, vector<1024x128xi32>
    %reduce_min3A_1019 = arith.constant dense<2147483647> : vector<1024xi32>
    %reduce_min3A_1020 = vector.multi_reduction <minsi>, %select_n3A_1018, %reduce_min3A_1019 [1] : vector<1024x128xi32> to vector<1024xi32>
    %broadcast_in_dim3A_1021 = vector.shape_cast %reduce_min3A_1020 : vector<1024xi32> to vector<1024x1xi32>
    %and3A_1022 = arith.constant 31 : i32
    %and3A_1023 = vector.broadcast %and3A_1022 : i32 to vector<1024x1xi32>
    %and3A_1024 = arith.andi %broadcast_in_dim3A_1013, %and3A_1023 : vector<1024x1xi32>
    %mul3A_1025 = arith.constant 128 : i32
    %mul3A_1026 = vector.broadcast %mul3A_1025 : i32 to vector<1024x1xi32>
    %mul3A_1027 = arith.muli %and3A_1024, %mul3A_1026 : vector<1024x1xi32>
    %add3A_1028 = arith.addi %mul3A_1027, %broadcast_in_dim3A_1021 : vector<1024x1xi32>
    %add3A_1029 = arith.constant 8192 : i32
    %add3A_1030 = vector.broadcast %add3A_1029 : i32 to vector<1024x1xi32>
    %add3A_1031 = arith.addi %add3A_1028, %add3A_1030 : vector<1024x1xi32>
    %swap3A_1032 = arith.constant 0 : index
    %swap3A_1033 = arith.constant 0 : index
    %swap3A_1034 = arith.constant 9 : index
    %swap3A_1035 = vector.load %arg3[%swap3A_1032, %swap3A_1033, %swap3A_1034] : memref<1x1024x16xi32, #tpu.memory_space<vmem>>, vector<1x1024x1xi32>
    %swap3A_1036 = vector.shape_cast %swap3A_1035 : vector<1x1024x1xi32> to vector<1024x1xi32>
    %swap3A_1037 = vector.shape_cast %add3A_1031 : vector<1024x1xi32> to vector<1x1024x1xi32>
    tpu.vector_store %arg3[%swap3A_1032, %swap3A_1033, %swap3A_1034], %swap3A_1037 {strides = array<i32>} : memref<1x1024x16xi32, #tpu.memory_space<vmem>>, vector<1x1024x1xi32>,
    %eq3A_1038 = vector.broadcast %broadcast_in_dim3A_1021 : vector<1024x1xi32> to vector<1024x128xi32>
    %eq3A_1039 = arith.cmpi eq, %iota3A_654, %eq3A_1038 : vector<1024x128xi32>
    %select_n3A_1040 = arith.select %eq3A_1039, %select_n3A_1005, %select_n3A_1004 : vector<1024x128xi1>, vector<1024x128xi32>
    %select_n3A_1041 = arith.select %eq3A_1039, %select_n3A_1006, %select_n3A_1005 : vector<1024x128xi1>, vector<1024x128xi32>
    %select_n3A_1042 = arith.select %eq3A_1039, %select_n3A_1007, %select_n3A_1006 : vector<1024x128xi1>, vector<1024x128xi32>
    %select_n3A_1043 = arith.select %eq3A_1039, %select_n3A_1008, %select_n3A_1007 : vector<1024x128xi1>, vector<1024x128xi32>
    %select_n3A_1044 = arith.select %eq3A_1039, %select_n3A_1009, %select_n3A_1008 : vector<1024x128xi1>, vector<1024x128xi32>
    %select_n3A_1045 = arith.select %eq3A_1039, %select_n3A_1010, %select_n3A_1009 : vector<1024x128xi1>, vector<1024x128xi32>
    %reduce_min3A_1046 = arith.constant dense<2147483647> : vector<1024xi32>
    %reduce_min3A_1047 = vector.multi_reduction <minsi>, %select_n3A_1040, %reduce_min3A_1046 [1] : vector<1024x128xi32> to vector<1024xi32>
    %broadcast_in_dim3A_1048 = vector.shape_cast %reduce_min3A_1047 : vector<1024xi32> to vector<1024x1xi32>
    %eq3A_1049 = vector.broadcast %broadcast_in_dim3A_1048 : vector<1024x1xi32> to vector<1024x128xi32>
    %eq3A_1050 = arith.cmpi eq, %select_n3A_1040, %eq3A_1049 : vector<1024x128xi32>
    %jit3A_1051 = arith.constant 1073741824 : i32
    %broadcast_in_dim3A_1052 = vector.broadcast %jit3A_1051 : i32 to vector<1024x128xi32>
    %select_n3A_1053 = arith.select %eq3A_1050, %iota3A_654, %broadcast_in_dim3A_1052 : vector<1024x128xi1>, vector<1024x128xi32>
    %reduce_min3A_1054 = arith.constant dense<2147483647> : vector<1024xi32>
    %reduce_min3A_1055 = vector.multi_reduction <minsi>, %select_n3A_1053, %reduce_min3A_1054 [1] : vector<1024x128xi32> to vector<1024xi32>
    %broadcast_in_dim3A_1056 = vector.shape_cast %reduce_min3A_1055 : vector<1024xi32> to vector<1024x1xi32>
    %and3A_1057 = arith.constant 31 : i32
    %and3A_1058 = vector.broadcast %and3A_1057 : i32 to vector<1024x1xi32>
    %and3A_1059 = arith.andi %broadcast_in_dim3A_1048, %and3A_1058 : vector<1024x1xi32>
    %mul3A_1060 = arith.constant 128 : i32
    %mul3A_1061 = vector.broadcast %mul3A_1060 : i32 to vector<1024x1xi32>
    %mul3A_1062 = arith.muli %and3A_1059, %mul3A_1061 : vector<1024x1xi32>
    %add3A_1063 = arith.addi %mul3A_1062, %broadcast_in_dim3A_1056 : vector<1024x1xi32>
    %add3A_1064 = arith.constant 8192 : i32
    %add3A_1065 = vector.broadcast %add3A_1064 : i32 to vector<1024x1xi32>
    %add3A_1066 = arith.addi %add3A_1063, %add3A_1065 : vector<1024x1xi32>
    %swap3A_1067 = arith.constant 0 : index
    %swap3A_1068 = arith.constant 0 : index
    %swap3A_1069 = arith.constant 10 : index
    %swap3A_1070 = vector.load %arg3[%swap3A_1067, %swap3A_1068, %swap3A_1069] : memref<1x1024x16xi32, #tpu.memory_space<vmem>>, vector<1x1024x1xi32>
    %swap3A_1071 = vector.shape_cast %swap3A_1070 : vector<1x1024x1xi32> to vector<1024x1xi32>
    %swap3A_1072 = vector.shape_cast %add3A_1066 : vector<1024x1xi32> to vector<1x1024x1xi32>
    tpu.vector_store %arg3[%swap3A_1067, %swap3A_1068, %swap3A_1069], %swap3A_1072 {strides = array<i32>} : memref<1x1024x16xi32, #tpu.memory_space<vmem>>, vector<1x1024x1xi32>,
    %eq3A_1073 = vector.broadcast %broadcast_in_dim3A_1056 : vector<1024x1xi32> to vector<1024x128xi32>
    %eq3A_1074 = arith.cmpi eq, %iota3A_654, %eq3A_1073 : vector<1024x128xi32>
    %select_n3A_1075 = arith.select %eq3A_1074, %select_n3A_1041, %select_n3A_1040 : vector<1024x128xi1>, vector<1024x128xi32>
    %select_n3A_1076 = arith.select %eq3A_1074, %select_n3A_1042, %select_n3A_1041 : vector<1024x128xi1>, vector<1024x128xi32>
    %select_n3A_1077 = arith.select %eq3A_1074, %select_n3A_1043, %select_n3A_1042 : vector<1024x128xi1>, vector<1024x128xi32>
    %select_n3A_1078 = arith.select %eq3A_1074, %select_n3A_1044, %select_n3A_1043 : vector<1024x128xi1>, vector<1024x128xi32>
    %select_n3A_1079 = arith.select %eq3A_1074, %select_n3A_1045, %select_n3A_1044 : vector<1024x128xi1>, vector<1024x128xi32>
    %reduce_min3A_1080 = arith.constant dense<2147483647> : vector<1024xi32>
    %reduce_min3A_1081 = vector.multi_reduction <minsi>, %select_n3A_1075, %reduce_min3A_1080 [1] : vector<1024x128xi32> to vector<1024xi32>
    %broadcast_in_dim3A_1082 = vector.shape_cast %reduce_min3A_1081 : vector<1024xi32> to vector<1024x1xi32>
    %eq3A_1083 = vector.broadcast %broadcast_in_dim3A_1082 : vector<1024x1xi32> to vector<1024x128xi32>
    %eq3A_1084 = arith.cmpi eq, %select_n3A_1075, %eq3A_1083 : vector<1024x128xi32>
    %jit3A_1085 = arith.constant 1073741824 : i32
    %broadcast_in_dim3A_1086 = vector.broadcast %jit3A_1085 : i32 to vector<1024x128xi32>
    %select_n3A_1087 = arith.select %eq3A_1084, %iota3A_654, %broadcast_in_dim3A_1086 : vector<1024x128xi1>, vector<1024x128xi32>
    %reduce_min3A_1088 = arith.constant dense<2147483647> : vector<1024xi32>
    %reduce_min3A_1089 = vector.multi_reduction <minsi>, %select_n3A_1087, %reduce_min3A_1088 [1] : vector<1024x128xi32> to vector<1024xi32>
    %broadcast_in_dim3A_1090 = vector.shape_cast %reduce_min3A_1089 : vector<1024xi32> to vector<1024x1xi32>
    %and3A_1091 = arith.constant 31 : i32
    %and3A_1092 = vector.broadcast %and3A_1091 : i32 to vector<1024x1xi32>
    %and3A_1093 = arith.andi %broadcast_in_dim3A_1082, %and3A_1092 : vector<1024x1xi32>
    %mul3A_1094 = arith.constant 128 : i32
    %mul3A_1095 = vector.broadcast %mul3A_1094 : i32 to vector<1024x1xi32>
    %mul3A_1096 = arith.muli %and3A_1093, %mul3A_1095 : vector<1024x1xi32>
    %add3A_1097 = arith.addi %mul3A_1096, %broadcast_in_dim3A_1090 : vector<1024x1xi32>
    %add3A_1098 = arith.constant 8192 : i32
    %add3A_1099 = vector.broadcast %add3A_1098 : i32 to vector<1024x1xi32>
    %add3A_1100 = arith.addi %add3A_1097, %add3A_1099 : vector<1024x1xi32>
    %swap3A_1101 = arith.constant 0 : index
    %swap3A_1102 = arith.constant 0 : index
    %swap3A_1103 = arith.constant 11 : index
    %swap3A_1104 = vector.load %arg3[%swap3A_1101, %swap3A_1102, %swap3A_1103] : memref<1x1024x16xi32, #tpu.memory_space<vmem>>, vector<1x1024x1xi32>
    %swap3A_1105 = vector.shape_cast %swap3A_1104 : vector<1x1024x1xi32> to vector<1024x1xi32>
    %swap3A_1106 = vector.shape_cast %add3A_1100 : vector<1024x1xi32> to vector<1x1024x1xi32>
    tpu.vector_store %arg3[%swap3A_1101, %swap3A_1102, %swap3A_1103], %swap3A_1106 {strides = array<i32>} : memref<1x1024x16xi32, #tpu.memory_space<vmem>>, vector<1x1024x1xi32>,
    %eq3A_1107 = vector.broadcast %broadcast_in_dim3A_1090 : vector<1024x1xi32> to vector<1024x128xi32>
    %eq3A_1108 = arith.cmpi eq, %iota3A_654, %eq3A_1107 : vector<1024x128xi32>
    %select_n3A_1109 = arith.select %eq3A_1108, %select_n3A_1076, %select_n3A_1075 : vector<1024x128xi1>, vector<1024x128xi32>
    %select_n3A_1110 = arith.select %eq3A_1108, %select_n3A_1077, %select_n3A_1076 : vector<1024x128xi1>, vector<1024x128xi32>
    %select_n3A_1111 = arith.select %eq3A_1108, %select_n3A_1078, %select_n3A_1077 : vector<1024x128xi1>, vector<1024x128xi32>
    %select_n3A_1112 = arith.select %eq3A_1108, %select_n3A_1079, %select_n3A_1078 : vector<1024x128xi1>, vector<1024x128xi32>
    %reduce_min3A_1113 = arith.constant dense<2147483647> : vector<1024xi32>
    %reduce_min3A_1114 = vector.multi_reduction <minsi>, %select_n3A_1109, %reduce_min3A_1113 [1] : vector<1024x128xi32> to vector<1024xi32>
    %broadcast_in_dim3A_1115 = vector.shape_cast %reduce_min3A_1114 : vector<1024xi32> to vector<1024x1xi32>
    %eq3A_1116 = vector.broadcast %broadcast_in_dim3A_1115 : vector<1024x1xi32> to vector<1024x128xi32>
    %eq3A_1117 = arith.cmpi eq, %select_n3A_1109, %eq3A_1116 : vector<1024x128xi32>
    %jit3A_1118 = arith.constant 1073741824 : i32
    %broadcast_in_dim3A_1119 = vector.broadcast %jit3A_1118 : i32 to vector<1024x128xi32>
    %select_n3A_1120 = arith.select %eq3A_1117, %iota3A_654, %broadcast_in_dim3A_1119 : vector<1024x128xi1>, vector<1024x128xi32>
    %reduce_min3A_1121 = arith.constant dense<2147483647> : vector<1024xi32>
    %reduce_min3A_1122 = vector.multi_reduction <minsi>, %select_n3A_1120, %reduce_min3A_1121 [1] : vector<1024x128xi32> to vector<1024xi32>
    %broadcast_in_dim3A_1123 = vector.shape_cast %reduce_min3A_1122 : vector<1024xi32> to vector<1024x1xi32>
    %and3A_1124 = arith.constant 31 : i32
    %and3A_1125 = vector.broadcast %and3A_1124 : i32 to vector<1024x1xi32>
    %and3A_1126 = arith.andi %broadcast_in_dim3A_1115, %and3A_1125 : vector<1024x1xi32>
    %mul3A_1127 = arith.constant 128 : i32
    %mul3A_1128 = vector.broadcast %mul3A_1127 : i32 to vector<1024x1xi32>
    %mul3A_1129 = arith.muli %and3A_1126, %mul3A_1128 : vector<1024x1xi32>
    %add3A_1130 = arith.addi %mul3A_1129, %broadcast_in_dim3A_1123 : vector<1024x1xi32>
    %add3A_1131 = arith.constant 8192 : i32
    %add3A_1132 = vector.broadcast %add3A_1131 : i32 to vector<1024x1xi32>
    %add3A_1133 = arith.addi %add3A_1130, %add3A_1132 : vector<1024x1xi32>
    %swap3A_1134 = arith.constant 0 : index
    %swap3A_1135 = arith.constant 0 : index
    %swap3A_1136 = arith.constant 12 : index
    %swap3A_1137 = vector.load %arg3[%swap3A_1134, %swap3A_1135, %swap3A_1136] : memref<1x1024x16xi32, #tpu.memory_space<vmem>>, vector<1x1024x1xi32>
    %swap3A_1138 = vector.shape_cast %swap3A_1137 : vector<1x1024x1xi32> to vector<1024x1xi32>
    %swap3A_1139 = vector.shape_cast %add3A_1133 : vector<1024x1xi32> to vector<1x1024x1xi32>
    tpu.vector_store %arg3[%swap3A_1134, %swap3A_1135, %swap3A_1136], %swap3A_1139 {strides = array<i32>} : memref<1x1024x16xi32, #tpu.memory_space<vmem>>, vector<1x1024x1xi32>,
    %eq3A_1140 = vector.broadcast %broadcast_in_dim3A_1123 : vector<1024x1xi32> to vector<1024x128xi32>
    %eq3A_1141 = arith.cmpi eq, %iota3A_654, %eq3A_1140 : vector<1024x128xi32>
    %select_n3A_1142 = arith.select %eq3A_1141, %select_n3A_1110, %select_n3A_1109 : vector<1024x128xi1>, vector<1024x128xi32>
    %select_n3A_1143 = arith.select %eq3A_1141, %select_n3A_1111, %select_n3A_1110 : vector<1024x128xi1>, vector<1024x128xi32>
    %select_n3A_1144 = arith.select %eq3A_1141, %select_n3A_1112, %select_n3A_1111 : vector<1024x128xi1>, vector<1024x128xi32>
    %reduce_min3A_1145 = arith.constant dense<2147483647> : vector<1024xi32>
    %reduce_min3A_1146 = vector.multi_reduction <minsi>, %select_n3A_1142, %reduce_min3A_1145 [1] : vector<1024x128xi32> to vector<1024xi32>
    %broadcast_in_dim3A_1147 = vector.shape_cast %reduce_min3A_1146 : vector<1024xi32> to vector<1024x1xi32>
    %eq3A_1148 = vector.broadcast %broadcast_in_dim3A_1147 : vector<1024x1xi32> to vector<1024x128xi32>
    %eq3A_1149 = arith.cmpi eq, %select_n3A_1142, %eq3A_1148 : vector<1024x128xi32>
    %jit3A_1150 = arith.constant 1073741824 : i32
    %broadcast_in_dim3A_1151 = vector.broadcast %jit3A_1150 : i32 to vector<1024x128xi32>
    %select_n3A_1152 = arith.select %eq3A_1149, %iota3A_654, %broadcast_in_dim3A_1151 : vector<1024x128xi1>, vector<1024x128xi32>
    %reduce_min3A_1153 = arith.constant dense<2147483647> : vector<1024xi32>
    %reduce_min3A_1154 = vector.multi_reduction <minsi>, %select_n3A_1152, %reduce_min3A_1153 [1] : vector<1024x128xi32> to vector<1024xi32>
    %broadcast_in_dim3A_1155 = vector.shape_cast %reduce_min3A_1154 : vector<1024xi32> to vector<1024x1xi32>
    %and3A_1156 = arith.constant 31 : i32
    %and3A_1157 = vector.broadcast %and3A_1156 : i32 to vector<1024x1xi32>
    %and3A_1158 = arith.andi %broadcast_in_dim3A_1147, %and3A_1157 : vector<1024x1xi32>
    %mul3A_1159 = arith.constant 128 : i32
    %mul3A_1160 = vector.broadcast %mul3A_1159 : i32 to vector<1024x1xi32>
    %mul3A_1161 = arith.muli %and3A_1158, %mul3A_1160 : vector<1024x1xi32>
    %add3A_1162 = arith.addi %mul3A_1161, %broadcast_in_dim3A_1155 : vector<1024x1xi32>
    %add3A_1163 = arith.constant 8192 : i32
    %add3A_1164 = vector.broadcast %add3A_1163 : i32 to vector<1024x1xi32>
    %add3A_1165 = arith.addi %add3A_1162, %add3A_1164 : vector<1024x1xi32>
    %swap3A_1166 = arith.constant 0 : index
    %swap3A_1167 = arith.constant 0 : index
    %swap3A_1168 = arith.constant 13 : index
    %swap3A_1169 = vector.load %arg3[%swap3A_1166, %swap3A_1167, %swap3A_1168] : memref<1x1024x16xi32, #tpu.memory_space<vmem>>, vector<1x1024x1xi32>
    %swap3A_1170 = vector.shape_cast %swap3A_1169 : vector<1x1024x1xi32> to vector<1024x1xi32>
    %swap3A_1171 = vector.shape_cast %add3A_1165 : vector<1024x1xi32> to vector<1x1024x1xi32>
    tpu.vector_store %arg3[%swap3A_1166, %swap3A_1167, %swap3A_1168], %swap3A_1171 {strides = array<i32>} : memref<1x1024x16xi32, #tpu.memory_space<vmem>>, vector<1x1024x1xi32>,
    %eq3A_1172 = vector.broadcast %broadcast_in_dim3A_1155 : vector<1024x1xi32> to vector<1024x128xi32>
    %eq3A_1173 = arith.cmpi eq, %iota3A_654, %eq3A_1172 : vector<1024x128xi32>
    %select_n3A_1174 = arith.select %eq3A_1173, %select_n3A_1143, %select_n3A_1142 : vector<1024x128xi1>, vector<1024x128xi32>
    %select_n3A_1175 = arith.select %eq3A_1173, %select_n3A_1144, %select_n3A_1143 : vector<1024x128xi1>, vector<1024x128xi32>
    %reduce_min3A_1176 = arith.constant dense<2147483647> : vector<1024xi32>
    %reduce_min3A_1177 = vector.multi_reduction <minsi>, %select_n3A_1174, %reduce_min3A_1176 [1] : vector<1024x128xi32> to vector<1024xi32>
    %broadcast_in_dim3A_1178 = vector.shape_cast %reduce_min3A_1177 : vector<1024xi32> to vector<1024x1xi32>
    %eq3A_1179 = vector.broadcast %broadcast_in_dim3A_1178 : vector<1024x1xi32> to vector<1024x128xi32>
    %eq3A_1180 = arith.cmpi eq, %select_n3A_1174, %eq3A_1179 : vector<1024x128xi32>
    %jit3A_1181 = arith.constant 1073741824 : i32
    %broadcast_in_dim3A_1182 = vector.broadcast %jit3A_1181 : i32 to vector<1024x128xi32>
    %select_n3A_1183 = arith.select %eq3A_1180, %iota3A_654, %broadcast_in_dim3A_1182 : vector<1024x128xi1>, vector<1024x128xi32>
    %reduce_min3A_1184 = arith.constant dense<2147483647> : vector<1024xi32>
    %reduce_min3A_1185 = vector.multi_reduction <minsi>, %select_n3A_1183, %reduce_min3A_1184 [1] : vector<1024x128xi32> to vector<1024xi32>
    %broadcast_in_dim3A_1186 = vector.shape_cast %reduce_min3A_1185 : vector<1024xi32> to vector<1024x1xi32>
    %and3A_1187 = arith.constant 31 : i32
    %and3A_1188 = vector.broadcast %and3A_1187 : i32 to vector<1024x1xi32>
    %and3A_1189 = arith.andi %broadcast_in_dim3A_1178, %and3A_1188 : vector<1024x1xi32>
    %mul3A_1190 = arith.constant 128 : i32
    %mul3A_1191 = vector.broadcast %mul3A_1190 : i32 to vector<1024x1xi32>
    %mul3A_1192 = arith.muli %and3A_1189, %mul3A_1191 : vector<1024x1xi32>
    %add3A_1193 = arith.addi %mul3A_1192, %broadcast_in_dim3A_1186 : vector<1024x1xi32>
    %add3A_1194 = arith.constant 8192 : i32
    %add3A_1195 = vector.broadcast %add3A_1194 : i32 to vector<1024x1xi32>
    %add3A_1196 = arith.addi %add3A_1193, %add3A_1195 : vector<1024x1xi32>
    %swap3A_1197 = arith.constant 0 : index
    %swap3A_1198 = arith.constant 0 : index
    %swap3A_1199 = arith.constant 14 : index
    %swap3A_1200 = vector.load %arg3[%swap3A_1197, %swap3A_1198, %swap3A_1199] : memref<1x1024x16xi32, #tpu.memory_space<vmem>>, vector<1x1024x1xi32>
    %swap3A_1201 = vector.shape_cast %swap3A_1200 : vector<1x1024x1xi32> to vector<1024x1xi32>
    %swap3A_1202 = vector.shape_cast %add3A_1196 : vector<1024x1xi32> to vector<1x1024x1xi32>
    tpu.vector_store %arg3[%swap3A_1197, %swap3A_1198, %swap3A_1199], %swap3A_1202 {strides = array<i32>} : memref<1x1024x16xi32, #tpu.memory_space<vmem>>, vector<1x1024x1xi32>,
    %eq3A_1203 = vector.broadcast %broadcast_in_dim3A_1186 : vector<1024x1xi32> to vector<1024x128xi32>
    %eq3A_1204 = arith.cmpi eq, %iota3A_654, %eq3A_1203 : vector<1024x128xi32>
    %select_n3A_1205 = arith.select %eq3A_1204, %select_n3A_1175, %select_n3A_1174 : vector<1024x128xi1>, vector<1024x128xi32>
    %reduce_min3A_1206 = arith.constant dense<2147483647> : vector<1024xi32>
    %reduce_min3A_1207 = vector.multi_reduction <minsi>, %select_n3A_1205, %reduce_min3A_1206 [1] : vector<1024x128xi32> to vector<1024xi32>
    %broadcast_in_dim3A_1208 = vector.shape_cast %reduce_min3A_1207 : vector<1024xi32> to vector<1024x1xi32>
    %eq3A_1209 = vector.broadcast %broadcast_in_dim3A_1208 : vector<1024x1xi32> to vector<1024x128xi32>
    %eq3A_1210 = arith.cmpi eq, %select_n3A_1205, %eq3A_1209 : vector<1024x128xi32>
    %jit3A_1211 = arith.constant 1073741824 : i32
    %broadcast_in_dim3A_1212 = vector.broadcast %jit3A_1211 : i32 to vector<1024x128xi32>
    %select_n3A_1213 = arith.select %eq3A_1210, %iota3A_654, %broadcast_in_dim3A_1212 : vector<1024x128xi1>, vector<1024x128xi32>
    %reduce_min3A_1214 = arith.constant dense<2147483647> : vector<1024xi32>
    %reduce_min3A_1215 = vector.multi_reduction <minsi>, %select_n3A_1213, %reduce_min3A_1214 [1] : vector<1024x128xi32> to vector<1024xi32>
    %broadcast_in_dim3A_1216 = vector.shape_cast %reduce_min3A_1215 : vector<1024xi32> to vector<1024x1xi32>
    %and3A_1217 = arith.constant 31 : i32
    %and3A_1218 = vector.broadcast %and3A_1217 : i32 to vector<1024x1xi32>
    %and3A_1219 = arith.andi %broadcast_in_dim3A_1208, %and3A_1218 : vector<1024x1xi32>
    %mul3A_1220 = arith.constant 128 : i32
    %mul3A_1221 = vector.broadcast %mul3A_1220 : i32 to vector<1024x1xi32>
    %mul3A_1222 = arith.muli %and3A_1219, %mul3A_1221 : vector<1024x1xi32>
    %add3A_1223 = arith.addi %mul3A_1222, %broadcast_in_dim3A_1216 : vector<1024x1xi32>
    %add3A_1224 = arith.constant 8192 : i32
    %add3A_1225 = vector.broadcast %add3A_1224 : i32 to vector<1024x1xi32>
    %add3A_1226 = arith.addi %add3A_1223, %add3A_1225 : vector<1024x1xi32>
    %swap3A_1227 = arith.constant 0 : index
    %swap3A_1228 = arith.constant 0 : index
    %swap3A_1229 = arith.constant 15 : index
    %swap3A_1230 = vector.load %arg3[%swap3A_1227, %swap3A_1228, %swap3A_1229] : memref<1x1024x16xi32, #tpu.memory_space<vmem>>, vector<1x1024x1xi32>
    %swap3A_1231 = vector.shape_cast %swap3A_1230 : vector<1x1024x1xi32> to vector<1024x1xi32>
    %swap3A_1232 = vector.shape_cast %add3A_1226 : vector<1024x1xi32> to vector<1x1024x1xi32>
    tpu.vector_store %arg3[%swap3A_1227, %swap3A_1228, %swap3A_1229], %swap3A_1232 {strides = array<i32>} : memref<1x1024x16xi32, #tpu.memory_space<vmem>>, vector<1x1024x1xi32>,
    return
  }
  func.func @transform_0(%arg0: i32) -> (i32, i32, i32) {
    %c0_i32 = arith.constant 0 : i32
    %c0_i32_0 = arith.constant 0 : i32
    %c0_i32_1 = arith.constant 0 : i32
    return %c0_i32, %arg0, %c0_i32_0 : i32, i32, i32
  }
  func.func @transform_1(%arg0: i32) -> (i32, i32, i32) {
    %c0_i32 = arith.constant 0 : i32
    %c0_i32_0 = arith.constant 0 : i32
    %c0_i32_1 = arith.constant 0 : i32
    %c0_i32_2 = arith.constant 0 : i32
    return %c0_i32, %c0_i32_0, %c0_i32_1 : i32, i32, i32
  }
  func.func @transform_2(%arg0: i32) -> (i32, i32, i32) {
    %c0_i32 = arith.constant 0 : i32
    %c0_i32_0 = arith.constant 0 : i32
    %c0_i32_1 = arith.constant 0 : i32
    return %c0_i32, %arg0, %c0_i32_0 : i32, i32, i32
  }
}

module attributes {stable_mosaic.version = 14 : i64} {
  func.func @_knn_body(%arg0: i32, %arg1: memref<1x1024x4xf32, #tpu.memory_space<vmem>>, %arg2: memref<1x4096x4xf32, #tpu.memory_space<vmem>>, %arg3: memref<1x1024x16xi32, #tpu.memory_space<vmem>>) attributes {dimension_semantics = [#tpu.dimension_semantics<arbitrary>], iteration_bounds = array<i64: 4>, scalar_prefetch = 0 : i64, scratch_operands = 0 : i64, tpu.core_type = #tpu.core_type<tc>, window_params = [{transform_indices = @transform_0, window_bounds = array<i64: 1, 1024, 4>}, {pipeline_mode = #tpu.pipeline_mode<synchronous>, transform_indices = @transform_1, window_bounds = array<i64: 1, 4096, 4>}, {transform_indices = @transform_2, window_bounds = array<i64: 1, 1024, 16>}]} {
    %iota3A = tpu.iota {dimensions = array<i32: 1>} : vector<1x4xi32>
    %lt3A = arith.constant 3 : i32
    %lt3A_0 = vector.broadcast %lt3A : i32 to vector<1x4xi32>
    %lt3A_1 = arith.cmpi slt, %iota3A, %lt3A_0 : vector<1x4xi32>
    %get3A = arith.constant 0 : index
    %get3A_2 = arith.constant 0 : index
    %get3A_3 = arith.constant 0 : index
    %get3A_4 = vector.load %arg1[%get3A, %get3A_2, %get3A_3] : memref<1x1024x4xf32, #tpu.memory_space<vmem>>, vector<1x1024x4xf32>
    %get3A_5 = vector.shape_cast %get3A_4 : vector<1x1024x4xf32> to vector<1024x4xf32>
    %jit3A = arith.constant 0.000000e+00 : f32
    %broadcast_in_dim3A = vector.shape_cast %lt3A_1 : vector<1x4xi1> to vector<1x4xi1>
    %broadcast_in_dim3A_6 = vector.broadcast %broadcast_in_dim3A : vector<1x4xi1> to vector<1024x4xi1>
    %broadcast_in_dim3A_7 = vector.broadcast %jit3A : f32 to vector<1024x4xf32>
    %select_n3A = arith.select %broadcast_in_dim3A_6, %get3A_5, %broadcast_in_dim3A_7 : vector<1024x4xi1>, vector<1024x4xf32>
    %lt3A_8 = arith.constant 3 : i32
    %lt3A_9 = vector.broadcast %lt3A_8 : i32 to vector<1x4xi32>
    %lt3A_10 = arith.cmpi slt, %iota3A, %lt3A_9 : vector<1x4xi32>
    %get3A_11 = arith.constant 0 : index
    %get3A_12 = arith.constant 0 : index
    %get3A_13 = arith.constant 0 : index
    %get3A_14 = vector.load %arg2[%get3A_11, %get3A_12, %get3A_13] : memref<1x4096x4xf32, #tpu.memory_space<vmem>>, vector<1x4096x4xf32>
    %get3A_15 = vector.shape_cast %get3A_14 : vector<1x4096x4xf32> to vector<4096x4xf32>
    %jit3A_16 = arith.constant 0.000000e+00 : f32
    %broadcast_in_dim3A_17 = vector.shape_cast %lt3A_10 : vector<1x4xi1> to vector<1x4xi1>
    %broadcast_in_dim3A_18 = vector.broadcast %broadcast_in_dim3A_17 : vector<1x4xi1> to vector<4096x4xi1>
    %broadcast_in_dim3A_19 = vector.broadcast %jit3A_16 : f32 to vector<4096x4xf32>
    %select_n3A_20 = arith.select %broadcast_in_dim3A_18, %get3A_15, %broadcast_in_dim3A_19 : vector<4096x4xi1>, vector<4096x4xf32>
    %broadcast_in_dim3A_21 = arith.constant 1.000000e+00 : f32
    %broadcast_in_dim3A_22 = vector.broadcast %broadcast_in_dim3A_21 : f32 to vector<1x4xf32>
    %mul3A = arith.mulf %select_n3A_20, %select_n3A_20 : vector<4096x4xf32>
    %dot_general3A = arith.constant dense<0.000000e+00> : vector<1x4096xf32>
    %dot_general3A_23 = tpu.matmul %broadcast_in_dim3A_22, %mul3A, %dot_general3A {dimension_numbers = #tpu.dot_dimension_numbers<[1], [1], [0], [0], [0, 0, 1, 0], [], []>, precision = #tpu.contract_precision<fp32>, transpose_lhs_hint = false} : vector<1x4xf32>, vector<4096x4xf32>, vector<1x4096xf32> -> vector<1x4096xf32>
    %dot_general3A_24 = arith.constant dense<0.000000e+00> : vector<1024x4096xf32>
    %dot_general3A_25 = tpu.matmul %select_n3A, %select_n3A_20, %dot_general3A_24 {dimension_numbers = #tpu.dot_dimension_numbers<[1], [1], [0], [0], [0, 0, 1, 0], [], []>, transpose_lhs_hint = false} : vector<1024x4xf32>, vector<4096x4xf32>, vector<1024x4096xf32> -> vector<1024x4096xf32>
    %mul3A_26 = arith.constant 2.000000e+00 : f32
    %mul3A_27 = vector.broadcast %mul3A_26 : f32 to vector<1024x4096xf32>
    %mul3A_28 = arith.mulf %mul3A_27, %dot_general3A_25 : vector<1024x4096xf32>
    %sub3A = vector.broadcast %dot_general3A_23 : vector<1x4096xf32> to vector<1024x4096xf32>
    %sub3A_29 = arith.subf %sub3A, %mul3A_28 : vector<1024x4096xf32>
    %bitcast_convert_type3A = tpu.bitcast %sub3A_29 : vector<1024x4096xf32> -> vector<1024x4096xi32>
    %shift_right_arithmetic3A = arith.constant 31 : i32
    %shift_right_arithmetic3A_30 = vector.broadcast %shift_right_arithmetic3A : i32 to vector<1024x4096xi32>
    %shift_right_arithmetic3A_31 = arith.shrsi %bitcast_convert_type3A, %shift_right_arithmetic3A_30 : vector<1024x4096xi32>
    %and3A = arith.constant 2147483647 : i32
    %and3A_32 = vector.broadcast %and3A : i32 to vector<1024x4096xi32>
    %and3A_33 = arith.andi %shift_right_arithmetic3A_31, %and3A_32 : vector<1024x4096xi32>
    %xor3A = arith.xori %bitcast_convert_type3A, %and3A_33 : vector<1024x4096xi32>
    %slice3A = vector.extract_strided_slice %xor3A {offsets = [0, 0], sizes = [1024, 128], strides = [1, 1]} : vector<1024x4096xi32> to vector<1024x128xi32>
    %and3A_34 = arith.constant -32 : i32
    %and3A_35 = vector.broadcast %and3A_34 : i32 to vector<1024x128xi32>
    %and3A_36 = arith.andi %slice3A, %and3A_35 : vector<1024x128xi32>
    %or3A = arith.constant 0 : i32
    %or3A_37 = vector.broadcast %or3A : i32 to vector<1024x128xi32>
    %or3A_38 = arith.ori %and3A_36, %or3A_37 : vector<1024x128xi32>
    %slice3A_39 = vector.extract_strided_slice %xor3A {offsets = [0, 128], sizes = [1024, 128], strides = [1, 1]} : vector<1024x4096xi32> to vector<1024x128xi32>
    %and3A_40 = arith.constant -32 : i32
    %and3A_41 = vector.broadcast %and3A_40 : i32 to vector<1024x128xi32>
    %and3A_42 = arith.andi %slice3A_39, %and3A_41 : vector<1024x128xi32>
    %or3A_43 = arith.constant 1 : i32
    %or3A_44 = vector.broadcast %or3A_43 : i32 to vector<1024x128xi32>
    %or3A_45 = arith.ori %and3A_42, %or3A_44 : vector<1024x128xi32>
    %slice3A_46 = vector.extract_strided_slice %xor3A {offsets = [0, 256], sizes = [1024, 128], strides = [1, 1]} : vector<1024x4096xi32> to vector<1024x128xi32>
    %and3A_47 = arith.constant -32 : i32
    %and3A_48 = vector.broadcast %and3A_47 : i32 to vector<1024x128xi32>
    %and3A_49 = arith.andi %slice3A_46, %and3A_48 : vector<1024x128xi32>
    %or3A_50 = arith.constant 2 : i32
    %or3A_51 = vector.broadcast %or3A_50 : i32 to vector<1024x128xi32>
    %or3A_52 = arith.ori %and3A_49, %or3A_51 : vector<1024x128xi32>
    %slice3A_53 = vector.extract_strided_slice %xor3A {offsets = [0, 384], sizes = [1024, 128], strides = [1, 1]} : vector<1024x4096xi32> to vector<1024x128xi32>
    %and3A_54 = arith.constant -32 : i32
    %and3A_55 = vector.broadcast %and3A_54 : i32 to vector<1024x128xi32>
    %and3A_56 = arith.andi %slice3A_53, %and3A_55 : vector<1024x128xi32>
    %or3A_57 = arith.constant 3 : i32
    %or3A_58 = vector.broadcast %or3A_57 : i32 to vector<1024x128xi32>
    %or3A_59 = arith.ori %and3A_56, %or3A_58 : vector<1024x128xi32>
    %slice3A_60 = vector.extract_strided_slice %xor3A {offsets = [0, 512], sizes = [1024, 128], strides = [1, 1]} : vector<1024x4096xi32> to vector<1024x128xi32>
    %and3A_61 = arith.constant -32 : i32
    %and3A_62 = vector.broadcast %and3A_61 : i32 to vector<1024x128xi32>
    %and3A_63 = arith.andi %slice3A_60, %and3A_62 : vector<1024x128xi32>
    %or3A_64 = arith.constant 4 : i32
    %or3A_65 = vector.broadcast %or3A_64 : i32 to vector<1024x128xi32>
    %or3A_66 = arith.ori %and3A_63, %or3A_65 : vector<1024x128xi32>
    %slice3A_67 = vector.extract_strided_slice %xor3A {offsets = [0, 640], sizes = [1024, 128], strides = [1, 1]} : vector<1024x4096xi32> to vector<1024x128xi32>
    %and3A_68 = arith.constant -32 : i32
    %and3A_69 = vector.broadcast %and3A_68 : i32 to vector<1024x128xi32>
    %and3A_70 = arith.andi %slice3A_67, %and3A_69 : vector<1024x128xi32>
    %or3A_71 = arith.constant 5 : i32
    %or3A_72 = vector.broadcast %or3A_71 : i32 to vector<1024x128xi32>
    %or3A_73 = arith.ori %and3A_70, %or3A_72 : vector<1024x128xi32>
    %slice3A_74 = vector.extract_strided_slice %xor3A {offsets = [0, 768], sizes = [1024, 128], strides = [1, 1]} : vector<1024x4096xi32> to vector<1024x128xi32>
    %and3A_75 = arith.constant -32 : i32
    %and3A_76 = vector.broadcast %and3A_75 : i32 to vector<1024x128xi32>
    %and3A_77 = arith.andi %slice3A_74, %and3A_76 : vector<1024x128xi32>
    %or3A_78 = arith.constant 6 : i32
    %or3A_79 = vector.broadcast %or3A_78 : i32 to vector<1024x128xi32>
    %or3A_80 = arith.ori %and3A_77, %or3A_79 : vector<1024x128xi32>
    %slice3A_81 = vector.extract_strided_slice %xor3A {offsets = [0, 896], sizes = [1024, 128], strides = [1, 1]} : vector<1024x4096xi32> to vector<1024x128xi32>
    %and3A_82 = arith.constant -32 : i32
    %and3A_83 = vector.broadcast %and3A_82 : i32 to vector<1024x128xi32>
    %and3A_84 = arith.andi %slice3A_81, %and3A_83 : vector<1024x128xi32>
    %or3A_85 = arith.constant 7 : i32
    %or3A_86 = vector.broadcast %or3A_85 : i32 to vector<1024x128xi32>
    %or3A_87 = arith.ori %and3A_84, %or3A_86 : vector<1024x128xi32>
    %slice3A_88 = vector.extract_strided_slice %xor3A {offsets = [0, 1024], sizes = [1024, 128], strides = [1, 1]} : vector<1024x4096xi32> to vector<1024x128xi32>
    %and3A_89 = arith.constant -32 : i32
    %and3A_90 = vector.broadcast %and3A_89 : i32 to vector<1024x128xi32>
    %and3A_91 = arith.andi %slice3A_88, %and3A_90 : vector<1024x128xi32>
    %or3A_92 = arith.constant 8 : i32
    %or3A_93 = vector.broadcast %or3A_92 : i32 to vector<1024x128xi32>
    %or3A_94 = arith.ori %and3A_91, %or3A_93 : vector<1024x128xi32>
    %slice3A_95 = vector.extract_strided_slice %xor3A {offsets = [0, 1152], sizes = [1024, 128], strides = [1, 1]} : vector<1024x4096xi32> to vector<1024x128xi32>
    %and3A_96 = arith.constant -32 : i32
    %and3A_97 = vector.broadcast %and3A_96 : i32 to vector<1024x128xi32>
    %and3A_98 = arith.andi %slice3A_95, %and3A_97 : vector<1024x128xi32>
    %or3A_99 = arith.constant 9 : i32
    %or3A_100 = vector.broadcast %or3A_99 : i32 to vector<1024x128xi32>
    %or3A_101 = arith.ori %and3A_98, %or3A_100 : vector<1024x128xi32>
    %slice3A_102 = vector.extract_strided_slice %xor3A {offsets = [0, 1280], sizes = [1024, 128], strides = [1, 1]} : vector<1024x4096xi32> to vector<1024x128xi32>
    %and3A_103 = arith.constant -32 : i32
    %and3A_104 = vector.broadcast %and3A_103 : i32 to vector<1024x128xi32>
    %and3A_105 = arith.andi %slice3A_102, %and3A_104 : vector<1024x128xi32>
    %or3A_106 = arith.constant 10 : i32
    %or3A_107 = vector.broadcast %or3A_106 : i32 to vector<1024x128xi32>
    %or3A_108 = arith.ori %and3A_105, %or3A_107 : vector<1024x128xi32>
    %slice3A_109 = vector.extract_strided_slice %xor3A {offsets = [0, 1408], sizes = [1024, 128], strides = [1, 1]} : vector<1024x4096xi32> to vector<1024x128xi32>
    %and3A_110 = arith.constant -32 : i32
    %and3A_111 = vector.broadcast %and3A_110 : i32 to vector<1024x128xi32>
    %and3A_112 = arith.andi %slice3A_109, %and3A_111 : vector<1024x128xi32>
    %or3A_113 = arith.constant 11 : i32
    %or3A_114 = vector.broadcast %or3A_113 : i32 to vector<1024x128xi32>
    %or3A_115 = arith.ori %and3A_112, %or3A_114 : vector<1024x128xi32>
    %slice3A_116 = vector.extract_strided_slice %xor3A {offsets = [0, 1536], sizes = [1024, 128], strides = [1, 1]} : vector<1024x4096xi32> to vector<1024x128xi32>
    %and3A_117 = arith.constant -32 : i32
    %and3A_118 = vector.broadcast %and3A_117 : i32 to vector<1024x128xi32>
    %and3A_119 = arith.andi %slice3A_116, %and3A_118 : vector<1024x128xi32>
    %or3A_120 = arith.constant 12 : i32
    %or3A_121 = vector.broadcast %or3A_120 : i32 to vector<1024x128xi32>
    %or3A_122 = arith.ori %and3A_119, %or3A_121 : vector<1024x128xi32>
    %slice3A_123 = vector.extract_strided_slice %xor3A {offsets = [0, 1664], sizes = [1024, 128], strides = [1, 1]} : vector<1024x4096xi32> to vector<1024x128xi32>
    %and3A_124 = arith.constant -32 : i32
    %and3A_125 = vector.broadcast %and3A_124 : i32 to vector<1024x128xi32>
    %and3A_126 = arith.andi %slice3A_123, %and3A_125 : vector<1024x128xi32>
    %or3A_127 = arith.constant 13 : i32
    %or3A_128 = vector.broadcast %or3A_127 : i32 to vector<1024x128xi32>
    %or3A_129 = arith.ori %and3A_126, %or3A_128 : vector<1024x128xi32>
    %slice3A_130 = vector.extract_strided_slice %xor3A {offsets = [0, 1792], sizes = [1024, 128], strides = [1, 1]} : vector<1024x4096xi32> to vector<1024x128xi32>
    %and3A_131 = arith.constant -32 : i32
    %and3A_132 = vector.broadcast %and3A_131 : i32 to vector<1024x128xi32>
    %and3A_133 = arith.andi %slice3A_130, %and3A_132 : vector<1024x128xi32>
    %or3A_134 = arith.constant 14 : i32
    %or3A_135 = vector.broadcast %or3A_134 : i32 to vector<1024x128xi32>
    %or3A_136 = arith.ori %and3A_133, %or3A_135 : vector<1024x128xi32>
    %slice3A_137 = vector.extract_strided_slice %xor3A {offsets = [0, 1920], sizes = [1024, 128], strides = [1, 1]} : vector<1024x4096xi32> to vector<1024x128xi32>
    %and3A_138 = arith.constant -32 : i32
    %and3A_139 = vector.broadcast %and3A_138 : i32 to vector<1024x128xi32>
    %and3A_140 = arith.andi %slice3A_137, %and3A_139 : vector<1024x128xi32>
    %or3A_141 = arith.constant 15 : i32
    %or3A_142 = vector.broadcast %or3A_141 : i32 to vector<1024x128xi32>
    %or3A_143 = arith.ori %and3A_140, %or3A_142 : vector<1024x128xi32>
    %slice3A_144 = vector.extract_strided_slice %xor3A {offsets = [0, 2048], sizes = [1024, 128], strides = [1, 1]} : vector<1024x4096xi32> to vector<1024x128xi32>
    %and3A_145 = arith.constant -32 : i32
    %and3A_146 = vector.broadcast %and3A_145 : i32 to vector<1024x128xi32>
    %and3A_147 = arith.andi %slice3A_144, %and3A_146 : vector<1024x128xi32>
    %or3A_148 = arith.constant 16 : i32
    %or3A_149 = vector.broadcast %or3A_148 : i32 to vector<1024x128xi32>
    %or3A_150 = arith.ori %and3A_147, %or3A_149 : vector<1024x128xi32>
    %slice3A_151 = vector.extract_strided_slice %xor3A {offsets = [0, 2176], sizes = [1024, 128], strides = [1, 1]} : vector<1024x4096xi32> to vector<1024x128xi32>
    %and3A_152 = arith.constant -32 : i32
    %and3A_153 = vector.broadcast %and3A_152 : i32 to vector<1024x128xi32>
    %and3A_154 = arith.andi %slice3A_151, %and3A_153 : vector<1024x128xi32>
    %or3A_155 = arith.constant 17 : i32
    %or3A_156 = vector.broadcast %or3A_155 : i32 to vector<1024x128xi32>
    %or3A_157 = arith.ori %and3A_154, %or3A_156 : vector<1024x128xi32>
    %slice3A_158 = vector.extract_strided_slice %xor3A {offsets = [0, 2304], sizes = [1024, 128], strides = [1, 1]} : vector<1024x4096xi32> to vector<1024x128xi32>
    %and3A_159 = arith.constant -32 : i32
    %and3A_160 = vector.broadcast %and3A_159 : i32 to vector<1024x128xi32>
    %and3A_161 = arith.andi %slice3A_158, %and3A_160 : vector<1024x128xi32>
    %or3A_162 = arith.constant 18 : i32
    %or3A_163 = vector.broadcast %or3A_162 : i32 to vector<1024x128xi32>
    %or3A_164 = arith.ori %and3A_161, %or3A_163 : vector<1024x128xi32>
    %slice3A_165 = vector.extract_strided_slice %xor3A {offsets = [0, 2432], sizes = [1024, 128], strides = [1, 1]} : vector<1024x4096xi32> to vector<1024x128xi32>
    %and3A_166 = arith.constant -32 : i32
    %and3A_167 = vector.broadcast %and3A_166 : i32 to vector<1024x128xi32>
    %and3A_168 = arith.andi %slice3A_165, %and3A_167 : vector<1024x128xi32>
    %or3A_169 = arith.constant 19 : i32
    %or3A_170 = vector.broadcast %or3A_169 : i32 to vector<1024x128xi32>
    %or3A_171 = arith.ori %and3A_168, %or3A_170 : vector<1024x128xi32>
    %slice3A_172 = vector.extract_strided_slice %xor3A {offsets = [0, 2560], sizes = [1024, 128], strides = [1, 1]} : vector<1024x4096xi32> to vector<1024x128xi32>
    %and3A_173 = arith.constant -32 : i32
    %and3A_174 = vector.broadcast %and3A_173 : i32 to vector<1024x128xi32>
    %and3A_175 = arith.andi %slice3A_172, %and3A_174 : vector<1024x128xi32>
    %or3A_176 = arith.constant 20 : i32
    %or3A_177 = vector.broadcast %or3A_176 : i32 to vector<1024x128xi32>
    %or3A_178 = arith.ori %and3A_175, %or3A_177 : vector<1024x128xi32>
    %slice3A_179 = vector.extract_strided_slice %xor3A {offsets = [0, 2688], sizes = [1024, 128], strides = [1, 1]} : vector<1024x4096xi32> to vector<1024x128xi32>
    %and3A_180 = arith.constant -32 : i32
    %and3A_181 = vector.broadcast %and3A_180 : i32 to vector<1024x128xi32>
    %and3A_182 = arith.andi %slice3A_179, %and3A_181 : vector<1024x128xi32>
    %or3A_183 = arith.constant 21 : i32
    %or3A_184 = vector.broadcast %or3A_183 : i32 to vector<1024x128xi32>
    %or3A_185 = arith.ori %and3A_182, %or3A_184 : vector<1024x128xi32>
    %slice3A_186 = vector.extract_strided_slice %xor3A {offsets = [0, 2816], sizes = [1024, 128], strides = [1, 1]} : vector<1024x4096xi32> to vector<1024x128xi32>
    %and3A_187 = arith.constant -32 : i32
    %and3A_188 = vector.broadcast %and3A_187 : i32 to vector<1024x128xi32>
    %and3A_189 = arith.andi %slice3A_186, %and3A_188 : vector<1024x128xi32>
    %or3A_190 = arith.constant 22 : i32
    %or3A_191 = vector.broadcast %or3A_190 : i32 to vector<1024x128xi32>
    %or3A_192 = arith.ori %and3A_189, %or3A_191 : vector<1024x128xi32>
    %slice3A_193 = vector.extract_strided_slice %xor3A {offsets = [0, 2944], sizes = [1024, 128], strides = [1, 1]} : vector<1024x4096xi32> to vector<1024x128xi32>
    %and3A_194 = arith.constant -32 : i32
    %and3A_195 = vector.broadcast %and3A_194 : i32 to vector<1024x128xi32>
    %and3A_196 = arith.andi %slice3A_193, %and3A_195 : vector<1024x128xi32>
    %or3A_197 = arith.constant 23 : i32
    %or3A_198 = vector.broadcast %or3A_197 : i32 to vector<1024x128xi32>
    %or3A_199 = arith.ori %and3A_196, %or3A_198 : vector<1024x128xi32>
    %slice3A_200 = vector.extract_strided_slice %xor3A {offsets = [0, 3072], sizes = [1024, 128], strides = [1, 1]} : vector<1024x4096xi32> to vector<1024x128xi32>
    %and3A_201 = arith.constant -32 : i32
    %and3A_202 = vector.broadcast %and3A_201 : i32 to vector<1024x128xi32>
    %and3A_203 = arith.andi %slice3A_200, %and3A_202 : vector<1024x128xi32>
    %or3A_204 = arith.constant 24 : i32
    %or3A_205 = vector.broadcast %or3A_204 : i32 to vector<1024x128xi32>
    %or3A_206 = arith.ori %and3A_203, %or3A_205 : vector<1024x128xi32>
    %slice3A_207 = vector.extract_strided_slice %xor3A {offsets = [0, 3200], sizes = [1024, 128], strides = [1, 1]} : vector<1024x4096xi32> to vector<1024x128xi32>
    %and3A_208 = arith.constant -32 : i32
    %and3A_209 = vector.broadcast %and3A_208 : i32 to vector<1024x128xi32>
    %and3A_210 = arith.andi %slice3A_207, %and3A_209 : vector<1024x128xi32>
    %or3A_211 = arith.constant 25 : i32
    %or3A_212 = vector.broadcast %or3A_211 : i32 to vector<1024x128xi32>
    %or3A_213 = arith.ori %and3A_210, %or3A_212 : vector<1024x128xi32>
    %slice3A_214 = vector.extract_strided_slice %xor3A {offsets = [0, 3328], sizes = [1024, 128], strides = [1, 1]} : vector<1024x4096xi32> to vector<1024x128xi32>
    %and3A_215 = arith.constant -32 : i32
    %and3A_216 = vector.broadcast %and3A_215 : i32 to vector<1024x128xi32>
    %and3A_217 = arith.andi %slice3A_214, %and3A_216 : vector<1024x128xi32>
    %or3A_218 = arith.constant 26 : i32
    %or3A_219 = vector.broadcast %or3A_218 : i32 to vector<1024x128xi32>
    %or3A_220 = arith.ori %and3A_217, %or3A_219 : vector<1024x128xi32>
    %slice3A_221 = vector.extract_strided_slice %xor3A {offsets = [0, 3456], sizes = [1024, 128], strides = [1, 1]} : vector<1024x4096xi32> to vector<1024x128xi32>
    %and3A_222 = arith.constant -32 : i32
    %and3A_223 = vector.broadcast %and3A_222 : i32 to vector<1024x128xi32>
    %and3A_224 = arith.andi %slice3A_221, %and3A_223 : vector<1024x128xi32>
    %or3A_225 = arith.constant 27 : i32
    %or3A_226 = vector.broadcast %or3A_225 : i32 to vector<1024x128xi32>
    %or3A_227 = arith.ori %and3A_224, %or3A_226 : vector<1024x128xi32>
    %slice3A_228 = vector.extract_strided_slice %xor3A {offsets = [0, 3584], sizes = [1024, 128], strides = [1, 1]} : vector<1024x4096xi32> to vector<1024x128xi32>
    %and3A_229 = arith.constant -32 : i32
    %and3A_230 = vector.broadcast %and3A_229 : i32 to vector<1024x128xi32>
    %and3A_231 = arith.andi %slice3A_228, %and3A_230 : vector<1024x128xi32>
    %or3A_232 = arith.constant 28 : i32
    %or3A_233 = vector.broadcast %or3A_232 : i32 to vector<1024x128xi32>
    %or3A_234 = arith.ori %and3A_231, %or3A_233 : vector<1024x128xi32>
    %slice3A_235 = vector.extract_strided_slice %xor3A {offsets = [0, 3712], sizes = [1024, 128], strides = [1, 1]} : vector<1024x4096xi32> to vector<1024x128xi32>
    %and3A_236 = arith.constant -32 : i32
    %and3A_237 = vector.broadcast %and3A_236 : i32 to vector<1024x128xi32>
    %and3A_238 = arith.andi %slice3A_235, %and3A_237 : vector<1024x128xi32>
    %or3A_239 = arith.constant 29 : i32
    %or3A_240 = vector.broadcast %or3A_239 : i32 to vector<1024x128xi32>
    %or3A_241 = arith.ori %and3A_238, %or3A_240 : vector<1024x128xi32>
    %slice3A_242 = vector.extract_strided_slice %xor3A {offsets = [0, 3840], sizes = [1024, 128], strides = [1, 1]} : vector<1024x4096xi32> to vector<1024x128xi32>
    %and3A_243 = arith.constant -32 : i32
    %and3A_244 = vector.broadcast %and3A_243 : i32 to vector<1024x128xi32>
    %and3A_245 = arith.andi %slice3A_242, %and3A_244 : vector<1024x128xi32>
    %or3A_246 = arith.constant 30 : i32
    %or3A_247 = vector.broadcast %or3A_246 : i32 to vector<1024x128xi32>
    %or3A_248 = arith.ori %and3A_245, %or3A_247 : vector<1024x128xi32>
    %slice3A_249 = vector.extract_strided_slice %xor3A {offsets = [0, 3968], sizes = [1024, 128], strides = [1, 1]} : vector<1024x4096xi32> to vector<1024x128xi32>
    %and3A_250 = arith.constant -32 : i32
    %and3A_251 = vector.broadcast %and3A_250 : i32 to vector<1024x128xi32>
    %and3A_252 = arith.andi %slice3A_249, %and3A_251 : vector<1024x128xi32>
    %or3A_253 = arith.constant 31 : i32
    %or3A_254 = vector.broadcast %or3A_253 : i32 to vector<1024x128xi32>
    %or3A_255 = arith.ori %and3A_252, %or3A_254 : vector<1024x128xi32>
    %min3A = arith.minsi %or3A_38, %or3A_45 : vector<1024x128xi32>
    %max3A = arith.maxsi %or3A_38, %or3A_45 : vector<1024x128xi32>
    %min3A_256 = arith.minsi %or3A_52, %or3A_59 : vector<1024x128xi32>
    %max3A_257 = arith.maxsi %or3A_52, %or3A_59 : vector<1024x128xi32>
    %min3A_258 = arith.minsi %or3A_66, %or3A_73 : vector<1024x128xi32>
    %max3A_259 = arith.maxsi %or3A_66, %or3A_73 : vector<1024x128xi32>
    %min3A_260 = arith.minsi %or3A_80, %or3A_87 : vector<1024x128xi32>
    %max3A_261 = arith.maxsi %or3A_80, %or3A_87 : vector<1024x128xi32>
    %min3A_262 = arith.minsi %or3A_94, %or3A_101 : vector<1024x128xi32>
    %max3A_263 = arith.maxsi %or3A_94, %or3A_101 : vector<1024x128xi32>
    %min3A_264 = arith.minsi %or3A_108, %or3A_115 : vector<1024x128xi32>
    %max3A_265 = arith.maxsi %or3A_108, %or3A_115 : vector<1024x128xi32>
    %min3A_266 = arith.minsi %or3A_122, %or3A_129 : vector<1024x128xi32>
    %max3A_267 = arith.maxsi %or3A_122, %or3A_129 : vector<1024x128xi32>
    %min3A_268 = arith.minsi %or3A_136, %or3A_143 : vector<1024x128xi32>
    %max3A_269 = arith.maxsi %or3A_136, %or3A_143 : vector<1024x128xi32>
    %min3A_270 = arith.minsi %min3A, %max3A_257 : vector<1024x128xi32>
    %max3A_271 = arith.maxsi %min3A, %max3A_257 : vector<1024x128xi32>
    %min3A_272 = arith.minsi %max3A, %min3A_256 : vector<1024x128xi32>
    %max3A_273 = arith.maxsi %max3A, %min3A_256 : vector<1024x128xi32>
    %min3A_274 = arith.minsi %min3A_258, %max3A_261 : vector<1024x128xi32>
    %max3A_275 = arith.maxsi %min3A_258, %max3A_261 : vector<1024x128xi32>
    %min3A_276 = arith.minsi %max3A_259, %min3A_260 : vector<1024x128xi32>
    %max3A_277 = arith.maxsi %max3A_259, %min3A_260 : vector<1024x128xi32>
    %min3A_278 = arith.minsi %min3A_262, %max3A_265 : vector<1024x128xi32>
    %max3A_279 = arith.maxsi %min3A_262, %max3A_265 : vector<1024x128xi32>
    %min3A_280 = arith.minsi %max3A_263, %min3A_264 : vector<1024x128xi32>
    %max3A_281 = arith.maxsi %max3A_263, %min3A_264 : vector<1024x128xi32>
    %min3A_282 = arith.minsi %min3A_266, %max3A_269 : vector<1024x128xi32>
    %max3A_283 = arith.maxsi %min3A_266, %max3A_269 : vector<1024x128xi32>
    %min3A_284 = arith.minsi %max3A_267, %min3A_268 : vector<1024x128xi32>
    %max3A_285 = arith.maxsi %max3A_267, %min3A_268 : vector<1024x128xi32>
    %min3A_286 = arith.minsi %min3A_270, %min3A_272 : vector<1024x128xi32>
    %max3A_287 = arith.maxsi %min3A_270, %min3A_272 : vector<1024x128xi32>
    %min3A_288 = arith.minsi %max3A_271, %max3A_273 : vector<1024x128xi32>
    %max3A_289 = arith.maxsi %max3A_271, %max3A_273 : vector<1024x128xi32>
    %min3A_290 = arith.minsi %max3A_275, %max3A_277 : vector<1024x128xi32>
    %max3A_291 = arith.maxsi %max3A_275, %max3A_277 : vector<1024x128xi32>
    %min3A_292 = arith.minsi %min3A_274, %min3A_276 : vector<1024x128xi32>
    %max3A_293 = arith.maxsi %min3A_274, %min3A_276 : vector<1024x128xi32>
    %min3A_294 = arith.minsi %min3A_278, %min3A_280 : vector<1024x128xi32>
    %max3A_295 = arith.maxsi %min3A_278, %min3A_280 : vector<1024x128xi32>
    %min3A_296 = arith.minsi %max3A_279, %max3A_281 : vector<1024x128xi32>
    %max3A_297 = arith.maxsi %max3A_279, %max3A_281 : vector<1024x128xi32>
    %min3A_298 = arith.minsi %max3A_283, %max3A_285 : vector<1024x128xi32>
    %max3A_299 = arith.maxsi %max3A_283, %max3A_285 : vector<1024x128xi32>
    %min3A_300 = arith.minsi %min3A_282, %min3A_284 : vector<1024x128xi32>
    %max3A_301 = arith.maxsi %min3A_282, %min3A_284 : vector<1024x128xi32>
    %min3A_302 = arith.minsi %min3A_286, %max3A_291 : vector<1024x128xi32>
    %max3A_303 = arith.maxsi %min3A_286, %max3A_291 : vector<1024x128xi32>
    %min3A_304 = arith.minsi %max3A_287, %min3A_290 : vector<1024x128xi32>
    %max3A_305 = arith.maxsi %max3A_287, %min3A_290 : vector<1024x128xi32>
    %min3A_306 = arith.minsi %min3A_288, %max3A_293 : vector<1024x128xi32>
    %max3A_307 = arith.maxsi %min3A_288, %max3A_293 : vector<1024x128xi32>
    %min3A_308 = arith.minsi %max3A_289, %min3A_292 : vector<1024x128xi32>
    %max3A_309 = arith.maxsi %max3A_289, %min3A_292 : vector<1024x128xi32>
    %min3A_310 = arith.minsi %min3A_294, %max3A_299 : vector<1024x128xi32>
    %max3A_311 = arith.maxsi %min3A_294, %max3A_299 : vector<1024x128xi32>
    %min3A_312 = arith.minsi %max3A_295, %min3A_298 : vector<1024x128xi32>
    %max3A_313 = arith.maxsi %max3A_295, %min3A_298 : vector<1024x128xi32>
    %min3A_314 = arith.minsi %min3A_296, %max3A_301 : vector<1024x128xi32>
    %max3A_315 = arith.maxsi %min3A_296, %max3A_301 : vector<1024x128xi32>
    %min3A_316 = arith.minsi %max3A_297, %min3A_300 : vector<1024x128xi32>
    %max3A_317 = arith.maxsi %max3A_297, %min3A_300 : vector<1024x128xi32>
    %min3A_318 = arith.minsi %min3A_302, %min3A_306 : vector<1024x128xi32>
    %max3A_319 = arith.maxsi %min3A_302, %min3A_306 : vector<1024x128xi32>
    %min3A_320 = arith.minsi %min3A_304, %min3A_308 : vector<1024x128xi32>
    %max3A_321 = arith.maxsi %min3A_304, %min3A_308 : vector<1024x128xi32>
    %min3A_322 = arith.minsi %max3A_303, %max3A_307 : vector<1024x128xi32>
    %max3A_323 = arith.maxsi %max3A_303, %max3A_307 : vector<1024x128xi32>
    %min3A_324 = arith.minsi %max3A_305, %max3A_309 : vector<1024x128xi32>
    %max3A_325 = arith.maxsi %max3A_305, %max3A_309 : vector<1024x128xi32>
    %min3A_326 = arith.minsi %max3A_311, %max3A_315 : vector<1024x128xi32>
    %max3A_327 = arith.maxsi %max3A_311, %max3A_315 : vector<1024x128xi32>
    %min3A_328 = arith.minsi %max3A_313, %max3A_317 : vector<1024x128xi32>
    %max3A_329 = arith.maxsi %max3A_313, %max3A_317 : vector<1024x128xi32>
    %min3A_330 = arith.minsi %min3A_310, %min3A_314 : vector<1024x128xi32>
    %max3A_331 = arith.maxsi %min3A_310, %min3A_314 : vector<1024x128xi32>
    %min3A_332 = arith.minsi %min3A_312, %min3A_316 : vector<1024x128xi32>
    %max3A_333 = arith.maxsi %min3A_312, %min3A_316 : vector<1024x128xi32>
    %min3A_334 = arith.minsi %min3A_318, %min3A_320 : vector<1024x128xi32>
    %max3A_335 = arith.maxsi %min3A_318, %min3A_320 : vector<1024x128xi32>
    %min3A_336 = arith.minsi %max3A_319, %max3A_321 : vector<1024x128xi32>
    %max3A_337 = arith.maxsi %max3A_319, %max3A_321 : vector<1024x128xi32>
    %min3A_338 = arith.minsi %min3A_322, %min3A_324 : vector<1024x128xi32>
    %max3A_339 = arith.maxsi %min3A_322, %min3A_324 : vector<1024x128xi32>
    %min3A_340 = arith.minsi %max3A_323, %max3A_325 : vector<1024x128xi32>
    %max3A_341 = arith.maxsi %max3A_323, %max3A_325 : vector<1024x128xi32>
    %min3A_342 = arith.minsi %max3A_327, %max3A_329 : vector<1024x128xi32>
    %max3A_343 = arith.maxsi %max3A_327, %max3A_329 : vector<1024x128xi32>
    %min3A_344 = arith.minsi %min3A_326, %min3A_328 : vector<1024x128xi32>
    %max3A_345 = arith.maxsi %min3A_326, %min3A_328 : vector<1024x128xi32>
    %min3A_346 = arith.minsi %max3A_331, %max3A_333 : vector<1024x128xi32>
    %max3A_347 = arith.maxsi %max3A_331, %max3A_333 : vector<1024x128xi32>
    %min3A_348 = arith.minsi %min3A_330, %min3A_332 : vector<1024x128xi32>
    %max3A_349 = arith.maxsi %min3A_330, %min3A_332 : vector<1024x128xi32>
    %min3A_350 = arith.minsi %min3A_334, %max3A_343 : vector<1024x128xi32>
    %max3A_351 = arith.maxsi %min3A_334, %max3A_343 : vector<1024x128xi32>
    %min3A_352 = arith.minsi %max3A_335, %min3A_342 : vector<1024x128xi32>
    %max3A_353 = arith.maxsi %max3A_335, %min3A_342 : vector<1024x128xi32>
    %min3A_354 = arith.minsi %min3A_336, %max3A_345 : vector<1024x128xi32>
    %max3A_355 = arith.maxsi %min3A_336, %max3A_345 : vector<1024x128xi32>
    %min3A_356 = arith.minsi %max3A_337, %min3A_344 : vector<1024x128xi32>
    %max3A_357 = arith.maxsi %max3A_337, %min3A_344 : vector<1024x128xi32>
    %min3A_358 = arith.minsi %min3A_338, %max3A_347 : vector<1024x128xi32>
    %max3A_359 = arith.maxsi %min3A_338, %max3A_347 : vector<1024x128xi32>
    %min3A_360 = arith.minsi %max3A_339, %min3A_346 : vector<1024x128xi32>
    %max3A_361 = arith.maxsi %max3A_339, %min3A_346 : vector<1024x128xi32>
    %min3A_362 = arith.minsi %min3A_340, %max3A_349 : vector<1024x128xi32>
    %max3A_363 = arith.maxsi %min3A_340, %max3A_349 : vector<1024x128xi32>
    %min3A_364 = arith.minsi %max3A_341, %min3A_348 : vector<1024x128xi32>
    %max3A_365 = arith.maxsi %max3A_341, %min3A_348 : vector<1024x128xi32>
    %min3A_366 = arith.minsi %min3A_350, %min3A_358 : vector<1024x128xi32>
    %max3A_367 = arith.maxsi %min3A_350, %min3A_358 : vector<1024x128xi32>
    %min3A_368 = arith.minsi %min3A_352, %min3A_360 : vector<1024x128xi32>
    %max3A_369 = arith.maxsi %min3A_352, %min3A_360 : vector<1024x128xi32>
    %min3A_370 = arith.minsi %min3A_354, %min3A_362 : vector<1024x128xi32>
    %max3A_371 = arith.maxsi %min3A_354, %min3A_362 : vector<1024x128xi32>
    %min3A_372 = arith.minsi %min3A_356, %min3A_364 : vector<1024x128xi32>
    %max3A_373 = arith.maxsi %min3A_356, %min3A_364 : vector<1024x128xi32>
    %min3A_374 = arith.minsi %max3A_351, %max3A_359 : vector<1024x128xi32>
    %max3A_375 = arith.maxsi %max3A_351, %max3A_359 : vector<1024x128xi32>
    %min3A_376 = arith.minsi %max3A_353, %max3A_361 : vector<1024x128xi32>
    %max3A_377 = arith.maxsi %max3A_353, %max3A_361 : vector<1024x128xi32>
    %min3A_378 = arith.minsi %max3A_355, %max3A_363 : vector<1024x128xi32>
    %max3A_379 = arith.maxsi %max3A_355, %max3A_363 : vector<1024x128xi32>
    %min3A_380 = arith.minsi %max3A_357, %max3A_365 : vector<1024x128xi32>
    %max3A_381 = arith.maxsi %max3A_357, %max3A_365 : vector<1024x128xi32>
    %min3A_382 = arith.minsi %min3A_366, %min3A_370 : vector<1024x128xi32>
    %max3A_383 = arith.maxsi %min3A_366, %min3A_370 : vector<1024x128xi32>
    %min3A_384 = arith.minsi %min3A_368, %min3A_372 : vector<1024x128xi32>
    %max3A_385 = arith.maxsi %min3A_368, %min3A_372 : vector<1024x128xi32>
    %min3A_386 = arith.minsi %max3A_367, %max3A_371 : vector<1024x128xi32>
    %max3A_387 = arith.maxsi %max3A_367, %max3A_371 : vector<1024x128xi32>
    %min3A_388 = arith.minsi %max3A_369, %max3A_373 : vector<1024x128xi32>
    %max3A_389 = arith.maxsi %max3A_369, %max3A_373 : vector<1024x128xi32>
    %min3A_390 = arith.minsi %min3A_374, %min3A_378 : vector<1024x128xi32>
    %max3A_391 = arith.maxsi %min3A_374, %min3A_378 : vector<1024x128xi32>
    %min3A_392 = arith.minsi %min3A_376, %min3A_380 : vector<1024x128xi32>
    %max3A_393 = arith.maxsi %min3A_376, %min3A_380 : vector<1024x128xi32>
    %min3A_394 = arith.minsi %max3A_375, %max3A_379 : vector<1024x128xi32>
    %max3A_395 = arith.maxsi %max3A_375, %max3A_379 : vector<1024x128xi32>
    %min3A_396 = arith.minsi %max3A_377, %max3A_381 : vector<1024x128xi32>
    %max3A_397 = arith.maxsi %max3A_377, %max3A_381 : vector<1024x128xi32>
    %min3A_398 = arith.minsi %min3A_382, %min3A_384 : vector<1024x128xi32>
    %max3A_399 = arith.maxsi %min3A_382, %min3A_384 : vector<1024x128xi32>
    %min3A_400 = arith.minsi %max3A_383, %max3A_385 : vector<1024x128xi32>
    %max3A_401 = arith.maxsi %max3A_383, %max3A_385 : vector<1024x128xi32>
    %min3A_402 = arith.minsi %min3A_386, %min3A_388 : vector<1024x128xi32>
    %max3A_403 = arith.maxsi %min3A_386, %min3A_388 : vector<1024x128xi32>
    %min3A_404 = arith.minsi %max3A_387, %max3A_389 : vector<1024x128xi32>
    %max3A_405 = arith.maxsi %max3A_387, %max3A_389 : vector<1024x128xi32>
    %min3A_406 = arith.minsi %min3A_390, %min3A_392 : vector<1024x128xi32>
    %max3A_407 = arith.maxsi %min3A_390, %min3A_392 : vector<1024x128xi32>
    %min3A_408 = arith.minsi %max3A_391, %max3A_393 : vector<1024x128xi32>
    %max3A_409 = arith.maxsi %max3A_391, %max3A_393 : vector<1024x128xi32>
    %min3A_410 = arith.minsi %min3A_394, %min3A_396 : vector<1024x128xi32>
    %max3A_411 = arith.maxsi %min3A_394, %min3A_396 : vector<1024x128xi32>
    %min3A_412 = arith.minsi %max3A_395, %max3A_397 : vector<1024x128xi32>
    %max3A_413 = arith.maxsi %max3A_395, %max3A_397 : vector<1024x128xi32>
    %min3A_414 = arith.minsi %or3A_150, %or3A_157 : vector<1024x128xi32>
    %max3A_415 = arith.maxsi %or3A_150, %or3A_157 : vector<1024x128xi32>
    %min3A_416 = arith.minsi %or3A_164, %or3A_171 : vector<1024x128xi32>
    %max3A_417 = arith.maxsi %or3A_164, %or3A_171 : vector<1024x128xi32>
    %min3A_418 = arith.minsi %or3A_178, %or3A_185 : vector<1024x128xi32>
    %max3A_419 = arith.maxsi %or3A_178, %or3A_185 : vector<1024x128xi32>
    %min3A_420 = arith.minsi %or3A_192, %or3A_199 : vector<1024x128xi32>
    %max3A_421 = arith.maxsi %or3A_192, %or3A_199 : vector<1024x128xi32>
    %min3A_422 = arith.minsi %or3A_206, %or3A_213 : vector<1024x128xi32>
    %max3A_423 = arith.maxsi %or3A_206, %or3A_213 : vector<1024x128xi32>
    %min3A_424 = arith.minsi %or3A_220, %or3A_227 : vector<1024x128xi32>
    %max3A_425 = arith.maxsi %or3A_220, %or3A_227 : vector<1024x128xi32>
    %min3A_426 = arith.minsi %or3A_234, %or3A_241 : vector<1024x128xi32>
    %max3A_427 = arith.maxsi %or3A_234, %or3A_241 : vector<1024x128xi32>
    %min3A_428 = arith.minsi %or3A_248, %or3A_255 : vector<1024x128xi32>
    %max3A_429 = arith.maxsi %or3A_248, %or3A_255 : vector<1024x128xi32>
    %min3A_430 = arith.minsi %min3A_414, %max3A_417 : vector<1024x128xi32>
    %max3A_431 = arith.maxsi %min3A_414, %max3A_417 : vector<1024x128xi32>
    %min3A_432 = arith.minsi %max3A_415, %min3A_416 : vector<1024x128xi32>
    %max3A_433 = arith.maxsi %max3A_415, %min3A_416 : vector<1024x128xi32>
    %min3A_434 = arith.minsi %min3A_418, %max3A_421 : vector<1024x128xi32>
    %max3A_435 = arith.maxsi %min3A_418, %max3A_421 : vector<1024x128xi32>
    %min3A_436 = arith.minsi %max3A_419, %min3A_420 : vector<1024x128xi32>
    %max3A_437 = arith.maxsi %max3A_419, %min3A_420 : vector<1024x128xi32>
    %min3A_438 = arith.minsi %min3A_422, %max3A_425 : vector<1024x128xi32>
    %max3A_439 = arith.maxsi %min3A_422, %max3A_425 : vector<1024x128xi32>
    %min3A_440 = arith.minsi %max3A_423, %min3A_424 : vector<1024x128xi32>
    %max3A_441 = arith.maxsi %max3A_423, %min3A_424 : vector<1024x128xi32>
    %min3A_442 = arith.minsi %min3A_426, %max3A_429 : vector<1024x128xi32>
    %max3A_443 = arith.maxsi %min3A_426, %max3A_429 : vector<1024x128xi32>
    %min3A_444 = arith.minsi %max3A_427, %min3A_428 : vector<1024x128xi32>
    %max3A_445 = arith.maxsi %max3A_427, %min3A_428 : vector<1024x128xi32>
    %min3A_446 = arith.minsi %min3A_430, %min3A_432 : vector<1024x128xi32>
    %max3A_447 = arith.maxsi %min3A_430, %min3A_432 : vector<1024x128xi32>
    %min3A_448 = arith.minsi %max3A_431, %max3A_433 : vector<1024x128xi32>
    %max3A_449 = arith.maxsi %max3A_431, %max3A_433 : vector<1024x128xi32>
    %min3A_450 = arith.minsi %max3A_435, %max3A_437 : vector<1024x128xi32>
    %max3A_451 = arith.maxsi %max3A_435, %max3A_437 : vector<1024x128xi32>
    %min3A_452 = arith.minsi %min3A_434, %min3A_436 : vector<1024x128xi32>
    %max3A_453 = arith.maxsi %min3A_434, %min3A_436 : vector<1024x128xi32>
    %min3A_454 = arith.minsi %min3A_438, %min3A_440 : vector<1024x128xi32>
    %max3A_455 = arith.maxsi %min3A_438, %min3A_440 : vector<1024x128xi32>
    %min3A_456 = arith.minsi %max3A_439, %max3A_441 : vector<1024x128xi32>
    %max3A_457 = arith.maxsi %max3A_439, %max3A_441 : vector<1024x128xi32>
    %min3A_458 = arith.minsi %max3A_443, %max3A_445 : vector<1024x128xi32>
    %max3A_459 = arith.maxsi %max3A_443, %max3A_445 : vector<1024x128xi32>
    %min3A_460 = arith.minsi %min3A_442, %min3A_444 : vector<1024x128xi32>
    %max3A_461 = arith.maxsi %min3A_442, %min3A_444 : vector<1024x128xi32>
    %min3A_462 = arith.minsi %min3A_446, %max3A_451 : vector<1024x128xi32>
    %max3A_463 = arith.maxsi %min3A_446, %max3A_451 : vector<1024x128xi32>
    %min3A_464 = arith.minsi %max3A_447, %min3A_450 : vector<1024x128xi32>
    %max3A_465 = arith.maxsi %max3A_447, %min3A_450 : vector<1024x128xi32>
    %min3A_466 = arith.minsi %min3A_448, %max3A_453 : vector<1024x128xi32>
    %max3A_467 = arith.maxsi %min3A_448, %max3A_453 : vector<1024x128xi32>
    %min3A_468 = arith.minsi %max3A_449, %min3A_452 : vector<1024x128xi32>
    %max3A_469 = arith.maxsi %max3A_449, %min3A_452 : vector<1024x128xi32>
    %min3A_470 = arith.minsi %min3A_454, %max3A_459 : vector<1024x128xi32>
    %max3A_471 = arith.maxsi %min3A_454, %max3A_459 : vector<1024x128xi32>
    %min3A_472 = arith.minsi %max3A_455, %min3A_458 : vector<1024x128xi32>
    %max3A_473 = arith.maxsi %max3A_455, %min3A_458 : vector<1024x128xi32>
    %min3A_474 = arith.minsi %min3A_456, %max3A_461 : vector<1024x128xi32>
    %max3A_475 = arith.maxsi %min3A_456, %max3A_461 : vector<1024x128xi32>
    %min3A_476 = arith.minsi %max3A_457, %min3A_460 : vector<1024x128xi32>
    %max3A_477 = arith.maxsi %max3A_457, %min3A_460 : vector<1024x128xi32>
    %min3A_478 = arith.minsi %min3A_462, %min3A_466 : vector<1024x128xi32>
    %max3A_479 = arith.maxsi %min3A_462, %min3A_466 : vector<1024x128xi32>
    %min3A_480 = arith.minsi %min3A_464, %min3A_468 : vector<1024x128xi32>
    %max3A_481 = arith.maxsi %min3A_464, %min3A_468 : vector<1024x128xi32>
    %min3A_482 = arith.minsi %max3A_463, %max3A_467 : vector<1024x128xi32>
    %max3A_483 = arith.maxsi %max3A_463, %max3A_467 : vector<1024x128xi32>
    %min3A_484 = arith.minsi %max3A_465, %max3A_469 : vector<1024x128xi32>
    %max3A_485 = arith.maxsi %max3A_465, %max3A_469 : vector<1024x128xi32>
    %min3A_486 = arith.minsi %max3A_471, %max3A_475 : vector<1024x128xi32>
    %max3A_487 = arith.maxsi %max3A_471, %max3A_475 : vector<1024x128xi32>
    %min3A_488 = arith.minsi %max3A_473, %max3A_477 : vector<1024x128xi32>
    %max3A_489 = arith.maxsi %max3A_473, %max3A_477 : vector<1024x128xi32>
    %min3A_490 = arith.minsi %min3A_470, %min3A_474 : vector<1024x128xi32>
    %max3A_491 = arith.maxsi %min3A_470, %min3A_474 : vector<1024x128xi32>
    %min3A_492 = arith.minsi %min3A_472, %min3A_476 : vector<1024x128xi32>
    %max3A_493 = arith.maxsi %min3A_472, %min3A_476 : vector<1024x128xi32>
    %min3A_494 = arith.minsi %min3A_478, %min3A_480 : vector<1024x128xi32>
    %max3A_495 = arith.maxsi %min3A_478, %min3A_480 : vector<1024x128xi32>
    %min3A_496 = arith.minsi %max3A_479, %max3A_481 : vector<1024x128xi32>
    %max3A_497 = arith.maxsi %max3A_479, %max3A_481 : vector<1024x128xi32>
    %min3A_498 = arith.minsi %min3A_482, %min3A_484 : vector<1024x128xi32>
    %max3A_499 = arith.maxsi %min3A_482, %min3A_484 : vector<1024x128xi32>
    %min3A_500 = arith.minsi %max3A_483, %max3A_485 : vector<1024x128xi32>
    %max3A_501 = arith.maxsi %max3A_483, %max3A_485 : vector<1024x128xi32>
    %min3A_502 = arith.minsi %max3A_487, %max3A_489 : vector<1024x128xi32>
    %max3A_503 = arith.maxsi %max3A_487, %max3A_489 : vector<1024x128xi32>
    %min3A_504 = arith.minsi %min3A_486, %min3A_488 : vector<1024x128xi32>
    %max3A_505 = arith.maxsi %min3A_486, %min3A_488 : vector<1024x128xi32>
    %min3A_506 = arith.minsi %max3A_491, %max3A_493 : vector<1024x128xi32>
    %max3A_507 = arith.maxsi %max3A_491, %max3A_493 : vector<1024x128xi32>
    %min3A_508 = arith.minsi %min3A_490, %min3A_492 : vector<1024x128xi32>
    %max3A_509 = arith.maxsi %min3A_490, %min3A_492 : vector<1024x128xi32>
    %min3A_510 = arith.minsi %min3A_494, %max3A_503 : vector<1024x128xi32>
    %max3A_511 = arith.maxsi %min3A_494, %max3A_503 : vector<1024x128xi32>
    %min3A_512 = arith.minsi %max3A_495, %min3A_502 : vector<1024x128xi32>
    %max3A_513 = arith.maxsi %max3A_495, %min3A_502 : vector<1024x128xi32>
    %min3A_514 = arith.minsi %min3A_496, %max3A_505 : vector<1024x128xi32>
    %max3A_515 = arith.maxsi %min3A_496, %max3A_505 : vector<1024x128xi32>
    %min3A_516 = arith.minsi %max3A_497, %min3A_504 : vector<1024x128xi32>
    %max3A_517 = arith.maxsi %max3A_497, %min3A_504 : vector<1024x128xi32>
    %min3A_518 = arith.minsi %min3A_498, %max3A_507 : vector<1024x128xi32>
    %max3A_519 = arith.maxsi %min3A_498, %max3A_507 : vector<1024x128xi32>
    %min3A_520 = arith.minsi %max3A_499, %min3A_506 : vector<1024x128xi32>
    %max3A_521 = arith.maxsi %max3A_499, %min3A_506 : vector<1024x128xi32>
    %min3A_522 = arith.minsi %min3A_500, %max3A_509 : vector<1024x128xi32>
    %max3A_523 = arith.maxsi %min3A_500, %max3A_509 : vector<1024x128xi32>
    %min3A_524 = arith.minsi %max3A_501, %min3A_508 : vector<1024x128xi32>
    %max3A_525 = arith.maxsi %max3A_501, %min3A_508 : vector<1024x128xi32>
    %min3A_526 = arith.minsi %min3A_510, %min3A_518 : vector<1024x128xi32>
    %max3A_527 = arith.maxsi %min3A_510, %min3A_518 : vector<1024x128xi32>
    %min3A_528 = arith.minsi %min3A_512, %min3A_520 : vector<1024x128xi32>
    %max3A_529 = arith.maxsi %min3A_512, %min3A_520 : vector<1024x128xi32>
    %min3A_530 = arith.minsi %min3A_514, %min3A_522 : vector<1024x128xi32>
    %max3A_531 = arith.maxsi %min3A_514, %min3A_522 : vector<1024x128xi32>
    %min3A_532 = arith.minsi %min3A_516, %min3A_524 : vector<1024x128xi32>
    %max3A_533 = arith.maxsi %min3A_516, %min3A_524 : vector<1024x128xi32>
    %min3A_534 = arith.minsi %max3A_511, %max3A_519 : vector<1024x128xi32>
    %max3A_535 = arith.maxsi %max3A_511, %max3A_519 : vector<1024x128xi32>
    %min3A_536 = arith.minsi %max3A_513, %max3A_521 : vector<1024x128xi32>
    %max3A_537 = arith.maxsi %max3A_513, %max3A_521 : vector<1024x128xi32>
    %min3A_538 = arith.minsi %max3A_515, %max3A_523 : vector<1024x128xi32>
    %max3A_539 = arith.maxsi %max3A_515, %max3A_523 : vector<1024x128xi32>
    %min3A_540 = arith.minsi %max3A_517, %max3A_525 : vector<1024x128xi32>
    %max3A_541 = arith.maxsi %max3A_517, %max3A_525 : vector<1024x128xi32>
    %min3A_542 = arith.minsi %min3A_526, %min3A_530 : vector<1024x128xi32>
    %max3A_543 = arith.maxsi %min3A_526, %min3A_530 : vector<1024x128xi32>
    %min3A_544 = arith.minsi %min3A_528, %min3A_532 : vector<1024x128xi32>
    %max3A_545 = arith.maxsi %min3A_528, %min3A_532 : vector<1024x128xi32>
    %min3A_546 = arith.minsi %max3A_527, %max3A_531 : vector<1024x128xi32>
    %max3A_547 = arith.maxsi %max3A_527, %max3A_531 : vector<1024x128xi32>
    %min3A_548 = arith.minsi %max3A_529, %max3A_533 : vector<1024x128xi32>
    %max3A_549 = arith.maxsi %max3A_529, %max3A_533 : vector<1024x128xi32>
    %min3A_550 = arith.minsi %min3A_534, %min3A_538 : vector<1024x128xi32>
    %max3A_551 = arith.maxsi %min3A_534, %min3A_538 : vector<1024x128xi32>
    %min3A_552 = arith.minsi %min3A_536, %min3A_540 : vector<1024x128xi32>
    %max3A_553 = arith.maxsi %min3A_536, %min3A_540 : vector<1024x128xi32>
    %min3A_554 = arith.minsi %max3A_535, %max3A_539 : vector<1024x128xi32>
    %max3A_555 = arith.maxsi %max3A_535, %max3A_539 : vector<1024x128xi32>
    %min3A_556 = arith.minsi %max3A_537, %max3A_541 : vector<1024x128xi32>
    %max3A_557 = arith.maxsi %max3A_537, %max3A_541 : vector<1024x128xi32>
    %min3A_558 = arith.minsi %min3A_542, %min3A_544 : vector<1024x128xi32>
    %max3A_559 = arith.maxsi %min3A_542, %min3A_544 : vector<1024x128xi32>
    %min3A_560 = arith.minsi %max3A_543, %max3A_545 : vector<1024x128xi32>
    %max3A_561 = arith.maxsi %max3A_543, %max3A_545 : vector<1024x128xi32>
    %min3A_562 = arith.minsi %min3A_546, %min3A_548 : vector<1024x128xi32>
    %max3A_563 = arith.maxsi %min3A_546, %min3A_548 : vector<1024x128xi32>
    %min3A_564 = arith.minsi %max3A_547, %max3A_549 : vector<1024x128xi32>
    %max3A_565 = arith.maxsi %max3A_547, %max3A_549 : vector<1024x128xi32>
    %min3A_566 = arith.minsi %min3A_550, %min3A_552 : vector<1024x128xi32>
    %max3A_567 = arith.maxsi %min3A_550, %min3A_552 : vector<1024x128xi32>
    %min3A_568 = arith.minsi %max3A_551, %max3A_553 : vector<1024x128xi32>
    %max3A_569 = arith.maxsi %max3A_551, %max3A_553 : vector<1024x128xi32>
    %min3A_570 = arith.minsi %min3A_554, %min3A_556 : vector<1024x128xi32>
    %max3A_571 = arith.maxsi %min3A_554, %min3A_556 : vector<1024x128xi32>
    %min3A_572 = arith.minsi %max3A_555, %max3A_557 : vector<1024x128xi32>
    %max3A_573 = arith.maxsi %max3A_555, %max3A_557 : vector<1024x128xi32>
    %min3A_574 = arith.minsi %min3A_398, %max3A_573 : vector<1024x128xi32>
    %min3A_575 = arith.minsi %max3A_399, %min3A_572 : vector<1024x128xi32>
    %min3A_576 = arith.minsi %min3A_400, %max3A_571 : vector<1024x128xi32>
    %min3A_577 = arith.minsi %max3A_401, %min3A_570 : vector<1024x128xi32>
    %min3A_578 = arith.minsi %min3A_402, %max3A_569 : vector<1024x128xi32>
    %min3A_579 = arith.minsi %max3A_403, %min3A_568 : vector<1024x128xi32>
    %min3A_580 = arith.minsi %min3A_404, %max3A_567 : vector<1024x128xi32>
    %min3A_581 = arith.minsi %max3A_405, %min3A_566 : vector<1024x128xi32>
    %min3A_582 = arith.minsi %min3A_406, %max3A_565 : vector<1024x128xi32>
    %min3A_583 = arith.minsi %max3A_407, %min3A_564 : vector<1024x128xi32>
    %min3A_584 = arith.minsi %min3A_408, %max3A_563 : vector<1024x128xi32>
    %min3A_585 = arith.minsi %max3A_409, %min3A_562 : vector<1024x128xi32>
    %min3A_586 = arith.minsi %min3A_410, %max3A_561 : vector<1024x128xi32>
    %min3A_587 = arith.minsi %max3A_411, %min3A_560 : vector<1024x128xi32>
    %min3A_588 = arith.minsi %min3A_412, %max3A_559 : vector<1024x128xi32>
    %min3A_589 = arith.minsi %max3A_413, %min3A_558 : vector<1024x128xi32>
    %min3A_590 = arith.minsi %min3A_574, %min3A_582 : vector<1024x128xi32>
    %max3A_591 = arith.maxsi %min3A_574, %min3A_582 : vector<1024x128xi32>
    %min3A_592 = arith.minsi %min3A_575, %min3A_583 : vector<1024x128xi32>
    %max3A_593 = arith.maxsi %min3A_575, %min3A_583 : vector<1024x128xi32>
    %min3A_594 = arith.minsi %min3A_576, %min3A_584 : vector<1024x128xi32>
    %max3A_595 = arith.maxsi %min3A_576, %min3A_584 : vector<1024x128xi32>
    %min3A_596 = arith.minsi %min3A_577, %min3A_585 : vector<1024x128xi32>
    %max3A_597 = arith.maxsi %min3A_577, %min3A_585 : vector<1024x128xi32>
    %min3A_598 = arith.minsi %min3A_578, %min3A_586 : vector<1024x128xi32>
    %max3A_599 = arith.maxsi %min3A_578, %min3A_586 : vector<1024x128xi32>
    %min3A_600 = arith.minsi %min3A_579, %min3A_587 : vector<1024x128xi32>
    %max3A_601 = arith.maxsi %min3A_579, %min3A_587 : vector<1024x128xi32>
    %min3A_602 = arith.minsi %min3A_580, %min3A_588 : vector<1024x128xi32>
    %max3A_603 = arith.maxsi %min3A_580, %min3A_588 : vector<1024x128xi32>
    %min3A_604 = arith.minsi %min3A_581, %min3A_589 : vector<1024x128xi32>
    %max3A_605 = arith.maxsi %min3A_581, %min3A_589 : vector<1024x128xi32>
    %min3A_606 = arith.minsi %min3A_590, %min3A_598 : vector<1024x128xi32>
    %max3A_607 = arith.maxsi %min3A_590, %min3A_598 : vector<1024x128xi32>
    %min3A_608 = arith.minsi %min3A_592, %min3A_600 : vector<1024x128xi32>
    %max3A_609 = arith.maxsi %min3A_592, %min3A_600 : vector<1024x128xi32>
    %min3A_610 = arith.minsi %min3A_594, %min3A_602 : vector<1024x128xi32>
    %max3A_611 = arith.maxsi %min3A_594, %min3A_602 : vector<1024x128xi32>
    %min3A_612 = arith.minsi %min3A_596, %min3A_604 : vector<1024x128xi32>
    %max3A_613 = arith.maxsi %min3A_596, %min3A_604 : vector<1024x128xi32>
    %min3A_614 = arith.minsi %max3A_591, %max3A_599 : vector<1024x128xi32>
    %max3A_615 = arith.maxsi %max3A_591, %max3A_599 : vector<1024x128xi32>
    %min3A_616 = arith.minsi %max3A_593, %max3A_601 : vector<1024x128xi32>
    %max3A_617 = arith.maxsi %max3A_593, %max3A_601 : vector<1024x128xi32>
    %min3A_618 = arith.minsi %max3A_595, %max3A_603 : vector<1024x128xi32>
    %max3A_619 = arith.maxsi %max3A_595, %max3A_603 : vector<1024x128xi32>
    %min3A_620 = arith.minsi %max3A_597, %max3A_605 : vector<1024x128xi32>
    %max3A_621 = arith.maxsi %max3A_597, %max3A_605 : vector<1024x128xi32>
    %min3A_622 = arith.minsi %min3A_606, %min3A_610 : vector<1024x128xi32>
    %max3A_623 = arith.maxsi %min3A_606, %min3A_610 : vector<1024x128xi32>
    %min3A_624 = arith.minsi %min3A_608, %min3A_612 : vector<1024x128xi32>
    %max3A_625 = arith.maxsi %min3A_608, %min3A_612 : vector<1024x128xi32>
    %min3A_626 = arith.minsi %max3A_607, %max3A_611 : vector<1024x128xi32>
    %max3A_627 = arith.maxsi %max3A_607, %max3A_611 : vector<1024x128xi32>
    %min3A_628 = arith.minsi %max3A_609, %max3A_613 : vector<1024x128xi32>
    %max3A_629 = arith.maxsi %max3A_609, %max3A_613 : vector<1024x128xi32>
    %min3A_630 = arith.minsi %min3A_614, %min3A_618 : vector<1024x128xi32>
    %max3A_631 = arith.maxsi %min3A_614, %min3A_618 : vector<1024x128xi32>
    %min3A_632 = arith.minsi %min3A_616, %min3A_620 : vector<1024x128xi32>
    %max3A_633 = arith.maxsi %min3A_616, %min3A_620 : vector<1024x128xi32>
    %min3A_634 = arith.minsi %max3A_615, %max3A_619 : vector<1024x128xi32>
    %max3A_635 = arith.maxsi %max3A_615, %max3A_619 : vector<1024x128xi32>
    %min3A_636 = arith.minsi %max3A_617, %max3A_621 : vector<1024x128xi32>
    %max3A_637 = arith.maxsi %max3A_617, %max3A_621 : vector<1024x128xi32>
    %min3A_638 = arith.minsi %min3A_622, %min3A_624 : vector<1024x128xi32>
    %max3A_639 = arith.maxsi %min3A_622, %min3A_624 : vector<1024x128xi32>
    %min3A_640 = arith.minsi %max3A_623, %max3A_625 : vector<1024x128xi32>
    %max3A_641 = arith.maxsi %max3A_623, %max3A_625 : vector<1024x128xi32>
    %min3A_642 = arith.minsi %min3A_626, %min3A_628 : vector<1024x128xi32>
    %max3A_643 = arith.maxsi %min3A_626, %min3A_628 : vector<1024x128xi32>
    %min3A_644 = arith.minsi %max3A_627, %max3A_629 : vector<1024x128xi32>
    %max3A_645 = arith.maxsi %max3A_627, %max3A_629 : vector<1024x128xi32>
    %min3A_646 = arith.minsi %min3A_630, %min3A_632 : vector<1024x128xi32>
    %max3A_647 = arith.maxsi %min3A_630, %min3A_632 : vector<1024x128xi32>
    %min3A_648 = arith.minsi %max3A_631, %max3A_633 : vector<1024x128xi32>
    %max3A_649 = arith.maxsi %max3A_631, %max3A_633 : vector<1024x128xi32>
    %min3A_650 = arith.minsi %min3A_634, %min3A_636 : vector<1024x128xi32>
    %max3A_651 = arith.maxsi %min3A_634, %min3A_636 : vector<1024x128xi32>
    %min3A_652 = arith.minsi %max3A_635, %max3A_637 : vector<1024x128xi32>
    %max3A_653 = arith.maxsi %max3A_635, %max3A_637 : vector<1024x128xi32>
    %iota3A_654 = tpu.iota {dimensions = array<i32: 1>} : vector<1024x128xi32>
    %reduce_min3A = arith.constant dense<2147483647> : vector<1024xi32>
    %reduce_min3A_655 = vector.multi_reduction <minsi>, %min3A_638, %reduce_min3A [1] : vector<1024x128xi32> to vector<1024xi32>
    %broadcast_in_dim3A_656 = vector.shape_cast %reduce_min3A_655 : vector<1024xi32> to vector<1024x1xi32>
    %eq3A = vector.broadcast %broadcast_in_dim3A_656 : vector<1024x1xi32> to vector<1024x128xi32>
    %eq3A_657 = arith.cmpi eq, %min3A_638, %eq3A : vector<1024x128xi32>
    %jit3A_658 = arith.constant 1073741824 : i32
    %broadcast_in_dim3A_659 = vector.broadcast %jit3A_658 : i32 to vector<1024x128xi32>
    %select_n3A_660 = arith.select %eq3A_657, %iota3A_654, %broadcast_in_dim3A_659 : vector<1024x128xi1>, vector<1024x128xi32>
    %reduce_min3A_661 = arith.constant dense<2147483647> : vector<1024xi32>
    %reduce_min3A_662 = vector.multi_reduction <minsi>, %select_n3A_660, %reduce_min3A_661 [1] : vector<1024x128xi32> to vector<1024xi32>
    %broadcast_in_dim3A_663 = vector.shape_cast %reduce_min3A_662 : vector<1024xi32> to vector<1024x1xi32>
    %and3A_664 = arith.constant 31 : i32
    %and3A_665 = vector.broadcast %and3A_664 : i32 to vector<1024x1xi32>
    %and3A_666 = arith.andi %broadcast_in_dim3A_656, %and3A_665 : vector<1024x1xi32>
    %mul3A_667 = arith.constant 128 : i32
    %mul3A_668 = vector.broadcast %mul3A_667 : i32 to vector<1024x1xi32>
    %mul3A_669 = arith.muli %and3A_666, %mul3A_668 : vector<1024x1xi32>
    %add3A = arith.addi %mul3A_669, %broadcast_in_dim3A_663 : vector<1024x1xi32>
    %add3A_670 = arith.constant 4096 : i32
    %add3A_671 = vector.broadcast %add3A_670 : i32 to vector<1024x1xi32>
    %add3A_672 = arith.addi %add3A, %add3A_671 : vector<1024x1xi32>
    %swap3A = arith.constant 0 : index
    %swap3A_673 = arith.constant 0 : index
    %swap3A_674 = arith.constant 0 : index
    %swap3A_675 = vector.load %arg3[%swap3A, %swap3A_673, %swap3A_674] : memref<1x1024x16xi32, #tpu.memory_space<vmem>>, vector<1x1024x1xi32>
    %swap3A_676 = vector.shape_cast %swap3A_675 : vector<1x1024x1xi32> to vector<1024x1xi32>
    %swap3A_677 = vector.shape_cast %add3A_672 : vector<1024x1xi32> to vector<1x1024x1xi32>
    tpu.vector_store %arg3[%swap3A, %swap3A_673, %swap3A_674], %swap3A_677 {strides = array<i32>} : memref<1x1024x16xi32, #tpu.memory_space<vmem>>, vector<1x1024x1xi32>,
    %eq3A_678 = vector.broadcast %broadcast_in_dim3A_663 : vector<1024x1xi32> to vector<1024x128xi32>
    %eq3A_679 = arith.cmpi eq, %iota3A_654, %eq3A_678 : vector<1024x128xi32>
    %select_n3A_680 = arith.select %eq3A_679, %max3A_639, %min3A_638 : vector<1024x128xi1>, vector<1024x128xi32>
    %select_n3A_681 = arith.select %eq3A_679, %min3A_640, %max3A_639 : vector<1024x128xi1>, vector<1024x128xi32>
    %select_n3A_682 = arith.select %eq3A_679, %max3A_641, %min3A_640 : vector<1024x128xi1>, vector<1024x128xi32>
    %select_n3A_683 = arith.select %eq3A_679, %min3A_642, %max3A_641 : vector<1024x128xi1>, vector<1024x128xi32>
    %select_n3A_684 = arith.select %eq3A_679, %max3A_643, %min3A_642 : vector<1024x128xi1>, vector<1024x128xi32>
    %select_n3A_685 = arith.select %eq3A_679, %min3A_644, %max3A_643 : vector<1024x128xi1>, vector<1024x128xi32>
    %select_n3A_686 = arith.select %eq3A_679, %max3A_645, %min3A_644 : vector<1024x128xi1>, vector<1024x128xi32>
    %select_n3A_687 = arith.select %eq3A_679, %min3A_646, %max3A_645 : vector<1024x128xi1>, vector<1024x128xi32>
    %select_n3A_688 = arith.select %eq3A_679, %max3A_647, %min3A_646 : vector<1024x128xi1>, vector<1024x128xi32>
    %select_n3A_689 = arith.select %eq3A_679, %min3A_648, %max3A_647 : vector<1024x128xi1>, vector<1024x128xi32>
    %select_n3A_690 = arith.select %eq3A_679, %max3A_649, %min3A_648 : vector<1024x128xi1>, vector<1024x128xi32>
    %select_n3A_691 = arith.select %eq3A_679, %min3A_650, %max3A_649 : vector<1024x128xi1>, vector<1024x128xi32>
    %select_n3A_692 = arith.select %eq3A_679, %max3A_651, %min3A_650 : vector<1024x128xi1>, vector<1024x128xi32>
    %select_n3A_693 = arith.select %eq3A_679, %min3A_652, %max3A_651 : vector<1024x128xi1>, vector<1024x128xi32>
    %select_n3A_694 = arith.select %eq3A_679, %max3A_653, %min3A_652 : vector<1024x128xi1>, vector<1024x128xi32>
    %reduce_min3A_695 = arith.constant dense<2147483647> : vector<1024xi32>
    %reduce_min3A_696 = vector.multi_reduction <minsi>, %select_n3A_680, %reduce_min3A_695 [1] : vector<1024x128xi32> to vector<1024xi32>
    %broadcast_in_dim3A_697 = vector.shape_cast %reduce_min3A_696 : vector<1024xi32> to vector<1024x1xi32>
    %eq3A_698 = vector.broadcast %broadcast_in_dim3A_697 : vector<1024x1xi32> to vector<1024x128xi32>
    %eq3A_699 = arith.cmpi eq, %select_n3A_680, %eq3A_698 : vector<1024x128xi32>
    %jit3A_700 = arith.constant 1073741824 : i32
    %broadcast_in_dim3A_701 = vector.broadcast %jit3A_700 : i32 to vector<1024x128xi32>
    %select_n3A_702 = arith.select %eq3A_699, %iota3A_654, %broadcast_in_dim3A_701 : vector<1024x128xi1>, vector<1024x128xi32>
    %reduce_min3A_703 = arith.constant dense<2147483647> : vector<1024xi32>
    %reduce_min3A_704 = vector.multi_reduction <minsi>, %select_n3A_702, %reduce_min3A_703 [1] : vector<1024x128xi32> to vector<1024xi32>
    %broadcast_in_dim3A_705 = vector.shape_cast %reduce_min3A_704 : vector<1024xi32> to vector<1024x1xi32>
    %and3A_706 = arith.constant 31 : i32
    %and3A_707 = vector.broadcast %and3A_706 : i32 to vector<1024x1xi32>
    %and3A_708 = arith.andi %broadcast_in_dim3A_697, %and3A_707 : vector<1024x1xi32>
    %mul3A_709 = arith.constant 128 : i32
    %mul3A_710 = vector.broadcast %mul3A_709 : i32 to vector<1024x1xi32>
    %mul3A_711 = arith.muli %and3A_708, %mul3A_710 : vector<1024x1xi32>
    %add3A_712 = arith.addi %mul3A_711, %broadcast_in_dim3A_705 : vector<1024x1xi32>
    %add3A_713 = arith.constant 4096 : i32
    %add3A_714 = vector.broadcast %add3A_713 : i32 to vector<1024x1xi32>
    %add3A_715 = arith.addi %add3A_712, %add3A_714 : vector<1024x1xi32>
    %swap3A_716 = arith.constant 0 : index
    %swap3A_717 = arith.constant 0 : index
    %swap3A_718 = arith.constant 1 : index
    %swap3A_719 = vector.load %arg3[%swap3A_716, %swap3A_717, %swap3A_718] : memref<1x1024x16xi32, #tpu.memory_space<vmem>>, vector<1x1024x1xi32>
    %swap3A_720 = vector.shape_cast %swap3A_719 : vector<1x1024x1xi32> to vector<1024x1xi32>
    %swap3A_721 = vector.shape_cast %add3A_715 : vector<1024x1xi32> to vector<1x1024x1xi32>
    tpu.vector_store %arg3[%swap3A_716, %swap3A_717, %swap3A_718], %swap3A_721 {strides = array<i32>} : memref<1x1024x16xi32, #tpu.memory_space<vmem>>, vector<1x1024x1xi32>,
    %eq3A_722 = vector.broadcast %broadcast_in_dim3A_705 : vector<1024x1xi32> to vector<1024x128xi32>
    %eq3A_723 = arith.cmpi eq, %iota3A_654, %eq3A_722 : vector<1024x128xi32>
    %select_n3A_724 = arith.select %eq3A_723, %select_n3A_681, %select_n3A_680 : vector<1024x128xi1>, vector<1024x128xi32>
    %select_n3A_725 = arith.select %eq3A_723, %select_n3A_682, %select_n3A_681 : vector<1024x128xi1>, vector<1024x128xi32>
    %select_n3A_726 = arith.select %eq3A_723, %select_n3A_683, %select_n3A_682 : vector<1024x128xi1>, vector<1024x128xi32>
    %select_n3A_727 = arith.select %eq3A_723, %select_n3A_684, %select_n3A_683 : vector<1024x128xi1>, vector<1024x128xi32>
    %select_n3A_728 = arith.select %eq3A_723, %select_n3A_685, %select_n3A_684 : vector<1024x128xi1>, vector<1024x128xi32>
    %select_n3A_729 = arith.select %eq3A_723, %select_n3A_686, %select_n3A_685 : vector<1024x128xi1>, vector<1024x128xi32>
    %select_n3A_730 = arith.select %eq3A_723, %select_n3A_687, %select_n3A_686 : vector<1024x128xi1>, vector<1024x128xi32>
    %select_n3A_731 = arith.select %eq3A_723, %select_n3A_688, %select_n3A_687 : vector<1024x128xi1>, vector<1024x128xi32>
    %select_n3A_732 = arith.select %eq3A_723, %select_n3A_689, %select_n3A_688 : vector<1024x128xi1>, vector<1024x128xi32>
    %select_n3A_733 = arith.select %eq3A_723, %select_n3A_690, %select_n3A_689 : vector<1024x128xi1>, vector<1024x128xi32>
    %select_n3A_734 = arith.select %eq3A_723, %select_n3A_691, %select_n3A_690 : vector<1024x128xi1>, vector<1024x128xi32>
    %select_n3A_735 = arith.select %eq3A_723, %select_n3A_692, %select_n3A_691 : vector<1024x128xi1>, vector<1024x128xi32>
    %select_n3A_736 = arith.select %eq3A_723, %select_n3A_693, %select_n3A_692 : vector<1024x128xi1>, vector<1024x128xi32>
    %select_n3A_737 = arith.select %eq3A_723, %select_n3A_694, %select_n3A_693 : vector<1024x128xi1>, vector<1024x128xi32>
    %reduce_min3A_738 = arith.constant dense<2147483647> : vector<1024xi32>
    %reduce_min3A_739 = vector.multi_reduction <minsi>, %select_n3A_724, %reduce_min3A_738 [1] : vector<1024x128xi32> to vector<1024xi32>
    %broadcast_in_dim3A_740 = vector.shape_cast %reduce_min3A_739 : vector<1024xi32> to vector<1024x1xi32>
    %eq3A_741 = vector.broadcast %broadcast_in_dim3A_740 : vector<1024x1xi32> to vector<1024x128xi32>
    %eq3A_742 = arith.cmpi eq, %select_n3A_724, %eq3A_741 : vector<1024x128xi32>
    %jit3A_743 = arith.constant 1073741824 : i32
    %broadcast_in_dim3A_744 = vector.broadcast %jit3A_743 : i32 to vector<1024x128xi32>
    %select_n3A_745 = arith.select %eq3A_742, %iota3A_654, %broadcast_in_dim3A_744 : vector<1024x128xi1>, vector<1024x128xi32>
    %reduce_min3A_746 = arith.constant dense<2147483647> : vector<1024xi32>
    %reduce_min3A_747 = vector.multi_reduction <minsi>, %select_n3A_745, %reduce_min3A_746 [1] : vector<1024x128xi32> to vector<1024xi32>
    %broadcast_in_dim3A_748 = vector.shape_cast %reduce_min3A_747 : vector<1024xi32> to vector<1024x1xi32>
    %and3A_749 = arith.constant 31 : i32
    %and3A_750 = vector.broadcast %and3A_749 : i32 to vector<1024x1xi32>
    %and3A_751 = arith.andi %broadcast_in_dim3A_740, %and3A_750 : vector<1024x1xi32>
    %mul3A_752 = arith.constant 128 : i32
    %mul3A_753 = vector.broadcast %mul3A_752 : i32 to vector<1024x1xi32>
    %mul3A_754 = arith.muli %and3A_751, %mul3A_753 : vector<1024x1xi32>
    %add3A_755 = arith.addi %mul3A_754, %broadcast_in_dim3A_748 : vector<1024x1xi32>
    %add3A_756 = arith.constant 4096 : i32
    %add3A_757 = vector.broadcast %add3A_756 : i32 to vector<1024x1xi32>
    %add3A_758 = arith.addi %add3A_755, %add3A_757 : vector<1024x1xi32>
    %swap3A_759 = arith.constant 0 : index
    %swap3A_760 = arith.constant 0 : index
    %swap3A_761 = arith.constant 2 : index
    %swap3A_762 = vector.load %arg3[%swap3A_759, %swap3A_760, %swap3A_761] : memref<1x1024x16xi32, #tpu.memory_space<vmem>>, vector<1x1024x1xi32>
    %swap3A_763 = vector.shape_cast %swap3A_762 : vector<1x1024x1xi32> to vector<1024x1xi32>
    %swap3A_764 = vector.shape_cast %add3A_758 : vector<1024x1xi32> to vector<1x1024x1xi32>
    tpu.vector_store %arg3[%swap3A_759, %swap3A_760, %swap3A_761], %swap3A_764 {strides = array<i32>} : memref<1x1024x16xi32, #tpu.memory_space<vmem>>, vector<1x1024x1xi32>,
    %eq3A_765 = vector.broadcast %broadcast_in_dim3A_748 : vector<1024x1xi32> to vector<1024x128xi32>
    %eq3A_766 = arith.cmpi eq, %iota3A_654, %eq3A_765 : vector<1024x128xi32>
    %select_n3A_767 = arith.select %eq3A_766, %select_n3A_725, %select_n3A_724 : vector<1024x128xi1>, vector<1024x128xi32>
    %select_n3A_768 = arith.select %eq3A_766, %select_n3A_726, %select_n3A_725 : vector<1024x128xi1>, vector<1024x128xi32>
    %select_n3A_769 = arith.select %eq3A_766, %select_n3A_727, %select_n3A_726 : vector<1024x128xi1>, vector<1024x128xi32>
    %select_n3A_770 = arith.select %eq3A_766, %select_n3A_728, %select_n3A_727 : vector<1024x128xi1>, vector<1024x128xi32>
    %select_n3A_771 = arith.select %eq3A_766, %select_n3A_729, %select_n3A_728 : vector<1024x128xi1>, vector<1024x128xi32>
    %select_n3A_772 = arith.select %eq3A_766, %select_n3A_730, %select_n3A_729 : vector<1024x128xi1>, vector<1024x128xi32>
    %select_n3A_773 = arith.select %eq3A_766, %select_n3A_731, %select_n3A_730 : vector<1024x128xi1>, vector<1024x128xi32>
    %select_n3A_774 = arith.select %eq3A_766, %select_n3A_732, %select_n3A_731 : vector<1024x128xi1>, vector<1024x128xi32>
    %select_n3A_775 = arith.select %eq3A_766, %select_n3A_733, %select_n3A_732 : vector<1024x128xi1>, vector<1024x128xi32>
    %select_n3A_776 = arith.select %eq3A_766, %select_n3A_734, %select_n3A_733 : vector<1024x128xi1>, vector<1024x128xi32>
    %select_n3A_777 = arith.select %eq3A_766, %select_n3A_735, %select_n3A_734 : vector<1024x128xi1>, vector<1024x128xi32>
    %select_n3A_778 = arith.select %eq3A_766, %select_n3A_736, %select_n3A_735 : vector<1024x128xi1>, vector<1024x128xi32>
    %select_n3A_779 = arith.select %eq3A_766, %select_n3A_737, %select_n3A_736 : vector<1024x128xi1>, vector<1024x128xi32>
    %reduce_min3A_780 = arith.constant dense<2147483647> : vector<1024xi32>
    %reduce_min3A_781 = vector.multi_reduction <minsi>, %select_n3A_767, %reduce_min3A_780 [1] : vector<1024x128xi32> to vector<1024xi32>
    %broadcast_in_dim3A_782 = vector.shape_cast %reduce_min3A_781 : vector<1024xi32> to vector<1024x1xi32>
    %eq3A_783 = vector.broadcast %broadcast_in_dim3A_782 : vector<1024x1xi32> to vector<1024x128xi32>
    %eq3A_784 = arith.cmpi eq, %select_n3A_767, %eq3A_783 : vector<1024x128xi32>
    %jit3A_785 = arith.constant 1073741824 : i32
    %broadcast_in_dim3A_786 = vector.broadcast %jit3A_785 : i32 to vector<1024x128xi32>
    %select_n3A_787 = arith.select %eq3A_784, %iota3A_654, %broadcast_in_dim3A_786 : vector<1024x128xi1>, vector<1024x128xi32>
    %reduce_min3A_788 = arith.constant dense<2147483647> : vector<1024xi32>
    %reduce_min3A_789 = vector.multi_reduction <minsi>, %select_n3A_787, %reduce_min3A_788 [1] : vector<1024x128xi32> to vector<1024xi32>
    %broadcast_in_dim3A_790 = vector.shape_cast %reduce_min3A_789 : vector<1024xi32> to vector<1024x1xi32>
    %and3A_791 = arith.constant 31 : i32
    %and3A_792 = vector.broadcast %and3A_791 : i32 to vector<1024x1xi32>
    %and3A_793 = arith.andi %broadcast_in_dim3A_782, %and3A_792 : vector<1024x1xi32>
    %mul3A_794 = arith.constant 128 : i32
    %mul3A_795 = vector.broadcast %mul3A_794 : i32 to vector<1024x1xi32>
    %mul3A_796 = arith.muli %and3A_793, %mul3A_795 : vector<1024x1xi32>
    %add3A_797 = arith.addi %mul3A_796, %broadcast_in_dim3A_790 : vector<1024x1xi32>
    %add3A_798 = arith.constant 4096 : i32
    %add3A_799 = vector.broadcast %add3A_798 : i32 to vector<1024x1xi32>
    %add3A_800 = arith.addi %add3A_797, %add3A_799 : vector<1024x1xi32>
    %swap3A_801 = arith.constant 0 : index
    %swap3A_802 = arith.constant 0 : index
    %swap3A_803 = arith.constant 3 : index
    %swap3A_804 = vector.load %arg3[%swap3A_801, %swap3A_802, %swap3A_803] : memref<1x1024x16xi32, #tpu.memory_space<vmem>>, vector<1x1024x1xi32>
    %swap3A_805 = vector.shape_cast %swap3A_804 : vector<1x1024x1xi32> to vector<1024x1xi32>
    %swap3A_806 = vector.shape_cast %add3A_800 : vector<1024x1xi32> to vector<1x1024x1xi32>
    tpu.vector_store %arg3[%swap3A_801, %swap3A_802, %swap3A_803], %swap3A_806 {strides = array<i32>} : memref<1x1024x16xi32, #tpu.memory_space<vmem>>, vector<1x1024x1xi32>,
    %eq3A_807 = vector.broadcast %broadcast_in_dim3A_790 : vector<1024x1xi32> to vector<1024x128xi32>
    %eq3A_808 = arith.cmpi eq, %iota3A_654, %eq3A_807 : vector<1024x128xi32>
    %select_n3A_809 = arith.select %eq3A_808, %select_n3A_768, %select_n3A_767 : vector<1024x128xi1>, vector<1024x128xi32>
    %select_n3A_810 = arith.select %eq3A_808, %select_n3A_769, %select_n3A_768 : vector<1024x128xi1>, vector<1024x128xi32>
    %select_n3A_811 = arith.select %eq3A_808, %select_n3A_770, %select_n3A_769 : vector<1024x128xi1>, vector<1024x128xi32>
    %select_n3A_812 = arith.select %eq3A_808, %select_n3A_771, %select_n3A_770 : vector<1024x128xi1>, vector<1024x128xi32>
    %select_n3A_813 = arith.select %eq3A_808, %select_n3A_772, %select_n3A_771 : vector<1024x128xi1>, vector<1024x128xi32>
    %select_n3A_814 = arith.select %eq3A_808, %select_n3A_773, %select_n3A_772 : vector<1024x128xi1>, vector<1024x128xi32>
    %select_n3A_815 = arith.select %eq3A_808, %select_n3A_774, %select_n3A_773 : vector<1024x128xi1>, vector<1024x128xi32>
    %select_n3A_816 = arith.select %eq3A_808, %select_n3A_775, %select_n3A_774 : vector<1024x128xi1>, vector<1024x128xi32>
    %select_n3A_817 = arith.select %eq3A_808, %select_n3A_776, %select_n3A_775 : vector<1024x128xi1>, vector<1024x128xi32>
    %select_n3A_818 = arith.select %eq3A_808, %select_n3A_777, %select_n3A_776 : vector<1024x128xi1>, vector<1024x128xi32>
    %select_n3A_819 = arith.select %eq3A_808, %select_n3A_778, %select_n3A_777 : vector<1024x128xi1>, vector<1024x128xi32>
    %select_n3A_820 = arith.select %eq3A_808, %select_n3A_779, %select_n3A_778 : vector<1024x128xi1>, vector<1024x128xi32>
    %reduce_min3A_821 = arith.constant dense<2147483647> : vector<1024xi32>
    %reduce_min3A_822 = vector.multi_reduction <minsi>, %select_n3A_809, %reduce_min3A_821 [1] : vector<1024x128xi32> to vector<1024xi32>
    %broadcast_in_dim3A_823 = vector.shape_cast %reduce_min3A_822 : vector<1024xi32> to vector<1024x1xi32>
    %eq3A_824 = vector.broadcast %broadcast_in_dim3A_823 : vector<1024x1xi32> to vector<1024x128xi32>
    %eq3A_825 = arith.cmpi eq, %select_n3A_809, %eq3A_824 : vector<1024x128xi32>
    %jit3A_826 = arith.constant 1073741824 : i32
    %broadcast_in_dim3A_827 = vector.broadcast %jit3A_826 : i32 to vector<1024x128xi32>
    %select_n3A_828 = arith.select %eq3A_825, %iota3A_654, %broadcast_in_dim3A_827 : vector<1024x128xi1>, vector<1024x128xi32>
    %reduce_min3A_829 = arith.constant dense<2147483647> : vector<1024xi32>
    %reduce_min3A_830 = vector.multi_reduction <minsi>, %select_n3A_828, %reduce_min3A_829 [1] : vector<1024x128xi32> to vector<1024xi32>
    %broadcast_in_dim3A_831 = vector.shape_cast %reduce_min3A_830 : vector<1024xi32> to vector<1024x1xi32>
    %and3A_832 = arith.constant 31 : i32
    %and3A_833 = vector.broadcast %and3A_832 : i32 to vector<1024x1xi32>
    %and3A_834 = arith.andi %broadcast_in_dim3A_823, %and3A_833 : vector<1024x1xi32>
    %mul3A_835 = arith.constant 128 : i32
    %mul3A_836 = vector.broadcast %mul3A_835 : i32 to vector<1024x1xi32>
    %mul3A_837 = arith.muli %and3A_834, %mul3A_836 : vector<1024x1xi32>
    %add3A_838 = arith.addi %mul3A_837, %broadcast_in_dim3A_831 : vector<1024x1xi32>
    %add3A_839 = arith.constant 4096 : i32
    %add3A_840 = vector.broadcast %add3A_839 : i32 to vector<1024x1xi32>
    %add3A_841 = arith.addi %add3A_838, %add3A_840 : vector<1024x1xi32>
    %swap3A_842 = arith.constant 0 : index
    %swap3A_843 = arith.constant 0 : index
    %swap3A_844 = arith.constant 4 : index
    %swap3A_845 = vector.load %arg3[%swap3A_842, %swap3A_843, %swap3A_844] : memref<1x1024x16xi32, #tpu.memory_space<vmem>>, vector<1x1024x1xi32>
    %swap3A_846 = vector.shape_cast %swap3A_845 : vector<1x1024x1xi32> to vector<1024x1xi32>
    %swap3A_847 = vector.shape_cast %add3A_841 : vector<1024x1xi32> to vector<1x1024x1xi32>
    tpu.vector_store %arg3[%swap3A_842, %swap3A_843, %swap3A_844], %swap3A_847 {strides = array<i32>} : memref<1x1024x16xi32, #tpu.memory_space<vmem>>, vector<1x1024x1xi32>,
    %eq3A_848 = vector.broadcast %broadcast_in_dim3A_831 : vector<1024x1xi32> to vector<1024x128xi32>
    %eq3A_849 = arith.cmpi eq, %iota3A_654, %eq3A_848 : vector<1024x128xi32>
    %select_n3A_850 = arith.select %eq3A_849, %select_n3A_810, %select_n3A_809 : vector<1024x128xi1>, vector<1024x128xi32>
    %select_n3A_851 = arith.select %eq3A_849, %select_n3A_811, %select_n3A_810 : vector<1024x128xi1>, vector<1024x128xi32>
    %select_n3A_852 = arith.select %eq3A_849, %select_n3A_812, %select_n3A_811 : vector<1024x128xi1>, vector<1024x128xi32>
    %select_n3A_853 = arith.select %eq3A_849, %select_n3A_813, %select_n3A_812 : vector<1024x128xi1>, vector<1024x128xi32>
    %select_n3A_854 = arith.select %eq3A_849, %select_n3A_814, %select_n3A_813 : vector<1024x128xi1>, vector<1024x128xi32>
    %select_n3A_855 = arith.select %eq3A_849, %select_n3A_815, %select_n3A_814 : vector<1024x128xi1>, vector<1024x128xi32>
    %select_n3A_856 = arith.select %eq3A_849, %select_n3A_816, %select_n3A_815 : vector<1024x128xi1>, vector<1024x128xi32>
    %select_n3A_857 = arith.select %eq3A_849, %select_n3A_817, %select_n3A_816 : vector<1024x128xi1>, vector<1024x128xi32>
    %select_n3A_858 = arith.select %eq3A_849, %select_n3A_818, %select_n3A_817 : vector<1024x128xi1>, vector<1024x128xi32>
    %select_n3A_859 = arith.select %eq3A_849, %select_n3A_819, %select_n3A_818 : vector<1024x128xi1>, vector<1024x128xi32>
    %select_n3A_860 = arith.select %eq3A_849, %select_n3A_820, %select_n3A_819 : vector<1024x128xi1>, vector<1024x128xi32>
    %reduce_min3A_861 = arith.constant dense<2147483647> : vector<1024xi32>
    %reduce_min3A_862 = vector.multi_reduction <minsi>, %select_n3A_850, %reduce_min3A_861 [1] : vector<1024x128xi32> to vector<1024xi32>
    %broadcast_in_dim3A_863 = vector.shape_cast %reduce_min3A_862 : vector<1024xi32> to vector<1024x1xi32>
    %eq3A_864 = vector.broadcast %broadcast_in_dim3A_863 : vector<1024x1xi32> to vector<1024x128xi32>
    %eq3A_865 = arith.cmpi eq, %select_n3A_850, %eq3A_864 : vector<1024x128xi32>
    %jit3A_866 = arith.constant 1073741824 : i32
    %broadcast_in_dim3A_867 = vector.broadcast %jit3A_866 : i32 to vector<1024x128xi32>
    %select_n3A_868 = arith.select %eq3A_865, %iota3A_654, %broadcast_in_dim3A_867 : vector<1024x128xi1>, vector<1024x128xi32>
    %reduce_min3A_869 = arith.constant dense<2147483647> : vector<1024xi32>
    %reduce_min3A_870 = vector.multi_reduction <minsi>, %select_n3A_868, %reduce_min3A_869 [1] : vector<1024x128xi32> to vector<1024xi32>
    %broadcast_in_dim3A_871 = vector.shape_cast %reduce_min3A_870 : vector<1024xi32> to vector<1024x1xi32>
    %and3A_872 = arith.constant 31 : i32
    %and3A_873 = vector.broadcast %and3A_872 : i32 to vector<1024x1xi32>
    %and3A_874 = arith.andi %broadcast_in_dim3A_863, %and3A_873 : vector<1024x1xi32>
    %mul3A_875 = arith.constant 128 : i32
    %mul3A_876 = vector.broadcast %mul3A_875 : i32 to vector<1024x1xi32>
    %mul3A_877 = arith.muli %and3A_874, %mul3A_876 : vector<1024x1xi32>
    %add3A_878 = arith.addi %mul3A_877, %broadcast_in_dim3A_871 : vector<1024x1xi32>
    %add3A_879 = arith.constant 4096 : i32
    %add3A_880 = vector.broadcast %add3A_879 : i32 to vector<1024x1xi32>
    %add3A_881 = arith.addi %add3A_878, %add3A_880 : vector<1024x1xi32>
    %swap3A_882 = arith.constant 0 : index
    %swap3A_883 = arith.constant 0 : index
    %swap3A_884 = arith.constant 5 : index
    %swap3A_885 = vector.load %arg3[%swap3A_882, %swap3A_883, %swap3A_884] : memref<1x1024x16xi32, #tpu.memory_space<vmem>>, vector<1x1024x1xi32>
    %swap3A_886 = vector.shape_cast %swap3A_885 : vector<1x1024x1xi32> to vector<1024x1xi32>
    %swap3A_887 = vector.shape_cast %add3A_881 : vector<1024x1xi32> to vector<1x1024x1xi32>
    tpu.vector_store %arg3[%swap3A_882, %swap3A_883, %swap3A_884], %swap3A_887 {strides = array<i32>} : memref<1x1024x16xi32, #tpu.memory_space<vmem>>, vector<1x1024x1xi32>,
    %eq3A_888 = vector.broadcast %broadcast_in_dim3A_871 : vector<1024x1xi32> to vector<1024x128xi32>
    %eq3A_889 = arith.cmpi eq, %iota3A_654, %eq3A_888 : vector<1024x128xi32>
    %select_n3A_890 = arith.select %eq3A_889, %select_n3A_851, %select_n3A_850 : vector<1024x128xi1>, vector<1024x128xi32>
    %select_n3A_891 = arith.select %eq3A_889, %select_n3A_852, %select_n3A_851 : vector<1024x128xi1>, vector<1024x128xi32>
    %select_n3A_892 = arith.select %eq3A_889, %select_n3A_853, %select_n3A_852 : vector<1024x128xi1>, vector<1024x128xi32>
    %select_n3A_893 = arith.select %eq3A_889, %select_n3A_854, %select_n3A_853 : vector<1024x128xi1>, vector<1024x128xi32>
    %select_n3A_894 = arith.select %eq3A_889, %select_n3A_855, %select_n3A_854 : vector<1024x128xi1>, vector<1024x128xi32>
    %select_n3A_895 = arith.select %eq3A_889, %select_n3A_856, %select_n3A_855 : vector<1024x128xi1>, vector<1024x128xi32>
    %select_n3A_896 = arith.select %eq3A_889, %select_n3A_857, %select_n3A_856 : vector<1024x128xi1>, vector<1024x128xi32>
    %select_n3A_897 = arith.select %eq3A_889, %select_n3A_858, %select_n3A_857 : vector<1024x128xi1>, vector<1024x128xi32>
    %select_n3A_898 = arith.select %eq3A_889, %select_n3A_859, %select_n3A_858 : vector<1024x128xi1>, vector<1024x128xi32>
    %select_n3A_899 = arith.select %eq3A_889, %select_n3A_860, %select_n3A_859 : vector<1024x128xi1>, vector<1024x128xi32>
    %reduce_min3A_900 = arith.constant dense<2147483647> : vector<1024xi32>
    %reduce_min3A_901 = vector.multi_reduction <minsi>, %select_n3A_890, %reduce_min3A_900 [1] : vector<1024x128xi32> to vector<1024xi32>
    %broadcast_in_dim3A_902 = vector.shape_cast %reduce_min3A_901 : vector<1024xi32> to vector<1024x1xi32>
    %eq3A_903 = vector.broadcast %broadcast_in_dim3A_902 : vector<1024x1xi32> to vector<1024x128xi32>
    %eq3A_904 = arith.cmpi eq, %select_n3A_890, %eq3A_903 : vector<1024x128xi32>
    %jit3A_905 = arith.constant 1073741824 : i32
    %broadcast_in_dim3A_906 = vector.broadcast %jit3A_905 : i32 to vector<1024x128xi32>
    %select_n3A_907 = arith.select %eq3A_904, %iota3A_654, %broadcast_in_dim3A_906 : vector<1024x128xi1>, vector<1024x128xi32>
    %reduce_min3A_908 = arith.constant dense<2147483647> : vector<1024xi32>
    %reduce_min3A_909 = vector.multi_reduction <minsi>, %select_n3A_907, %reduce_min3A_908 [1] : vector<1024x128xi32> to vector<1024xi32>
    %broadcast_in_dim3A_910 = vector.shape_cast %reduce_min3A_909 : vector<1024xi32> to vector<1024x1xi32>
    %and3A_911 = arith.constant 31 : i32
    %and3A_912 = vector.broadcast %and3A_911 : i32 to vector<1024x1xi32>
    %and3A_913 = arith.andi %broadcast_in_dim3A_902, %and3A_912 : vector<1024x1xi32>
    %mul3A_914 = arith.constant 128 : i32
    %mul3A_915 = vector.broadcast %mul3A_914 : i32 to vector<1024x1xi32>
    %mul3A_916 = arith.muli %and3A_913, %mul3A_915 : vector<1024x1xi32>
    %add3A_917 = arith.addi %mul3A_916, %broadcast_in_dim3A_910 : vector<1024x1xi32>
    %add3A_918 = arith.constant 4096 : i32
    %add3A_919 = vector.broadcast %add3A_918 : i32 to vector<1024x1xi32>
    %add3A_920 = arith.addi %add3A_917, %add3A_919 : vector<1024x1xi32>
    %swap3A_921 = arith.constant 0 : index
    %swap3A_922 = arith.constant 0 : index
    %swap3A_923 = arith.constant 6 : index
    %swap3A_924 = vector.load %arg3[%swap3A_921, %swap3A_922, %swap3A_923] : memref<1x1024x16xi32, #tpu.memory_space<vmem>>, vector<1x1024x1xi32>
    %swap3A_925 = vector.shape_cast %swap3A_924 : vector<1x1024x1xi32> to vector<1024x1xi32>
    %swap3A_926 = vector.shape_cast %add3A_920 : vector<1024x1xi32> to vector<1x1024x1xi32>
    tpu.vector_store %arg3[%swap3A_921, %swap3A_922, %swap3A_923], %swap3A_926 {strides = array<i32>} : memref<1x1024x16xi32, #tpu.memory_space<vmem>>, vector<1x1024x1xi32>,
    %eq3A_927 = vector.broadcast %broadcast_in_dim3A_910 : vector<1024x1xi32> to vector<1024x128xi32>
    %eq3A_928 = arith.cmpi eq, %iota3A_654, %eq3A_927 : vector<1024x128xi32>
    %select_n3A_929 = arith.select %eq3A_928, %select_n3A_891, %select_n3A_890 : vector<1024x128xi1>, vector<1024x128xi32>
    %select_n3A_930 = arith.select %eq3A_928, %select_n3A_892, %select_n3A_891 : vector<1024x128xi1>, vector<1024x128xi32>
    %select_n3A_931 = arith.select %eq3A_928, %select_n3A_893, %select_n3A_892 : vector<1024x128xi1>, vector<1024x128xi32>
    %select_n3A_932 = arith.select %eq3A_928, %select_n3A_894, %select_n3A_893 : vector<1024x128xi1>, vector<1024x128xi32>
    %select_n3A_933 = arith.select %eq3A_928, %select_n3A_895, %select_n3A_894 : vector<1024x128xi1>, vector<1024x128xi32>
    %select_n3A_934 = arith.select %eq3A_928, %select_n3A_896, %select_n3A_895 : vector<1024x128xi1>, vector<1024x128xi32>
    %select_n3A_935 = arith.select %eq3A_928, %select_n3A_897, %select_n3A_896 : vector<1024x128xi1>, vector<1024x128xi32>
    %select_n3A_936 = arith.select %eq3A_928, %select_n3A_898, %select_n3A_897 : vector<1024x128xi1>, vector<1024x128xi32>
    %select_n3A_937 = arith.select %eq3A_928, %select_n3A_899, %select_n3A_898 : vector<1024x128xi1>, vector<1024x128xi32>
    %reduce_min3A_938 = arith.constant dense<2147483647> : vector<1024xi32>
    %reduce_min3A_939 = vector.multi_reduction <minsi>, %select_n3A_929, %reduce_min3A_938 [1] : vector<1024x128xi32> to vector<1024xi32>
    %broadcast_in_dim3A_940 = vector.shape_cast %reduce_min3A_939 : vector<1024xi32> to vector<1024x1xi32>
    %eq3A_941 = vector.broadcast %broadcast_in_dim3A_940 : vector<1024x1xi32> to vector<1024x128xi32>
    %eq3A_942 = arith.cmpi eq, %select_n3A_929, %eq3A_941 : vector<1024x128xi32>
    %jit3A_943 = arith.constant 1073741824 : i32
    %broadcast_in_dim3A_944 = vector.broadcast %jit3A_943 : i32 to vector<1024x128xi32>
    %select_n3A_945 = arith.select %eq3A_942, %iota3A_654, %broadcast_in_dim3A_944 : vector<1024x128xi1>, vector<1024x128xi32>
    %reduce_min3A_946 = arith.constant dense<2147483647> : vector<1024xi32>
    %reduce_min3A_947 = vector.multi_reduction <minsi>, %select_n3A_945, %reduce_min3A_946 [1] : vector<1024x128xi32> to vector<1024xi32>
    %broadcast_in_dim3A_948 = vector.shape_cast %reduce_min3A_947 : vector<1024xi32> to vector<1024x1xi32>
    %and3A_949 = arith.constant 31 : i32
    %and3A_950 = vector.broadcast %and3A_949 : i32 to vector<1024x1xi32>
    %and3A_951 = arith.andi %broadcast_in_dim3A_940, %and3A_950 : vector<1024x1xi32>
    %mul3A_952 = arith.constant 128 : i32
    %mul3A_953 = vector.broadcast %mul3A_952 : i32 to vector<1024x1xi32>
    %mul3A_954 = arith.muli %and3A_951, %mul3A_953 : vector<1024x1xi32>
    %add3A_955 = arith.addi %mul3A_954, %broadcast_in_dim3A_948 : vector<1024x1xi32>
    %add3A_956 = arith.constant 4096 : i32
    %add3A_957 = vector.broadcast %add3A_956 : i32 to vector<1024x1xi32>
    %add3A_958 = arith.addi %add3A_955, %add3A_957 : vector<1024x1xi32>
    %swap3A_959 = arith.constant 0 : index
    %swap3A_960 = arith.constant 0 : index
    %swap3A_961 = arith.constant 7 : index
    %swap3A_962 = vector.load %arg3[%swap3A_959, %swap3A_960, %swap3A_961] : memref<1x1024x16xi32, #tpu.memory_space<vmem>>, vector<1x1024x1xi32>
    %swap3A_963 = vector.shape_cast %swap3A_962 : vector<1x1024x1xi32> to vector<1024x1xi32>
    %swap3A_964 = vector.shape_cast %add3A_958 : vector<1024x1xi32> to vector<1x1024x1xi32>
    tpu.vector_store %arg3[%swap3A_959, %swap3A_960, %swap3A_961], %swap3A_964 {strides = array<i32>} : memref<1x1024x16xi32, #tpu.memory_space<vmem>>, vector<1x1024x1xi32>,
    %eq3A_965 = vector.broadcast %broadcast_in_dim3A_948 : vector<1024x1xi32> to vector<1024x128xi32>
    %eq3A_966 = arith.cmpi eq, %iota3A_654, %eq3A_965 : vector<1024x128xi32>
    %select_n3A_967 = arith.select %eq3A_966, %select_n3A_930, %select_n3A_929 : vector<1024x128xi1>, vector<1024x128xi32>
    %select_n3A_968 = arith.select %eq3A_966, %select_n3A_931, %select_n3A_930 : vector<1024x128xi1>, vector<1024x128xi32>
    %select_n3A_969 = arith.select %eq3A_966, %select_n3A_932, %select_n3A_931 : vector<1024x128xi1>, vector<1024x128xi32>
    %select_n3A_970 = arith.select %eq3A_966, %select_n3A_933, %select_n3A_932 : vector<1024x128xi1>, vector<1024x128xi32>
    %select_n3A_971 = arith.select %eq3A_966, %select_n3A_934, %select_n3A_933 : vector<1024x128xi1>, vector<1024x128xi32>
    %select_n3A_972 = arith.select %eq3A_966, %select_n3A_935, %select_n3A_934 : vector<1024x128xi1>, vector<1024x128xi32>
    %select_n3A_973 = arith.select %eq3A_966, %select_n3A_936, %select_n3A_935 : vector<1024x128xi1>, vector<1024x128xi32>
    %select_n3A_974 = arith.select %eq3A_966, %select_n3A_937, %select_n3A_936 : vector<1024x128xi1>, vector<1024x128xi32>
    %reduce_min3A_975 = arith.constant dense<2147483647> : vector<1024xi32>
    %reduce_min3A_976 = vector.multi_reduction <minsi>, %select_n3A_967, %reduce_min3A_975 [1] : vector<1024x128xi32> to vector<1024xi32>
    %broadcast_in_dim3A_977 = vector.shape_cast %reduce_min3A_976 : vector<1024xi32> to vector<1024x1xi32>
    %eq3A_978 = vector.broadcast %broadcast_in_dim3A_977 : vector<1024x1xi32> to vector<1024x128xi32>
    %eq3A_979 = arith.cmpi eq, %select_n3A_967, %eq3A_978 : vector<1024x128xi32>
    %jit3A_980 = arith.constant 1073741824 : i32
    %broadcast_in_dim3A_981 = vector.broadcast %jit3A_980 : i32 to vector<1024x128xi32>
    %select_n3A_982 = arith.select %eq3A_979, %iota3A_654, %broadcast_in_dim3A_981 : vector<1024x128xi1>, vector<1024x128xi32>
    %reduce_min3A_983 = arith.constant dense<2147483647> : vector<1024xi32>
    %reduce_min3A_984 = vector.multi_reduction <minsi>, %select_n3A_982, %reduce_min3A_983 [1] : vector<1024x128xi32> to vector<1024xi32>
    %broadcast_in_dim3A_985 = vector.shape_cast %reduce_min3A_984 : vector<1024xi32> to vector<1024x1xi32>
    %and3A_986 = arith.constant 31 : i32
    %and3A_987 = vector.broadcast %and3A_986 : i32 to vector<1024x1xi32>
    %and3A_988 = arith.andi %broadcast_in_dim3A_977, %and3A_987 : vector<1024x1xi32>
    %mul3A_989 = arith.constant 128 : i32
    %mul3A_990 = vector.broadcast %mul3A_989 : i32 to vector<1024x1xi32>
    %mul3A_991 = arith.muli %and3A_988, %mul3A_990 : vector<1024x1xi32>
    %add3A_992 = arith.addi %mul3A_991, %broadcast_in_dim3A_985 : vector<1024x1xi32>
    %add3A_993 = arith.constant 4096 : i32
    %add3A_994 = vector.broadcast %add3A_993 : i32 to vector<1024x1xi32>
    %add3A_995 = arith.addi %add3A_992, %add3A_994 : vector<1024x1xi32>
    %swap3A_996 = arith.constant 0 : index
    %swap3A_997 = arith.constant 0 : index
    %swap3A_998 = arith.constant 8 : index
    %swap3A_999 = vector.load %arg3[%swap3A_996, %swap3A_997, %swap3A_998] : memref<1x1024x16xi32, #tpu.memory_space<vmem>>, vector<1x1024x1xi32>
    %swap3A_1000 = vector.shape_cast %swap3A_999 : vector<1x1024x1xi32> to vector<1024x1xi32>
    %swap3A_1001 = vector.shape_cast %add3A_995 : vector<1024x1xi32> to vector<1x1024x1xi32>
    tpu.vector_store %arg3[%swap3A_996, %swap3A_997, %swap3A_998], %swap3A_1001 {strides = array<i32>} : memref<1x1024x16xi32, #tpu.memory_space<vmem>>, vector<1x1024x1xi32>,
    %eq3A_1002 = vector.broadcast %broadcast_in_dim3A_985 : vector<1024x1xi32> to vector<1024x128xi32>
    %eq3A_1003 = arith.cmpi eq, %iota3A_654, %eq3A_1002 : vector<1024x128xi32>
    %select_n3A_1004 = arith.select %eq3A_1003, %select_n3A_968, %select_n3A_967 : vector<1024x128xi1>, vector<1024x128xi32>
    %select_n3A_1005 = arith.select %eq3A_1003, %select_n3A_969, %select_n3A_968 : vector<1024x128xi1>, vector<1024x128xi32>
    %select_n3A_1006 = arith.select %eq3A_1003, %select_n3A_970, %select_n3A_969 : vector<1024x128xi1>, vector<1024x128xi32>
    %select_n3A_1007 = arith.select %eq3A_1003, %select_n3A_971, %select_n3A_970 : vector<1024x128xi1>, vector<1024x128xi32>
    %select_n3A_1008 = arith.select %eq3A_1003, %select_n3A_972, %select_n3A_971 : vector<1024x128xi1>, vector<1024x128xi32>
    %select_n3A_1009 = arith.select %eq3A_1003, %select_n3A_973, %select_n3A_972 : vector<1024x128xi1>, vector<1024x128xi32>
    %select_n3A_1010 = arith.select %eq3A_1003, %select_n3A_974, %select_n3A_973 : vector<1024x128xi1>, vector<1024x128xi32>
    %reduce_min3A_1011 = arith.constant dense<2147483647> : vector<1024xi32>
    %reduce_min3A_1012 = vector.multi_reduction <minsi>, %select_n3A_1004, %reduce_min3A_1011 [1] : vector<1024x128xi32> to vector<1024xi32>
    %broadcast_in_dim3A_1013 = vector.shape_cast %reduce_min3A_1012 : vector<1024xi32> to vector<1024x1xi32>
    %eq3A_1014 = vector.broadcast %broadcast_in_dim3A_1013 : vector<1024x1xi32> to vector<1024x128xi32>
    %eq3A_1015 = arith.cmpi eq, %select_n3A_1004, %eq3A_1014 : vector<1024x128xi32>
    %jit3A_1016 = arith.constant 1073741824 : i32
    %broadcast_in_dim3A_1017 = vector.broadcast %jit3A_1016 : i32 to vector<1024x128xi32>
    %select_n3A_1018 = arith.select %eq3A_1015, %iota3A_654, %broadcast_in_dim3A_1017 : vector<1024x128xi1>, vector<1024x128xi32>
    %reduce_min3A_1019 = arith.constant dense<2147483647> : vector<1024xi32>
    %reduce_min3A_1020 = vector.multi_reduction <minsi>, %select_n3A_1018, %reduce_min3A_1019 [1] : vector<1024x128xi32> to vector<1024xi32>
    %broadcast_in_dim3A_1021 = vector.shape_cast %reduce_min3A_1020 : vector<1024xi32> to vector<1024x1xi32>
    %and3A_1022 = arith.constant 31 : i32
    %and3A_1023 = vector.broadcast %and3A_1022 : i32 to vector<1024x1xi32>
    %and3A_1024 = arith.andi %broadcast_in_dim3A_1013, %and3A_1023 : vector<1024x1xi32>
    %mul3A_1025 = arith.constant 128 : i32
    %mul3A_1026 = vector.broadcast %mul3A_1025 : i32 to vector<1024x1xi32>
    %mul3A_1027 = arith.muli %and3A_1024, %mul3A_1026 : vector<1024x1xi32>
    %add3A_1028 = arith.addi %mul3A_1027, %broadcast_in_dim3A_1021 : vector<1024x1xi32>
    %add3A_1029 = arith.constant 4096 : i32
    %add3A_1030 = vector.broadcast %add3A_1029 : i32 to vector<1024x1xi32>
    %add3A_1031 = arith.addi %add3A_1028, %add3A_1030 : vector<1024x1xi32>
    %swap3A_1032 = arith.constant 0 : index
    %swap3A_1033 = arith.constant 0 : index
    %swap3A_1034 = arith.constant 9 : index
    %swap3A_1035 = vector.load %arg3[%swap3A_1032, %swap3A_1033, %swap3A_1034] : memref<1x1024x16xi32, #tpu.memory_space<vmem>>, vector<1x1024x1xi32>
    %swap3A_1036 = vector.shape_cast %swap3A_1035 : vector<1x1024x1xi32> to vector<1024x1xi32>
    %swap3A_1037 = vector.shape_cast %add3A_1031 : vector<1024x1xi32> to vector<1x1024x1xi32>
    tpu.vector_store %arg3[%swap3A_1032, %swap3A_1033, %swap3A_1034], %swap3A_1037 {strides = array<i32>} : memref<1x1024x16xi32, #tpu.memory_space<vmem>>, vector<1x1024x1xi32>,
    %eq3A_1038 = vector.broadcast %broadcast_in_dim3A_1021 : vector<1024x1xi32> to vector<1024x128xi32>
    %eq3A_1039 = arith.cmpi eq, %iota3A_654, %eq3A_1038 : vector<1024x128xi32>
    %select_n3A_1040 = arith.select %eq3A_1039, %select_n3A_1005, %select_n3A_1004 : vector<1024x128xi1>, vector<1024x128xi32>
    %select_n3A_1041 = arith.select %eq3A_1039, %select_n3A_1006, %select_n3A_1005 : vector<1024x128xi1>, vector<1024x128xi32>
    %select_n3A_1042 = arith.select %eq3A_1039, %select_n3A_1007, %select_n3A_1006 : vector<1024x128xi1>, vector<1024x128xi32>
    %select_n3A_1043 = arith.select %eq3A_1039, %select_n3A_1008, %select_n3A_1007 : vector<1024x128xi1>, vector<1024x128xi32>
    %select_n3A_1044 = arith.select %eq3A_1039, %select_n3A_1009, %select_n3A_1008 : vector<1024x128xi1>, vector<1024x128xi32>
    %select_n3A_1045 = arith.select %eq3A_1039, %select_n3A_1010, %select_n3A_1009 : vector<1024x128xi1>, vector<1024x128xi32>
    %reduce_min3A_1046 = arith.constant dense<2147483647> : vector<1024xi32>
    %reduce_min3A_1047 = vector.multi_reduction <minsi>, %select_n3A_1040, %reduce_min3A_1046 [1] : vector<1024x128xi32> to vector<1024xi32>
    %broadcast_in_dim3A_1048 = vector.shape_cast %reduce_min3A_1047 : vector<1024xi32> to vector<1024x1xi32>
    %eq3A_1049 = vector.broadcast %broadcast_in_dim3A_1048 : vector<1024x1xi32> to vector<1024x128xi32>
    %eq3A_1050 = arith.cmpi eq, %select_n3A_1040, %eq3A_1049 : vector<1024x128xi32>
    %jit3A_1051 = arith.constant 1073741824 : i32
    %broadcast_in_dim3A_1052 = vector.broadcast %jit3A_1051 : i32 to vector<1024x128xi32>
    %select_n3A_1053 = arith.select %eq3A_1050, %iota3A_654, %broadcast_in_dim3A_1052 : vector<1024x128xi1>, vector<1024x128xi32>
    %reduce_min3A_1054 = arith.constant dense<2147483647> : vector<1024xi32>
    %reduce_min3A_1055 = vector.multi_reduction <minsi>, %select_n3A_1053, %reduce_min3A_1054 [1] : vector<1024x128xi32> to vector<1024xi32>
    %broadcast_in_dim3A_1056 = vector.shape_cast %reduce_min3A_1055 : vector<1024xi32> to vector<1024x1xi32>
    %and3A_1057 = arith.constant 31 : i32
    %and3A_1058 = vector.broadcast %and3A_1057 : i32 to vector<1024x1xi32>
    %and3A_1059 = arith.andi %broadcast_in_dim3A_1048, %and3A_1058 : vector<1024x1xi32>
    %mul3A_1060 = arith.constant 128 : i32
    %mul3A_1061 = vector.broadcast %mul3A_1060 : i32 to vector<1024x1xi32>
    %mul3A_1062 = arith.muli %and3A_1059, %mul3A_1061 : vector<1024x1xi32>
    %add3A_1063 = arith.addi %mul3A_1062, %broadcast_in_dim3A_1056 : vector<1024x1xi32>
    %add3A_1064 = arith.constant 4096 : i32
    %add3A_1065 = vector.broadcast %add3A_1064 : i32 to vector<1024x1xi32>
    %add3A_1066 = arith.addi %add3A_1063, %add3A_1065 : vector<1024x1xi32>
    %swap3A_1067 = arith.constant 0 : index
    %swap3A_1068 = arith.constant 0 : index
    %swap3A_1069 = arith.constant 10 : index
    %swap3A_1070 = vector.load %arg3[%swap3A_1067, %swap3A_1068, %swap3A_1069] : memref<1x1024x16xi32, #tpu.memory_space<vmem>>, vector<1x1024x1xi32>
    %swap3A_1071 = vector.shape_cast %swap3A_1070 : vector<1x1024x1xi32> to vector<1024x1xi32>
    %swap3A_1072 = vector.shape_cast %add3A_1066 : vector<1024x1xi32> to vector<1x1024x1xi32>
    tpu.vector_store %arg3[%swap3A_1067, %swap3A_1068, %swap3A_1069], %swap3A_1072 {strides = array<i32>} : memref<1x1024x16xi32, #tpu.memory_space<vmem>>, vector<1x1024x1xi32>,
    %eq3A_1073 = vector.broadcast %broadcast_in_dim3A_1056 : vector<1024x1xi32> to vector<1024x128xi32>
    %eq3A_1074 = arith.cmpi eq, %iota3A_654, %eq3A_1073 : vector<1024x128xi32>
    %select_n3A_1075 = arith.select %eq3A_1074, %select_n3A_1041, %select_n3A_1040 : vector<1024x128xi1>, vector<1024x128xi32>
    %select_n3A_1076 = arith.select %eq3A_1074, %select_n3A_1042, %select_n3A_1041 : vector<1024x128xi1>, vector<1024x128xi32>
    %select_n3A_1077 = arith.select %eq3A_1074, %select_n3A_1043, %select_n3A_1042 : vector<1024x128xi1>, vector<1024x128xi32>
    %select_n3A_1078 = arith.select %eq3A_1074, %select_n3A_1044, %select_n3A_1043 : vector<1024x128xi1>, vector<1024x128xi32>
    %select_n3A_1079 = arith.select %eq3A_1074, %select_n3A_1045, %select_n3A_1044 : vector<1024x128xi1>, vector<1024x128xi32>
    %reduce_min3A_1080 = arith.constant dense<2147483647> : vector<1024xi32>
    %reduce_min3A_1081 = vector.multi_reduction <minsi>, %select_n3A_1075, %reduce_min3A_1080 [1] : vector<1024x128xi32> to vector<1024xi32>
    %broadcast_in_dim3A_1082 = vector.shape_cast %reduce_min3A_1081 : vector<1024xi32> to vector<1024x1xi32>
    %eq3A_1083 = vector.broadcast %broadcast_in_dim3A_1082 : vector<1024x1xi32> to vector<1024x128xi32>
    %eq3A_1084 = arith.cmpi eq, %select_n3A_1075, %eq3A_1083 : vector<1024x128xi32>
    %jit3A_1085 = arith.constant 1073741824 : i32
    %broadcast_in_dim3A_1086 = vector.broadcast %jit3A_1085 : i32 to vector<1024x128xi32>
    %select_n3A_1087 = arith.select %eq3A_1084, %iota3A_654, %broadcast_in_dim3A_1086 : vector<1024x128xi1>, vector<1024x128xi32>
    %reduce_min3A_1088 = arith.constant dense<2147483647> : vector<1024xi32>
    %reduce_min3A_1089 = vector.multi_reduction <minsi>, %select_n3A_1087, %reduce_min3A_1088 [1] : vector<1024x128xi32> to vector<1024xi32>
    %broadcast_in_dim3A_1090 = vector.shape_cast %reduce_min3A_1089 : vector<1024xi32> to vector<1024x1xi32>
    %and3A_1091 = arith.constant 31 : i32
    %and3A_1092 = vector.broadcast %and3A_1091 : i32 to vector<1024x1xi32>
    %and3A_1093 = arith.andi %broadcast_in_dim3A_1082, %and3A_1092 : vector<1024x1xi32>
    %mul3A_1094 = arith.constant 128 : i32
    %mul3A_1095 = vector.broadcast %mul3A_1094 : i32 to vector<1024x1xi32>
    %mul3A_1096 = arith.muli %and3A_1093, %mul3A_1095 : vector<1024x1xi32>
    %add3A_1097 = arith.addi %mul3A_1096, %broadcast_in_dim3A_1090 : vector<1024x1xi32>
    %add3A_1098 = arith.constant 4096 : i32
    %add3A_1099 = vector.broadcast %add3A_1098 : i32 to vector<1024x1xi32>
    %add3A_1100 = arith.addi %add3A_1097, %add3A_1099 : vector<1024x1xi32>
    %swap3A_1101 = arith.constant 0 : index
    %swap3A_1102 = arith.constant 0 : index
    %swap3A_1103 = arith.constant 11 : index
    %swap3A_1104 = vector.load %arg3[%swap3A_1101, %swap3A_1102, %swap3A_1103] : memref<1x1024x16xi32, #tpu.memory_space<vmem>>, vector<1x1024x1xi32>
    %swap3A_1105 = vector.shape_cast %swap3A_1104 : vector<1x1024x1xi32> to vector<1024x1xi32>
    %swap3A_1106 = vector.shape_cast %add3A_1100 : vector<1024x1xi32> to vector<1x1024x1xi32>
    tpu.vector_store %arg3[%swap3A_1101, %swap3A_1102, %swap3A_1103], %swap3A_1106 {strides = array<i32>} : memref<1x1024x16xi32, #tpu.memory_space<vmem>>, vector<1x1024x1xi32>,
    %eq3A_1107 = vector.broadcast %broadcast_in_dim3A_1090 : vector<1024x1xi32> to vector<1024x128xi32>
    %eq3A_1108 = arith.cmpi eq, %iota3A_654, %eq3A_1107 : vector<1024x128xi32>
    %select_n3A_1109 = arith.select %eq3A_1108, %select_n3A_1076, %select_n3A_1075 : vector<1024x128xi1>, vector<1024x128xi32>
    %select_n3A_1110 = arith.select %eq3A_1108, %select_n3A_1077, %select_n3A_1076 : vector<1024x128xi1>, vector<1024x128xi32>
    %select_n3A_1111 = arith.select %eq3A_1108, %select_n3A_1078, %select_n3A_1077 : vector<1024x128xi1>, vector<1024x128xi32>
    %select_n3A_1112 = arith.select %eq3A_1108, %select_n3A_1079, %select_n3A_1078 : vector<1024x128xi1>, vector<1024x128xi32>
    %reduce_min3A_1113 = arith.constant dense<2147483647> : vector<1024xi32>
    %reduce_min3A_1114 = vector.multi_reduction <minsi>, %select_n3A_1109, %reduce_min3A_1113 [1] : vector<1024x128xi32> to vector<1024xi32>
    %broadcast_in_dim3A_1115 = vector.shape_cast %reduce_min3A_1114 : vector<1024xi32> to vector<1024x1xi32>
    %eq3A_1116 = vector.broadcast %broadcast_in_dim3A_1115 : vector<1024x1xi32> to vector<1024x128xi32>
    %eq3A_1117 = arith.cmpi eq, %select_n3A_1109, %eq3A_1116 : vector<1024x128xi32>
    %jit3A_1118 = arith.constant 1073741824 : i32
    %broadcast_in_dim3A_1119 = vector.broadcast %jit3A_1118 : i32 to vector<1024x128xi32>
    %select_n3A_1120 = arith.select %eq3A_1117, %iota3A_654, %broadcast_in_dim3A_1119 : vector<1024x128xi1>, vector<1024x128xi32>
    %reduce_min3A_1121 = arith.constant dense<2147483647> : vector<1024xi32>
    %reduce_min3A_1122 = vector.multi_reduction <minsi>, %select_n3A_1120, %reduce_min3A_1121 [1] : vector<1024x128xi32> to vector<1024xi32>
    %broadcast_in_dim3A_1123 = vector.shape_cast %reduce_min3A_1122 : vector<1024xi32> to vector<1024x1xi32>
    %and3A_1124 = arith.constant 31 : i32
    %and3A_1125 = vector.broadcast %and3A_1124 : i32 to vector<1024x1xi32>
    %and3A_1126 = arith.andi %broadcast_in_dim3A_1115, %and3A_1125 : vector<1024x1xi32>
    %mul3A_1127 = arith.constant 128 : i32
    %mul3A_1128 = vector.broadcast %mul3A_1127 : i32 to vector<1024x1xi32>
    %mul3A_1129 = arith.muli %and3A_1126, %mul3A_1128 : vector<1024x1xi32>
    %add3A_1130 = arith.addi %mul3A_1129, %broadcast_in_dim3A_1123 : vector<1024x1xi32>
    %add3A_1131 = arith.constant 4096 : i32
    %add3A_1132 = vector.broadcast %add3A_1131 : i32 to vector<1024x1xi32>
    %add3A_1133 = arith.addi %add3A_1130, %add3A_1132 : vector<1024x1xi32>
    %swap3A_1134 = arith.constant 0 : index
    %swap3A_1135 = arith.constant 0 : index
    %swap3A_1136 = arith.constant 12 : index
    %swap3A_1137 = vector.load %arg3[%swap3A_1134, %swap3A_1135, %swap3A_1136] : memref<1x1024x16xi32, #tpu.memory_space<vmem>>, vector<1x1024x1xi32>
    %swap3A_1138 = vector.shape_cast %swap3A_1137 : vector<1x1024x1xi32> to vector<1024x1xi32>
    %swap3A_1139 = vector.shape_cast %add3A_1133 : vector<1024x1xi32> to vector<1x1024x1xi32>
    tpu.vector_store %arg3[%swap3A_1134, %swap3A_1135, %swap3A_1136], %swap3A_1139 {strides = array<i32>} : memref<1x1024x16xi32, #tpu.memory_space<vmem>>, vector<1x1024x1xi32>,
    %eq3A_1140 = vector.broadcast %broadcast_in_dim3A_1123 : vector<1024x1xi32> to vector<1024x128xi32>
    %eq3A_1141 = arith.cmpi eq, %iota3A_654, %eq3A_1140 : vector<1024x128xi32>
    %select_n3A_1142 = arith.select %eq3A_1141, %select_n3A_1110, %select_n3A_1109 : vector<1024x128xi1>, vector<1024x128xi32>
    %select_n3A_1143 = arith.select %eq3A_1141, %select_n3A_1111, %select_n3A_1110 : vector<1024x128xi1>, vector<1024x128xi32>
    %select_n3A_1144 = arith.select %eq3A_1141, %select_n3A_1112, %select_n3A_1111 : vector<1024x128xi1>, vector<1024x128xi32>
    %reduce_min3A_1145 = arith.constant dense<2147483647> : vector<1024xi32>
    %reduce_min3A_1146 = vector.multi_reduction <minsi>, %select_n3A_1142, %reduce_min3A_1145 [1] : vector<1024x128xi32> to vector<1024xi32>
    %broadcast_in_dim3A_1147 = vector.shape_cast %reduce_min3A_1146 : vector<1024xi32> to vector<1024x1xi32>
    %eq3A_1148 = vector.broadcast %broadcast_in_dim3A_1147 : vector<1024x1xi32> to vector<1024x128xi32>
    %eq3A_1149 = arith.cmpi eq, %select_n3A_1142, %eq3A_1148 : vector<1024x128xi32>
    %jit3A_1150 = arith.constant 1073741824 : i32
    %broadcast_in_dim3A_1151 = vector.broadcast %jit3A_1150 : i32 to vector<1024x128xi32>
    %select_n3A_1152 = arith.select %eq3A_1149, %iota3A_654, %broadcast_in_dim3A_1151 : vector<1024x128xi1>, vector<1024x128xi32>
    %reduce_min3A_1153 = arith.constant dense<2147483647> : vector<1024xi32>
    %reduce_min3A_1154 = vector.multi_reduction <minsi>, %select_n3A_1152, %reduce_min3A_1153 [1] : vector<1024x128xi32> to vector<1024xi32>
    %broadcast_in_dim3A_1155 = vector.shape_cast %reduce_min3A_1154 : vector<1024xi32> to vector<1024x1xi32>
    %and3A_1156 = arith.constant 31 : i32
    %and3A_1157 = vector.broadcast %and3A_1156 : i32 to vector<1024x1xi32>
    %and3A_1158 = arith.andi %broadcast_in_dim3A_1147, %and3A_1157 : vector<1024x1xi32>
    %mul3A_1159 = arith.constant 128 : i32
    %mul3A_1160 = vector.broadcast %mul3A_1159 : i32 to vector<1024x1xi32>
    %mul3A_1161 = arith.muli %and3A_1158, %mul3A_1160 : vector<1024x1xi32>
    %add3A_1162 = arith.addi %mul3A_1161, %broadcast_in_dim3A_1155 : vector<1024x1xi32>
    %add3A_1163 = arith.constant 4096 : i32
    %add3A_1164 = vector.broadcast %add3A_1163 : i32 to vector<1024x1xi32>
    %add3A_1165 = arith.addi %add3A_1162, %add3A_1164 : vector<1024x1xi32>
    %swap3A_1166 = arith.constant 0 : index
    %swap3A_1167 = arith.constant 0 : index
    %swap3A_1168 = arith.constant 13 : index
    %swap3A_1169 = vector.load %arg3[%swap3A_1166, %swap3A_1167, %swap3A_1168] : memref<1x1024x16xi32, #tpu.memory_space<vmem>>, vector<1x1024x1xi32>
    %swap3A_1170 = vector.shape_cast %swap3A_1169 : vector<1x1024x1xi32> to vector<1024x1xi32>
    %swap3A_1171 = vector.shape_cast %add3A_1165 : vector<1024x1xi32> to vector<1x1024x1xi32>
    tpu.vector_store %arg3[%swap3A_1166, %swap3A_1167, %swap3A_1168], %swap3A_1171 {strides = array<i32>} : memref<1x1024x16xi32, #tpu.memory_space<vmem>>, vector<1x1024x1xi32>,
    %eq3A_1172 = vector.broadcast %broadcast_in_dim3A_1155 : vector<1024x1xi32> to vector<1024x128xi32>
    %eq3A_1173 = arith.cmpi eq, %iota3A_654, %eq3A_1172 : vector<1024x128xi32>
    %select_n3A_1174 = arith.select %eq3A_1173, %select_n3A_1143, %select_n3A_1142 : vector<1024x128xi1>, vector<1024x128xi32>
    %select_n3A_1175 = arith.select %eq3A_1173, %select_n3A_1144, %select_n3A_1143 : vector<1024x128xi1>, vector<1024x128xi32>
    %reduce_min3A_1176 = arith.constant dense<2147483647> : vector<1024xi32>
    %reduce_min3A_1177 = vector.multi_reduction <minsi>, %select_n3A_1174, %reduce_min3A_1176 [1] : vector<1024x128xi32> to vector<1024xi32>
    %broadcast_in_dim3A_1178 = vector.shape_cast %reduce_min3A_1177 : vector<1024xi32> to vector<1024x1xi32>
    %eq3A_1179 = vector.broadcast %broadcast_in_dim3A_1178 : vector<1024x1xi32> to vector<1024x128xi32>
    %eq3A_1180 = arith.cmpi eq, %select_n3A_1174, %eq3A_1179 : vector<1024x128xi32>
    %jit3A_1181 = arith.constant 1073741824 : i32
    %broadcast_in_dim3A_1182 = vector.broadcast %jit3A_1181 : i32 to vector<1024x128xi32>
    %select_n3A_1183 = arith.select %eq3A_1180, %iota3A_654, %broadcast_in_dim3A_1182 : vector<1024x128xi1>, vector<1024x128xi32>
    %reduce_min3A_1184 = arith.constant dense<2147483647> : vector<1024xi32>
    %reduce_min3A_1185 = vector.multi_reduction <minsi>, %select_n3A_1183, %reduce_min3A_1184 [1] : vector<1024x128xi32> to vector<1024xi32>
    %broadcast_in_dim3A_1186 = vector.shape_cast %reduce_min3A_1185 : vector<1024xi32> to vector<1024x1xi32>
    %and3A_1187 = arith.constant 31 : i32
    %and3A_1188 = vector.broadcast %and3A_1187 : i32 to vector<1024x1xi32>
    %and3A_1189 = arith.andi %broadcast_in_dim3A_1178, %and3A_1188 : vector<1024x1xi32>
    %mul3A_1190 = arith.constant 128 : i32
    %mul3A_1191 = vector.broadcast %mul3A_1190 : i32 to vector<1024x1xi32>
    %mul3A_1192 = arith.muli %and3A_1189, %mul3A_1191 : vector<1024x1xi32>
    %add3A_1193 = arith.addi %mul3A_1192, %broadcast_in_dim3A_1186 : vector<1024x1xi32>
    %add3A_1194 = arith.constant 4096 : i32
    %add3A_1195 = vector.broadcast %add3A_1194 : i32 to vector<1024x1xi32>
    %add3A_1196 = arith.addi %add3A_1193, %add3A_1195 : vector<1024x1xi32>
    %swap3A_1197 = arith.constant 0 : index
    %swap3A_1198 = arith.constant 0 : index
    %swap3A_1199 = arith.constant 14 : index
    %swap3A_1200 = vector.load %arg3[%swap3A_1197, %swap3A_1198, %swap3A_1199] : memref<1x1024x16xi32, #tpu.memory_space<vmem>>, vector<1x1024x1xi32>
    %swap3A_1201 = vector.shape_cast %swap3A_1200 : vector<1x1024x1xi32> to vector<1024x1xi32>
    %swap3A_1202 = vector.shape_cast %add3A_1196 : vector<1024x1xi32> to vector<1x1024x1xi32>
    tpu.vector_store %arg3[%swap3A_1197, %swap3A_1198, %swap3A_1199], %swap3A_1202 {strides = array<i32>} : memref<1x1024x16xi32, #tpu.memory_space<vmem>>, vector<1x1024x1xi32>,
    %eq3A_1203 = vector.broadcast %broadcast_in_dim3A_1186 : vector<1024x1xi32> to vector<1024x128xi32>
    %eq3A_1204 = arith.cmpi eq, %iota3A_654, %eq3A_1203 : vector<1024x128xi32>
    %select_n3A_1205 = arith.select %eq3A_1204, %select_n3A_1175, %select_n3A_1174 : vector<1024x128xi1>, vector<1024x128xi32>
    %reduce_min3A_1206 = arith.constant dense<2147483647> : vector<1024xi32>
    %reduce_min3A_1207 = vector.multi_reduction <minsi>, %select_n3A_1205, %reduce_min3A_1206 [1] : vector<1024x128xi32> to vector<1024xi32>
    %broadcast_in_dim3A_1208 = vector.shape_cast %reduce_min3A_1207 : vector<1024xi32> to vector<1024x1xi32>
    %eq3A_1209 = vector.broadcast %broadcast_in_dim3A_1208 : vector<1024x1xi32> to vector<1024x128xi32>
    %eq3A_1210 = arith.cmpi eq, %select_n3A_1205, %eq3A_1209 : vector<1024x128xi32>
    %jit3A_1211 = arith.constant 1073741824 : i32
    %broadcast_in_dim3A_1212 = vector.broadcast %jit3A_1211 : i32 to vector<1024x128xi32>
    %select_n3A_1213 = arith.select %eq3A_1210, %iota3A_654, %broadcast_in_dim3A_1212 : vector<1024x128xi1>, vector<1024x128xi32>
    %reduce_min3A_1214 = arith.constant dense<2147483647> : vector<1024xi32>
    %reduce_min3A_1215 = vector.multi_reduction <minsi>, %select_n3A_1213, %reduce_min3A_1214 [1] : vector<1024x128xi32> to vector<1024xi32>
    %broadcast_in_dim3A_1216 = vector.shape_cast %reduce_min3A_1215 : vector<1024xi32> to vector<1024x1xi32>
    %and3A_1217 = arith.constant 31 : i32
    %and3A_1218 = vector.broadcast %and3A_1217 : i32 to vector<1024x1xi32>
    %and3A_1219 = arith.andi %broadcast_in_dim3A_1208, %and3A_1218 : vector<1024x1xi32>
    %mul3A_1220 = arith.constant 128 : i32
    %mul3A_1221 = vector.broadcast %mul3A_1220 : i32 to vector<1024x1xi32>
    %mul3A_1222 = arith.muli %and3A_1219, %mul3A_1221 : vector<1024x1xi32>
    %add3A_1223 = arith.addi %mul3A_1222, %broadcast_in_dim3A_1216 : vector<1024x1xi32>
    %add3A_1224 = arith.constant 4096 : i32
    %add3A_1225 = vector.broadcast %add3A_1224 : i32 to vector<1024x1xi32>
    %add3A_1226 = arith.addi %add3A_1223, %add3A_1225 : vector<1024x1xi32>
    %swap3A_1227 = arith.constant 0 : index
    %swap3A_1228 = arith.constant 0 : index
    %swap3A_1229 = arith.constant 15 : index
    %swap3A_1230 = vector.load %arg3[%swap3A_1227, %swap3A_1228, %swap3A_1229] : memref<1x1024x16xi32, #tpu.memory_space<vmem>>, vector<1x1024x1xi32>
    %swap3A_1231 = vector.shape_cast %swap3A_1230 : vector<1x1024x1xi32> to vector<1024x1xi32>
    %swap3A_1232 = vector.shape_cast %add3A_1226 : vector<1024x1xi32> to vector<1x1024x1xi32>
    tpu.vector_store %arg3[%swap3A_1227, %swap3A_1228, %swap3A_1229], %swap3A_1232 {strides = array<i32>} : memref<1x1024x16xi32, #tpu.memory_space<vmem>>, vector<1x1024x1xi32>,
    return
  }
  func.func @transform_0(%arg0: i32) -> (i32, i32, i32) {
    %c0_i32 = arith.constant 0 : i32
    %c0_i32_0 = arith.constant 0 : i32
    %c0_i32_1 = arith.constant 0 : i32
    return %c0_i32, %arg0, %c0_i32_0 : i32, i32, i32
  }
  func.func @transform_1(%arg0: i32) -> (i32, i32, i32) {
    %c0_i32 = arith.constant 0 : i32
    %c0_i32_0 = arith.constant 0 : i32
    %c0_i32_1 = arith.constant 0 : i32
    %c0_i32_2 = arith.constant 0 : i32
    return %c0_i32, %c0_i32_0, %c0_i32_1 : i32, i32, i32
  }
  func.func @transform_2(%arg0: i32) -> (i32, i32, i32) {
    %c0_i32 = arith.constant 0 : i32
    %c0_i32_0 = arith.constant 0 : i32
    %c0_i32_1 = arith.constant 0 : i32
    return %c0_i32, %arg0, %c0_i32_0 : i32, i32, i32
  }
}

module attributes {stable_mosaic.version = 14 : i64} {
  func.func @_knn_body(%arg0: i32, %arg1: memref<1x1024x4xf32, #tpu.memory_space<vmem>>, %arg2: memref<1x4096x4xf32, #tpu.memory_space<vmem>>, %arg3: memref<1x1024x16xi32, #tpu.memory_space<vmem>>) attributes {dimension_semantics = [#tpu.dimension_semantics<arbitrary>], iteration_bounds = array<i64: 4>, scalar_prefetch = 0 : i64, scratch_operands = 0 : i64, tpu.core_type = #tpu.core_type<tc>, window_params = [{transform_indices = @transform_0, window_bounds = array<i64: 1, 1024, 4>}, {pipeline_mode = #tpu.pipeline_mode<synchronous>, transform_indices = @transform_1, window_bounds = array<i64: 1, 4096, 4>}, {transform_indices = @transform_2, window_bounds = array<i64: 1, 1024, 16>}]} {
    %iota3A = tpu.iota {dimensions = array<i32: 1>} : vector<1x4xi32>
    %lt3A = arith.constant 3 : i32
    %lt3A_0 = vector.broadcast %lt3A : i32 to vector<1x4xi32>
    %lt3A_1 = arith.cmpi slt, %iota3A, %lt3A_0 : vector<1x4xi32>
    %get3A = arith.constant 0 : index
    %get3A_2 = arith.constant 0 : index
    %get3A_3 = arith.constant 0 : index
    %get3A_4 = vector.load %arg1[%get3A, %get3A_2, %get3A_3] : memref<1x1024x4xf32, #tpu.memory_space<vmem>>, vector<1x1024x4xf32>
    %get3A_5 = vector.shape_cast %get3A_4 : vector<1x1024x4xf32> to vector<1024x4xf32>
    %jit3A = arith.constant 0.000000e+00 : f32
    %broadcast_in_dim3A = vector.shape_cast %lt3A_1 : vector<1x4xi1> to vector<1x4xi1>
    %broadcast_in_dim3A_6 = vector.broadcast %broadcast_in_dim3A : vector<1x4xi1> to vector<1024x4xi1>
    %broadcast_in_dim3A_7 = vector.broadcast %jit3A : f32 to vector<1024x4xf32>
    %select_n3A = arith.select %broadcast_in_dim3A_6, %get3A_5, %broadcast_in_dim3A_7 : vector<1024x4xi1>, vector<1024x4xf32>
    %lt3A_8 = arith.constant 3 : i32
    %lt3A_9 = vector.broadcast %lt3A_8 : i32 to vector<1x4xi32>
    %lt3A_10 = arith.cmpi slt, %iota3A, %lt3A_9 : vector<1x4xi32>
    %get3A_11 = arith.constant 0 : index
    %get3A_12 = arith.constant 0 : index
    %get3A_13 = arith.constant 0 : index
    %get3A_14 = vector.load %arg2[%get3A_11, %get3A_12, %get3A_13] : memref<1x4096x4xf32, #tpu.memory_space<vmem>>, vector<1x4096x4xf32>
    %get3A_15 = vector.shape_cast %get3A_14 : vector<1x4096x4xf32> to vector<4096x4xf32>
    %jit3A_16 = arith.constant 0.000000e+00 : f32
    %broadcast_in_dim3A_17 = vector.shape_cast %lt3A_10 : vector<1x4xi1> to vector<1x4xi1>
    %broadcast_in_dim3A_18 = vector.broadcast %broadcast_in_dim3A_17 : vector<1x4xi1> to vector<4096x4xi1>
    %broadcast_in_dim3A_19 = vector.broadcast %jit3A_16 : f32 to vector<4096x4xf32>
    %select_n3A_20 = arith.select %broadcast_in_dim3A_18, %get3A_15, %broadcast_in_dim3A_19 : vector<4096x4xi1>, vector<4096x4xf32>
    %broadcast_in_dim3A_21 = arith.constant 1.000000e+00 : f32
    %broadcast_in_dim3A_22 = vector.broadcast %broadcast_in_dim3A_21 : f32 to vector<1x4xf32>
    %mul3A = arith.mulf %select_n3A_20, %select_n3A_20 : vector<4096x4xf32>
    %dot_general3A = arith.constant dense<0.000000e+00> : vector<1x4096xf32>
    %dot_general3A_23 = tpu.matmul %broadcast_in_dim3A_22, %mul3A, %dot_general3A {dimension_numbers = #tpu.dot_dimension_numbers<[1], [1], [0], [0], [0, 0, 1, 0], [], []>, precision = #tpu.contract_precision<fp32>, transpose_lhs_hint = false} : vector<1x4xf32>, vector<4096x4xf32>, vector<1x4096xf32> -> vector<1x4096xf32>
    %dot_general3A_24 = arith.constant dense<0.000000e+00> : vector<1024x4096xf32>
    %dot_general3A_25 = tpu.matmul %select_n3A, %select_n3A_20, %dot_general3A_24 {dimension_numbers = #tpu.dot_dimension_numbers<[1], [1], [0], [0], [0, 0, 1, 0], [], []>, transpose_lhs_hint = false} : vector<1024x4xf32>, vector<4096x4xf32>, vector<1024x4096xf32> -> vector<1024x4096xf32>
    %mul3A_26 = arith.constant 2.000000e+00 : f32
    %mul3A_27 = vector.broadcast %mul3A_26 : f32 to vector<1024x4096xf32>
    %mul3A_28 = arith.mulf %mul3A_27, %dot_general3A_25 : vector<1024x4096xf32>
    %sub3A = vector.broadcast %dot_general3A_23 : vector<1x4096xf32> to vector<1024x4096xf32>
    %sub3A_29 = arith.subf %sub3A, %mul3A_28 : vector<1024x4096xf32>
    %bitcast_convert_type3A = tpu.bitcast %sub3A_29 : vector<1024x4096xf32> -> vector<1024x4096xi32>
    %shift_right_arithmetic3A = arith.constant 31 : i32
    %shift_right_arithmetic3A_30 = vector.broadcast %shift_right_arithmetic3A : i32 to vector<1024x4096xi32>
    %shift_right_arithmetic3A_31 = arith.shrsi %bitcast_convert_type3A, %shift_right_arithmetic3A_30 : vector<1024x4096xi32>
    %and3A = arith.constant 2147483647 : i32
    %and3A_32 = vector.broadcast %and3A : i32 to vector<1024x4096xi32>
    %and3A_33 = arith.andi %shift_right_arithmetic3A_31, %and3A_32 : vector<1024x4096xi32>
    %xor3A = arith.xori %bitcast_convert_type3A, %and3A_33 : vector<1024x4096xi32>
    %slice3A = vector.extract_strided_slice %xor3A {offsets = [0, 0], sizes = [1024, 128], strides = [1, 1]} : vector<1024x4096xi32> to vector<1024x128xi32>
    %and3A_34 = arith.constant -32 : i32
    %and3A_35 = vector.broadcast %and3A_34 : i32 to vector<1024x128xi32>
    %and3A_36 = arith.andi %slice3A, %and3A_35 : vector<1024x128xi32>
    %or3A = arith.constant 0 : i32
    %or3A_37 = vector.broadcast %or3A : i32 to vector<1024x128xi32>
    %or3A_38 = arith.ori %and3A_36, %or3A_37 : vector<1024x128xi32>
    %slice3A_39 = vector.extract_strided_slice %xor3A {offsets = [0, 128], sizes = [1024, 128], strides = [1, 1]} : vector<1024x4096xi32> to vector<1024x128xi32>
    %and3A_40 = arith.constant -32 : i32
    %and3A_41 = vector.broadcast %and3A_40 : i32 to vector<1024x128xi32>
    %and3A_42 = arith.andi %slice3A_39, %and3A_41 : vector<1024x128xi32>
    %or3A_43 = arith.constant 1 : i32
    %or3A_44 = vector.broadcast %or3A_43 : i32 to vector<1024x128xi32>
    %or3A_45 = arith.ori %and3A_42, %or3A_44 : vector<1024x128xi32>
    %slice3A_46 = vector.extract_strided_slice %xor3A {offsets = [0, 256], sizes = [1024, 128], strides = [1, 1]} : vector<1024x4096xi32> to vector<1024x128xi32>
    %and3A_47 = arith.constant -32 : i32
    %and3A_48 = vector.broadcast %and3A_47 : i32 to vector<1024x128xi32>
    %and3A_49 = arith.andi %slice3A_46, %and3A_48 : vector<1024x128xi32>
    %or3A_50 = arith.constant 2 : i32
    %or3A_51 = vector.broadcast %or3A_50 : i32 to vector<1024x128xi32>
    %or3A_52 = arith.ori %and3A_49, %or3A_51 : vector<1024x128xi32>
    %slice3A_53 = vector.extract_strided_slice %xor3A {offsets = [0, 384], sizes = [1024, 128], strides = [1, 1]} : vector<1024x4096xi32> to vector<1024x128xi32>
    %and3A_54 = arith.constant -32 : i32
    %and3A_55 = vector.broadcast %and3A_54 : i32 to vector<1024x128xi32>
    %and3A_56 = arith.andi %slice3A_53, %and3A_55 : vector<1024x128xi32>
    %or3A_57 = arith.constant 3 : i32
    %or3A_58 = vector.broadcast %or3A_57 : i32 to vector<1024x128xi32>
    %or3A_59 = arith.ori %and3A_56, %or3A_58 : vector<1024x128xi32>
    %slice3A_60 = vector.extract_strided_slice %xor3A {offsets = [0, 512], sizes = [1024, 128], strides = [1, 1]} : vector<1024x4096xi32> to vector<1024x128xi32>
    %and3A_61 = arith.constant -32 : i32
    %and3A_62 = vector.broadcast %and3A_61 : i32 to vector<1024x128xi32>
    %and3A_63 = arith.andi %slice3A_60, %and3A_62 : vector<1024x128xi32>
    %or3A_64 = arith.constant 4 : i32
    %or3A_65 = vector.broadcast %or3A_64 : i32 to vector<1024x128xi32>
    %or3A_66 = arith.ori %and3A_63, %or3A_65 : vector<1024x128xi32>
    %slice3A_67 = vector.extract_strided_slice %xor3A {offsets = [0, 640], sizes = [1024, 128], strides = [1, 1]} : vector<1024x4096xi32> to vector<1024x128xi32>
    %and3A_68 = arith.constant -32 : i32
    %and3A_69 = vector.broadcast %and3A_68 : i32 to vector<1024x128xi32>
    %and3A_70 = arith.andi %slice3A_67, %and3A_69 : vector<1024x128xi32>
    %or3A_71 = arith.constant 5 : i32
    %or3A_72 = vector.broadcast %or3A_71 : i32 to vector<1024x128xi32>
    %or3A_73 = arith.ori %and3A_70, %or3A_72 : vector<1024x128xi32>
    %slice3A_74 = vector.extract_strided_slice %xor3A {offsets = [0, 768], sizes = [1024, 128], strides = [1, 1]} : vector<1024x4096xi32> to vector<1024x128xi32>
    %and3A_75 = arith.constant -32 : i32
    %and3A_76 = vector.broadcast %and3A_75 : i32 to vector<1024x128xi32>
    %and3A_77 = arith.andi %slice3A_74, %and3A_76 : vector<1024x128xi32>
    %or3A_78 = arith.constant 6 : i32
    %or3A_79 = vector.broadcast %or3A_78 : i32 to vector<1024x128xi32>
    %or3A_80 = arith.ori %and3A_77, %or3A_79 : vector<1024x128xi32>
    %slice3A_81 = vector.extract_strided_slice %xor3A {offsets = [0, 896], sizes = [1024, 128], strides = [1, 1]} : vector<1024x4096xi32> to vector<1024x128xi32>
    %and3A_82 = arith.constant -32 : i32
    %and3A_83 = vector.broadcast %and3A_82 : i32 to vector<1024x128xi32>
    %and3A_84 = arith.andi %slice3A_81, %and3A_83 : vector<1024x128xi32>
    %or3A_85 = arith.constant 7 : i32
    %or3A_86 = vector.broadcast %or3A_85 : i32 to vector<1024x128xi32>
    %or3A_87 = arith.ori %and3A_84, %or3A_86 : vector<1024x128xi32>
    %slice3A_88 = vector.extract_strided_slice %xor3A {offsets = [0, 1024], sizes = [1024, 128], strides = [1, 1]} : vector<1024x4096xi32> to vector<1024x128xi32>
    %and3A_89 = arith.constant -32 : i32
    %and3A_90 = vector.broadcast %and3A_89 : i32 to vector<1024x128xi32>
    %and3A_91 = arith.andi %slice3A_88, %and3A_90 : vector<1024x128xi32>
    %or3A_92 = arith.constant 8 : i32
    %or3A_93 = vector.broadcast %or3A_92 : i32 to vector<1024x128xi32>
    %or3A_94 = arith.ori %and3A_91, %or3A_93 : vector<1024x128xi32>
    %slice3A_95 = vector.extract_strided_slice %xor3A {offsets = [0, 1152], sizes = [1024, 128], strides = [1, 1]} : vector<1024x4096xi32> to vector<1024x128xi32>
    %and3A_96 = arith.constant -32 : i32
    %and3A_97 = vector.broadcast %and3A_96 : i32 to vector<1024x128xi32>
    %and3A_98 = arith.andi %slice3A_95, %and3A_97 : vector<1024x128xi32>
    %or3A_99 = arith.constant 9 : i32
    %or3A_100 = vector.broadcast %or3A_99 : i32 to vector<1024x128xi32>
    %or3A_101 = arith.ori %and3A_98, %or3A_100 : vector<1024x128xi32>
    %slice3A_102 = vector.extract_strided_slice %xor3A {offsets = [0, 1280], sizes = [1024, 128], strides = [1, 1]} : vector<1024x4096xi32> to vector<1024x128xi32>
    %and3A_103 = arith.constant -32 : i32
    %and3A_104 = vector.broadcast %and3A_103 : i32 to vector<1024x128xi32>
    %and3A_105 = arith.andi %slice3A_102, %and3A_104 : vector<1024x128xi32>
    %or3A_106 = arith.constant 10 : i32
    %or3A_107 = vector.broadcast %or3A_106 : i32 to vector<1024x128xi32>
    %or3A_108 = arith.ori %and3A_105, %or3A_107 : vector<1024x128xi32>
    %slice3A_109 = vector.extract_strided_slice %xor3A {offsets = [0, 1408], sizes = [1024, 128], strides = [1, 1]} : vector<1024x4096xi32> to vector<1024x128xi32>
    %and3A_110 = arith.constant -32 : i32
    %and3A_111 = vector.broadcast %and3A_110 : i32 to vector<1024x128xi32>
    %and3A_112 = arith.andi %slice3A_109, %and3A_111 : vector<1024x128xi32>
    %or3A_113 = arith.constant 11 : i32
    %or3A_114 = vector.broadcast %or3A_113 : i32 to vector<1024x128xi32>
    %or3A_115 = arith.ori %and3A_112, %or3A_114 : vector<1024x128xi32>
    %slice3A_116 = vector.extract_strided_slice %xor3A {offsets = [0, 1536], sizes = [1024, 128], strides = [1, 1]} : vector<1024x4096xi32> to vector<1024x128xi32>
    %and3A_117 = arith.constant -32 : i32
    %and3A_118 = vector.broadcast %and3A_117 : i32 to vector<1024x128xi32>
    %and3A_119 = arith.andi %slice3A_116, %and3A_118 : vector<1024x128xi32>
    %or3A_120 = arith.constant 12 : i32
    %or3A_121 = vector.broadcast %or3A_120 : i32 to vector<1024x128xi32>
    %or3A_122 = arith.ori %and3A_119, %or3A_121 : vector<1024x128xi32>
    %slice3A_123 = vector.extract_strided_slice %xor3A {offsets = [0, 1664], sizes = [1024, 128], strides = [1, 1]} : vector<1024x4096xi32> to vector<1024x128xi32>
    %and3A_124 = arith.constant -32 : i32
    %and3A_125 = vector.broadcast %and3A_124 : i32 to vector<1024x128xi32>
    %and3A_126 = arith.andi %slice3A_123, %and3A_125 : vector<1024x128xi32>
    %or3A_127 = arith.constant 13 : i32
    %or3A_128 = vector.broadcast %or3A_127 : i32 to vector<1024x128xi32>
    %or3A_129 = arith.ori %and3A_126, %or3A_128 : vector<1024x128xi32>
    %slice3A_130 = vector.extract_strided_slice %xor3A {offsets = [0, 1792], sizes = [1024, 128], strides = [1, 1]} : vector<1024x4096xi32> to vector<1024x128xi32>
    %and3A_131 = arith.constant -32 : i32
    %and3A_132 = vector.broadcast %and3A_131 : i32 to vector<1024x128xi32>
    %and3A_133 = arith.andi %slice3A_130, %and3A_132 : vector<1024x128xi32>
    %or3A_134 = arith.constant 14 : i32
    %or3A_135 = vector.broadcast %or3A_134 : i32 to vector<1024x128xi32>
    %or3A_136 = arith.ori %and3A_133, %or3A_135 : vector<1024x128xi32>
    %slice3A_137 = vector.extract_strided_slice %xor3A {offsets = [0, 1920], sizes = [1024, 128], strides = [1, 1]} : vector<1024x4096xi32> to vector<1024x128xi32>
    %and3A_138 = arith.constant -32 : i32
    %and3A_139 = vector.broadcast %and3A_138 : i32 to vector<1024x128xi32>
    %and3A_140 = arith.andi %slice3A_137, %and3A_139 : vector<1024x128xi32>
    %or3A_141 = arith.constant 15 : i32
    %or3A_142 = vector.broadcast %or3A_141 : i32 to vector<1024x128xi32>
    %or3A_143 = arith.ori %and3A_140, %or3A_142 : vector<1024x128xi32>
    %slice3A_144 = vector.extract_strided_slice %xor3A {offsets = [0, 2048], sizes = [1024, 128], strides = [1, 1]} : vector<1024x4096xi32> to vector<1024x128xi32>
    %and3A_145 = arith.constant -32 : i32
    %and3A_146 = vector.broadcast %and3A_145 : i32 to vector<1024x128xi32>
    %and3A_147 = arith.andi %slice3A_144, %and3A_146 : vector<1024x128xi32>
    %or3A_148 = arith.constant 16 : i32
    %or3A_149 = vector.broadcast %or3A_148 : i32 to vector<1024x128xi32>
    %or3A_150 = arith.ori %and3A_147, %or3A_149 : vector<1024x128xi32>
    %slice3A_151 = vector.extract_strided_slice %xor3A {offsets = [0, 2176], sizes = [1024, 128], strides = [1, 1]} : vector<1024x4096xi32> to vector<1024x128xi32>
    %and3A_152 = arith.constant -32 : i32
    %and3A_153 = vector.broadcast %and3A_152 : i32 to vector<1024x128xi32>
    %and3A_154 = arith.andi %slice3A_151, %and3A_153 : vector<1024x128xi32>
    %or3A_155 = arith.constant 17 : i32
    %or3A_156 = vector.broadcast %or3A_155 : i32 to vector<1024x128xi32>
    %or3A_157 = arith.ori %and3A_154, %or3A_156 : vector<1024x128xi32>
    %slice3A_158 = vector.extract_strided_slice %xor3A {offsets = [0, 2304], sizes = [1024, 128], strides = [1, 1]} : vector<1024x4096xi32> to vector<1024x128xi32>
    %and3A_159 = arith.constant -32 : i32
    %and3A_160 = vector.broadcast %and3A_159 : i32 to vector<1024x128xi32>
    %and3A_161 = arith.andi %slice3A_158, %and3A_160 : vector<1024x128xi32>
    %or3A_162 = arith.constant 18 : i32
    %or3A_163 = vector.broadcast %or3A_162 : i32 to vector<1024x128xi32>
    %or3A_164 = arith.ori %and3A_161, %or3A_163 : vector<1024x128xi32>
    %slice3A_165 = vector.extract_strided_slice %xor3A {offsets = [0, 2432], sizes = [1024, 128], strides = [1, 1]} : vector<1024x4096xi32> to vector<1024x128xi32>
    %and3A_166 = arith.constant -32 : i32
    %and3A_167 = vector.broadcast %and3A_166 : i32 to vector<1024x128xi32>
    %and3A_168 = arith.andi %slice3A_165, %and3A_167 : vector<1024x128xi32>
    %or3A_169 = arith.constant 19 : i32
    %or3A_170 = vector.broadcast %or3A_169 : i32 to vector<1024x128xi32>
    %or3A_171 = arith.ori %and3A_168, %or3A_170 : vector<1024x128xi32>
    %slice3A_172 = vector.extract_strided_slice %xor3A {offsets = [0, 2560], sizes = [1024, 128], strides = [1, 1]} : vector<1024x4096xi32> to vector<1024x128xi32>
    %and3A_173 = arith.constant -32 : i32
    %and3A_174 = vector.broadcast %and3A_173 : i32 to vector<1024x128xi32>
    %and3A_175 = arith.andi %slice3A_172, %and3A_174 : vector<1024x128xi32>
    %or3A_176 = arith.constant 20 : i32
    %or3A_177 = vector.broadcast %or3A_176 : i32 to vector<1024x128xi32>
    %or3A_178 = arith.ori %and3A_175, %or3A_177 : vector<1024x128xi32>
    %slice3A_179 = vector.extract_strided_slice %xor3A {offsets = [0, 2688], sizes = [1024, 128], strides = [1, 1]} : vector<1024x4096xi32> to vector<1024x128xi32>
    %and3A_180 = arith.constant -32 : i32
    %and3A_181 = vector.broadcast %and3A_180 : i32 to vector<1024x128xi32>
    %and3A_182 = arith.andi %slice3A_179, %and3A_181 : vector<1024x128xi32>
    %or3A_183 = arith.constant 21 : i32
    %or3A_184 = vector.broadcast %or3A_183 : i32 to vector<1024x128xi32>
    %or3A_185 = arith.ori %and3A_182, %or3A_184 : vector<1024x128xi32>
    %slice3A_186 = vector.extract_strided_slice %xor3A {offsets = [0, 2816], sizes = [1024, 128], strides = [1, 1]} : vector<1024x4096xi32> to vector<1024x128xi32>
    %and3A_187 = arith.constant -32 : i32
    %and3A_188 = vector.broadcast %and3A_187 : i32 to vector<1024x128xi32>
    %and3A_189 = arith.andi %slice3A_186, %and3A_188 : vector<1024x128xi32>
    %or3A_190 = arith.constant 22 : i32
    %or3A_191 = vector.broadcast %or3A_190 : i32 to vector<1024x128xi32>
    %or3A_192 = arith.ori %and3A_189, %or3A_191 : vector<1024x128xi32>
    %slice3A_193 = vector.extract_strided_slice %xor3A {offsets = [0, 2944], sizes = [1024, 128], strides = [1, 1]} : vector<1024x4096xi32> to vector<1024x128xi32>
    %and3A_194 = arith.constant -32 : i32
    %and3A_195 = vector.broadcast %and3A_194 : i32 to vector<1024x128xi32>
    %and3A_196 = arith.andi %slice3A_193, %and3A_195 : vector<1024x128xi32>
    %or3A_197 = arith.constant 23 : i32
    %or3A_198 = vector.broadcast %or3A_197 : i32 to vector<1024x128xi32>
    %or3A_199 = arith.ori %and3A_196, %or3A_198 : vector<1024x128xi32>
    %slice3A_200 = vector.extract_strided_slice %xor3A {offsets = [0, 3072], sizes = [1024, 128], strides = [1, 1]} : vector<1024x4096xi32> to vector<1024x128xi32>
    %and3A_201 = arith.constant -32 : i32
    %and3A_202 = vector.broadcast %and3A_201 : i32 to vector<1024x128xi32>
    %and3A_203 = arith.andi %slice3A_200, %and3A_202 : vector<1024x128xi32>
    %or3A_204 = arith.constant 24 : i32
    %or3A_205 = vector.broadcast %or3A_204 : i32 to vector<1024x128xi32>
    %or3A_206 = arith.ori %and3A_203, %or3A_205 : vector<1024x128xi32>
    %slice3A_207 = vector.extract_strided_slice %xor3A {offsets = [0, 3200], sizes = [1024, 128], strides = [1, 1]} : vector<1024x4096xi32> to vector<1024x128xi32>
    %and3A_208 = arith.constant -32 : i32
    %and3A_209 = vector.broadcast %and3A_208 : i32 to vector<1024x128xi32>
    %and3A_210 = arith.andi %slice3A_207, %and3A_209 : vector<1024x128xi32>
    %or3A_211 = arith.constant 25 : i32
    %or3A_212 = vector.broadcast %or3A_211 : i32 to vector<1024x128xi32>
    %or3A_213 = arith.ori %and3A_210, %or3A_212 : vector<1024x128xi32>
    %slice3A_214 = vector.extract_strided_slice %xor3A {offsets = [0, 3328], sizes = [1024, 128], strides = [1, 1]} : vector<1024x4096xi32> to vector<1024x128xi32>
    %and3A_215 = arith.constant -32 : i32
    %and3A_216 = vector.broadcast %and3A_215 : i32 to vector<1024x128xi32>
    %and3A_217 = arith.andi %slice3A_214, %and3A_216 : vector<1024x128xi32>
    %or3A_218 = arith.constant 26 : i32
    %or3A_219 = vector.broadcast %or3A_218 : i32 to vector<1024x128xi32>
    %or3A_220 = arith.ori %and3A_217, %or3A_219 : vector<1024x128xi32>
    %slice3A_221 = vector.extract_strided_slice %xor3A {offsets = [0, 3456], sizes = [1024, 128], strides = [1, 1]} : vector<1024x4096xi32> to vector<1024x128xi32>
    %and3A_222 = arith.constant -32 : i32
    %and3A_223 = vector.broadcast %and3A_222 : i32 to vector<1024x128xi32>
    %and3A_224 = arith.andi %slice3A_221, %and3A_223 : vector<1024x128xi32>
    %or3A_225 = arith.constant 27 : i32
    %or3A_226 = vector.broadcast %or3A_225 : i32 to vector<1024x128xi32>
    %or3A_227 = arith.ori %and3A_224, %or3A_226 : vector<1024x128xi32>
    %slice3A_228 = vector.extract_strided_slice %xor3A {offsets = [0, 3584], sizes = [1024, 128], strides = [1, 1]} : vector<1024x4096xi32> to vector<1024x128xi32>
    %and3A_229 = arith.constant -32 : i32
    %and3A_230 = vector.broadcast %and3A_229 : i32 to vector<1024x128xi32>
    %and3A_231 = arith.andi %slice3A_228, %and3A_230 : vector<1024x128xi32>
    %or3A_232 = arith.constant 28 : i32
    %or3A_233 = vector.broadcast %or3A_232 : i32 to vector<1024x128xi32>
    %or3A_234 = arith.ori %and3A_231, %or3A_233 : vector<1024x128xi32>
    %slice3A_235 = vector.extract_strided_slice %xor3A {offsets = [0, 3712], sizes = [1024, 128], strides = [1, 1]} : vector<1024x4096xi32> to vector<1024x128xi32>
    %and3A_236 = arith.constant -32 : i32
    %and3A_237 = vector.broadcast %and3A_236 : i32 to vector<1024x128xi32>
    %and3A_238 = arith.andi %slice3A_235, %and3A_237 : vector<1024x128xi32>
    %or3A_239 = arith.constant 29 : i32
    %or3A_240 = vector.broadcast %or3A_239 : i32 to vector<1024x128xi32>
    %or3A_241 = arith.ori %and3A_238, %or3A_240 : vector<1024x128xi32>
    %slice3A_242 = vector.extract_strided_slice %xor3A {offsets = [0, 3840], sizes = [1024, 128], strides = [1, 1]} : vector<1024x4096xi32> to vector<1024x128xi32>
    %and3A_243 = arith.constant -32 : i32
    %and3A_244 = vector.broadcast %and3A_243 : i32 to vector<1024x128xi32>
    %and3A_245 = arith.andi %slice3A_242, %and3A_244 : vector<1024x128xi32>
    %or3A_246 = arith.constant 30 : i32
    %or3A_247 = vector.broadcast %or3A_246 : i32 to vector<1024x128xi32>
    %or3A_248 = arith.ori %and3A_245, %or3A_247 : vector<1024x128xi32>
    %slice3A_249 = vector.extract_strided_slice %xor3A {offsets = [0, 3968], sizes = [1024, 128], strides = [1, 1]} : vector<1024x4096xi32> to vector<1024x128xi32>
    %and3A_250 = arith.constant -32 : i32
    %and3A_251 = vector.broadcast %and3A_250 : i32 to vector<1024x128xi32>
    %and3A_252 = arith.andi %slice3A_249, %and3A_251 : vector<1024x128xi32>
    %or3A_253 = arith.constant 31 : i32
    %or3A_254 = vector.broadcast %or3A_253 : i32 to vector<1024x128xi32>
    %or3A_255 = arith.ori %and3A_252, %or3A_254 : vector<1024x128xi32>
    %min3A = arith.minsi %or3A_38, %or3A_45 : vector<1024x128xi32>
    %max3A = arith.maxsi %or3A_38, %or3A_45 : vector<1024x128xi32>
    %min3A_256 = arith.minsi %or3A_52, %or3A_59 : vector<1024x128xi32>
    %max3A_257 = arith.maxsi %or3A_52, %or3A_59 : vector<1024x128xi32>
    %min3A_258 = arith.minsi %or3A_66, %or3A_73 : vector<1024x128xi32>
    %max3A_259 = arith.maxsi %or3A_66, %or3A_73 : vector<1024x128xi32>
    %min3A_260 = arith.minsi %or3A_80, %or3A_87 : vector<1024x128xi32>
    %max3A_261 = arith.maxsi %or3A_80, %or3A_87 : vector<1024x128xi32>
    %min3A_262 = arith.minsi %or3A_94, %or3A_101 : vector<1024x128xi32>
    %max3A_263 = arith.maxsi %or3A_94, %or3A_101 : vector<1024x128xi32>
    %min3A_264 = arith.minsi %or3A_108, %or3A_115 : vector<1024x128xi32>
    %max3A_265 = arith.maxsi %or3A_108, %or3A_115 : vector<1024x128xi32>
    %min3A_266 = arith.minsi %or3A_122, %or3A_129 : vector<1024x128xi32>
    %max3A_267 = arith.maxsi %or3A_122, %or3A_129 : vector<1024x128xi32>
    %min3A_268 = arith.minsi %or3A_136, %or3A_143 : vector<1024x128xi32>
    %max3A_269 = arith.maxsi %or3A_136, %or3A_143 : vector<1024x128xi32>
    %min3A_270 = arith.minsi %min3A, %max3A_257 : vector<1024x128xi32>
    %max3A_271 = arith.maxsi %min3A, %max3A_257 : vector<1024x128xi32>
    %min3A_272 = arith.minsi %max3A, %min3A_256 : vector<1024x128xi32>
    %max3A_273 = arith.maxsi %max3A, %min3A_256 : vector<1024x128xi32>
    %min3A_274 = arith.minsi %min3A_258, %max3A_261 : vector<1024x128xi32>
    %max3A_275 = arith.maxsi %min3A_258, %max3A_261 : vector<1024x128xi32>
    %min3A_276 = arith.minsi %max3A_259, %min3A_260 : vector<1024x128xi32>
    %max3A_277 = arith.maxsi %max3A_259, %min3A_260 : vector<1024x128xi32>
    %min3A_278 = arith.minsi %min3A_262, %max3A_265 : vector<1024x128xi32>
    %max3A_279 = arith.maxsi %min3A_262, %max3A_265 : vector<1024x128xi32>
    %min3A_280 = arith.minsi %max3A_263, %min3A_264 : vector<1024x128xi32>
    %max3A_281 = arith.maxsi %max3A_263, %min3A_264 : vector<1024x128xi32>
    %min3A_282 = arith.minsi %min3A_266, %max3A_269 : vector<1024x128xi32>
    %max3A_283 = arith.maxsi %min3A_266, %max3A_269 : vector<1024x128xi32>
    %min3A_284 = arith.minsi %max3A_267, %min3A_268 : vector<1024x128xi32>
    %max3A_285 = arith.maxsi %max3A_267, %min3A_268 : vector<1024x128xi32>
    %min3A_286 = arith.minsi %min3A_270, %min3A_272 : vector<1024x128xi32>
    %max3A_287 = arith.maxsi %min3A_270, %min3A_272 : vector<1024x128xi32>
    %min3A_288 = arith.minsi %max3A_271, %max3A_273 : vector<1024x128xi32>
    %max3A_289 = arith.maxsi %max3A_271, %max3A_273 : vector<1024x128xi32>
    %min3A_290 = arith.minsi %max3A_275, %max3A_277 : vector<1024x128xi32>
    %max3A_291 = arith.maxsi %max3A_275, %max3A_277 : vector<1024x128xi32>
    %min3A_292 = arith.minsi %min3A_274, %min3A_276 : vector<1024x128xi32>
    %max3A_293 = arith.maxsi %min3A_274, %min3A_276 : vector<1024x128xi32>
    %min3A_294 = arith.minsi %min3A_278, %min3A_280 : vector<1024x128xi32>
    %max3A_295 = arith.maxsi %min3A_278, %min3A_280 : vector<1024x128xi32>
    %min3A_296 = arith.minsi %max3A_279, %max3A_281 : vector<1024x128xi32>
    %max3A_297 = arith.maxsi %max3A_279, %max3A_281 : vector<1024x128xi32>
    %min3A_298 = arith.minsi %max3A_283, %max3A_285 : vector<1024x128xi32>
    %max3A_299 = arith.maxsi %max3A_283, %max3A_285 : vector<1024x128xi32>
    %min3A_300 = arith.minsi %min3A_282, %min3A_284 : vector<1024x128xi32>
    %max3A_301 = arith.maxsi %min3A_282, %min3A_284 : vector<1024x128xi32>
    %min3A_302 = arith.minsi %min3A_286, %max3A_291 : vector<1024x128xi32>
    %max3A_303 = arith.maxsi %min3A_286, %max3A_291 : vector<1024x128xi32>
    %min3A_304 = arith.minsi %max3A_287, %min3A_290 : vector<1024x128xi32>
    %max3A_305 = arith.maxsi %max3A_287, %min3A_290 : vector<1024x128xi32>
    %min3A_306 = arith.minsi %min3A_288, %max3A_293 : vector<1024x128xi32>
    %max3A_307 = arith.maxsi %min3A_288, %max3A_293 : vector<1024x128xi32>
    %min3A_308 = arith.minsi %max3A_289, %min3A_292 : vector<1024x128xi32>
    %max3A_309 = arith.maxsi %max3A_289, %min3A_292 : vector<1024x128xi32>
    %min3A_310 = arith.minsi %min3A_294, %max3A_299 : vector<1024x128xi32>
    %max3A_311 = arith.maxsi %min3A_294, %max3A_299 : vector<1024x128xi32>
    %min3A_312 = arith.minsi %max3A_295, %min3A_298 : vector<1024x128xi32>
    %max3A_313 = arith.maxsi %max3A_295, %min3A_298 : vector<1024x128xi32>
    %min3A_314 = arith.minsi %min3A_296, %max3A_301 : vector<1024x128xi32>
    %max3A_315 = arith.maxsi %min3A_296, %max3A_301 : vector<1024x128xi32>
    %min3A_316 = arith.minsi %max3A_297, %min3A_300 : vector<1024x128xi32>
    %max3A_317 = arith.maxsi %max3A_297, %min3A_300 : vector<1024x128xi32>
    %min3A_318 = arith.minsi %min3A_302, %min3A_306 : vector<1024x128xi32>
    %max3A_319 = arith.maxsi %min3A_302, %min3A_306 : vector<1024x128xi32>
    %min3A_320 = arith.minsi %min3A_304, %min3A_308 : vector<1024x128xi32>
    %max3A_321 = arith.maxsi %min3A_304, %min3A_308 : vector<1024x128xi32>
    %min3A_322 = arith.minsi %max3A_303, %max3A_307 : vector<1024x128xi32>
    %max3A_323 = arith.maxsi %max3A_303, %max3A_307 : vector<1024x128xi32>
    %min3A_324 = arith.minsi %max3A_305, %max3A_309 : vector<1024x128xi32>
    %max3A_325 = arith.maxsi %max3A_305, %max3A_309 : vector<1024x128xi32>
    %min3A_326 = arith.minsi %max3A_311, %max3A_315 : vector<1024x128xi32>
    %max3A_327 = arith.maxsi %max3A_311, %max3A_315 : vector<1024x128xi32>
    %min3A_328 = arith.minsi %max3A_313, %max3A_317 : vector<1024x128xi32>
    %max3A_329 = arith.maxsi %max3A_313, %max3A_317 : vector<1024x128xi32>
    %min3A_330 = arith.minsi %min3A_310, %min3A_314 : vector<1024x128xi32>
    %max3A_331 = arith.maxsi %min3A_310, %min3A_314 : vector<1024x128xi32>
    %min3A_332 = arith.minsi %min3A_312, %min3A_316 : vector<1024x128xi32>
    %max3A_333 = arith.maxsi %min3A_312, %min3A_316 : vector<1024x128xi32>
    %min3A_334 = arith.minsi %min3A_318, %min3A_320 : vector<1024x128xi32>
    %max3A_335 = arith.maxsi %min3A_318, %min3A_320 : vector<1024x128xi32>
    %min3A_336 = arith.minsi %max3A_319, %max3A_321 : vector<1024x128xi32>
    %max3A_337 = arith.maxsi %max3A_319, %max3A_321 : vector<1024x128xi32>
    %min3A_338 = arith.minsi %min3A_322, %min3A_324 : vector<1024x128xi32>
    %max3A_339 = arith.maxsi %min3A_322, %min3A_324 : vector<1024x128xi32>
    %min3A_340 = arith.minsi %max3A_323, %max3A_325 : vector<1024x128xi32>
    %max3A_341 = arith.maxsi %max3A_323, %max3A_325 : vector<1024x128xi32>
    %min3A_342 = arith.minsi %max3A_327, %max3A_329 : vector<1024x128xi32>
    %max3A_343 = arith.maxsi %max3A_327, %max3A_329 : vector<1024x128xi32>
    %min3A_344 = arith.minsi %min3A_326, %min3A_328 : vector<1024x128xi32>
    %max3A_345 = arith.maxsi %min3A_326, %min3A_328 : vector<1024x128xi32>
    %min3A_346 = arith.minsi %max3A_331, %max3A_333 : vector<1024x128xi32>
    %max3A_347 = arith.maxsi %max3A_331, %max3A_333 : vector<1024x128xi32>
    %min3A_348 = arith.minsi %min3A_330, %min3A_332 : vector<1024x128xi32>
    %max3A_349 = arith.maxsi %min3A_330, %min3A_332 : vector<1024x128xi32>
    %min3A_350 = arith.minsi %min3A_334, %max3A_343 : vector<1024x128xi32>
    %max3A_351 = arith.maxsi %min3A_334, %max3A_343 : vector<1024x128xi32>
    %min3A_352 = arith.minsi %max3A_335, %min3A_342 : vector<1024x128xi32>
    %max3A_353 = arith.maxsi %max3A_335, %min3A_342 : vector<1024x128xi32>
    %min3A_354 = arith.minsi %min3A_336, %max3A_345 : vector<1024x128xi32>
    %max3A_355 = arith.maxsi %min3A_336, %max3A_345 : vector<1024x128xi32>
    %min3A_356 = arith.minsi %max3A_337, %min3A_344 : vector<1024x128xi32>
    %max3A_357 = arith.maxsi %max3A_337, %min3A_344 : vector<1024x128xi32>
    %min3A_358 = arith.minsi %min3A_338, %max3A_347 : vector<1024x128xi32>
    %max3A_359 = arith.maxsi %min3A_338, %max3A_347 : vector<1024x128xi32>
    %min3A_360 = arith.minsi %max3A_339, %min3A_346 : vector<1024x128xi32>
    %max3A_361 = arith.maxsi %max3A_339, %min3A_346 : vector<1024x128xi32>
    %min3A_362 = arith.minsi %min3A_340, %max3A_349 : vector<1024x128xi32>
    %max3A_363 = arith.maxsi %min3A_340, %max3A_349 : vector<1024x128xi32>
    %min3A_364 = arith.minsi %max3A_341, %min3A_348 : vector<1024x128xi32>
    %max3A_365 = arith.maxsi %max3A_341, %min3A_348 : vector<1024x128xi32>
    %min3A_366 = arith.minsi %min3A_350, %min3A_358 : vector<1024x128xi32>
    %max3A_367 = arith.maxsi %min3A_350, %min3A_358 : vector<1024x128xi32>
    %min3A_368 = arith.minsi %min3A_352, %min3A_360 : vector<1024x128xi32>
    %max3A_369 = arith.maxsi %min3A_352, %min3A_360 : vector<1024x128xi32>
    %min3A_370 = arith.minsi %min3A_354, %min3A_362 : vector<1024x128xi32>
    %max3A_371 = arith.maxsi %min3A_354, %min3A_362 : vector<1024x128xi32>
    %min3A_372 = arith.minsi %min3A_356, %min3A_364 : vector<1024x128xi32>
    %max3A_373 = arith.maxsi %min3A_356, %min3A_364 : vector<1024x128xi32>
    %min3A_374 = arith.minsi %max3A_351, %max3A_359 : vector<1024x128xi32>
    %max3A_375 = arith.maxsi %max3A_351, %max3A_359 : vector<1024x128xi32>
    %min3A_376 = arith.minsi %max3A_353, %max3A_361 : vector<1024x128xi32>
    %max3A_377 = arith.maxsi %max3A_353, %max3A_361 : vector<1024x128xi32>
    %min3A_378 = arith.minsi %max3A_355, %max3A_363 : vector<1024x128xi32>
    %max3A_379 = arith.maxsi %max3A_355, %max3A_363 : vector<1024x128xi32>
    %min3A_380 = arith.minsi %max3A_357, %max3A_365 : vector<1024x128xi32>
    %max3A_381 = arith.maxsi %max3A_357, %max3A_365 : vector<1024x128xi32>
    %min3A_382 = arith.minsi %min3A_366, %min3A_370 : vector<1024x128xi32>
    %max3A_383 = arith.maxsi %min3A_366, %min3A_370 : vector<1024x128xi32>
    %min3A_384 = arith.minsi %min3A_368, %min3A_372 : vector<1024x128xi32>
    %max3A_385 = arith.maxsi %min3A_368, %min3A_372 : vector<1024x128xi32>
    %min3A_386 = arith.minsi %max3A_367, %max3A_371 : vector<1024x128xi32>
    %max3A_387 = arith.maxsi %max3A_367, %max3A_371 : vector<1024x128xi32>
    %min3A_388 = arith.minsi %max3A_369, %max3A_373 : vector<1024x128xi32>
    %max3A_389 = arith.maxsi %max3A_369, %max3A_373 : vector<1024x128xi32>
    %min3A_390 = arith.minsi %min3A_374, %min3A_378 : vector<1024x128xi32>
    %max3A_391 = arith.maxsi %min3A_374, %min3A_378 : vector<1024x128xi32>
    %min3A_392 = arith.minsi %min3A_376, %min3A_380 : vector<1024x128xi32>
    %max3A_393 = arith.maxsi %min3A_376, %min3A_380 : vector<1024x128xi32>
    %min3A_394 = arith.minsi %max3A_375, %max3A_379 : vector<1024x128xi32>
    %max3A_395 = arith.maxsi %max3A_375, %max3A_379 : vector<1024x128xi32>
    %min3A_396 = arith.minsi %max3A_377, %max3A_381 : vector<1024x128xi32>
    %max3A_397 = arith.maxsi %max3A_377, %max3A_381 : vector<1024x128xi32>
    %min3A_398 = arith.minsi %min3A_382, %min3A_384 : vector<1024x128xi32>
    %max3A_399 = arith.maxsi %min3A_382, %min3A_384 : vector<1024x128xi32>
    %min3A_400 = arith.minsi %max3A_383, %max3A_385 : vector<1024x128xi32>
    %max3A_401 = arith.maxsi %max3A_383, %max3A_385 : vector<1024x128xi32>
    %min3A_402 = arith.minsi %min3A_386, %min3A_388 : vector<1024x128xi32>
    %max3A_403 = arith.maxsi %min3A_386, %min3A_388 : vector<1024x128xi32>
    %min3A_404 = arith.minsi %max3A_387, %max3A_389 : vector<1024x128xi32>
    %max3A_405 = arith.maxsi %max3A_387, %max3A_389 : vector<1024x128xi32>
    %min3A_406 = arith.minsi %min3A_390, %min3A_392 : vector<1024x128xi32>
    %max3A_407 = arith.maxsi %min3A_390, %min3A_392 : vector<1024x128xi32>
    %min3A_408 = arith.minsi %max3A_391, %max3A_393 : vector<1024x128xi32>
    %max3A_409 = arith.maxsi %max3A_391, %max3A_393 : vector<1024x128xi32>
    %min3A_410 = arith.minsi %min3A_394, %min3A_396 : vector<1024x128xi32>
    %max3A_411 = arith.maxsi %min3A_394, %min3A_396 : vector<1024x128xi32>
    %min3A_412 = arith.minsi %max3A_395, %max3A_397 : vector<1024x128xi32>
    %max3A_413 = arith.maxsi %max3A_395, %max3A_397 : vector<1024x128xi32>
    %min3A_414 = arith.minsi %or3A_150, %or3A_157 : vector<1024x128xi32>
    %max3A_415 = arith.maxsi %or3A_150, %or3A_157 : vector<1024x128xi32>
    %min3A_416 = arith.minsi %or3A_164, %or3A_171 : vector<1024x128xi32>
    %max3A_417 = arith.maxsi %or3A_164, %or3A_171 : vector<1024x128xi32>
    %min3A_418 = arith.minsi %or3A_178, %or3A_185 : vector<1024x128xi32>
    %max3A_419 = arith.maxsi %or3A_178, %or3A_185 : vector<1024x128xi32>
    %min3A_420 = arith.minsi %or3A_192, %or3A_199 : vector<1024x128xi32>
    %max3A_421 = arith.maxsi %or3A_192, %or3A_199 : vector<1024x128xi32>
    %min3A_422 = arith.minsi %or3A_206, %or3A_213 : vector<1024x128xi32>
    %max3A_423 = arith.maxsi %or3A_206, %or3A_213 : vector<1024x128xi32>
    %min3A_424 = arith.minsi %or3A_220, %or3A_227 : vector<1024x128xi32>
    %max3A_425 = arith.maxsi %or3A_220, %or3A_227 : vector<1024x128xi32>
    %min3A_426 = arith.minsi %or3A_234, %or3A_241 : vector<1024x128xi32>
    %max3A_427 = arith.maxsi %or3A_234, %or3A_241 : vector<1024x128xi32>
    %min3A_428 = arith.minsi %or3A_248, %or3A_255 : vector<1024x128xi32>
    %max3A_429 = arith.maxsi %or3A_248, %or3A_255 : vector<1024x128xi32>
    %min3A_430 = arith.minsi %min3A_414, %max3A_417 : vector<1024x128xi32>
    %max3A_431 = arith.maxsi %min3A_414, %max3A_417 : vector<1024x128xi32>
    %min3A_432 = arith.minsi %max3A_415, %min3A_416 : vector<1024x128xi32>
    %max3A_433 = arith.maxsi %max3A_415, %min3A_416 : vector<1024x128xi32>
    %min3A_434 = arith.minsi %min3A_418, %max3A_421 : vector<1024x128xi32>
    %max3A_435 = arith.maxsi %min3A_418, %max3A_421 : vector<1024x128xi32>
    %min3A_436 = arith.minsi %max3A_419, %min3A_420 : vector<1024x128xi32>
    %max3A_437 = arith.maxsi %max3A_419, %min3A_420 : vector<1024x128xi32>
    %min3A_438 = arith.minsi %min3A_422, %max3A_425 : vector<1024x128xi32>
    %max3A_439 = arith.maxsi %min3A_422, %max3A_425 : vector<1024x128xi32>
    %min3A_440 = arith.minsi %max3A_423, %min3A_424 : vector<1024x128xi32>
    %max3A_441 = arith.maxsi %max3A_423, %min3A_424 : vector<1024x128xi32>
    %min3A_442 = arith.minsi %min3A_426, %max3A_429 : vector<1024x128xi32>
    %max3A_443 = arith.maxsi %min3A_426, %max3A_429 : vector<1024x128xi32>
    %min3A_444 = arith.minsi %max3A_427, %min3A_428 : vector<1024x128xi32>
    %max3A_445 = arith.maxsi %max3A_427, %min3A_428 : vector<1024x128xi32>
    %min3A_446 = arith.minsi %min3A_430, %min3A_432 : vector<1024x128xi32>
    %max3A_447 = arith.maxsi %min3A_430, %min3A_432 : vector<1024x128xi32>
    %min3A_448 = arith.minsi %max3A_431, %max3A_433 : vector<1024x128xi32>
    %max3A_449 = arith.maxsi %max3A_431, %max3A_433 : vector<1024x128xi32>
    %min3A_450 = arith.minsi %max3A_435, %max3A_437 : vector<1024x128xi32>
    %max3A_451 = arith.maxsi %max3A_435, %max3A_437 : vector<1024x128xi32>
    %min3A_452 = arith.minsi %min3A_434, %min3A_436 : vector<1024x128xi32>
    %max3A_453 = arith.maxsi %min3A_434, %min3A_436 : vector<1024x128xi32>
    %min3A_454 = arith.minsi %min3A_438, %min3A_440 : vector<1024x128xi32>
    %max3A_455 = arith.maxsi %min3A_438, %min3A_440 : vector<1024x128xi32>
    %min3A_456 = arith.minsi %max3A_439, %max3A_441 : vector<1024x128xi32>
    %max3A_457 = arith.maxsi %max3A_439, %max3A_441 : vector<1024x128xi32>
    %min3A_458 = arith.minsi %max3A_443, %max3A_445 : vector<1024x128xi32>
    %max3A_459 = arith.maxsi %max3A_443, %max3A_445 : vector<1024x128xi32>
    %min3A_460 = arith.minsi %min3A_442, %min3A_444 : vector<1024x128xi32>
    %max3A_461 = arith.maxsi %min3A_442, %min3A_444 : vector<1024x128xi32>
    %min3A_462 = arith.minsi %min3A_446, %max3A_451 : vector<1024x128xi32>
    %max3A_463 = arith.maxsi %min3A_446, %max3A_451 : vector<1024x128xi32>
    %min3A_464 = arith.minsi %max3A_447, %min3A_450 : vector<1024x128xi32>
    %max3A_465 = arith.maxsi %max3A_447, %min3A_450 : vector<1024x128xi32>
    %min3A_466 = arith.minsi %min3A_448, %max3A_453 : vector<1024x128xi32>
    %max3A_467 = arith.maxsi %min3A_448, %max3A_453 : vector<1024x128xi32>
    %min3A_468 = arith.minsi %max3A_449, %min3A_452 : vector<1024x128xi32>
    %max3A_469 = arith.maxsi %max3A_449, %min3A_452 : vector<1024x128xi32>
    %min3A_470 = arith.minsi %min3A_454, %max3A_459 : vector<1024x128xi32>
    %max3A_471 = arith.maxsi %min3A_454, %max3A_459 : vector<1024x128xi32>
    %min3A_472 = arith.minsi %max3A_455, %min3A_458 : vector<1024x128xi32>
    %max3A_473 = arith.maxsi %max3A_455, %min3A_458 : vector<1024x128xi32>
    %min3A_474 = arith.minsi %min3A_456, %max3A_461 : vector<1024x128xi32>
    %max3A_475 = arith.maxsi %min3A_456, %max3A_461 : vector<1024x128xi32>
    %min3A_476 = arith.minsi %max3A_457, %min3A_460 : vector<1024x128xi32>
    %max3A_477 = arith.maxsi %max3A_457, %min3A_460 : vector<1024x128xi32>
    %min3A_478 = arith.minsi %min3A_462, %min3A_466 : vector<1024x128xi32>
    %max3A_479 = arith.maxsi %min3A_462, %min3A_466 : vector<1024x128xi32>
    %min3A_480 = arith.minsi %min3A_464, %min3A_468 : vector<1024x128xi32>
    %max3A_481 = arith.maxsi %min3A_464, %min3A_468 : vector<1024x128xi32>
    %min3A_482 = arith.minsi %max3A_463, %max3A_467 : vector<1024x128xi32>
    %max3A_483 = arith.maxsi %max3A_463, %max3A_467 : vector<1024x128xi32>
    %min3A_484 = arith.minsi %max3A_465, %max3A_469 : vector<1024x128xi32>
    %max3A_485 = arith.maxsi %max3A_465, %max3A_469 : vector<1024x128xi32>
    %min3A_486 = arith.minsi %max3A_471, %max3A_475 : vector<1024x128xi32>
    %max3A_487 = arith.maxsi %max3A_471, %max3A_475 : vector<1024x128xi32>
    %min3A_488 = arith.minsi %max3A_473, %max3A_477 : vector<1024x128xi32>
    %max3A_489 = arith.maxsi %max3A_473, %max3A_477 : vector<1024x128xi32>
    %min3A_490 = arith.minsi %min3A_470, %min3A_474 : vector<1024x128xi32>
    %max3A_491 = arith.maxsi %min3A_470, %min3A_474 : vector<1024x128xi32>
    %min3A_492 = arith.minsi %min3A_472, %min3A_476 : vector<1024x128xi32>
    %max3A_493 = arith.maxsi %min3A_472, %min3A_476 : vector<1024x128xi32>
    %min3A_494 = arith.minsi %min3A_478, %min3A_480 : vector<1024x128xi32>
    %max3A_495 = arith.maxsi %min3A_478, %min3A_480 : vector<1024x128xi32>
    %min3A_496 = arith.minsi %max3A_479, %max3A_481 : vector<1024x128xi32>
    %max3A_497 = arith.maxsi %max3A_479, %max3A_481 : vector<1024x128xi32>
    %min3A_498 = arith.minsi %min3A_482, %min3A_484 : vector<1024x128xi32>
    %max3A_499 = arith.maxsi %min3A_482, %min3A_484 : vector<1024x128xi32>
    %min3A_500 = arith.minsi %max3A_483, %max3A_485 : vector<1024x128xi32>
    %max3A_501 = arith.maxsi %max3A_483, %max3A_485 : vector<1024x128xi32>
    %min3A_502 = arith.minsi %max3A_487, %max3A_489 : vector<1024x128xi32>
    %max3A_503 = arith.maxsi %max3A_487, %max3A_489 : vector<1024x128xi32>
    %min3A_504 = arith.minsi %min3A_486, %min3A_488 : vector<1024x128xi32>
    %max3A_505 = arith.maxsi %min3A_486, %min3A_488 : vector<1024x128xi32>
    %min3A_506 = arith.minsi %max3A_491, %max3A_493 : vector<1024x128xi32>
    %max3A_507 = arith.maxsi %max3A_491, %max3A_493 : vector<1024x128xi32>
    %min3A_508 = arith.minsi %min3A_490, %min3A_492 : vector<1024x128xi32>
    %max3A_509 = arith.maxsi %min3A_490, %min3A_492 : vector<1024x128xi32>
    %min3A_510 = arith.minsi %min3A_494, %max3A_503 : vector<1024x128xi32>
    %max3A_511 = arith.maxsi %min3A_494, %max3A_503 : vector<1024x128xi32>
    %min3A_512 = arith.minsi %max3A_495, %min3A_502 : vector<1024x128xi32>
    %max3A_513 = arith.maxsi %max3A_495, %min3A_502 : vector<1024x128xi32>
    %min3A_514 = arith.minsi %min3A_496, %max3A_505 : vector<1024x128xi32>
    %max3A_515 = arith.maxsi %min3A_496, %max3A_505 : vector<1024x128xi32>
    %min3A_516 = arith.minsi %max3A_497, %min3A_504 : vector<1024x128xi32>
    %max3A_517 = arith.maxsi %max3A_497, %min3A_504 : vector<1024x128xi32>
    %min3A_518 = arith.minsi %min3A_498, %max3A_507 : vector<1024x128xi32>
    %max3A_519 = arith.maxsi %min3A_498, %max3A_507 : vector<1024x128xi32>
    %min3A_520 = arith.minsi %max3A_499, %min3A_506 : vector<1024x128xi32>
    %max3A_521 = arith.maxsi %max3A_499, %min3A_506 : vector<1024x128xi32>
    %min3A_522 = arith.minsi %min3A_500, %max3A_509 : vector<1024x128xi32>
    %max3A_523 = arith.maxsi %min3A_500, %max3A_509 : vector<1024x128xi32>
    %min3A_524 = arith.minsi %max3A_501, %min3A_508 : vector<1024x128xi32>
    %max3A_525 = arith.maxsi %max3A_501, %min3A_508 : vector<1024x128xi32>
    %min3A_526 = arith.minsi %min3A_510, %min3A_518 : vector<1024x128xi32>
    %max3A_527 = arith.maxsi %min3A_510, %min3A_518 : vector<1024x128xi32>
    %min3A_528 = arith.minsi %min3A_512, %min3A_520 : vector<1024x128xi32>
    %max3A_529 = arith.maxsi %min3A_512, %min3A_520 : vector<1024x128xi32>
    %min3A_530 = arith.minsi %min3A_514, %min3A_522 : vector<1024x128xi32>
    %max3A_531 = arith.maxsi %min3A_514, %min3A_522 : vector<1024x128xi32>
    %min3A_532 = arith.minsi %min3A_516, %min3A_524 : vector<1024x128xi32>
    %max3A_533 = arith.maxsi %min3A_516, %min3A_524 : vector<1024x128xi32>
    %min3A_534 = arith.minsi %max3A_511, %max3A_519 : vector<1024x128xi32>
    %max3A_535 = arith.maxsi %max3A_511, %max3A_519 : vector<1024x128xi32>
    %min3A_536 = arith.minsi %max3A_513, %max3A_521 : vector<1024x128xi32>
    %max3A_537 = arith.maxsi %max3A_513, %max3A_521 : vector<1024x128xi32>
    %min3A_538 = arith.minsi %max3A_515, %max3A_523 : vector<1024x128xi32>
    %max3A_539 = arith.maxsi %max3A_515, %max3A_523 : vector<1024x128xi32>
    %min3A_540 = arith.minsi %max3A_517, %max3A_525 : vector<1024x128xi32>
    %max3A_541 = arith.maxsi %max3A_517, %max3A_525 : vector<1024x128xi32>
    %min3A_542 = arith.minsi %min3A_526, %min3A_530 : vector<1024x128xi32>
    %max3A_543 = arith.maxsi %min3A_526, %min3A_530 : vector<1024x128xi32>
    %min3A_544 = arith.minsi %min3A_528, %min3A_532 : vector<1024x128xi32>
    %max3A_545 = arith.maxsi %min3A_528, %min3A_532 : vector<1024x128xi32>
    %min3A_546 = arith.minsi %max3A_527, %max3A_531 : vector<1024x128xi32>
    %max3A_547 = arith.maxsi %max3A_527, %max3A_531 : vector<1024x128xi32>
    %min3A_548 = arith.minsi %max3A_529, %max3A_533 : vector<1024x128xi32>
    %max3A_549 = arith.maxsi %max3A_529, %max3A_533 : vector<1024x128xi32>
    %min3A_550 = arith.minsi %min3A_534, %min3A_538 : vector<1024x128xi32>
    %max3A_551 = arith.maxsi %min3A_534, %min3A_538 : vector<1024x128xi32>
    %min3A_552 = arith.minsi %min3A_536, %min3A_540 : vector<1024x128xi32>
    %max3A_553 = arith.maxsi %min3A_536, %min3A_540 : vector<1024x128xi32>
    %min3A_554 = arith.minsi %max3A_535, %max3A_539 : vector<1024x128xi32>
    %max3A_555 = arith.maxsi %max3A_535, %max3A_539 : vector<1024x128xi32>
    %min3A_556 = arith.minsi %max3A_537, %max3A_541 : vector<1024x128xi32>
    %max3A_557 = arith.maxsi %max3A_537, %max3A_541 : vector<1024x128xi32>
    %min3A_558 = arith.minsi %min3A_542, %min3A_544 : vector<1024x128xi32>
    %max3A_559 = arith.maxsi %min3A_542, %min3A_544 : vector<1024x128xi32>
    %min3A_560 = arith.minsi %max3A_543, %max3A_545 : vector<1024x128xi32>
    %max3A_561 = arith.maxsi %max3A_543, %max3A_545 : vector<1024x128xi32>
    %min3A_562 = arith.minsi %min3A_546, %min3A_548 : vector<1024x128xi32>
    %max3A_563 = arith.maxsi %min3A_546, %min3A_548 : vector<1024x128xi32>
    %min3A_564 = arith.minsi %max3A_547, %max3A_549 : vector<1024x128xi32>
    %max3A_565 = arith.maxsi %max3A_547, %max3A_549 : vector<1024x128xi32>
    %min3A_566 = arith.minsi %min3A_550, %min3A_552 : vector<1024x128xi32>
    %max3A_567 = arith.maxsi %min3A_550, %min3A_552 : vector<1024x128xi32>
    %min3A_568 = arith.minsi %max3A_551, %max3A_553 : vector<1024x128xi32>
    %max3A_569 = arith.maxsi %max3A_551, %max3A_553 : vector<1024x128xi32>
    %min3A_570 = arith.minsi %min3A_554, %min3A_556 : vector<1024x128xi32>
    %max3A_571 = arith.maxsi %min3A_554, %min3A_556 : vector<1024x128xi32>
    %min3A_572 = arith.minsi %max3A_555, %max3A_557 : vector<1024x128xi32>
    %max3A_573 = arith.maxsi %max3A_555, %max3A_557 : vector<1024x128xi32>
    %min3A_574 = arith.minsi %min3A_398, %max3A_573 : vector<1024x128xi32>
    %min3A_575 = arith.minsi %max3A_399, %min3A_572 : vector<1024x128xi32>
    %min3A_576 = arith.minsi %min3A_400, %max3A_571 : vector<1024x128xi32>
    %min3A_577 = arith.minsi %max3A_401, %min3A_570 : vector<1024x128xi32>
    %min3A_578 = arith.minsi %min3A_402, %max3A_569 : vector<1024x128xi32>
    %min3A_579 = arith.minsi %max3A_403, %min3A_568 : vector<1024x128xi32>
    %min3A_580 = arith.minsi %min3A_404, %max3A_567 : vector<1024x128xi32>
    %min3A_581 = arith.minsi %max3A_405, %min3A_566 : vector<1024x128xi32>
    %min3A_582 = arith.minsi %min3A_406, %max3A_565 : vector<1024x128xi32>
    %min3A_583 = arith.minsi %max3A_407, %min3A_564 : vector<1024x128xi32>
    %min3A_584 = arith.minsi %min3A_408, %max3A_563 : vector<1024x128xi32>
    %min3A_585 = arith.minsi %max3A_409, %min3A_562 : vector<1024x128xi32>
    %min3A_586 = arith.minsi %min3A_410, %max3A_561 : vector<1024x128xi32>
    %min3A_587 = arith.minsi %max3A_411, %min3A_560 : vector<1024x128xi32>
    %min3A_588 = arith.minsi %min3A_412, %max3A_559 : vector<1024x128xi32>
    %min3A_589 = arith.minsi %max3A_413, %min3A_558 : vector<1024x128xi32>
    %min3A_590 = arith.minsi %min3A_574, %min3A_582 : vector<1024x128xi32>
    %max3A_591 = arith.maxsi %min3A_574, %min3A_582 : vector<1024x128xi32>
    %min3A_592 = arith.minsi %min3A_575, %min3A_583 : vector<1024x128xi32>
    %max3A_593 = arith.maxsi %min3A_575, %min3A_583 : vector<1024x128xi32>
    %min3A_594 = arith.minsi %min3A_576, %min3A_584 : vector<1024x128xi32>
    %max3A_595 = arith.maxsi %min3A_576, %min3A_584 : vector<1024x128xi32>
    %min3A_596 = arith.minsi %min3A_577, %min3A_585 : vector<1024x128xi32>
    %max3A_597 = arith.maxsi %min3A_577, %min3A_585 : vector<1024x128xi32>
    %min3A_598 = arith.minsi %min3A_578, %min3A_586 : vector<1024x128xi32>
    %max3A_599 = arith.maxsi %min3A_578, %min3A_586 : vector<1024x128xi32>
    %min3A_600 = arith.minsi %min3A_579, %min3A_587 : vector<1024x128xi32>
    %max3A_601 = arith.maxsi %min3A_579, %min3A_587 : vector<1024x128xi32>
    %min3A_602 = arith.minsi %min3A_580, %min3A_588 : vector<1024x128xi32>
    %max3A_603 = arith.maxsi %min3A_580, %min3A_588 : vector<1024x128xi32>
    %min3A_604 = arith.minsi %min3A_581, %min3A_589 : vector<1024x128xi32>
    %max3A_605 = arith.maxsi %min3A_581, %min3A_589 : vector<1024x128xi32>
    %min3A_606 = arith.minsi %min3A_590, %min3A_598 : vector<1024x128xi32>
    %max3A_607 = arith.maxsi %min3A_590, %min3A_598 : vector<1024x128xi32>
    %min3A_608 = arith.minsi %min3A_592, %min3A_600 : vector<1024x128xi32>
    %max3A_609 = arith.maxsi %min3A_592, %min3A_600 : vector<1024x128xi32>
    %min3A_610 = arith.minsi %min3A_594, %min3A_602 : vector<1024x128xi32>
    %max3A_611 = arith.maxsi %min3A_594, %min3A_602 : vector<1024x128xi32>
    %min3A_612 = arith.minsi %min3A_596, %min3A_604 : vector<1024x128xi32>
    %max3A_613 = arith.maxsi %min3A_596, %min3A_604 : vector<1024x128xi32>
    %min3A_614 = arith.minsi %max3A_591, %max3A_599 : vector<1024x128xi32>
    %max3A_615 = arith.maxsi %max3A_591, %max3A_599 : vector<1024x128xi32>
    %min3A_616 = arith.minsi %max3A_593, %max3A_601 : vector<1024x128xi32>
    %max3A_617 = arith.maxsi %max3A_593, %max3A_601 : vector<1024x128xi32>
    %min3A_618 = arith.minsi %max3A_595, %max3A_603 : vector<1024x128xi32>
    %max3A_619 = arith.maxsi %max3A_595, %max3A_603 : vector<1024x128xi32>
    %min3A_620 = arith.minsi %max3A_597, %max3A_605 : vector<1024x128xi32>
    %max3A_621 = arith.maxsi %max3A_597, %max3A_605 : vector<1024x128xi32>
    %min3A_622 = arith.minsi %min3A_606, %min3A_610 : vector<1024x128xi32>
    %max3A_623 = arith.maxsi %min3A_606, %min3A_610 : vector<1024x128xi32>
    %min3A_624 = arith.minsi %min3A_608, %min3A_612 : vector<1024x128xi32>
    %max3A_625 = arith.maxsi %min3A_608, %min3A_612 : vector<1024x128xi32>
    %min3A_626 = arith.minsi %max3A_607, %max3A_611 : vector<1024x128xi32>
    %max3A_627 = arith.maxsi %max3A_607, %max3A_611 : vector<1024x128xi32>
    %min3A_628 = arith.minsi %max3A_609, %max3A_613 : vector<1024x128xi32>
    %max3A_629 = arith.maxsi %max3A_609, %max3A_613 : vector<1024x128xi32>
    %min3A_630 = arith.minsi %min3A_614, %min3A_618 : vector<1024x128xi32>
    %max3A_631 = arith.maxsi %min3A_614, %min3A_618 : vector<1024x128xi32>
    %min3A_632 = arith.minsi %min3A_616, %min3A_620 : vector<1024x128xi32>
    %max3A_633 = arith.maxsi %min3A_616, %min3A_620 : vector<1024x128xi32>
    %min3A_634 = arith.minsi %max3A_615, %max3A_619 : vector<1024x128xi32>
    %max3A_635 = arith.maxsi %max3A_615, %max3A_619 : vector<1024x128xi32>
    %min3A_636 = arith.minsi %max3A_617, %max3A_621 : vector<1024x128xi32>
    %max3A_637 = arith.maxsi %max3A_617, %max3A_621 : vector<1024x128xi32>
    %min3A_638 = arith.minsi %min3A_622, %min3A_624 : vector<1024x128xi32>
    %max3A_639 = arith.maxsi %min3A_622, %min3A_624 : vector<1024x128xi32>
    %min3A_640 = arith.minsi %max3A_623, %max3A_625 : vector<1024x128xi32>
    %max3A_641 = arith.maxsi %max3A_623, %max3A_625 : vector<1024x128xi32>
    %min3A_642 = arith.minsi %min3A_626, %min3A_628 : vector<1024x128xi32>
    %max3A_643 = arith.maxsi %min3A_626, %min3A_628 : vector<1024x128xi32>
    %min3A_644 = arith.minsi %max3A_627, %max3A_629 : vector<1024x128xi32>
    %max3A_645 = arith.maxsi %max3A_627, %max3A_629 : vector<1024x128xi32>
    %min3A_646 = arith.minsi %min3A_630, %min3A_632 : vector<1024x128xi32>
    %max3A_647 = arith.maxsi %min3A_630, %min3A_632 : vector<1024x128xi32>
    %min3A_648 = arith.minsi %max3A_631, %max3A_633 : vector<1024x128xi32>
    %max3A_649 = arith.maxsi %max3A_631, %max3A_633 : vector<1024x128xi32>
    %min3A_650 = arith.minsi %min3A_634, %min3A_636 : vector<1024x128xi32>
    %max3A_651 = arith.maxsi %min3A_634, %min3A_636 : vector<1024x128xi32>
    %min3A_652 = arith.minsi %max3A_635, %max3A_637 : vector<1024x128xi32>
    %max3A_653 = arith.maxsi %max3A_635, %max3A_637 : vector<1024x128xi32>
    %iota3A_654 = tpu.iota {dimensions = array<i32: 1>} : vector<1024x128xi32>
    %reduce_min3A = arith.constant dense<2147483647> : vector<1024xi32>
    %reduce_min3A_655 = vector.multi_reduction <minsi>, %min3A_638, %reduce_min3A [1] : vector<1024x128xi32> to vector<1024xi32>
    %broadcast_in_dim3A_656 = vector.shape_cast %reduce_min3A_655 : vector<1024xi32> to vector<1024x1xi32>
    %eq3A = vector.broadcast %broadcast_in_dim3A_656 : vector<1024x1xi32> to vector<1024x128xi32>
    %eq3A_657 = arith.cmpi eq, %min3A_638, %eq3A : vector<1024x128xi32>
    %jit3A_658 = arith.constant 1073741824 : i32
    %broadcast_in_dim3A_659 = vector.broadcast %jit3A_658 : i32 to vector<1024x128xi32>
    %select_n3A_660 = arith.select %eq3A_657, %iota3A_654, %broadcast_in_dim3A_659 : vector<1024x128xi1>, vector<1024x128xi32>
    %reduce_min3A_661 = arith.constant dense<2147483647> : vector<1024xi32>
    %reduce_min3A_662 = vector.multi_reduction <minsi>, %select_n3A_660, %reduce_min3A_661 [1] : vector<1024x128xi32> to vector<1024xi32>
    %broadcast_in_dim3A_663 = vector.shape_cast %reduce_min3A_662 : vector<1024xi32> to vector<1024x1xi32>
    %and3A_664 = arith.constant 31 : i32
    %and3A_665 = vector.broadcast %and3A_664 : i32 to vector<1024x1xi32>
    %and3A_666 = arith.andi %broadcast_in_dim3A_656, %and3A_665 : vector<1024x1xi32>
    %mul3A_667 = arith.constant 128 : i32
    %mul3A_668 = vector.broadcast %mul3A_667 : i32 to vector<1024x1xi32>
    %mul3A_669 = arith.muli %and3A_666, %mul3A_668 : vector<1024x1xi32>
    %add3A = arith.addi %mul3A_669, %broadcast_in_dim3A_663 : vector<1024x1xi32>
    %add3A_670 = arith.constant 0 : i32
    %add3A_671 = vector.broadcast %add3A_670 : i32 to vector<1024x1xi32>
    %add3A_672 = arith.addi %add3A, %add3A_671 : vector<1024x1xi32>
    %swap3A = arith.constant 0 : index
    %swap3A_673 = arith.constant 0 : index
    %swap3A_674 = arith.constant 0 : index
    %swap3A_675 = vector.load %arg3[%swap3A, %swap3A_673, %swap3A_674] : memref<1x1024x16xi32, #tpu.memory_space<vmem>>, vector<1x1024x1xi32>
    %swap3A_676 = vector.shape_cast %swap3A_675 : vector<1x1024x1xi32> to vector<1024x1xi32>
    %swap3A_677 = vector.shape_cast %add3A_672 : vector<1024x1xi32> to vector<1x1024x1xi32>
    tpu.vector_store %arg3[%swap3A, %swap3A_673, %swap3A_674], %swap3A_677 {strides = array<i32>} : memref<1x1024x16xi32, #tpu.memory_space<vmem>>, vector<1x1024x1xi32>,
    %eq3A_678 = vector.broadcast %broadcast_in_dim3A_663 : vector<1024x1xi32> to vector<1024x128xi32>
    %eq3A_679 = arith.cmpi eq, %iota3A_654, %eq3A_678 : vector<1024x128xi32>
    %select_n3A_680 = arith.select %eq3A_679, %max3A_639, %min3A_638 : vector<1024x128xi1>, vector<1024x128xi32>
    %select_n3A_681 = arith.select %eq3A_679, %min3A_640, %max3A_639 : vector<1024x128xi1>, vector<1024x128xi32>
    %select_n3A_682 = arith.select %eq3A_679, %max3A_641, %min3A_640 : vector<1024x128xi1>, vector<1024x128xi32>
    %select_n3A_683 = arith.select %eq3A_679, %min3A_642, %max3A_641 : vector<1024x128xi1>, vector<1024x128xi32>
    %select_n3A_684 = arith.select %eq3A_679, %max3A_643, %min3A_642 : vector<1024x128xi1>, vector<1024x128xi32>
    %select_n3A_685 = arith.select %eq3A_679, %min3A_644, %max3A_643 : vector<1024x128xi1>, vector<1024x128xi32>
    %select_n3A_686 = arith.select %eq3A_679, %max3A_645, %min3A_644 : vector<1024x128xi1>, vector<1024x128xi32>
    %select_n3A_687 = arith.select %eq3A_679, %min3A_646, %max3A_645 : vector<1024x128xi1>, vector<1024x128xi32>
    %select_n3A_688 = arith.select %eq3A_679, %max3A_647, %min3A_646 : vector<1024x128xi1>, vector<1024x128xi32>
    %select_n3A_689 = arith.select %eq3A_679, %min3A_648, %max3A_647 : vector<1024x128xi1>, vector<1024x128xi32>
    %select_n3A_690 = arith.select %eq3A_679, %max3A_649, %min3A_648 : vector<1024x128xi1>, vector<1024x128xi32>
    %select_n3A_691 = arith.select %eq3A_679, %min3A_650, %max3A_649 : vector<1024x128xi1>, vector<1024x128xi32>
    %select_n3A_692 = arith.select %eq3A_679, %max3A_651, %min3A_650 : vector<1024x128xi1>, vector<1024x128xi32>
    %select_n3A_693 = arith.select %eq3A_679, %min3A_652, %max3A_651 : vector<1024x128xi1>, vector<1024x128xi32>
    %select_n3A_694 = arith.select %eq3A_679, %max3A_653, %min3A_652 : vector<1024x128xi1>, vector<1024x128xi32>
    %reduce_min3A_695 = arith.constant dense<2147483647> : vector<1024xi32>
    %reduce_min3A_696 = vector.multi_reduction <minsi>, %select_n3A_680, %reduce_min3A_695 [1] : vector<1024x128xi32> to vector<1024xi32>
    %broadcast_in_dim3A_697 = vector.shape_cast %reduce_min3A_696 : vector<1024xi32> to vector<1024x1xi32>
    %eq3A_698 = vector.broadcast %broadcast_in_dim3A_697 : vector<1024x1xi32> to vector<1024x128xi32>
    %eq3A_699 = arith.cmpi eq, %select_n3A_680, %eq3A_698 : vector<1024x128xi32>
    %jit3A_700 = arith.constant 1073741824 : i32
    %broadcast_in_dim3A_701 = vector.broadcast %jit3A_700 : i32 to vector<1024x128xi32>
    %select_n3A_702 = arith.select %eq3A_699, %iota3A_654, %broadcast_in_dim3A_701 : vector<1024x128xi1>, vector<1024x128xi32>
    %reduce_min3A_703 = arith.constant dense<2147483647> : vector<1024xi32>
    %reduce_min3A_704 = vector.multi_reduction <minsi>, %select_n3A_702, %reduce_min3A_703 [1] : vector<1024x128xi32> to vector<1024xi32>
    %broadcast_in_dim3A_705 = vector.shape_cast %reduce_min3A_704 : vector<1024xi32> to vector<1024x1xi32>
    %and3A_706 = arith.constant 31 : i32
    %and3A_707 = vector.broadcast %and3A_706 : i32 to vector<1024x1xi32>
    %and3A_708 = arith.andi %broadcast_in_dim3A_697, %and3A_707 : vector<1024x1xi32>
    %mul3A_709 = arith.constant 128 : i32
    %mul3A_710 = vector.broadcast %mul3A_709 : i32 to vector<1024x1xi32>
    %mul3A_711 = arith.muli %and3A_708, %mul3A_710 : vector<1024x1xi32>
    %add3A_712 = arith.addi %mul3A_711, %broadcast_in_dim3A_705 : vector<1024x1xi32>
    %add3A_713 = arith.constant 0 : i32
    %add3A_714 = vector.broadcast %add3A_713 : i32 to vector<1024x1xi32>
    %add3A_715 = arith.addi %add3A_712, %add3A_714 : vector<1024x1xi32>
    %swap3A_716 = arith.constant 0 : index
    %swap3A_717 = arith.constant 0 : index
    %swap3A_718 = arith.constant 1 : index
    %swap3A_719 = vector.load %arg3[%swap3A_716, %swap3A_717, %swap3A_718] : memref<1x1024x16xi32, #tpu.memory_space<vmem>>, vector<1x1024x1xi32>
    %swap3A_720 = vector.shape_cast %swap3A_719 : vector<1x1024x1xi32> to vector<1024x1xi32>
    %swap3A_721 = vector.shape_cast %add3A_715 : vector<1024x1xi32> to vector<1x1024x1xi32>
    tpu.vector_store %arg3[%swap3A_716, %swap3A_717, %swap3A_718], %swap3A_721 {strides = array<i32>} : memref<1x1024x16xi32, #tpu.memory_space<vmem>>, vector<1x1024x1xi32>,
    %eq3A_722 = vector.broadcast %broadcast_in_dim3A_705 : vector<1024x1xi32> to vector<1024x128xi32>
    %eq3A_723 = arith.cmpi eq, %iota3A_654, %eq3A_722 : vector<1024x128xi32>
    %select_n3A_724 = arith.select %eq3A_723, %select_n3A_681, %select_n3A_680 : vector<1024x128xi1>, vector<1024x128xi32>
    %select_n3A_725 = arith.select %eq3A_723, %select_n3A_682, %select_n3A_681 : vector<1024x128xi1>, vector<1024x128xi32>
    %select_n3A_726 = arith.select %eq3A_723, %select_n3A_683, %select_n3A_682 : vector<1024x128xi1>, vector<1024x128xi32>
    %select_n3A_727 = arith.select %eq3A_723, %select_n3A_684, %select_n3A_683 : vector<1024x128xi1>, vector<1024x128xi32>
    %select_n3A_728 = arith.select %eq3A_723, %select_n3A_685, %select_n3A_684 : vector<1024x128xi1>, vector<1024x128xi32>
    %select_n3A_729 = arith.select %eq3A_723, %select_n3A_686, %select_n3A_685 : vector<1024x128xi1>, vector<1024x128xi32>
    %select_n3A_730 = arith.select %eq3A_723, %select_n3A_687, %select_n3A_686 : vector<1024x128xi1>, vector<1024x128xi32>
    %select_n3A_731 = arith.select %eq3A_723, %select_n3A_688, %select_n3A_687 : vector<1024x128xi1>, vector<1024x128xi32>
    %select_n3A_732 = arith.select %eq3A_723, %select_n3A_689, %select_n3A_688 : vector<1024x128xi1>, vector<1024x128xi32>
    %select_n3A_733 = arith.select %eq3A_723, %select_n3A_690, %select_n3A_689 : vector<1024x128xi1>, vector<1024x128xi32>
    %select_n3A_734 = arith.select %eq3A_723, %select_n3A_691, %select_n3A_690 : vector<1024x128xi1>, vector<1024x128xi32>
    %select_n3A_735 = arith.select %eq3A_723, %select_n3A_692, %select_n3A_691 : vector<1024x128xi1>, vector<1024x128xi32>
    %select_n3A_736 = arith.select %eq3A_723, %select_n3A_693, %select_n3A_692 : vector<1024x128xi1>, vector<1024x128xi32>
    %select_n3A_737 = arith.select %eq3A_723, %select_n3A_694, %select_n3A_693 : vector<1024x128xi1>, vector<1024x128xi32>
    %reduce_min3A_738 = arith.constant dense<2147483647> : vector<1024xi32>
    %reduce_min3A_739 = vector.multi_reduction <minsi>, %select_n3A_724, %reduce_min3A_738 [1] : vector<1024x128xi32> to vector<1024xi32>
    %broadcast_in_dim3A_740 = vector.shape_cast %reduce_min3A_739 : vector<1024xi32> to vector<1024x1xi32>
    %eq3A_741 = vector.broadcast %broadcast_in_dim3A_740 : vector<1024x1xi32> to vector<1024x128xi32>
    %eq3A_742 = arith.cmpi eq, %select_n3A_724, %eq3A_741 : vector<1024x128xi32>
    %jit3A_743 = arith.constant 1073741824 : i32
    %broadcast_in_dim3A_744 = vector.broadcast %jit3A_743 : i32 to vector<1024x128xi32>
    %select_n3A_745 = arith.select %eq3A_742, %iota3A_654, %broadcast_in_dim3A_744 : vector<1024x128xi1>, vector<1024x128xi32>
    %reduce_min3A_746 = arith.constant dense<2147483647> : vector<1024xi32>
    %reduce_min3A_747 = vector.multi_reduction <minsi>, %select_n3A_745, %reduce_min3A_746 [1] : vector<1024x128xi32> to vector<1024xi32>
    %broadcast_in_dim3A_748 = vector.shape_cast %reduce_min3A_747 : vector<1024xi32> to vector<1024x1xi32>
    %and3A_749 = arith.constant 31 : i32
    %and3A_750 = vector.broadcast %and3A_749 : i32 to vector<1024x1xi32>
    %and3A_751 = arith.andi %broadcast_in_dim3A_740, %and3A_750 : vector<1024x1xi32>
    %mul3A_752 = arith.constant 128 : i32
    %mul3A_753 = vector.broadcast %mul3A_752 : i32 to vector<1024x1xi32>
    %mul3A_754 = arith.muli %and3A_751, %mul3A_753 : vector<1024x1xi32>
    %add3A_755 = arith.addi %mul3A_754, %broadcast_in_dim3A_748 : vector<1024x1xi32>
    %add3A_756 = arith.constant 0 : i32
    %add3A_757 = vector.broadcast %add3A_756 : i32 to vector<1024x1xi32>
    %add3A_758 = arith.addi %add3A_755, %add3A_757 : vector<1024x1xi32>
    %swap3A_759 = arith.constant 0 : index
    %swap3A_760 = arith.constant 0 : index
    %swap3A_761 = arith.constant 2 : index
    %swap3A_762 = vector.load %arg3[%swap3A_759, %swap3A_760, %swap3A_761] : memref<1x1024x16xi32, #tpu.memory_space<vmem>>, vector<1x1024x1xi32>
    %swap3A_763 = vector.shape_cast %swap3A_762 : vector<1x1024x1xi32> to vector<1024x1xi32>
    %swap3A_764 = vector.shape_cast %add3A_758 : vector<1024x1xi32> to vector<1x1024x1xi32>
    tpu.vector_store %arg3[%swap3A_759, %swap3A_760, %swap3A_761], %swap3A_764 {strides = array<i32>} : memref<1x1024x16xi32, #tpu.memory_space<vmem>>, vector<1x1024x1xi32>,
    %eq3A_765 = vector.broadcast %broadcast_in_dim3A_748 : vector<1024x1xi32> to vector<1024x128xi32>
    %eq3A_766 = arith.cmpi eq, %iota3A_654, %eq3A_765 : vector<1024x128xi32>
    %select_n3A_767 = arith.select %eq3A_766, %select_n3A_725, %select_n3A_724 : vector<1024x128xi1>, vector<1024x128xi32>
    %select_n3A_768 = arith.select %eq3A_766, %select_n3A_726, %select_n3A_725 : vector<1024x128xi1>, vector<1024x128xi32>
    %select_n3A_769 = arith.select %eq3A_766, %select_n3A_727, %select_n3A_726 : vector<1024x128xi1>, vector<1024x128xi32>
    %select_n3A_770 = arith.select %eq3A_766, %select_n3A_728, %select_n3A_727 : vector<1024x128xi1>, vector<1024x128xi32>
    %select_n3A_771 = arith.select %eq3A_766, %select_n3A_729, %select_n3A_728 : vector<1024x128xi1>, vector<1024x128xi32>
    %select_n3A_772 = arith.select %eq3A_766, %select_n3A_730, %select_n3A_729 : vector<1024x128xi1>, vector<1024x128xi32>
    %select_n3A_773 = arith.select %eq3A_766, %select_n3A_731, %select_n3A_730 : vector<1024x128xi1>, vector<1024x128xi32>
    %select_n3A_774 = arith.select %eq3A_766, %select_n3A_732, %select_n3A_731 : vector<1024x128xi1>, vector<1024x128xi32>
    %select_n3A_775 = arith.select %eq3A_766, %select_n3A_733, %select_n3A_732 : vector<1024x128xi1>, vector<1024x128xi32>
    %select_n3A_776 = arith.select %eq3A_766, %select_n3A_734, %select_n3A_733 : vector<1024x128xi1>, vector<1024x128xi32>
    %select_n3A_777 = arith.select %eq3A_766, %select_n3A_735, %select_n3A_734 : vector<1024x128xi1>, vector<1024x128xi32>
    %select_n3A_778 = arith.select %eq3A_766, %select_n3A_736, %select_n3A_735 : vector<1024x128xi1>, vector<1024x128xi32>
    %select_n3A_779 = arith.select %eq3A_766, %select_n3A_737, %select_n3A_736 : vector<1024x128xi1>, vector<1024x128xi32>
    %reduce_min3A_780 = arith.constant dense<2147483647> : vector<1024xi32>
    %reduce_min3A_781 = vector.multi_reduction <minsi>, %select_n3A_767, %reduce_min3A_780 [1] : vector<1024x128xi32> to vector<1024xi32>
    %broadcast_in_dim3A_782 = vector.shape_cast %reduce_min3A_781 : vector<1024xi32> to vector<1024x1xi32>
    %eq3A_783 = vector.broadcast %broadcast_in_dim3A_782 : vector<1024x1xi32> to vector<1024x128xi32>
    %eq3A_784 = arith.cmpi eq, %select_n3A_767, %eq3A_783 : vector<1024x128xi32>
    %jit3A_785 = arith.constant 1073741824 : i32
    %broadcast_in_dim3A_786 = vector.broadcast %jit3A_785 : i32 to vector<1024x128xi32>
    %select_n3A_787 = arith.select %eq3A_784, %iota3A_654, %broadcast_in_dim3A_786 : vector<1024x128xi1>, vector<1024x128xi32>
    %reduce_min3A_788 = arith.constant dense<2147483647> : vector<1024xi32>
    %reduce_min3A_789 = vector.multi_reduction <minsi>, %select_n3A_787, %reduce_min3A_788 [1] : vector<1024x128xi32> to vector<1024xi32>
    %broadcast_in_dim3A_790 = vector.shape_cast %reduce_min3A_789 : vector<1024xi32> to vector<1024x1xi32>
    %and3A_791 = arith.constant 31 : i32
    %and3A_792 = vector.broadcast %and3A_791 : i32 to vector<1024x1xi32>
    %and3A_793 = arith.andi %broadcast_in_dim3A_782, %and3A_792 : vector<1024x1xi32>
    %mul3A_794 = arith.constant 128 : i32
    %mul3A_795 = vector.broadcast %mul3A_794 : i32 to vector<1024x1xi32>
    %mul3A_796 = arith.muli %and3A_793, %mul3A_795 : vector<1024x1xi32>
    %add3A_797 = arith.addi %mul3A_796, %broadcast_in_dim3A_790 : vector<1024x1xi32>
    %add3A_798 = arith.constant 0 : i32
    %add3A_799 = vector.broadcast %add3A_798 : i32 to vector<1024x1xi32>
    %add3A_800 = arith.addi %add3A_797, %add3A_799 : vector<1024x1xi32>
    %swap3A_801 = arith.constant 0 : index
    %swap3A_802 = arith.constant 0 : index
    %swap3A_803 = arith.constant 3 : index
    %swap3A_804 = vector.load %arg3[%swap3A_801, %swap3A_802, %swap3A_803] : memref<1x1024x16xi32, #tpu.memory_space<vmem>>, vector<1x1024x1xi32>
    %swap3A_805 = vector.shape_cast %swap3A_804 : vector<1x1024x1xi32> to vector<1024x1xi32>
    %swap3A_806 = vector.shape_cast %add3A_800 : vector<1024x1xi32> to vector<1x1024x1xi32>
    tpu.vector_store %arg3[%swap3A_801, %swap3A_802, %swap3A_803], %swap3A_806 {strides = array<i32>} : memref<1x1024x16xi32, #tpu.memory_space<vmem>>, vector<1x1024x1xi32>,
    %eq3A_807 = vector.broadcast %broadcast_in_dim3A_790 : vector<1024x1xi32> to vector<1024x128xi32>
    %eq3A_808 = arith.cmpi eq, %iota3A_654, %eq3A_807 : vector<1024x128xi32>
    %select_n3A_809 = arith.select %eq3A_808, %select_n3A_768, %select_n3A_767 : vector<1024x128xi1>, vector<1024x128xi32>
    %select_n3A_810 = arith.select %eq3A_808, %select_n3A_769, %select_n3A_768 : vector<1024x128xi1>, vector<1024x128xi32>
    %select_n3A_811 = arith.select %eq3A_808, %select_n3A_770, %select_n3A_769 : vector<1024x128xi1>, vector<1024x128xi32>
    %select_n3A_812 = arith.select %eq3A_808, %select_n3A_771, %select_n3A_770 : vector<1024x128xi1>, vector<1024x128xi32>
    %select_n3A_813 = arith.select %eq3A_808, %select_n3A_772, %select_n3A_771 : vector<1024x128xi1>, vector<1024x128xi32>
    %select_n3A_814 = arith.select %eq3A_808, %select_n3A_773, %select_n3A_772 : vector<1024x128xi1>, vector<1024x128xi32>
    %select_n3A_815 = arith.select %eq3A_808, %select_n3A_774, %select_n3A_773 : vector<1024x128xi1>, vector<1024x128xi32>
    %select_n3A_816 = arith.select %eq3A_808, %select_n3A_775, %select_n3A_774 : vector<1024x128xi1>, vector<1024x128xi32>
    %select_n3A_817 = arith.select %eq3A_808, %select_n3A_776, %select_n3A_775 : vector<1024x128xi1>, vector<1024x128xi32>
    %select_n3A_818 = arith.select %eq3A_808, %select_n3A_777, %select_n3A_776 : vector<1024x128xi1>, vector<1024x128xi32>
    %select_n3A_819 = arith.select %eq3A_808, %select_n3A_778, %select_n3A_777 : vector<1024x128xi1>, vector<1024x128xi32>
    %select_n3A_820 = arith.select %eq3A_808, %select_n3A_779, %select_n3A_778 : vector<1024x128xi1>, vector<1024x128xi32>
    %reduce_min3A_821 = arith.constant dense<2147483647> : vector<1024xi32>
    %reduce_min3A_822 = vector.multi_reduction <minsi>, %select_n3A_809, %reduce_min3A_821 [1] : vector<1024x128xi32> to vector<1024xi32>
    %broadcast_in_dim3A_823 = vector.shape_cast %reduce_min3A_822 : vector<1024xi32> to vector<1024x1xi32>
    %eq3A_824 = vector.broadcast %broadcast_in_dim3A_823 : vector<1024x1xi32> to vector<1024x128xi32>
    %eq3A_825 = arith.cmpi eq, %select_n3A_809, %eq3A_824 : vector<1024x128xi32>
    %jit3A_826 = arith.constant 1073741824 : i32
    %broadcast_in_dim3A_827 = vector.broadcast %jit3A_826 : i32 to vector<1024x128xi32>
    %select_n3A_828 = arith.select %eq3A_825, %iota3A_654, %broadcast_in_dim3A_827 : vector<1024x128xi1>, vector<1024x128xi32>
    %reduce_min3A_829 = arith.constant dense<2147483647> : vector<1024xi32>
    %reduce_min3A_830 = vector.multi_reduction <minsi>, %select_n3A_828, %reduce_min3A_829 [1] : vector<1024x128xi32> to vector<1024xi32>
    %broadcast_in_dim3A_831 = vector.shape_cast %reduce_min3A_830 : vector<1024xi32> to vector<1024x1xi32>
    %and3A_832 = arith.constant 31 : i32
    %and3A_833 = vector.broadcast %and3A_832 : i32 to vector<1024x1xi32>
    %and3A_834 = arith.andi %broadcast_in_dim3A_823, %and3A_833 : vector<1024x1xi32>
    %mul3A_835 = arith.constant 128 : i32
    %mul3A_836 = vector.broadcast %mul3A_835 : i32 to vector<1024x1xi32>
    %mul3A_837 = arith.muli %and3A_834, %mul3A_836 : vector<1024x1xi32>
    %add3A_838 = arith.addi %mul3A_837, %broadcast_in_dim3A_831 : vector<1024x1xi32>
    %add3A_839 = arith.constant 0 : i32
    %add3A_840 = vector.broadcast %add3A_839 : i32 to vector<1024x1xi32>
    %add3A_841 = arith.addi %add3A_838, %add3A_840 : vector<1024x1xi32>
    %swap3A_842 = arith.constant 0 : index
    %swap3A_843 = arith.constant 0 : index
    %swap3A_844 = arith.constant 4 : index
    %swap3A_845 = vector.load %arg3[%swap3A_842, %swap3A_843, %swap3A_844] : memref<1x1024x16xi32, #tpu.memory_space<vmem>>, vector<1x1024x1xi32>
    %swap3A_846 = vector.shape_cast %swap3A_845 : vector<1x1024x1xi32> to vector<1024x1xi32>
    %swap3A_847 = vector.shape_cast %add3A_841 : vector<1024x1xi32> to vector<1x1024x1xi32>
    tpu.vector_store %arg3[%swap3A_842, %swap3A_843, %swap3A_844], %swap3A_847 {strides = array<i32>} : memref<1x1024x16xi32, #tpu.memory_space<vmem>>, vector<1x1024x1xi32>,
    %eq3A_848 = vector.broadcast %broadcast_in_dim3A_831 : vector<1024x1xi32> to vector<1024x128xi32>
    %eq3A_849 = arith.cmpi eq, %iota3A_654, %eq3A_848 : vector<1024x128xi32>
    %select_n3A_850 = arith.select %eq3A_849, %select_n3A_810, %select_n3A_809 : vector<1024x128xi1>, vector<1024x128xi32>
    %select_n3A_851 = arith.select %eq3A_849, %select_n3A_811, %select_n3A_810 : vector<1024x128xi1>, vector<1024x128xi32>
    %select_n3A_852 = arith.select %eq3A_849, %select_n3A_812, %select_n3A_811 : vector<1024x128xi1>, vector<1024x128xi32>
    %select_n3A_853 = arith.select %eq3A_849, %select_n3A_813, %select_n3A_812 : vector<1024x128xi1>, vector<1024x128xi32>
    %select_n3A_854 = arith.select %eq3A_849, %select_n3A_814, %select_n3A_813 : vector<1024x128xi1>, vector<1024x128xi32>
    %select_n3A_855 = arith.select %eq3A_849, %select_n3A_815, %select_n3A_814 : vector<1024x128xi1>, vector<1024x128xi32>
    %select_n3A_856 = arith.select %eq3A_849, %select_n3A_816, %select_n3A_815 : vector<1024x128xi1>, vector<1024x128xi32>
    %select_n3A_857 = arith.select %eq3A_849, %select_n3A_817, %select_n3A_816 : vector<1024x128xi1>, vector<1024x128xi32>
    %select_n3A_858 = arith.select %eq3A_849, %select_n3A_818, %select_n3A_817 : vector<1024x128xi1>, vector<1024x128xi32>
    %select_n3A_859 = arith.select %eq3A_849, %select_n3A_819, %select_n3A_818 : vector<1024x128xi1>, vector<1024x128xi32>
    %select_n3A_860 = arith.select %eq3A_849, %select_n3A_820, %select_n3A_819 : vector<1024x128xi1>, vector<1024x128xi32>
    %reduce_min3A_861 = arith.constant dense<2147483647> : vector<1024xi32>
    %reduce_min3A_862 = vector.multi_reduction <minsi>, %select_n3A_850, %reduce_min3A_861 [1] : vector<1024x128xi32> to vector<1024xi32>
    %broadcast_in_dim3A_863 = vector.shape_cast %reduce_min3A_862 : vector<1024xi32> to vector<1024x1xi32>
    %eq3A_864 = vector.broadcast %broadcast_in_dim3A_863 : vector<1024x1xi32> to vector<1024x128xi32>
    %eq3A_865 = arith.cmpi eq, %select_n3A_850, %eq3A_864 : vector<1024x128xi32>
    %jit3A_866 = arith.constant 1073741824 : i32
    %broadcast_in_dim3A_867 = vector.broadcast %jit3A_866 : i32 to vector<1024x128xi32>
    %select_n3A_868 = arith.select %eq3A_865, %iota3A_654, %broadcast_in_dim3A_867 : vector<1024x128xi1>, vector<1024x128xi32>
    %reduce_min3A_869 = arith.constant dense<2147483647> : vector<1024xi32>
    %reduce_min3A_870 = vector.multi_reduction <minsi>, %select_n3A_868, %reduce_min3A_869 [1] : vector<1024x128xi32> to vector<1024xi32>
    %broadcast_in_dim3A_871 = vector.shape_cast %reduce_min3A_870 : vector<1024xi32> to vector<1024x1xi32>
    %and3A_872 = arith.constant 31 : i32
    %and3A_873 = vector.broadcast %and3A_872 : i32 to vector<1024x1xi32>
    %and3A_874 = arith.andi %broadcast_in_dim3A_863, %and3A_873 : vector<1024x1xi32>
    %mul3A_875 = arith.constant 128 : i32
    %mul3A_876 = vector.broadcast %mul3A_875 : i32 to vector<1024x1xi32>
    %mul3A_877 = arith.muli %and3A_874, %mul3A_876 : vector<1024x1xi32>
    %add3A_878 = arith.addi %mul3A_877, %broadcast_in_dim3A_871 : vector<1024x1xi32>
    %add3A_879 = arith.constant 0 : i32
    %add3A_880 = vector.broadcast %add3A_879 : i32 to vector<1024x1xi32>
    %add3A_881 = arith.addi %add3A_878, %add3A_880 : vector<1024x1xi32>
    %swap3A_882 = arith.constant 0 : index
    %swap3A_883 = arith.constant 0 : index
    %swap3A_884 = arith.constant 5 : index
    %swap3A_885 = vector.load %arg3[%swap3A_882, %swap3A_883, %swap3A_884] : memref<1x1024x16xi32, #tpu.memory_space<vmem>>, vector<1x1024x1xi32>
    %swap3A_886 = vector.shape_cast %swap3A_885 : vector<1x1024x1xi32> to vector<1024x1xi32>
    %swap3A_887 = vector.shape_cast %add3A_881 : vector<1024x1xi32> to vector<1x1024x1xi32>
    tpu.vector_store %arg3[%swap3A_882, %swap3A_883, %swap3A_884], %swap3A_887 {strides = array<i32>} : memref<1x1024x16xi32, #tpu.memory_space<vmem>>, vector<1x1024x1xi32>,
    %eq3A_888 = vector.broadcast %broadcast_in_dim3A_871 : vector<1024x1xi32> to vector<1024x128xi32>
    %eq3A_889 = arith.cmpi eq, %iota3A_654, %eq3A_888 : vector<1024x128xi32>
    %select_n3A_890 = arith.select %eq3A_889, %select_n3A_851, %select_n3A_850 : vector<1024x128xi1>, vector<1024x128xi32>
    %select_n3A_891 = arith.select %eq3A_889, %select_n3A_852, %select_n3A_851 : vector<1024x128xi1>, vector<1024x128xi32>
    %select_n3A_892 = arith.select %eq3A_889, %select_n3A_853, %select_n3A_852 : vector<1024x128xi1>, vector<1024x128xi32>
    %select_n3A_893 = arith.select %eq3A_889, %select_n3A_854, %select_n3A_853 : vector<1024x128xi1>, vector<1024x128xi32>
    %select_n3A_894 = arith.select %eq3A_889, %select_n3A_855, %select_n3A_854 : vector<1024x128xi1>, vector<1024x128xi32>
    %select_n3A_895 = arith.select %eq3A_889, %select_n3A_856, %select_n3A_855 : vector<1024x128xi1>, vector<1024x128xi32>
    %select_n3A_896 = arith.select %eq3A_889, %select_n3A_857, %select_n3A_856 : vector<1024x128xi1>, vector<1024x128xi32>
    %select_n3A_897 = arith.select %eq3A_889, %select_n3A_858, %select_n3A_857 : vector<1024x128xi1>, vector<1024x128xi32>
    %select_n3A_898 = arith.select %eq3A_889, %select_n3A_859, %select_n3A_858 : vector<1024x128xi1>, vector<1024x128xi32>
    %select_n3A_899 = arith.select %eq3A_889, %select_n3A_860, %select_n3A_859 : vector<1024x128xi1>, vector<1024x128xi32>
    %reduce_min3A_900 = arith.constant dense<2147483647> : vector<1024xi32>
    %reduce_min3A_901 = vector.multi_reduction <minsi>, %select_n3A_890, %reduce_min3A_900 [1] : vector<1024x128xi32> to vector<1024xi32>
    %broadcast_in_dim3A_902 = vector.shape_cast %reduce_min3A_901 : vector<1024xi32> to vector<1024x1xi32>
    %eq3A_903 = vector.broadcast %broadcast_in_dim3A_902 : vector<1024x1xi32> to vector<1024x128xi32>
    %eq3A_904 = arith.cmpi eq, %select_n3A_890, %eq3A_903 : vector<1024x128xi32>
    %jit3A_905 = arith.constant 1073741824 : i32
    %broadcast_in_dim3A_906 = vector.broadcast %jit3A_905 : i32 to vector<1024x128xi32>
    %select_n3A_907 = arith.select %eq3A_904, %iota3A_654, %broadcast_in_dim3A_906 : vector<1024x128xi1>, vector<1024x128xi32>
    %reduce_min3A_908 = arith.constant dense<2147483647> : vector<1024xi32>
    %reduce_min3A_909 = vector.multi_reduction <minsi>, %select_n3A_907, %reduce_min3A_908 [1] : vector<1024x128xi32> to vector<1024xi32>
    %broadcast_in_dim3A_910 = vector.shape_cast %reduce_min3A_909 : vector<1024xi32> to vector<1024x1xi32>
    %and3A_911 = arith.constant 31 : i32
    %and3A_912 = vector.broadcast %and3A_911 : i32 to vector<1024x1xi32>
    %and3A_913 = arith.andi %broadcast_in_dim3A_902, %and3A_912 : vector<1024x1xi32>
    %mul3A_914 = arith.constant 128 : i32
    %mul3A_915 = vector.broadcast %mul3A_914 : i32 to vector<1024x1xi32>
    %mul3A_916 = arith.muli %and3A_913, %mul3A_915 : vector<1024x1xi32>
    %add3A_917 = arith.addi %mul3A_916, %broadcast_in_dim3A_910 : vector<1024x1xi32>
    %add3A_918 = arith.constant 0 : i32
    %add3A_919 = vector.broadcast %add3A_918 : i32 to vector<1024x1xi32>
    %add3A_920 = arith.addi %add3A_917, %add3A_919 : vector<1024x1xi32>
    %swap3A_921 = arith.constant 0 : index
    %swap3A_922 = arith.constant 0 : index
    %swap3A_923 = arith.constant 6 : index
    %swap3A_924 = vector.load %arg3[%swap3A_921, %swap3A_922, %swap3A_923] : memref<1x1024x16xi32, #tpu.memory_space<vmem>>, vector<1x1024x1xi32>
    %swap3A_925 = vector.shape_cast %swap3A_924 : vector<1x1024x1xi32> to vector<1024x1xi32>
    %swap3A_926 = vector.shape_cast %add3A_920 : vector<1024x1xi32> to vector<1x1024x1xi32>
    tpu.vector_store %arg3[%swap3A_921, %swap3A_922, %swap3A_923], %swap3A_926 {strides = array<i32>} : memref<1x1024x16xi32, #tpu.memory_space<vmem>>, vector<1x1024x1xi32>,
    %eq3A_927 = vector.broadcast %broadcast_in_dim3A_910 : vector<1024x1xi32> to vector<1024x128xi32>
    %eq3A_928 = arith.cmpi eq, %iota3A_654, %eq3A_927 : vector<1024x128xi32>
    %select_n3A_929 = arith.select %eq3A_928, %select_n3A_891, %select_n3A_890 : vector<1024x128xi1>, vector<1024x128xi32>
    %select_n3A_930 = arith.select %eq3A_928, %select_n3A_892, %select_n3A_891 : vector<1024x128xi1>, vector<1024x128xi32>
    %select_n3A_931 = arith.select %eq3A_928, %select_n3A_893, %select_n3A_892 : vector<1024x128xi1>, vector<1024x128xi32>
    %select_n3A_932 = arith.select %eq3A_928, %select_n3A_894, %select_n3A_893 : vector<1024x128xi1>, vector<1024x128xi32>
    %select_n3A_933 = arith.select %eq3A_928, %select_n3A_895, %select_n3A_894 : vector<1024x128xi1>, vector<1024x128xi32>
    %select_n3A_934 = arith.select %eq3A_928, %select_n3A_896, %select_n3A_895 : vector<1024x128xi1>, vector<1024x128xi32>
    %select_n3A_935 = arith.select %eq3A_928, %select_n3A_897, %select_n3A_896 : vector<1024x128xi1>, vector<1024x128xi32>
    %select_n3A_936 = arith.select %eq3A_928, %select_n3A_898, %select_n3A_897 : vector<1024x128xi1>, vector<1024x128xi32>
    %select_n3A_937 = arith.select %eq3A_928, %select_n3A_899, %select_n3A_898 : vector<1024x128xi1>, vector<1024x128xi32>
    %reduce_min3A_938 = arith.constant dense<2147483647> : vector<1024xi32>
    %reduce_min3A_939 = vector.multi_reduction <minsi>, %select_n3A_929, %reduce_min3A_938 [1] : vector<1024x128xi32> to vector<1024xi32>
    %broadcast_in_dim3A_940 = vector.shape_cast %reduce_min3A_939 : vector<1024xi32> to vector<1024x1xi32>
    %eq3A_941 = vector.broadcast %broadcast_in_dim3A_940 : vector<1024x1xi32> to vector<1024x128xi32>
    %eq3A_942 = arith.cmpi eq, %select_n3A_929, %eq3A_941 : vector<1024x128xi32>
    %jit3A_943 = arith.constant 1073741824 : i32
    %broadcast_in_dim3A_944 = vector.broadcast %jit3A_943 : i32 to vector<1024x128xi32>
    %select_n3A_945 = arith.select %eq3A_942, %iota3A_654, %broadcast_in_dim3A_944 : vector<1024x128xi1>, vector<1024x128xi32>
    %reduce_min3A_946 = arith.constant dense<2147483647> : vector<1024xi32>
    %reduce_min3A_947 = vector.multi_reduction <minsi>, %select_n3A_945, %reduce_min3A_946 [1] : vector<1024x128xi32> to vector<1024xi32>
    %broadcast_in_dim3A_948 = vector.shape_cast %reduce_min3A_947 : vector<1024xi32> to vector<1024x1xi32>
    %and3A_949 = arith.constant 31 : i32
    %and3A_950 = vector.broadcast %and3A_949 : i32 to vector<1024x1xi32>
    %and3A_951 = arith.andi %broadcast_in_dim3A_940, %and3A_950 : vector<1024x1xi32>
    %mul3A_952 = arith.constant 128 : i32
    %mul3A_953 = vector.broadcast %mul3A_952 : i32 to vector<1024x1xi32>
    %mul3A_954 = arith.muli %and3A_951, %mul3A_953 : vector<1024x1xi32>
    %add3A_955 = arith.addi %mul3A_954, %broadcast_in_dim3A_948 : vector<1024x1xi32>
    %add3A_956 = arith.constant 0 : i32
    %add3A_957 = vector.broadcast %add3A_956 : i32 to vector<1024x1xi32>
    %add3A_958 = arith.addi %add3A_955, %add3A_957 : vector<1024x1xi32>
    %swap3A_959 = arith.constant 0 : index
    %swap3A_960 = arith.constant 0 : index
    %swap3A_961 = arith.constant 7 : index
    %swap3A_962 = vector.load %arg3[%swap3A_959, %swap3A_960, %swap3A_961] : memref<1x1024x16xi32, #tpu.memory_space<vmem>>, vector<1x1024x1xi32>
    %swap3A_963 = vector.shape_cast %swap3A_962 : vector<1x1024x1xi32> to vector<1024x1xi32>
    %swap3A_964 = vector.shape_cast %add3A_958 : vector<1024x1xi32> to vector<1x1024x1xi32>
    tpu.vector_store %arg3[%swap3A_959, %swap3A_960, %swap3A_961], %swap3A_964 {strides = array<i32>} : memref<1x1024x16xi32, #tpu.memory_space<vmem>>, vector<1x1024x1xi32>,
    %eq3A_965 = vector.broadcast %broadcast_in_dim3A_948 : vector<1024x1xi32> to vector<1024x128xi32>
    %eq3A_966 = arith.cmpi eq, %iota3A_654, %eq3A_965 : vector<1024x128xi32>
    %select_n3A_967 = arith.select %eq3A_966, %select_n3A_930, %select_n3A_929 : vector<1024x128xi1>, vector<1024x128xi32>
    %select_n3A_968 = arith.select %eq3A_966, %select_n3A_931, %select_n3A_930 : vector<1024x128xi1>, vector<1024x128xi32>
    %select_n3A_969 = arith.select %eq3A_966, %select_n3A_932, %select_n3A_931 : vector<1024x128xi1>, vector<1024x128xi32>
    %select_n3A_970 = arith.select %eq3A_966, %select_n3A_933, %select_n3A_932 : vector<1024x128xi1>, vector<1024x128xi32>
    %select_n3A_971 = arith.select %eq3A_966, %select_n3A_934, %select_n3A_933 : vector<1024x128xi1>, vector<1024x128xi32>
    %select_n3A_972 = arith.select %eq3A_966, %select_n3A_935, %select_n3A_934 : vector<1024x128xi1>, vector<1024x128xi32>
    %select_n3A_973 = arith.select %eq3A_966, %select_n3A_936, %select_n3A_935 : vector<1024x128xi1>, vector<1024x128xi32>
    %select_n3A_974 = arith.select %eq3A_966, %select_n3A_937, %select_n3A_936 : vector<1024x128xi1>, vector<1024x128xi32>
    %reduce_min3A_975 = arith.constant dense<2147483647> : vector<1024xi32>
    %reduce_min3A_976 = vector.multi_reduction <minsi>, %select_n3A_967, %reduce_min3A_975 [1] : vector<1024x128xi32> to vector<1024xi32>
    %broadcast_in_dim3A_977 = vector.shape_cast %reduce_min3A_976 : vector<1024xi32> to vector<1024x1xi32>
    %eq3A_978 = vector.broadcast %broadcast_in_dim3A_977 : vector<1024x1xi32> to vector<1024x128xi32>
    %eq3A_979 = arith.cmpi eq, %select_n3A_967, %eq3A_978 : vector<1024x128xi32>
    %jit3A_980 = arith.constant 1073741824 : i32
    %broadcast_in_dim3A_981 = vector.broadcast %jit3A_980 : i32 to vector<1024x128xi32>
    %select_n3A_982 = arith.select %eq3A_979, %iota3A_654, %broadcast_in_dim3A_981 : vector<1024x128xi1>, vector<1024x128xi32>
    %reduce_min3A_983 = arith.constant dense<2147483647> : vector<1024xi32>
    %reduce_min3A_984 = vector.multi_reduction <minsi>, %select_n3A_982, %reduce_min3A_983 [1] : vector<1024x128xi32> to vector<1024xi32>
    %broadcast_in_dim3A_985 = vector.shape_cast %reduce_min3A_984 : vector<1024xi32> to vector<1024x1xi32>
    %and3A_986 = arith.constant 31 : i32
    %and3A_987 = vector.broadcast %and3A_986 : i32 to vector<1024x1xi32>
    %and3A_988 = arith.andi %broadcast_in_dim3A_977, %and3A_987 : vector<1024x1xi32>
    %mul3A_989 = arith.constant 128 : i32
    %mul3A_990 = vector.broadcast %mul3A_989 : i32 to vector<1024x1xi32>
    %mul3A_991 = arith.muli %and3A_988, %mul3A_990 : vector<1024x1xi32>
    %add3A_992 = arith.addi %mul3A_991, %broadcast_in_dim3A_985 : vector<1024x1xi32>
    %add3A_993 = arith.constant 0 : i32
    %add3A_994 = vector.broadcast %add3A_993 : i32 to vector<1024x1xi32>
    %add3A_995 = arith.addi %add3A_992, %add3A_994 : vector<1024x1xi32>
    %swap3A_996 = arith.constant 0 : index
    %swap3A_997 = arith.constant 0 : index
    %swap3A_998 = arith.constant 8 : index
    %swap3A_999 = vector.load %arg3[%swap3A_996, %swap3A_997, %swap3A_998] : memref<1x1024x16xi32, #tpu.memory_space<vmem>>, vector<1x1024x1xi32>
    %swap3A_1000 = vector.shape_cast %swap3A_999 : vector<1x1024x1xi32> to vector<1024x1xi32>
    %swap3A_1001 = vector.shape_cast %add3A_995 : vector<1024x1xi32> to vector<1x1024x1xi32>
    tpu.vector_store %arg3[%swap3A_996, %swap3A_997, %swap3A_998], %swap3A_1001 {strides = array<i32>} : memref<1x1024x16xi32, #tpu.memory_space<vmem>>, vector<1x1024x1xi32>,
    %eq3A_1002 = vector.broadcast %broadcast_in_dim3A_985 : vector<1024x1xi32> to vector<1024x128xi32>
    %eq3A_1003 = arith.cmpi eq, %iota3A_654, %eq3A_1002 : vector<1024x128xi32>
    %select_n3A_1004 = arith.select %eq3A_1003, %select_n3A_968, %select_n3A_967 : vector<1024x128xi1>, vector<1024x128xi32>
    %select_n3A_1005 = arith.select %eq3A_1003, %select_n3A_969, %select_n3A_968 : vector<1024x128xi1>, vector<1024x128xi32>
    %select_n3A_1006 = arith.select %eq3A_1003, %select_n3A_970, %select_n3A_969 : vector<1024x128xi1>, vector<1024x128xi32>
    %select_n3A_1007 = arith.select %eq3A_1003, %select_n3A_971, %select_n3A_970 : vector<1024x128xi1>, vector<1024x128xi32>
    %select_n3A_1008 = arith.select %eq3A_1003, %select_n3A_972, %select_n3A_971 : vector<1024x128xi1>, vector<1024x128xi32>
    %select_n3A_1009 = arith.select %eq3A_1003, %select_n3A_973, %select_n3A_972 : vector<1024x128xi1>, vector<1024x128xi32>
    %select_n3A_1010 = arith.select %eq3A_1003, %select_n3A_974, %select_n3A_973 : vector<1024x128xi1>, vector<1024x128xi32>
    %reduce_min3A_1011 = arith.constant dense<2147483647> : vector<1024xi32>
    %reduce_min3A_1012 = vector.multi_reduction <minsi>, %select_n3A_1004, %reduce_min3A_1011 [1] : vector<1024x128xi32> to vector<1024xi32>
    %broadcast_in_dim3A_1013 = vector.shape_cast %reduce_min3A_1012 : vector<1024xi32> to vector<1024x1xi32>
    %eq3A_1014 = vector.broadcast %broadcast_in_dim3A_1013 : vector<1024x1xi32> to vector<1024x128xi32>
    %eq3A_1015 = arith.cmpi eq, %select_n3A_1004, %eq3A_1014 : vector<1024x128xi32>
    %jit3A_1016 = arith.constant 1073741824 : i32
    %broadcast_in_dim3A_1017 = vector.broadcast %jit3A_1016 : i32 to vector<1024x128xi32>
    %select_n3A_1018 = arith.select %eq3A_1015, %iota3A_654, %broadcast_in_dim3A_1017 : vector<1024x128xi1>, vector<1024x128xi32>
    %reduce_min3A_1019 = arith.constant dense<2147483647> : vector<1024xi32>
    %reduce_min3A_1020 = vector.multi_reduction <minsi>, %select_n3A_1018, %reduce_min3A_1019 [1] : vector<1024x128xi32> to vector<1024xi32>
    %broadcast_in_dim3A_1021 = vector.shape_cast %reduce_min3A_1020 : vector<1024xi32> to vector<1024x1xi32>
    %and3A_1022 = arith.constant 31 : i32
    %and3A_1023 = vector.broadcast %and3A_1022 : i32 to vector<1024x1xi32>
    %and3A_1024 = arith.andi %broadcast_in_dim3A_1013, %and3A_1023 : vector<1024x1xi32>
    %mul3A_1025 = arith.constant 128 : i32
    %mul3A_1026 = vector.broadcast %mul3A_1025 : i32 to vector<1024x1xi32>
    %mul3A_1027 = arith.muli %and3A_1024, %mul3A_1026 : vector<1024x1xi32>
    %add3A_1028 = arith.addi %mul3A_1027, %broadcast_in_dim3A_1021 : vector<1024x1xi32>
    %add3A_1029 = arith.constant 0 : i32
    %add3A_1030 = vector.broadcast %add3A_1029 : i32 to vector<1024x1xi32>
    %add3A_1031 = arith.addi %add3A_1028, %add3A_1030 : vector<1024x1xi32>
    %swap3A_1032 = arith.constant 0 : index
    %swap3A_1033 = arith.constant 0 : index
    %swap3A_1034 = arith.constant 9 : index
    %swap3A_1035 = vector.load %arg3[%swap3A_1032, %swap3A_1033, %swap3A_1034] : memref<1x1024x16xi32, #tpu.memory_space<vmem>>, vector<1x1024x1xi32>
    %swap3A_1036 = vector.shape_cast %swap3A_1035 : vector<1x1024x1xi32> to vector<1024x1xi32>
    %swap3A_1037 = vector.shape_cast %add3A_1031 : vector<1024x1xi32> to vector<1x1024x1xi32>
    tpu.vector_store %arg3[%swap3A_1032, %swap3A_1033, %swap3A_1034], %swap3A_1037 {strides = array<i32>} : memref<1x1024x16xi32, #tpu.memory_space<vmem>>, vector<1x1024x1xi32>,
    %eq3A_1038 = vector.broadcast %broadcast_in_dim3A_1021 : vector<1024x1xi32> to vector<1024x128xi32>
    %eq3A_1039 = arith.cmpi eq, %iota3A_654, %eq3A_1038 : vector<1024x128xi32>
    %select_n3A_1040 = arith.select %eq3A_1039, %select_n3A_1005, %select_n3A_1004 : vector<1024x128xi1>, vector<1024x128xi32>
    %select_n3A_1041 = arith.select %eq3A_1039, %select_n3A_1006, %select_n3A_1005 : vector<1024x128xi1>, vector<1024x128xi32>
    %select_n3A_1042 = arith.select %eq3A_1039, %select_n3A_1007, %select_n3A_1006 : vector<1024x128xi1>, vector<1024x128xi32>
    %select_n3A_1043 = arith.select %eq3A_1039, %select_n3A_1008, %select_n3A_1007 : vector<1024x128xi1>, vector<1024x128xi32>
    %select_n3A_1044 = arith.select %eq3A_1039, %select_n3A_1009, %select_n3A_1008 : vector<1024x128xi1>, vector<1024x128xi32>
    %select_n3A_1045 = arith.select %eq3A_1039, %select_n3A_1010, %select_n3A_1009 : vector<1024x128xi1>, vector<1024x128xi32>
    %reduce_min3A_1046 = arith.constant dense<2147483647> : vector<1024xi32>
    %reduce_min3A_1047 = vector.multi_reduction <minsi>, %select_n3A_1040, %reduce_min3A_1046 [1] : vector<1024x128xi32> to vector<1024xi32>
    %broadcast_in_dim3A_1048 = vector.shape_cast %reduce_min3A_1047 : vector<1024xi32> to vector<1024x1xi32>
    %eq3A_1049 = vector.broadcast %broadcast_in_dim3A_1048 : vector<1024x1xi32> to vector<1024x128xi32>
    %eq3A_1050 = arith.cmpi eq, %select_n3A_1040, %eq3A_1049 : vector<1024x128xi32>
    %jit3A_1051 = arith.constant 1073741824 : i32
    %broadcast_in_dim3A_1052 = vector.broadcast %jit3A_1051 : i32 to vector<1024x128xi32>
    %select_n3A_1053 = arith.select %eq3A_1050, %iota3A_654, %broadcast_in_dim3A_1052 : vector<1024x128xi1>, vector<1024x128xi32>
    %reduce_min3A_1054 = arith.constant dense<2147483647> : vector<1024xi32>
    %reduce_min3A_1055 = vector.multi_reduction <minsi>, %select_n3A_1053, %reduce_min3A_1054 [1] : vector<1024x128xi32> to vector<1024xi32>
    %broadcast_in_dim3A_1056 = vector.shape_cast %reduce_min3A_1055 : vector<1024xi32> to vector<1024x1xi32>
    %and3A_1057 = arith.constant 31 : i32
    %and3A_1058 = vector.broadcast %and3A_1057 : i32 to vector<1024x1xi32>
    %and3A_1059 = arith.andi %broadcast_in_dim3A_1048, %and3A_1058 : vector<1024x1xi32>
    %mul3A_1060 = arith.constant 128 : i32
    %mul3A_1061 = vector.broadcast %mul3A_1060 : i32 to vector<1024x1xi32>
    %mul3A_1062 = arith.muli %and3A_1059, %mul3A_1061 : vector<1024x1xi32>
    %add3A_1063 = arith.addi %mul3A_1062, %broadcast_in_dim3A_1056 : vector<1024x1xi32>
    %add3A_1064 = arith.constant 0 : i32
    %add3A_1065 = vector.broadcast %add3A_1064 : i32 to vector<1024x1xi32>
    %add3A_1066 = arith.addi %add3A_1063, %add3A_1065 : vector<1024x1xi32>
    %swap3A_1067 = arith.constant 0 : index
    %swap3A_1068 = arith.constant 0 : index
    %swap3A_1069 = arith.constant 10 : index
    %swap3A_1070 = vector.load %arg3[%swap3A_1067, %swap3A_1068, %swap3A_1069] : memref<1x1024x16xi32, #tpu.memory_space<vmem>>, vector<1x1024x1xi32>
    %swap3A_1071 = vector.shape_cast %swap3A_1070 : vector<1x1024x1xi32> to vector<1024x1xi32>
    %swap3A_1072 = vector.shape_cast %add3A_1066 : vector<1024x1xi32> to vector<1x1024x1xi32>
    tpu.vector_store %arg3[%swap3A_1067, %swap3A_1068, %swap3A_1069], %swap3A_1072 {strides = array<i32>} : memref<1x1024x16xi32, #tpu.memory_space<vmem>>, vector<1x1024x1xi32>,
    %eq3A_1073 = vector.broadcast %broadcast_in_dim3A_1056 : vector<1024x1xi32> to vector<1024x128xi32>
    %eq3A_1074 = arith.cmpi eq, %iota3A_654, %eq3A_1073 : vector<1024x128xi32>
    %select_n3A_1075 = arith.select %eq3A_1074, %select_n3A_1041, %select_n3A_1040 : vector<1024x128xi1>, vector<1024x128xi32>
    %select_n3A_1076 = arith.select %eq3A_1074, %select_n3A_1042, %select_n3A_1041 : vector<1024x128xi1>, vector<1024x128xi32>
    %select_n3A_1077 = arith.select %eq3A_1074, %select_n3A_1043, %select_n3A_1042 : vector<1024x128xi1>, vector<1024x128xi32>
    %select_n3A_1078 = arith.select %eq3A_1074, %select_n3A_1044, %select_n3A_1043 : vector<1024x128xi1>, vector<1024x128xi32>
    %select_n3A_1079 = arith.select %eq3A_1074, %select_n3A_1045, %select_n3A_1044 : vector<1024x128xi1>, vector<1024x128xi32>
    %reduce_min3A_1080 = arith.constant dense<2147483647> : vector<1024xi32>
    %reduce_min3A_1081 = vector.multi_reduction <minsi>, %select_n3A_1075, %reduce_min3A_1080 [1] : vector<1024x128xi32> to vector<1024xi32>
    %broadcast_in_dim3A_1082 = vector.shape_cast %reduce_min3A_1081 : vector<1024xi32> to vector<1024x1xi32>
    %eq3A_1083 = vector.broadcast %broadcast_in_dim3A_1082 : vector<1024x1xi32> to vector<1024x128xi32>
    %eq3A_1084 = arith.cmpi eq, %select_n3A_1075, %eq3A_1083 : vector<1024x128xi32>
    %jit3A_1085 = arith.constant 1073741824 : i32
    %broadcast_in_dim3A_1086 = vector.broadcast %jit3A_1085 : i32 to vector<1024x128xi32>
    %select_n3A_1087 = arith.select %eq3A_1084, %iota3A_654, %broadcast_in_dim3A_1086 : vector<1024x128xi1>, vector<1024x128xi32>
    %reduce_min3A_1088 = arith.constant dense<2147483647> : vector<1024xi32>
    %reduce_min3A_1089 = vector.multi_reduction <minsi>, %select_n3A_1087, %reduce_min3A_1088 [1] : vector<1024x128xi32> to vector<1024xi32>
    %broadcast_in_dim3A_1090 = vector.shape_cast %reduce_min3A_1089 : vector<1024xi32> to vector<1024x1xi32>
    %and3A_1091 = arith.constant 31 : i32
    %and3A_1092 = vector.broadcast %and3A_1091 : i32 to vector<1024x1xi32>
    %and3A_1093 = arith.andi %broadcast_in_dim3A_1082, %and3A_1092 : vector<1024x1xi32>
    %mul3A_1094 = arith.constant 128 : i32
    %mul3A_1095 = vector.broadcast %mul3A_1094 : i32 to vector<1024x1xi32>
    %mul3A_1096 = arith.muli %and3A_1093, %mul3A_1095 : vector<1024x1xi32>
    %add3A_1097 = arith.addi %mul3A_1096, %broadcast_in_dim3A_1090 : vector<1024x1xi32>
    %add3A_1098 = arith.constant 0 : i32
    %add3A_1099 = vector.broadcast %add3A_1098 : i32 to vector<1024x1xi32>
    %add3A_1100 = arith.addi %add3A_1097, %add3A_1099 : vector<1024x1xi32>
    %swap3A_1101 = arith.constant 0 : index
    %swap3A_1102 = arith.constant 0 : index
    %swap3A_1103 = arith.constant 11 : index
    %swap3A_1104 = vector.load %arg3[%swap3A_1101, %swap3A_1102, %swap3A_1103] : memref<1x1024x16xi32, #tpu.memory_space<vmem>>, vector<1x1024x1xi32>
    %swap3A_1105 = vector.shape_cast %swap3A_1104 : vector<1x1024x1xi32> to vector<1024x1xi32>
    %swap3A_1106 = vector.shape_cast %add3A_1100 : vector<1024x1xi32> to vector<1x1024x1xi32>
    tpu.vector_store %arg3[%swap3A_1101, %swap3A_1102, %swap3A_1103], %swap3A_1106 {strides = array<i32>} : memref<1x1024x16xi32, #tpu.memory_space<vmem>>, vector<1x1024x1xi32>,
    %eq3A_1107 = vector.broadcast %broadcast_in_dim3A_1090 : vector<1024x1xi32> to vector<1024x128xi32>
    %eq3A_1108 = arith.cmpi eq, %iota3A_654, %eq3A_1107 : vector<1024x128xi32>
    %select_n3A_1109 = arith.select %eq3A_1108, %select_n3A_1076, %select_n3A_1075 : vector<1024x128xi1>, vector<1024x128xi32>
    %select_n3A_1110 = arith.select %eq3A_1108, %select_n3A_1077, %select_n3A_1076 : vector<1024x128xi1>, vector<1024x128xi32>
    %select_n3A_1111 = arith.select %eq3A_1108, %select_n3A_1078, %select_n3A_1077 : vector<1024x128xi1>, vector<1024x128xi32>
    %select_n3A_1112 = arith.select %eq3A_1108, %select_n3A_1079, %select_n3A_1078 : vector<1024x128xi1>, vector<1024x128xi32>
    %reduce_min3A_1113 = arith.constant dense<2147483647> : vector<1024xi32>
    %reduce_min3A_1114 = vector.multi_reduction <minsi>, %select_n3A_1109, %reduce_min3A_1113 [1] : vector<1024x128xi32> to vector<1024xi32>
    %broadcast_in_dim3A_1115 = vector.shape_cast %reduce_min3A_1114 : vector<1024xi32> to vector<1024x1xi32>
    %eq3A_1116 = vector.broadcast %broadcast_in_dim3A_1115 : vector<1024x1xi32> to vector<1024x128xi32>
    %eq3A_1117 = arith.cmpi eq, %select_n3A_1109, %eq3A_1116 : vector<1024x128xi32>
    %jit3A_1118 = arith.constant 1073741824 : i32
    %broadcast_in_dim3A_1119 = vector.broadcast %jit3A_1118 : i32 to vector<1024x128xi32>
    %select_n3A_1120 = arith.select %eq3A_1117, %iota3A_654, %broadcast_in_dim3A_1119 : vector<1024x128xi1>, vector<1024x128xi32>
    %reduce_min3A_1121 = arith.constant dense<2147483647> : vector<1024xi32>
    %reduce_min3A_1122 = vector.multi_reduction <minsi>, %select_n3A_1120, %reduce_min3A_1121 [1] : vector<1024x128xi32> to vector<1024xi32>
    %broadcast_in_dim3A_1123 = vector.shape_cast %reduce_min3A_1122 : vector<1024xi32> to vector<1024x1xi32>
    %and3A_1124 = arith.constant 31 : i32
    %and3A_1125 = vector.broadcast %and3A_1124 : i32 to vector<1024x1xi32>
    %and3A_1126 = arith.andi %broadcast_in_dim3A_1115, %and3A_1125 : vector<1024x1xi32>
    %mul3A_1127 = arith.constant 128 : i32
    %mul3A_1128 = vector.broadcast %mul3A_1127 : i32 to vector<1024x1xi32>
    %mul3A_1129 = arith.muli %and3A_1126, %mul3A_1128 : vector<1024x1xi32>
    %add3A_1130 = arith.addi %mul3A_1129, %broadcast_in_dim3A_1123 : vector<1024x1xi32>
    %add3A_1131 = arith.constant 0 : i32
    %add3A_1132 = vector.broadcast %add3A_1131 : i32 to vector<1024x1xi32>
    %add3A_1133 = arith.addi %add3A_1130, %add3A_1132 : vector<1024x1xi32>
    %swap3A_1134 = arith.constant 0 : index
    %swap3A_1135 = arith.constant 0 : index
    %swap3A_1136 = arith.constant 12 : index
    %swap3A_1137 = vector.load %arg3[%swap3A_1134, %swap3A_1135, %swap3A_1136] : memref<1x1024x16xi32, #tpu.memory_space<vmem>>, vector<1x1024x1xi32>
    %swap3A_1138 = vector.shape_cast %swap3A_1137 : vector<1x1024x1xi32> to vector<1024x1xi32>
    %swap3A_1139 = vector.shape_cast %add3A_1133 : vector<1024x1xi32> to vector<1x1024x1xi32>
    tpu.vector_store %arg3[%swap3A_1134, %swap3A_1135, %swap3A_1136], %swap3A_1139 {strides = array<i32>} : memref<1x1024x16xi32, #tpu.memory_space<vmem>>, vector<1x1024x1xi32>,
    %eq3A_1140 = vector.broadcast %broadcast_in_dim3A_1123 : vector<1024x1xi32> to vector<1024x128xi32>
    %eq3A_1141 = arith.cmpi eq, %iota3A_654, %eq3A_1140 : vector<1024x128xi32>
    %select_n3A_1142 = arith.select %eq3A_1141, %select_n3A_1110, %select_n3A_1109 : vector<1024x128xi1>, vector<1024x128xi32>
    %select_n3A_1143 = arith.select %eq3A_1141, %select_n3A_1111, %select_n3A_1110 : vector<1024x128xi1>, vector<1024x128xi32>
    %select_n3A_1144 = arith.select %eq3A_1141, %select_n3A_1112, %select_n3A_1111 : vector<1024x128xi1>, vector<1024x128xi32>
    %reduce_min3A_1145 = arith.constant dense<2147483647> : vector<1024xi32>
    %reduce_min3A_1146 = vector.multi_reduction <minsi>, %select_n3A_1142, %reduce_min3A_1145 [1] : vector<1024x128xi32> to vector<1024xi32>
    %broadcast_in_dim3A_1147 = vector.shape_cast %reduce_min3A_1146 : vector<1024xi32> to vector<1024x1xi32>
    %eq3A_1148 = vector.broadcast %broadcast_in_dim3A_1147 : vector<1024x1xi32> to vector<1024x128xi32>
    %eq3A_1149 = arith.cmpi eq, %select_n3A_1142, %eq3A_1148 : vector<1024x128xi32>
    %jit3A_1150 = arith.constant 1073741824 : i32
    %broadcast_in_dim3A_1151 = vector.broadcast %jit3A_1150 : i32 to vector<1024x128xi32>
    %select_n3A_1152 = arith.select %eq3A_1149, %iota3A_654, %broadcast_in_dim3A_1151 : vector<1024x128xi1>, vector<1024x128xi32>
    %reduce_min3A_1153 = arith.constant dense<2147483647> : vector<1024xi32>
    %reduce_min3A_1154 = vector.multi_reduction <minsi>, %select_n3A_1152, %reduce_min3A_1153 [1] : vector<1024x128xi32> to vector<1024xi32>
    %broadcast_in_dim3A_1155 = vector.shape_cast %reduce_min3A_1154 : vector<1024xi32> to vector<1024x1xi32>
    %and3A_1156 = arith.constant 31 : i32
    %and3A_1157 = vector.broadcast %and3A_1156 : i32 to vector<1024x1xi32>
    %and3A_1158 = arith.andi %broadcast_in_dim3A_1147, %and3A_1157 : vector<1024x1xi32>
    %mul3A_1159 = arith.constant 128 : i32
    %mul3A_1160 = vector.broadcast %mul3A_1159 : i32 to vector<1024x1xi32>
    %mul3A_1161 = arith.muli %and3A_1158, %mul3A_1160 : vector<1024x1xi32>
    %add3A_1162 = arith.addi %mul3A_1161, %broadcast_in_dim3A_1155 : vector<1024x1xi32>
    %add3A_1163 = arith.constant 0 : i32
    %add3A_1164 = vector.broadcast %add3A_1163 : i32 to vector<1024x1xi32>
    %add3A_1165 = arith.addi %add3A_1162, %add3A_1164 : vector<1024x1xi32>
    %swap3A_1166 = arith.constant 0 : index
    %swap3A_1167 = arith.constant 0 : index
    %swap3A_1168 = arith.constant 13 : index
    %swap3A_1169 = vector.load %arg3[%swap3A_1166, %swap3A_1167, %swap3A_1168] : memref<1x1024x16xi32, #tpu.memory_space<vmem>>, vector<1x1024x1xi32>
    %swap3A_1170 = vector.shape_cast %swap3A_1169 : vector<1x1024x1xi32> to vector<1024x1xi32>
    %swap3A_1171 = vector.shape_cast %add3A_1165 : vector<1024x1xi32> to vector<1x1024x1xi32>
    tpu.vector_store %arg3[%swap3A_1166, %swap3A_1167, %swap3A_1168], %swap3A_1171 {strides = array<i32>} : memref<1x1024x16xi32, #tpu.memory_space<vmem>>, vector<1x1024x1xi32>,
    %eq3A_1172 = vector.broadcast %broadcast_in_dim3A_1155 : vector<1024x1xi32> to vector<1024x128xi32>
    %eq3A_1173 = arith.cmpi eq, %iota3A_654, %eq3A_1172 : vector<1024x128xi32>
    %select_n3A_1174 = arith.select %eq3A_1173, %select_n3A_1143, %select_n3A_1142 : vector<1024x128xi1>, vector<1024x128xi32>
    %select_n3A_1175 = arith.select %eq3A_1173, %select_n3A_1144, %select_n3A_1143 : vector<1024x128xi1>, vector<1024x128xi32>
    %reduce_min3A_1176 = arith.constant dense<2147483647> : vector<1024xi32>
    %reduce_min3A_1177 = vector.multi_reduction <minsi>, %select_n3A_1174, %reduce_min3A_1176 [1] : vector<1024x128xi32> to vector<1024xi32>
    %broadcast_in_dim3A_1178 = vector.shape_cast %reduce_min3A_1177 : vector<1024xi32> to vector<1024x1xi32>
    %eq3A_1179 = vector.broadcast %broadcast_in_dim3A_1178 : vector<1024x1xi32> to vector<1024x128xi32>
    %eq3A_1180 = arith.cmpi eq, %select_n3A_1174, %eq3A_1179 : vector<1024x128xi32>
    %jit3A_1181 = arith.constant 1073741824 : i32
    %broadcast_in_dim3A_1182 = vector.broadcast %jit3A_1181 : i32 to vector<1024x128xi32>
    %select_n3A_1183 = arith.select %eq3A_1180, %iota3A_654, %broadcast_in_dim3A_1182 : vector<1024x128xi1>, vector<1024x128xi32>
    %reduce_min3A_1184 = arith.constant dense<2147483647> : vector<1024xi32>
    %reduce_min3A_1185 = vector.multi_reduction <minsi>, %select_n3A_1183, %reduce_min3A_1184 [1] : vector<1024x128xi32> to vector<1024xi32>
    %broadcast_in_dim3A_1186 = vector.shape_cast %reduce_min3A_1185 : vector<1024xi32> to vector<1024x1xi32>
    %and3A_1187 = arith.constant 31 : i32
    %and3A_1188 = vector.broadcast %and3A_1187 : i32 to vector<1024x1xi32>
    %and3A_1189 = arith.andi %broadcast_in_dim3A_1178, %and3A_1188 : vector<1024x1xi32>
    %mul3A_1190 = arith.constant 128 : i32
    %mul3A_1191 = vector.broadcast %mul3A_1190 : i32 to vector<1024x1xi32>
    %mul3A_1192 = arith.muli %and3A_1189, %mul3A_1191 : vector<1024x1xi32>
    %add3A_1193 = arith.addi %mul3A_1192, %broadcast_in_dim3A_1186 : vector<1024x1xi32>
    %add3A_1194 = arith.constant 0 : i32
    %add3A_1195 = vector.broadcast %add3A_1194 : i32 to vector<1024x1xi32>
    %add3A_1196 = arith.addi %add3A_1193, %add3A_1195 : vector<1024x1xi32>
    %swap3A_1197 = arith.constant 0 : index
    %swap3A_1198 = arith.constant 0 : index
    %swap3A_1199 = arith.constant 14 : index
    %swap3A_1200 = vector.load %arg3[%swap3A_1197, %swap3A_1198, %swap3A_1199] : memref<1x1024x16xi32, #tpu.memory_space<vmem>>, vector<1x1024x1xi32>
    %swap3A_1201 = vector.shape_cast %swap3A_1200 : vector<1x1024x1xi32> to vector<1024x1xi32>
    %swap3A_1202 = vector.shape_cast %add3A_1196 : vector<1024x1xi32> to vector<1x1024x1xi32>
    tpu.vector_store %arg3[%swap3A_1197, %swap3A_1198, %swap3A_1199], %swap3A_1202 {strides = array<i32>} : memref<1x1024x16xi32, #tpu.memory_space<vmem>>, vector<1x1024x1xi32>,
    %eq3A_1203 = vector.broadcast %broadcast_in_dim3A_1186 : vector<1024x1xi32> to vector<1024x128xi32>
    %eq3A_1204 = arith.cmpi eq, %iota3A_654, %eq3A_1203 : vector<1024x128xi32>
    %select_n3A_1205 = arith.select %eq3A_1204, %select_n3A_1175, %select_n3A_1174 : vector<1024x128xi1>, vector<1024x128xi32>
    %reduce_min3A_1206 = arith.constant dense<2147483647> : vector<1024xi32>
    %reduce_min3A_1207 = vector.multi_reduction <minsi>, %select_n3A_1205, %reduce_min3A_1206 [1] : vector<1024x128xi32> to vector<1024xi32>
    %broadcast_in_dim3A_1208 = vector.shape_cast %reduce_min3A_1207 : vector<1024xi32> to vector<1024x1xi32>
    %eq3A_1209 = vector.broadcast %broadcast_in_dim3A_1208 : vector<1024x1xi32> to vector<1024x128xi32>
    %eq3A_1210 = arith.cmpi eq, %select_n3A_1205, %eq3A_1209 : vector<1024x128xi32>
    %jit3A_1211 = arith.constant 1073741824 : i32
    %broadcast_in_dim3A_1212 = vector.broadcast %jit3A_1211 : i32 to vector<1024x128xi32>
    %select_n3A_1213 = arith.select %eq3A_1210, %iota3A_654, %broadcast_in_dim3A_1212 : vector<1024x128xi1>, vector<1024x128xi32>
    %reduce_min3A_1214 = arith.constant dense<2147483647> : vector<1024xi32>
    %reduce_min3A_1215 = vector.multi_reduction <minsi>, %select_n3A_1213, %reduce_min3A_1214 [1] : vector<1024x128xi32> to vector<1024xi32>
    %broadcast_in_dim3A_1216 = vector.shape_cast %reduce_min3A_1215 : vector<1024xi32> to vector<1024x1xi32>
    %and3A_1217 = arith.constant 31 : i32
    %and3A_1218 = vector.broadcast %and3A_1217 : i32 to vector<1024x1xi32>
    %and3A_1219 = arith.andi %broadcast_in_dim3A_1208, %and3A_1218 : vector<1024x1xi32>
    %mul3A_1220 = arith.constant 128 : i32
    %mul3A_1221 = vector.broadcast %mul3A_1220 : i32 to vector<1024x1xi32>
    %mul3A_1222 = arith.muli %and3A_1219, %mul3A_1221 : vector<1024x1xi32>
    %add3A_1223 = arith.addi %mul3A_1222, %broadcast_in_dim3A_1216 : vector<1024x1xi32>
    %add3A_1224 = arith.constant 0 : i32
    %add3A_1225 = vector.broadcast %add3A_1224 : i32 to vector<1024x1xi32>
    %add3A_1226 = arith.addi %add3A_1223, %add3A_1225 : vector<1024x1xi32>
    %swap3A_1227 = arith.constant 0 : index
    %swap3A_1228 = arith.constant 0 : index
    %swap3A_1229 = arith.constant 15 : index
    %swap3A_1230 = vector.load %arg3[%swap3A_1227, %swap3A_1228, %swap3A_1229] : memref<1x1024x16xi32, #tpu.memory_space<vmem>>, vector<1x1024x1xi32>
    %swap3A_1231 = vector.shape_cast %swap3A_1230 : vector<1x1024x1xi32> to vector<1024x1xi32>
    %swap3A_1232 = vector.shape_cast %add3A_1226 : vector<1024x1xi32> to vector<1x1024x1xi32>
    tpu.vector_store %arg3[%swap3A_1227, %swap3A_1228, %swap3A_1229], %swap3A_1232 {strides = array<i32>} : memref<1x1024x16xi32, #tpu.memory_space<vmem>>, vector<1x1024x1xi32>,
    return
  }
  func.func @transform_0(%arg0: i32) -> (i32, i32, i32) {
    %c0_i32 = arith.constant 0 : i32
    %c0_i32_0 = arith.constant 0 : i32
    %c0_i32_1 = arith.constant 0 : i32
    return %c0_i32, %arg0, %c0_i32_0 : i32, i32, i32
  }
  func.func @transform_1(%arg0: i32) -> (i32, i32, i32) {
    %c0_i32 = arith.constant 0 : i32
    %c0_i32_0 = arith.constant 0 : i32
    %c0_i32_1 = arith.constant 0 : i32
    %c0_i32_2 = arith.constant 0 : i32
    return %c0_i32, %c0_i32_0, %c0_i32_1 : i32, i32, i32
  }
  func.func @transform_2(%arg0: i32) -> (i32, i32, i32) {
    %c0_i32 = arith.constant 0 : i32
    %c0_i32_0 = arith.constant 0 : i32
    %c0_i32_1 = arith.constant 0 : i32
    return %c0_i32, %arg0, %c0_i32_0 : i32, i32, i32
  }
}

module attributes {stable_mosaic.version = 14 : i64} {
  func.func @_attn_body(%arg0: i32, %arg1: memref<1x256x128xf32, #tpu.memory_space<vmem>>, %arg2: memref<1x256x128xf32, #tpu.memory_space<vmem>>, %arg3: memref<1x4096x128xi32, #tpu.memory_space<vmem>>, %arg4: memref<1x128xf32, #tpu.memory_space<vmem>>, %arg5: memref<1x128xf32, #tpu.memory_space<vmem>>, %arg6: memref<1x256x128xf32, #tpu.memory_space<vmem>>) attributes {dimension_semantics = [#tpu.dimension_semantics<arbitrary>], iteration_bounds = array<i64: 16>, scalar_prefetch = 0 : i64, scratch_operands = 0 : i64, tpu.core_type = #tpu.core_type<tc>, window_params = [{transform_indices = @transform_0, window_bounds = array<i64: 1, 256, 128>}, {transform_indices = @transform_1, window_bounds = array<i64: 1, 256, 128>}, {transform_indices = @transform_2, window_bounds = array<i64: 1, 4096, 128>}, {pipeline_mode = #tpu.pipeline_mode<synchronous>, transform_indices = @transform_3, window_bounds = array<i64: 1, 128>}, {pipeline_mode = #tpu.pipeline_mode<synchronous>, transform_indices = @transform_4, window_bounds = array<i64: 1, 128>}, {transform_indices = @transform_5, window_bounds = array<i64: 1, 256, 128>}]} {
    %get3A = arith.constant 0 : index
    %get3A_0 = arith.constant 0 : index
    %get3A_1 = arith.constant 0 : index
    %get3A_2 = vector.load %arg1[%get3A, %get3A_0, %get3A_1] : memref<1x256x128xf32, #tpu.memory_space<vmem>>, vector<1x256x128xf32>
    %get3A_3 = vector.shape_cast %get3A_2 : vector<1x256x128xf32> to vector<256x128xf32>
    %get3A_4 = arith.constant 0 : index
    %get3A_5 = arith.constant 0 : index
    %get3A_6 = arith.constant 0 : index
    %get3A_7 = vector.load %arg2[%get3A_4, %get3A_5, %get3A_6] : memref<1x256x128xf32, #tpu.memory_space<vmem>>, vector<1x256x128xf32>
    %get3A_8 = vector.shape_cast %get3A_7 : vector<1x256x128xf32> to vector<256x128xf32>
    %get3A_9 = arith.constant 0 : index
    %get3A_10 = arith.constant 0 : index
    %get3A_11 = arith.constant 0 : index
    %get3A_12 = vector.load %arg3[%get3A_9, %get3A_10, %get3A_11] : memref<1x4096x128xi32, #tpu.memory_space<vmem>>, vector<1x4096x128xi32>
    %get3A_13 = vector.shape_cast %get3A_12 : vector<1x4096x128xi32> to vector<4096x128xi32>
    %reshape3A = vector.shape_cast %get3A_13 : vector<4096x128xi32> to vector<256x16x128xi32>
    %shift_left3A = arith.constant 16 : i32
    %shift_left3A_14 = vector.broadcast %shift_left3A : i32 to vector<256x16x128xi32>
    %shift_left3A_15 = arith.shli %reshape3A, %shift_left3A_14 : vector<256x16x128xi32>
    %bitcast_convert_type3A = tpu.bitcast %shift_left3A_15 : vector<256x16x128xi32> -> vector<256x16x128xf32>
    %and3A = arith.constant -65536 : i32
    %and3A_16 = vector.broadcast %and3A : i32 to vector<256x16x128xi32>
    %and3A_17 = arith.andi %reshape3A, %and3A_16 : vector<256x16x128xi32>
    %bitcast_convert_type3A_18 = tpu.bitcast %and3A_17 : vector<256x16x128xi32> -> vector<256x16x128xf32>
    %broadcast_in_dim3A = vector.shape_cast %get3A_3 : vector<256x128xf32> to vector<256x1x128xf32>
    %sub3A = vector.broadcast %broadcast_in_dim3A : vector<256x1x128xf32> to vector<256x16x128xf32>
    %sub3A_19 = arith.subf %sub3A, %bitcast_convert_type3A : vector<256x16x128xf32>
    %reduce_sum3A = arith.constant dense<0.000000e+00> : vector<256x16xf32>
    %reduce_sum3A_20 = vector.multi_reduction <add>, %sub3A_19, %reduce_sum3A [2] : vector<256x16x128xf32> to vector<256x16xf32>
    %broadcast_in_dim3A_21 = vector.shape_cast %reduce_sum3A_20 : vector<256x16xf32> to vector<256x16x1xf32>
    %div3A = arith.constant 1.280000e+02 : f32
    %div3A_22 = vector.broadcast %div3A : f32 to vector<256x16x1xf32>
    %div3A_23 = arith.divf %broadcast_in_dim3A_21, %div3A_22 : vector<256x16x1xf32>
    %sub3A_24 = vector.broadcast %div3A_23 : vector<256x16x1xf32> to vector<256x16x128xf32>
    %sub3A_25 = arith.subf %sub3A_19, %sub3A_24 : vector<256x16x128xf32>
    %mul3A = arith.mulf %sub3A_25, %sub3A_25 : vector<256x16x128xf32>
    %reduce_sum3A_26 = arith.constant dense<0.000000e+00> : vector<256x16xf32>
    %reduce_sum3A_27 = vector.multi_reduction <add>, %mul3A, %reduce_sum3A_26 [2] : vector<256x16x128xf32> to vector<256x16xf32>
    %broadcast_in_dim3A_28 = vector.shape_cast %reduce_sum3A_27 : vector<256x16xf32> to vector<256x16x1xf32>
    %div3A_29 = arith.constant 1.280000e+02 : f32
    %div3A_30 = vector.broadcast %div3A_29 : f32 to vector<256x16x1xf32>
    %div3A_31 = arith.divf %broadcast_in_dim3A_28, %div3A_30 : vector<256x16x1xf32>
    %add3A = arith.constant 9.99999974E-6 : f32
    %add3A_32 = vector.broadcast %add3A : f32 to vector<256x16x1xf32>
    %add3A_33 = arith.addf %div3A_31, %add3A_32 : vector<256x16x1xf32>
    %sqrt3A = math.sqrt %add3A_33 : vector<256x16x1xf32>
    %div3A_34 = arith.constant 1.000000e+00 : f32
    %div3A_35 = vector.broadcast %div3A_34 : f32 to vector<256x16x1xf32>
    %div3A_36 = arith.divf %div3A_35, %sqrt3A : vector<256x16x1xf32>
    %mul3A_37 = vector.broadcast %div3A_36 : vector<256x16x1xf32> to vector<256x16x128xf32>
    %mul3A_38 = arith.mulf %sub3A_25, %mul3A_37 : vector<256x16x128xf32>
    %get3A_39 = arith.constant 0 : index
    %get3A_40 = arith.constant 0 : index
    %get3A_41 = vector.load %arg4[%get3A_39, %get3A_40] : memref<1x128xf32, #tpu.memory_space<vmem>>, vector<1x128xf32>
    %broadcast_in_dim3A_42 = vector.shape_cast %get3A_41 : vector<1x128xf32> to vector<1x1x128xf32>
    %mul3A_43 = vector.broadcast %broadcast_in_dim3A_42 : vector<1x1x128xf32> to vector<256x16x128xf32>
    %mul3A_44 = arith.mulf %mul3A_38, %mul3A_43 : vector<256x16x128xf32>
    %get3A_45 = arith.constant 0 : index
    %get3A_46 = arith.constant 0 : index
    %get3A_47 = vector.load %arg5[%get3A_45, %get3A_46] : memref<1x128xf32, #tpu.memory_space<vmem>>, vector<1x128xf32>
    %broadcast_in_dim3A_48 = vector.shape_cast %get3A_47 : vector<1x128xf32> to vector<1x1x128xf32>
    %add3A_49 = vector.broadcast %broadcast_in_dim3A_48 : vector<1x1x128xf32> to vector<256x16x128xf32>
    %add3A_50 = arith.addf %mul3A_44, %add3A_49 : vector<256x16x128xf32>
    %mul3A_51 = arith.constant 0.0883883461 : f32
    %mul3A_52 = vector.broadcast %mul3A_51 : f32 to vector<256x16x128xf32>
    %mul3A_53 = arith.mulf %add3A_50, %mul3A_52 : vector<256x16x128xf32>
    %reduce_max3A = arith.constant dense<0xFF800000> : vector<256x128xf32>
    %reduce_max3A_54 = vector.multi_reduction <maximumf>, %mul3A_53, %reduce_max3A [1] : vector<256x16x128xf32> to vector<256x128xf32>
    %broadcast_in_dim3A_55 = vector.shape_cast %reduce_max3A_54 : vector<256x128xf32> to vector<256x1x128xf32>
    %sub3A_56 = vector.broadcast %broadcast_in_dim3A_55 : vector<256x1x128xf32> to vector<256x16x128xf32>
    %sub3A_57 = arith.subf %mul3A_53, %sub3A_56 : vector<256x16x128xf32>
    %exp3A = math.exp %sub3A_57 : vector<256x16x128xf32>
    %reduce_sum3A_58 = arith.constant dense<0.000000e+00> : vector<256x128xf32>
    %reduce_sum3A_59 = vector.multi_reduction <add>, %exp3A, %reduce_sum3A_58 [1] : vector<256x16x128xf32> to vector<256x128xf32>
    %broadcast_in_dim3A_60 = vector.shape_cast %reduce_sum3A_59 : vector<256x128xf32> to vector<256x1x128xf32>
    %div3A_61 = arith.constant 1.000000e+00 : f32
    %div3A_62 = vector.broadcast %div3A_61 : f32 to vector<256x1x128xf32>
    %div3A_63 = arith.divf %div3A_62, %broadcast_in_dim3A_60 : vector<256x1x128xf32>
    %mul3A_64 = vector.broadcast %div3A_63 : vector<256x1x128xf32> to vector<256x16x128xf32>
    %mul3A_65 = arith.mulf %exp3A, %mul3A_64 : vector<256x16x128xf32>
    %mul3A_66 = arith.mulf %mul3A_65, %bitcast_convert_type3A_18 : vector<256x16x128xf32>
    %reduce_sum3A_67 = arith.constant dense<0.000000e+00> : vector<256x128xf32>
    %reduce_sum3A_68 = vector.multi_reduction <add>, %mul3A_66, %reduce_sum3A_67 [1] : vector<256x16x128xf32> to vector<256x128xf32>
    %add3A_69 = arith.addf %get3A_8, %reduce_sum3A_68 : vector<256x128xf32>
    %swap3A = arith.constant 0 : index
    %swap3A_70 = arith.constant 0 : index
    %swap3A_71 = arith.constant 0 : index
    %swap3A_72 = vector.load %arg6[%swap3A, %swap3A_70, %swap3A_71] : memref<1x256x128xf32, #tpu.memory_space<vmem>>, vector<1x256x128xf32>
    %swap3A_73 = vector.shape_cast %swap3A_72 : vector<1x256x128xf32> to vector<256x128xf32>
    %swap3A_74 = vector.shape_cast %add3A_69 : vector<256x128xf32> to vector<1x256x128xf32>
    tpu.vector_store %arg6[%swap3A, %swap3A_70, %swap3A_71], %swap3A_74 {strides = array<i32>} : memref<1x256x128xf32, #tpu.memory_space<vmem>>, vector<1x256x128xf32>,
    return
  }
  func.func @transform_0(%arg0: i32) -> (i32, i32, i32) {
    %c0_i32 = arith.constant 0 : i32
    %c0_i32_0 = arith.constant 0 : i32
    %c0_i32_1 = arith.constant 0 : i32
    return %c0_i32, %arg0, %c0_i32_0 : i32, i32, i32
  }
  func.func @transform_1(%arg0: i32) -> (i32, i32, i32) {
    %c0_i32 = arith.constant 0 : i32
    %c0_i32_0 = arith.constant 0 : i32
    %c0_i32_1 = arith.constant 0 : i32
    return %c0_i32, %arg0, %c0_i32_0 : i32, i32, i32
  }
  func.func @transform_2(%arg0: i32) -> (i32, i32, i32) {
    %c0_i32 = arith.constant 0 : i32
    %c0_i32_0 = arith.constant 0 : i32
    %c0_i32_1 = arith.constant 0 : i32
    return %c0_i32, %arg0, %c0_i32_0 : i32, i32, i32
  }
  func.func @transform_3(%arg0: i32) -> (i32, i32) {
    %c0_i32 = arith.constant 0 : i32
    %c0_i32_0 = arith.constant 0 : i32
    %c0_i32_1 = arith.constant 0 : i32
    return %c0_i32, %c0_i32_0 : i32, i32
  }
  func.func @transform_4(%arg0: i32) -> (i32, i32) {
    %c0_i32 = arith.constant 0 : i32
    %c0_i32_0 = arith.constant 0 : i32
    %c0_i32_1 = arith.constant 0 : i32
    return %c0_i32, %c0_i32_0 : i32, i32
  }
  func.func @transform_5(%arg0: i32) -> (i32, i32, i32) {
    %c0_i32 = arith.constant 0 : i32
    %c0_i32_0 = arith.constant 0 : i32
    %c0_i32_1 = arith.constant 0 : i32
    return %c0_i32, %arg0, %c0_i32_0 : i32, i32, i32
  }
}

</mosaic_0001>

<sc_bundles>
// kernel: kernel.15.cloned.1.call-start
scs
__scs_entry_jumppad:
0x0: {  	(pc) =	sbr.rel $0x88, $3  }
0x1: {  	(tag) =	ssettag $0x0;
	lr =	simm.s32 $0x1  }
0x2: {  	[smem:$0x3F99] =	sst lr;
	_ =	strace $0xD0000000  }
0x3: {  	_ = 	snop  }
0x4: {  	_ = 	snop  }
0x5: {  	_ = 	snop  }
0x6: {  	_ = 	snop  }
0x7: {  	_ = 	snop  }
__scs_overlays_trampoline_lowered:
0x8: {  	[smem:$0x3FA8] =	sst s0  }
0x9: {  	[smem:$0x3FA9] =	sst s1  }
0xa: {  	[smem:$0x3FAA] =	sst s2  }
0xb: {  	[smem:$0x3FAB] =	sst s3  }
0xc: {  	[smem:$0x3FAC] =	sst s4  }
0xd: {  	[smem:$0x3FAD] =	sst s5  }
0xe: {  	[smem:$0x3FAE] =	sst s6  }
0xf: {  	[smem:$0x3FAF] =	sst s7  }
0x10: {  	[smem:$0x3FB0] =	sst s8  }
0x11: {  	[smem:$0x3FB1] =	sst s9;
	s0 =	simm.s32 @!p0 $0x0  }
0x12: {  	s1 =	sld [smem:$0x3F97];
	s0 =	simm.s32 @p0 $0x1  }
0x13: {  	[smem:$0x3FB2] =	sst s0;
	s0 =	simm.s32 @!p1 $0x0  }
0x14: {  	s2 =	sld [smem:$0x3F96];
	s0 =	simm.s32 @p1 $0x1  }
0x15: {  	[smem:$0x3FB3] =	sst s0;
	s0 =	simm.s32 @!p2 $0x0  }
0x16: {  	s3 =	sld [smem:$0x3FDB];
	s0 =	simm.s32 @p2 $0x1  }
0x17: {  	s4 =	simm.s32 $0x1BF5;
	[smem:$0x3FB5] =	sst s0  }
0x18: {  	s0 =	sld [smem:$0x3F98];
	_ =	swait.ge [sflag:s4], $0x0  }
0x19: {  	s7 =	sld [smem:$0x3F99]  }
0x1a: {  	s8 =	sadd.s32 $0xFFFFE003, lr  }
0x1b: {  	s9 =	sadd.s32 $0xFFFFFEF7, lr;
	s5 =	simm.s32 $0xFFFFFFFF;
	p2 =	slt.u32 s8, $0xFFFFF086  }
0x1c: {  	p1 =	slt.u32 s9, $0xF7A;
	s5 =	simm.s32 @!p2 $0x0  }
0x1d: {  	s5 =	simm.s32 @p1 $0x1;
	p0 =	seq.s32 s7, s2  }
0x1e: {  	s7 =	smul.u32 @!p0 $0xF7A, s2;
	p2 =	seq.s32 @!p0 s5, $0x0  }
0x1f: {  	s9 =	smul.u32 $0xF7A, s1;
	s8 =	simm.s32 @!p0 $0x1BF5;
	p2 =	por !p2, p0  }
0x20: {  	[sflag:s8] =	ssyncset.s32 @!p0 $0xFFFFF086;
	s6 =	sadd.s32 @!p0 s3, s7;
	s7 =	simm.s32 @!p0 $0x108  }
0x21: {  	s3 =	sadd.s32 s3, s9;
	s6 =	sadd.s32 @!p0 $0x88, s6;
	s7 =	simm.s32 @p2 $0x1082  }
0x22: {  	[simem:s7], [sflag:s8] =	dma.local @!p0 [hbm:s6], $0xF7A  }
0x23: {  	s9 =	sor.u32 $0xD0000000, s2;
	s6 =	simm.s32 $0x108;
	_ =	swait.ge @!p0 [sflag:s8], $0x0  }
0x24: {  	s3 =	sadd.s32 $0x88, s3;
	s6 =	simm.s32 @!p1 $0x1082;
	[sflag:s4] =	ssyncset.s32 $0xFFFFF086  }
0x25: {  	[simem:s6], [sflag:s4] =	dma.local [hbm:s3], $0xF7A  }
0x26: {  	[smem:$0x3F99] =	sst s1;
	(tag) =	ssettag s2;
	_ =	strace s9  }
0x27: {  	s1 =	sld [smem:$0x3FA9]  }
0x28: {  	s2 =	sld [smem:$0x3FAA]  }
0x29: {  	s4 =	sld [smem:$0x3FAC]  }
0x2a: {  	p0 =	seq.s32 s5, $0x0;
	s5 =	sld [smem:$0x3FAD]  }
0x2b: {  	s6 =	sld [smem:$0x3FAE]  }
0x2c: {  	s7 =	sld [smem:$0x3FAF]  }
0x2d: {  	s3 =	simm.s32 $0x108;
	s8 =	sld [smem:$0x3FB0]  }
0x2e: {  	s3 =	simm.s32 @!p0 $0x1082;
	s9 =	sld [smem:$0x3FB1]  }
0x2f: {  	lr =	sadd.s32 s0, s3;
	s0 =	sld [smem:$0x3FA8]  }
0x30: {  	s3 =	sld [smem:$0x3FAB]  }
0x31: {  	[smem:$0x3FB4] =	sst s10  }
0x32: {  	s10 =	sld [smem:$0x3FB2];
	_ =	sdelay $0x3  }
0x33: {  	p0 =	seq.s32 s10, $0x1;
	s10 =	sld [smem:$0x3FB4];
	_ =	sdelay $0x3  }
0x34: {  	[smem:$0x3FB4] =	sst s10  }
0x35: {  	s10 =	sld [smem:$0x3FB3];
	_ =	sdelay $0x3  }
0x36: {  	p1 =	seq.s32 s10, $0x1;
	s10 =	sld [smem:$0x3FB4];
	_ =	sdelay $0x3  }
0x37: {  	[smem:$0x3FB4] =	sst s10  }
0x38: {  	s10 =	sld [smem:$0x3FB5]  }
0x39: {  	_ = 	snop;
	(pc) =	sbr.ind lr, $3  }
0x3a: {  	_ = 	snop  }
0x3b: {  	_ = 	snop  }
0x3c: {  	p2 =	seq.s32 s10, $0x1;
	s10 =	sld [smem:$0x3FB4]  }
0x3d: {  	_ =	shalt  }
0x3e: {  	_ =	shalt  }
0x3f: {  	_ =	shalt  }
0x40: {  	_ =	shalt  }
0x41: {  	_ =	shalt  }
0x42: {  	_ =	shalt  }
0x43: {  	_ =	shalt  }
0x44: {  	_ =	shalt  }
0x45: {  	_ =	shalt  }
0x46: {  	_ =	shalt  }
0x47: {  	_ =	shalt  }
0x48: {  	_ =	shalt  }
0x49: {  	_ =	shalt  }
0x4a: {  	_ =	shalt  }
0x4b: {  	_ =	shalt  }
0x4c: {  	_ =	shalt  }
0x4d: {  	_ =	shalt  }
0x4e: {  	_ =	shalt  }
0x4f: {  	_ =	shalt  }
0x50: {  	_ =	shalt  }
0x51: {  	_ =	shalt  }
0x52: {  	_ =	shalt  }
0x53: {  	_ =	shalt  }
0x54: {  	_ =	shalt  }
0x55: {  	_ =	shalt  }
0x56: {  	_ =	shalt  }
0x57: {  	_ =	shalt  }
0x58: {  	_ =	shalt  }
0x59: {  	_ =	shalt  }
0x5a: {  	_ =	shalt  }
0x5b: {  	_ =	shalt  }
0x5c: {  	_ =	shalt  }
0x5d: {  	_ =	shalt  }
0x5e: {  	_ =	shalt  }
0x5f: {  	_ =	shalt  }
0x60: {  	_ =	shalt  }
0x61: {  	_ =	shalt  }
0x62: {  	_ =	shalt  }
0x63: {  	_ =	shalt  }
0x64: {  	_ =	shalt  }
0x65: {  	_ =	shalt  }
0x66: {  	_ =	shalt  }
0x67: {  	_ =	shalt  }
0x68: {  	_ =	shalt  }
0x69: {  	_ =	shalt  }
0x6a: {  	_ =	shalt  }
0x6b: {  	_ =	shalt  }
0x6c: {  	_ =	shalt  }
0x6d: {  	_ =	shalt  }
0x6e: {  	_ =	shalt  }
0x6f: {  	_ =	shalt  }
0x70: {  	_ =	shalt  }
0x71: {  	_ =	shalt  }
0x72: {  	_ =	shalt  }
0x73: {  	_ =	shalt  }
0x74: {  	_ =	shalt  }
0x75: {  	_ =	shalt  }
0x76: {  	_ =	shalt  }
0x77: {  	_ =	shalt  }
0x78: {  	_ =	shalt  }
0x79: {  	_ =	shalt  }
0x7a: {  	_ =	shalt  }
0x7b: {  	_ =	shalt  }
0x7c: {  	_ =	shalt  }
0x7d: {  	_ =	shalt  }
0x7e: {  	_ =	shalt  }
0x7f: {  	_ =	shalt  }
0x80: {  	_ =	shalt  }
0x81: {  	_ =	shalt  }
0x82: {  	_ =	shalt  }
0x83: {  	_ =	shalt  }
0x84: {  	_ =	shalt  }
0x85: {  	_ =	shalt  }
0x86: {  	_ =	shalt  }
0x87: {  	_ =	shalt  }
.Lfunc_end0:
.L_simem_size_0:
called_computation_lowered:
.L_overlay_start_0:
0x88: {  	s2 =	sld [smem:$0x3FD9]  }
0x89: {  	s3 =	sld [smem:$0x3FFE];
	_ =	sdelay $0x1  }
0x8a: {  	s1 =	srdreg.scid  }
0x8b: {  	s0 =	sand.u32 $0x1, s1  }
0x8c: {  	s17 =	sshll.u32 s0, $0xA;
	s2 =	sadd.s32 s3, s2  }
0x8d: {  	s2 =	sadd.s32 s2, s17  }
0x8e: {  	[smem:$0x3FC0] =	sst s2  }
0x8f: {  	_ = 	snop  }
0x90: {  	(tm) =	ssettm $0x1  }
0x91: {  	s18 =	sld [smem:$0x3FFB];
	_ =	sdelay $0x3  }
0x92: {  	_ =	strace s18  }
0x93: {  	s2 =	sld [smem:$0x3FFC];
	_ =	sdelay $0x3  }
0x94: {  	_ =	strace s2  }
0x95: {  	s2 =	sld [smem:$0x3FFD];
	_ =	sdelay $0x3  }
0x96: {  	_ =	strace s2  }
0x97: {  	_ =	strace $0x8FFFFFFF  }
0x98: {  	s19 =	sld [smem:$0x3FDB];
	_ =	sdelay $0x1  }
0x99: {  	s20 =	simm.s32 $_scs_section_size  }
0x9a: {  	s4 =	simm.s32 $_size__tile_overlayer_lowered;
	s5 =	simm.s32 $_tile_overlayer_lowered  }
0x9b: {  	s6 =	simm.s32 $0x1BFF;
	s21 =	sshll.u32 s5, $0x1;
	s3 =	sadd.s32 s20, s19  }
0x9c: {  	s22 =	simm.s32 $0x0;
	s4 =	sshll.u32 s4, $0x1;
	s5 =	sadd.s32 s21, s3  }
0x9d: {  	[timem:s22], [sflag:s6] =	dma.local [hbm:s5], s4  }
0x9e: {  	_ =	swait.ge [sflag:s6], s4  }
0x9f: {  	s4 =	ssub.s32 $0x0, s4;
	[sflag:s6] =	ssyncset.done $0x0  }
0xa0: {  	[sflag:s6] =	ssyncadd.s32 s4;
	_ =	sdelay $0x1  }
0xa1: {  	s23 =	simm.s32 $0x1B8B  }
0xa2: {  	_ =	swait.ge [sflag:s23], $0x1  }
0xa3: {  	[sflag:s23] =	ssyncset.done $0x0  }
0xa4: {  	[sflag:s23] =	ssyncadd.s32 $0xFFFFFFFF  }
0xa5: {  	s4 =	sld [smem:$0x0]  }
0xa6: {  	s5 =	sand.u32 $0xFFFFFFFE, s1  }
0xa7: {  	p0 =	sne.s32 s1, s5  }
0xa8: {  	s5 =	sshll.u32 @p0 s5, $0xE  }
0xa9: {  	s5 =	sadd.s32 @p0 $0x11B8D, s5;
	s6 =	sshll.u32 @p0 s4, $0x11  }
0xaa: {  	s5 =	sor.u32 @p0 s6, s5  }
0xab: {  	[sflag:s5] =	ssyncadd.remote.s32 @p0 $0x1;
	_ =	sdelay $0x1  }
0xac: {  	s5 =	simm.s32 @p0 $0x1B8D  }
0xad: {  	_ =	swait.eq @p0 [sflag:s5], $0x1  }
0xae: {  	[sflag:s5] =	ssyncadd.s32 @p0 $0xFFFFFFFF  }
0xaf: {  	s6 =	sshll.u32 @!p0 s1, $0xE  }
0xb0: {  	s6 =	sor.u32 @!p0 $0x4000, s6;
	s5 =	simm.s32 @!p0 $0x1B8D  }
0xb1: {  	s4 =	sshll.u32 @!p0 s4, $0x11;
	s6 =	sadd.s32 @!p0 $0x11B8D, s6;
	_ =	swait.eq @!p0 [sflag:s5], $0x1  }
0xb2: {  	s4 =	sor.u32 @!p0 s4, s6;
	[sflag:s5] =	ssyncadd.s32 @!p0 $0xFFFFFFFF  }
0xb3: {  	s25 =	simm.s32 $0x1B8E;
	s24 =	sld [smem:$0x3FFE];
	[sflag:s4] =	ssyncadd.remote.s32 @!p0 $0x1  }
0xb4: {  	s26 =	simm.s32 $execute0_lowered;
	[smem:$0x3FD2] =	sst s25  }
0xb5: {  	s5 =	sshll.u32 s26, $0x1;
	_ =	strace $0x8000004F;
	[dreg:$0x1] =	wrdreg $0xFFFFFFFF  }
0xb6: {  	s28 =	simm.s32 $_size_execute0_lowered;
	s3 =	sadd.s32 s3, s5;
	[dreg:$0x0] =	wrdreg $0x0  }
0xb7: {  	s5 =	sshll.u32 s28, $0x1;
	[dreg:$0x2] =	wrdreg s3  }
0xb8: {  	[dreg:$0x3] =	wrdreg s5  }
0xb9: {  	[dreg:$0x4] =	wrdreg $0xC0  }
0xba: {  	_ =	task [dreg:s22], $0x5FFFF  }
0xbb: {  	[dreg:$0x1] =	wrdreg $0xFFFFFFFF  }
0xbc: {  	[dreg:$0x0] =	wrdreg $0x60  }
0xbd: {  	[dreg:$0x2] =	wrdreg s24  }
0xbe: {  	[dreg:$0x3] =	wrdreg $0x9  }
0xbf: {  	_ =	task.clear_ibuf [dreg:s22], $0x4FFFF;
	_ =	strace $0x9000004F  }
0xc0: {  	s29 =	simm.s32 $0x9;
	_ =	strace $0x80000051  }
0xc1: {  	_ =	swait.ge [sflag:s29], $0x1  }
0xc2: {  	[sflag:s29] =	ssyncadd.s32 $0xFFFFFFFF  }
0xc3: {  	_ =	strace $0x90000051  }
0xc4: {  	_ =	sfence  }
0xc5: {  	s30 =	sld [smem:$0x0];
	_ =	sdelay $0x2  }
0xc6: {  	s31 =	sshll.u32 s1, $0xD;
	s1 =	sshrl.u32 s1, $0x2  }
0xc7: {  	s4 =	sand.u32 $0x4000, s31;
	s1 =	sadd.s32 s1, s30  }
0xc8: {  	s0 =	sor.u32 s4, s0;
	s1 =	sshll.u32 s1, $0x11  }
0xc9: {  	s0 =	sor.u32 s1, s0  }
0xca: {  	s0 =	sadd.s32 $0x8F2B, s0  }
0xcb: {  	[sflag:s0] =	ssyncadd.remote.s32 $0x1  }
0xcc: {  	_ =	sfence.sel $0xFFFF  }
0xcd: {  	[dreg:$0x0] =	wrdreg $0xFFFFFFFF;
	(pc) =	sbr.abs _section_cstart, $3  }
0xce: {  	[dreg:$0x1] =	wrdreg $0xFFFFFFFF  }
0xcf: {  	_ =	task.clear_ibuf [dreg:s22], $0x2FFFF;
	_ =	strace $0x9FFFFFFF  }
0xd0: {  	(tm) =	ssettm $0x7FFFFFFF  }
0xd1: {  	_ =	shalt  }
tec
execute0_lowered:
.L_overlay_start_1:
0x0: {  	(tag) =	ssettag $0x1  }
0x1: {  	s4 =	rddreg [dreg:$0x0]  }
0x2: {  	s0 =	rddreg [dreg:$0x1];
	s2 =	simm.s32 $0x0;
	s3 =	srdreg.scid  }
0x3: {  	s1 =	stileid.u32;
	s10 =	simm.s32 $0x0;
	[smem:$0x7FF] =	sst s2  }
0x4: {  	s5 =	sand.u32 $0x1, s3;
	s6 =	sshll.u32 s1, $0xC;
	s3 =	sadd.s32 $0x44E00, s4  }
0x5: {  	s8 =	sshll.u32 s1, $0x10;
	_ =	strace $0x80000050;
	s7 =	sshll.u32 s5, $0xB  }
0x6: {  	s31 =	ssub.s32 $0x2, s5;
	s8 =	sadd.s32 s8, s4;
	s5 =	sshll.u32 s5, $0xF  }
0x7: {  	s6 =	sor.u32 s7, s6;
	s9 =	sshrl.u32 s31, $0x1;
	s5 =	sadd.s32 s5, s8  }
0x8: {  	s8 =	simm.s32 $0x80;
	s6 =	sshrl.u32 s6, $0x3;
	s7 =	ssub.s32 s31, s9  }
0x9: {  	s5 =	sadd.s32 $0x38AE00, s5;
	s9 =	simm.s32 $0x1;
	s6 =	sadd.s32 s6, s4  }
0xa: {  	s4 =	smax.u32 s7, $0x1;
	s7 =	simm.s32 $0x2;
	s6 =	sadd.s32 $0x388E00, s6  }
.LBB2_1:
0xb: {  	s11 =	sadd.s32 $0x0, s6  }
0xc: {  	[tilespmem:s2], [sflag:$0x2] =	stream.linear.gather [hbm4b:s11+s2], $0x80, $0x38;
	[tilespmem:$0x4080] =	vst v63  }
0xd: {  	_ =	swait.ge [sflag:s7], $0x80  }
0xe: {  	[sflag:s7] =	ssyncset.done $0x0  }
0xf: {  	[sflag:s7] =	ssyncadd.s32 $0xFFFFFF80  }
0x10: {  	[tilespmem:s8], [sflag:$0x1] =	stream.indirect.gather [hbm4b:s3+s8], $0x80, s2, s8, $0xb8;
	[tilespmem:$0x4080] =	vst v63  }
0x11: {  	_ =	swait.ge [sflag:s9], $0x4000  }
0x12: {  	[sflag:s9] =	ssyncset.done $0x0  }
0x13: {  	[sflag:s9] =	ssyncadd.s32 $0xFFFFC000  }
0x14: {  	[hbm4b:s5+s2] =	stream.linear.scatter [tilespmem:s8], [sflag:$0x2], $0x4000, $0x38;
	[tilespmem:$0x4080] =	vst v63  }
0x15: {  	s12 =	simm.s32 $0x10;
	_ =	swait.ge [sflag:s7], $0x4000  }
0x16: {  	s13 =	simm.s32 $0x20;
	s11 =	sadd.s32 $0x800, s5;
	[sflag:s7] =	ssyncset.done $0x0  }
.LBB2_2:
0x17: {  	s14 =	sadd.s32 s12, s6  }
0x18: {  	[sflag:s7] =	ssyncadd.s32 $0xFFFFC000;
	s12 =	smov.u32 s13;
	s15 =	sadd.s32 $0x10, s13  }
0x19: {  	[tilespmem:s2], [sflag:$0x2] =	stream.linear.gather [hbm4b:s14+s2], $0x80, $0x38;
	[tilespmem:$0x4080] =	vst v63  }
0x1a: {  	p0 =	sne.s32 s13, $0xF0;
	_ =	swait.ge [sflag:s7], $0x80  }
0x1b: {  	[sflag:s7] =	ssyncset.done $0x0  }
0x1c: {  	[sflag:s7] =	ssyncadd.s32 $0xFFFFFF80  }
0x1d: {  	[tilespmem:s8], [sflag:$0x1] =	stream.indirect.gather [hbm4b:s3+s8], $0x80, s2, s8, $0xb8;
	[tilespmem:$0x4080] =	vst v63  }
0x1e: {  	_ =	swait.ge [sflag:s9], $0x4000  }
.Ltmp0:
0x1f: {  	[sflag:s9] =	ssyncset.done $0x0;
	(pc) =	sbr.rel @p0 .LBB2_2-.Ltmp0, $4  }
0x20: {  	[sflag:s9] =	ssyncadd.s32 $0xFFFFC000  }
0x21: {  	[hbm4b:s11+s2] =	stream.linear.scatter [tilespmem:s8], [sflag:$0x2], $0x4000, $0x38;
	[tilespmem:$0x4080] =	vst v63  }
0x22: {  	_ =	swait.ge [sflag:s7], $0x4000  }
0x23: {  	s13 =	smov.u32 s15;
	s11 =	sadd.s32 $0x800, s11;
	[sflag:s7] =	ssyncset.done $0x0  }
0x24: {  	s12 =	sadd.s32 s12, s6;
	[sflag:s7] =	ssyncadd.s32 $0xFFFFC000  }
0x25: {  	[tilespmem:s2], [sflag:$0x2] =	stream.linear.gather [hbm4b:s12+s2], $0x80, $0x38;
	[tilespmem:$0x4080] =	vst v63  }
0x26: {  	_ =	swait.ge [sflag:s7], $0x80  }
0x27: {  	[sflag:s7] =	ssyncset.done $0x0  }
0x28: {  	[sflag:s7] =	ssyncadd.s32 $0xFFFFFF80  }
0x29: {  	[tilespmem:s8], [sflag:$0x1] =	stream.indirect.gather [hbm4b:s3+s8], $0x80, s2, s8, $0xb8;
	[tilespmem:$0x4080] =	vst v63  }
0x2a: {  	s10 =	sadd.s32 $0x1, s10;
	_ =	swait.ge [sflag:s9], $0x4000  }
0x2b: {  	p0 =	sne.s32 s10, s4;
	[sflag:s9] =	ssyncset.done $0x0  }
.Ltmp1:
0x2c: {  	[sflag:s9] =	ssyncadd.s32 $0xFFFFC000;
	(pc) =	sbr.rel @p0 .LBB2_1-.Ltmp1, $4  }
0x2d: {  	[hbm4b:s11+s2] =	stream.linear.scatter [tilespmem:s8], [sflag:$0x2], $0x4000, $0x38;
	[tilespmem:$0x4080] =	vst v63  }
0x2e: {  	_ =	swait.ge [sflag:s7], $0x4000  }
0x2f: {  	[sflag:s7] =	ssyncset.done $0x0  }
0x30: {  	[sflag:s7] =	ssyncadd.s32 $0xFFFFC000  }
0x31: {  	_ =	sfence.sel $0x180000  }
0x32: {  	[bflag:$0x0] =	sbarrier.arrive $0xFFFF  }
0x33: {  	p0 =	sne.s32 s1, $0x0;
	_ =	strace $0x90000050  }
0x34: {  	s0 =	sadd.s32 @!p0 $0x100000, s0;
	[bflag:$0x2] =	sbarrier.arrive $0xFFFF  }
0x35: {  	[sflag:s0] =	ssyncadd.tile.s32 @!p0 $0x1;
	_ =	shalt  }
.Lfunc_end2:
_tile_overlayer_lowered:
.L_overlay_start_2:
0x36: {  	(tag) =	ssettag $0x2  }
0x37: {  	s0 =	rddreg [dreg:$0x0];
	s2 =	stileid.u32  }
0x38: {  	s1 =	rddreg [dreg:$0x1];
	p0 =	sne.s32 s2, $0x0  }
0x39: {  	s3 =	rddreg [dreg:$0x2];
	[bflag:$0x3] =	sbarrier.arrive $0xFFFF;
	s2 =	simm.s32 @!p0 $0x1C02  }
0x3a: {  	[timem:s3], [sflag:s2] =	dma.local @!p0 [hbm:s0], s1  }
0x3b: {  	s0 =	simm.s32 @!p0 $0x2  }
0x3c: {  	_ =	swait.ge @!p0 [sflag:s0], s1  }
0x3d: {  	s1 =	ssub.s32 @!p0 $0x0, s1;
	[sflag:s0] =	ssyncset.done @!p0 $0x0  }
0x3e: {  	[sflag:s0] =	ssyncadd.s32 @!p0 s1  }
0x3f: {  	[bflag:$0x3] =	sbarrier.arrive $0xFFFF  }
0x40: {  	_ =	shalt  }

// kernel: kernel.18.cloned.1.call-start
scs
__scs_entry_jumppad:
0x0: {  	(pc) =	sbr.rel $0x88, $3  }
0x1: {  	(tag) =	ssettag $0x0;
	lr =	simm.s32 $0x1  }
0x2: {  	[smem:$0x3F99] =	sst lr;
	_ =	strace $0xD0000000  }
0x3: {  	_ = 	snop  }
0x4: {  	_ = 	snop  }
0x5: {  	_ = 	snop  }
0x6: {  	_ = 	snop  }
0x7: {  	_ = 	snop  }
__scs_overlays_trampoline_lowered:
0x8: {  	[smem:$0x3FA8] =	sst s0  }
0x9: {  	[smem:$0x3FA9] =	sst s1  }
0xa: {  	[smem:$0x3FAA] =	sst s2  }
0xb: {  	[smem:$0x3FAB] =	sst s3  }
0xc: {  	[smem:$0x3FAC] =	sst s4  }
0xd: {  	[smem:$0x3FAD] =	sst s5  }
0xe: {  	[smem:$0x3FAE] =	sst s6  }
0xf: {  	[smem:$0x3FAF] =	sst s7  }
0x10: {  	[smem:$0x3FB0] =	sst s8  }
0x11: {  	[smem:$0x3FB1] =	sst s9;
	s0 =	simm.s32 @!p0 $0x0  }
0x12: {  	s1 =	sld [smem:$0x3F97];
	s0 =	simm.s32 @p0 $0x1  }
0x13: {  	[smem:$0x3FB2] =	sst s0;
	s0 =	simm.s32 @!p1 $0x0  }
0x14: {  	s2 =	sld [smem:$0x3F96];
	s0 =	simm.s32 @p1 $0x1  }
0x15: {  	[smem:$0x3FB3] =	sst s0;
	s0 =	simm.s32 @!p2 $0x0  }
0x16: {  	s3 =	sld [smem:$0x3FDB];
	s0 =	simm.s32 @p2 $0x1  }
0x17: {  	s4 =	simm.s32 $0x1BF5;
	[smem:$0x3FB5] =	sst s0  }
0x18: {  	s0 =	sld [smem:$0x3F98];
	_ =	swait.ge [sflag:s4], $0x0  }
0x19: {  	s7 =	sld [smem:$0x3F99]  }
0x1a: {  	s8 =	sadd.s32 $0xFFFFE003, lr  }
0x1b: {  	s9 =	sadd.s32 $0xFFFFFEF7, lr;
	s5 =	simm.s32 $0xFFFFFFFF;
	p2 =	slt.u32 s8, $0xFFFFF086  }
0x1c: {  	p1 =	slt.u32 s9, $0xF7A;
	s5 =	simm.s32 @!p2 $0x0  }
0x1d: {  	s5 =	simm.s32 @p1 $0x1;
	p0 =	seq.s32 s7, s2  }
0x1e: {  	s7 =	smul.u32 @!p0 $0xF7A, s2;
	p2 =	seq.s32 @!p0 s5, $0x0  }
0x1f: {  	s9 =	smul.u32 $0xF7A, s1;
	s8 =	simm.s32 @!p0 $0x1BF5;
	p2 =	por !p2, p0  }
0x20: {  	[sflag:s8] =	ssyncset.s32 @!p0 $0xFFFFF086;
	s6 =	sadd.s32 @!p0 s3, s7;
	s7 =	simm.s32 @!p0 $0x108  }
0x21: {  	s3 =	sadd.s32 s3, s9;
	s6 =	sadd.s32 @!p0 $0x88, s6;
	s7 =	simm.s32 @p2 $0x1082  }
0x22: {  	[simem:s7], [sflag:s8] =	dma.local @!p0 [hbm:s6], $0xF7A  }
0x23: {  	s9 =	sor.u32 $0xD0000000, s2;
	s6 =	simm.s32 $0x108;
	_ =	swait.ge @!p0 [sflag:s8], $0x0  }
0x24: {  	s3 =	sadd.s32 $0x88, s3;
	s6 =	simm.s32 @!p1 $0x1082;
	[sflag:s4] =	ssyncset.s32 $0xFFFFF086  }
0x25: {  	[simem:s6], [sflag:s4] =	dma.local [hbm:s3], $0xF7A  }
0x26: {  	[smem:$0x3F99] =	sst s1;
	(tag) =	ssettag s2;
	_ =	strace s9  }
0x27: {  	s1 =	sld [smem:$0x3FA9]  }
0x28: {  	s2 =	sld [smem:$0x3FAA]  }
0x29: {  	s4 =	sld [smem:$0x3FAC]  }
0x2a: {  	p0 =	seq.s32 s5, $0x0;
	s5 =	sld [smem:$0x3FAD]  }
0x2b: {  	s6 =	sld [smem:$0x3FAE]  }
0x2c: {  	s7 =	sld [smem:$0x3FAF]  }
0x2d: {  	s3 =	simm.s32 $0x108;
	s8 =	sld [smem:$0x3FB0]  }
0x2e: {  	s3 =	simm.s32 @!p0 $0x1082;
	s9 =	sld [smem:$0x3FB1]  }
0x2f: {  	lr =	sadd.s32 s0, s3;
	s0 =	sld [smem:$0x3FA8]  }
0x30: {  	s3 =	sld [smem:$0x3FAB]  }
0x31: {  	[smem:$0x3FB4] =	sst s10  }
0x32: {  	s10 =	sld [smem:$0x3FB2];
	_ =	sdelay $0x3  }
0x33: {  	p0 =	seq.s32 s10, $0x1;
	s10 =	sld [smem:$0x3FB4];
	_ =	sdelay $0x3  }
0x34: {  	[smem:$0x3FB4] =	sst s10  }
0x35: {  	s10 =	sld [smem:$0x3FB3];
	_ =	sdelay $0x3  }
0x36: {  	p1 =	seq.s32 s10, $0x1;
	s10 =	sld [smem:$0x3FB4];
	_ =	sdelay $0x3  }
0x37: {  	[smem:$0x3FB4] =	sst s10  }
0x38: {  	s10 =	sld [smem:$0x3FB5]  }
0x39: {  	_ = 	snop;
	(pc) =	sbr.ind lr, $3  }
0x3a: {  	_ = 	snop  }
0x3b: {  	_ = 	snop  }
0x3c: {  	p2 =	seq.s32 s10, $0x1;
	s10 =	sld [smem:$0x3FB4]  }
0x3d: {  	_ =	shalt  }
0x3e: {  	_ =	shalt  }
0x3f: {  	_ =	shalt  }
0x40: {  	_ =	shalt  }
0x41: {  	_ =	shalt  }
0x42: {  	_ =	shalt  }
0x43: {  	_ =	shalt  }
0x44: {  	_ =	shalt  }
0x45: {  	_ =	shalt  }
0x46: {  	_ =	shalt  }
0x47: {  	_ =	shalt  }
0x48: {  	_ =	shalt  }
0x49: {  	_ =	shalt  }
0x4a: {  	_ =	shalt  }
0x4b: {  	_ =	shalt  }
0x4c: {  	_ =	shalt  }
0x4d: {  	_ =	shalt  }
0x4e: {  	_ =	shalt  }
0x4f: {  	_ =	shalt  }
0x50: {  	_ =	shalt  }
0x51: {  	_ =	shalt  }
0x52: {  	_ =	shalt  }
0x53: {  	_ =	shalt  }
0x54: {  	_ =	shalt  }
0x55: {  	_ =	shalt  }
0x56: {  	_ =	shalt  }
0x57: {  	_ =	shalt  }
0x58: {  	_ =	shalt  }
0x59: {  	_ =	shalt  }
0x5a: {  	_ =	shalt  }
0x5b: {  	_ =	shalt  }
0x5c: {  	_ =	shalt  }
0x5d: {  	_ =	shalt  }
0x5e: {  	_ =	shalt  }
0x5f: {  	_ =	shalt  }
0x60: {  	_ =	shalt  }
0x61: {  	_ =	shalt  }
0x62: {  	_ =	shalt  }
0x63: {  	_ =	shalt  }
0x64: {  	_ =	shalt  }
0x65: {  	_ =	shalt  }
0x66: {  	_ =	shalt  }
0x67: {  	_ =	shalt  }
0x68: {  	_ =	shalt  }
0x69: {  	_ =	shalt  }
0x6a: {  	_ =	shalt  }
0x6b: {  	_ =	shalt  }
0x6c: {  	_ =	shalt  }
0x6d: {  	_ =	shalt  }
0x6e: {  	_ =	shalt  }
0x6f: {  	_ =	shalt  }
0x70: {  	_ =	shalt  }
0x71: {  	_ =	shalt  }
0x72: {  	_ =	shalt  }
0x73: {  	_ =	shalt  }
0x74: {  	_ =	shalt  }
0x75: {  	_ =	shalt  }
0x76: {  	_ =	shalt  }
0x77: {  	_ =	shalt  }
0x78: {  	_ =	shalt  }
0x79: {  	_ =	shalt  }
0x7a: {  	_ =	shalt  }
0x7b: {  	_ =	shalt  }
0x7c: {  	_ =	shalt  }
0x7d: {  	_ =	shalt  }
0x7e: {  	_ =	shalt  }
0x7f: {  	_ =	shalt  }
0x80: {  	_ =	shalt  }
0x81: {  	_ =	shalt  }
0x82: {  	_ =	shalt  }
0x83: {  	_ =	shalt  }
0x84: {  	_ =	shalt  }
0x85: {  	_ =	shalt  }
0x86: {  	_ =	shalt  }
0x87: {  	_ =	shalt  }
.Lfunc_end0:
.L_simem_size_0:
called_computation.1_lowered:
.L_overlay_start_0:
0x88: {  	s2 =	sld [smem:$0x3FD9]  }
0x89: {  	s3 =	sld [smem:$0x3FFE];
	_ =	sdelay $0x1  }
0x8a: {  	s1 =	srdreg.scid  }
0x8b: {  	s0 =	sand.u32 $0x1, s1  }
0x8c: {  	s17 =	sshll.u32 s0, $0xA;
	s2 =	sadd.s32 s3, s2  }
0x8d: {  	s2 =	sadd.s32 s2, s17  }
0x8e: {  	[smem:$0x3FC0] =	sst s2  }
0x8f: {  	_ = 	snop  }
0x90: {  	(tm) =	ssettm $0x1  }
0x91: {  	s18 =	sld [smem:$0x3FFB];
	_ =	sdelay $0x3  }
0x92: {  	_ =	strace s18  }
0x93: {  	s2 =	sld [smem:$0x3FFC];
	_ =	sdelay $0x3  }
0x94: {  	_ =	strace s2  }
0x95: {  	s2 =	sld [smem:$0x3FFD];
	_ =	sdelay $0x3  }
0x96: {  	_ =	strace s2  }
0x97: {  	_ =	strace $0x8FFFFFFF  }
0x98: {  	s19 =	sld [smem:$0x3FDB];
	_ =	sdelay $0x1  }
0x99: {  	s20 =	simm.s32 $_scs_section_size  }
0x9a: {  	s4 =	simm.s32 $_size__tile_overlayer_lowered;
	s5 =	simm.s32 $_tile_overlayer_lowered  }
0x9b: {  	s6 =	simm.s32 $0x1BFF;
	s21 =	sshll.u32 s5, $0x1;
	s3 =	sadd.s32 s20, s19  }
0x9c: {  	s22 =	simm.s32 $0x0;
	s4 =	sshll.u32 s4, $0x1;
	s5 =	sadd.s32 s21, s3  }
0x9d: {  	[timem:s22], [sflag:s6] =	dma.local [hbm:s5], s4  }
0x9e: {  	_ =	swait.ge [sflag:s6], s4  }
0x9f: {  	s4 =	ssub.s32 $0x0, s4;
	[sflag:s6] =	ssyncset.done $0x0  }
0xa0: {  	[sflag:s6] =	ssyncadd.s32 s4;
	_ =	sdelay $0x1  }
0xa1: {  	s23 =	simm.s32 $0x1B8B  }
0xa2: {  	_ =	swait.ge [sflag:s23], $0x1  }
0xa3: {  	[sflag:s23] =	ssyncset.done $0x0  }
0xa4: {  	[sflag:s23] =	ssyncadd.s32 $0xFFFFFFFF  }
0xa5: {  	s4 =	sld [smem:$0x0]  }
0xa6: {  	s5 =	sand.u32 $0xFFFFFFFE, s1  }
0xa7: {  	p0 =	sne.s32 s1, s5  }
0xa8: {  	s5 =	sshll.u32 @p0 s5, $0xE  }
0xa9: {  	s5 =	sadd.s32 @p0 $0x11B8D, s5;
	s6 =	sshll.u32 @p0 s4, $0x11  }
0xaa: {  	s5 =	sor.u32 @p0 s6, s5  }
0xab: {  	[sflag:s5] =	ssyncadd.remote.s32 @p0 $0x1;
	_ =	sdelay $0x1  }
0xac: {  	s5 =	simm.s32 @p0 $0x1B8D  }
0xad: {  	_ =	swait.eq @p0 [sflag:s5], $0x1  }
0xae: {  	[sflag:s5] =	ssyncadd.s32 @p0 $0xFFFFFFFF  }
0xaf: {  	s6 =	sshll.u32 @!p0 s1, $0xE  }
0xb0: {  	s6 =	sor.u32 @!p0 $0x4000, s6;
	s5 =	simm.s32 @!p0 $0x1B8D  }
0xb1: {  	s4 =	sshll.u32 @!p0 s4, $0x11;
	s6 =	sadd.s32 @!p0 $0x11B8D, s6;
	_ =	swait.eq @!p0 [sflag:s5], $0x1  }
0xb2: {  	s4 =	sor.u32 @!p0 s4, s6;
	[sflag:s5] =	ssyncadd.s32 @!p0 $0xFFFFFFFF  }
0xb3: {  	s25 =	simm.s32 $0x1B8E;
	s24 =	sld [smem:$0x3FFE];
	[sflag:s4] =	ssyncadd.remote.s32 @!p0 $0x1  }
0xb4: {  	s26 =	simm.s32 $execute0_lowered;
	[smem:$0x3FD2] =	sst s25  }
0xb5: {  	s5 =	sshll.u32 s26, $0x1;
	_ =	strace $0x8000004C;
	[dreg:$0x1] =	wrdreg $0xFFFFFFFF  }
0xb6: {  	s28 =	simm.s32 $_size_execute0_lowered;
	s3 =	sadd.s32 s3, s5;
	[dreg:$0x0] =	wrdreg $0x0  }
0xb7: {  	s5 =	sshll.u32 s28, $0x1;
	[dreg:$0x2] =	wrdreg s3  }
0xb8: {  	[dreg:$0x3] =	wrdreg s5  }
0xb9: {  	[dreg:$0x4] =	wrdreg $0xC0  }
0xba: {  	_ =	task [dreg:s22], $0x5FFFF  }
0xbb: {  	[dreg:$0x1] =	wrdreg $0xFFFFFFFF  }
0xbc: {  	[dreg:$0x0] =	wrdreg $0x60  }
0xbd: {  	[dreg:$0x2] =	wrdreg s24  }
0xbe: {  	[dreg:$0x3] =	wrdreg $0xA  }
0xbf: {  	_ =	task.clear_ibuf [dreg:s22], $0x4FFFF;
	_ =	strace $0x9000004C  }
0xc0: {  	s29 =	simm.s32 $0xA;
	_ =	strace $0x8000004E  }
0xc1: {  	_ =	swait.ge [sflag:s29], $0x1  }
0xc2: {  	[sflag:s29] =	ssyncadd.s32 $0xFFFFFFFF  }
0xc3: {  	_ =	strace $0x9000004E  }
0xc4: {  	_ =	sfence  }
0xc5: {  	s30 =	sld [smem:$0x0];
	_ =	sdelay $0x2  }
0xc6: {  	s31 =	sshll.u32 s1, $0xD;
	s1 =	sshrl.u32 s1, $0x2  }
0xc7: {  	s4 =	sand.u32 $0x4000, s31;
	s1 =	sadd.s32 s1, s30  }
0xc8: {  	s0 =	sor.u32 s4, s0;
	s1 =	sshll.u32 s1, $0x11  }
0xc9: {  	s0 =	sor.u32 s1, s0  }
0xca: {  	s0 =	sadd.s32 $0x8F2B, s0  }
0xcb: {  	[sflag:s0] =	ssyncadd.remote.s32 $0x1  }
0xcc: {  	_ =	sfence.sel $0xFFFF  }
0xcd: {  	[dreg:$0x0] =	wrdreg $0xFFFFFFFF;
	(pc) =	sbr.abs _section_cstart, $3  }
0xce: {  	[dreg:$0x1] =	wrdreg $0xFFFFFFFF  }
0xcf: {  	_ =	task.clear_ibuf [dreg:s22], $0x2FFFF;
	_ =	strace $0x9FFFFFFF  }
0xd0: {  	(tm) =	ssettm $0x7FFFFFFF  }
0xd1: {  	_ =	shalt  }
tec
execute0_lowered:
.L_overlay_start_1:
0x0: {  	(tag) =	ssettag $0x1  }
0x1: {  	s4 =	rddreg [dreg:$0x0]  }
0x2: {  	s0 =	rddreg [dreg:$0x1];
	s2 =	simm.s32 $0x0;
	s3 =	srdreg.scid  }
0x3: {  	s1 =	stileid.u32;
	s10 =	simm.s32 $0x0;
	[smem:$0x7FF] =	sst s2  }
0x4: {  	s5 =	sand.u32 $0x1, s3;
	s6 =	sshll.u32 s1, $0xC;
	s3 =	sadd.s32 $0x44E00, s4  }
0x5: {  	s8 =	sshll.u32 s1, $0x10;
	_ =	strace $0x8000004D;
	s7 =	sshll.u32 s5, $0xB  }
0x6: {  	s31 =	ssub.s32 $0x2, s5;
	s8 =	sadd.s32 s8, s4;
	s5 =	sshll.u32 s5, $0xF  }
0x7: {  	s6 =	sor.u32 s7, s6;
	s9 =	sshrl.u32 s31, $0x1;
	s5 =	sadd.s32 s5, s8  }
0x8: {  	s8 =	simm.s32 $0x80;
	s6 =	sshrl.u32 s6, $0x3;
	s7 =	ssub.s32 s31, s9  }
0x9: {  	s5 =	sadd.s32 $0x288E00, s5;
	s9 =	simm.s32 $0x1;
	s6 =	sadd.s32 s6, s4  }
0xa: {  	s4 =	smax.u32 s7, $0x1;
	s7 =	simm.s32 $0x2;
	s6 =	sadd.s32 $0x286E00, s6  }
.LBB2_1:
0xb: {  	s11 =	sadd.s32 $0x0, s6  }
0xc: {  	[tilespmem:s2], [sflag:$0x2] =	stream.linear.gather [hbm4b:s11+s2], $0x80, $0x38;
	[tilespmem:$0x4080] =	vst v63  }
0xd: {  	_ =	swait.ge [sflag:s7], $0x80  }
0xe: {  	[sflag:s7] =	ssyncset.done $0x0  }
0xf: {  	[sflag:s7] =	ssyncadd.s32 $0xFFFFFF80  }
0x10: {  	[tilespmem:s8], [sflag:$0x1] =	stream.indirect.gather [hbm4b:s3+s8], $0x80, s2, s8, $0xb8;
	[tilespmem:$0x4080] =	vst v63  }
0x11: {  	_ =	swait.ge [sflag:s9], $0x4000  }
0x12: {  	[sflag:s9] =	ssyncset.done $0x0  }
0x13: {  	[sflag:s9] =	ssyncadd.s32 $0xFFFFC000  }
0x14: {  	[hbm4b:s5+s2] =	stream.linear.scatter [tilespmem:s8], [sflag:$0x2], $0x4000, $0x38;
	[tilespmem:$0x4080] =	vst v63  }
0x15: {  	s12 =	simm.s32 $0x10;
	_ =	swait.ge [sflag:s7], $0x4000  }
0x16: {  	s13 =	simm.s32 $0x20;
	s11 =	sadd.s32 $0x800, s5;
	[sflag:s7] =	ssyncset.done $0x0  }
.LBB2_2:
0x17: {  	s14 =	sadd.s32 s12, s6  }
0x18: {  	[sflag:s7] =	ssyncadd.s32 $0xFFFFC000;
	s12 =	smov.u32 s13;
	s15 =	sadd.s32 $0x10, s13  }
0x19: {  	[tilespmem:s2], [sflag:$0x2] =	stream.linear.gather [hbm4b:s14+s2], $0x80, $0x38;
	[tilespmem:$0x4080] =	vst v63  }
0x1a: {  	p0 =	sne.s32 s13, $0xF0;
	_ =	swait.ge [sflag:s7], $0x80  }
0x1b: {  	[sflag:s7] =	ssyncset.done $0x0  }
0x1c: {  	[sflag:s7] =	ssyncadd.s32 $0xFFFFFF80  }
0x1d: {  	[tilespmem:s8], [sflag:$0x1] =	stream.indirect.gather [hbm4b:s3+s8], $0x80, s2, s8, $0xb8;
	[tilespmem:$0x4080] =	vst v63  }
0x1e: {  	_ =	swait.ge [sflag:s9], $0x4000  }
.Ltmp0:
0x1f: {  	[sflag:s9] =	ssyncset.done $0x0;
	(pc) =	sbr.rel @p0 .LBB2_2-.Ltmp0, $4  }
0x20: {  	[sflag:s9] =	ssyncadd.s32 $0xFFFFC000  }
0x21: {  	[hbm4b:s11+s2] =	stream.linear.scatter [tilespmem:s8], [sflag:$0x2], $0x4000, $0x38;
	[tilespmem:$0x4080] =	vst v63  }
0x22: {  	_ =	swait.ge [sflag:s7], $0x4000  }
0x23: {  	s13 =	smov.u32 s15;
	s11 =	sadd.s32 $0x800, s11;
	[sflag:s7] =	ssyncset.done $0x0  }
0x24: {  	s12 =	sadd.s32 s12, s6;
	[sflag:s7] =	ssyncadd.s32 $0xFFFFC000  }
0x25: {  	[tilespmem:s2], [sflag:$0x2] =	stream.linear.gather [hbm4b:s12+s2], $0x80, $0x38;
	[tilespmem:$0x4080] =	vst v63  }
0x26: {  	_ =	swait.ge [sflag:s7], $0x80  }
0x27: {  	[sflag:s7] =	ssyncset.done $0x0  }
0x28: {  	[sflag:s7] =	ssyncadd.s32 $0xFFFFFF80  }
0x29: {  	[tilespmem:s8], [sflag:$0x1] =	stream.indirect.gather [hbm4b:s3+s8], $0x80, s2, s8, $0xb8;
	[tilespmem:$0x4080] =	vst v63  }
0x2a: {  	s10 =	sadd.s32 $0x1, s10;
	_ =	swait.ge [sflag:s9], $0x4000  }
0x2b: {  	p0 =	sne.s32 s10, s4;
	[sflag:s9] =	ssyncset.done $0x0  }
.Ltmp1:
0x2c: {  	[sflag:s9] =	ssyncadd.s32 $0xFFFFC000;
	(pc) =	sbr.rel @p0 .LBB2_1-.Ltmp1, $4  }
0x2d: {  	[hbm4b:s11+s2] =	stream.linear.scatter [tilespmem:s8], [sflag:$0x2], $0x4000, $0x38;
	[tilespmem:$0x4080] =	vst v63  }
0x2e: {  	_ =	swait.ge [sflag:s7], $0x4000  }
0x2f: {  	[sflag:s7] =	ssyncset.done $0x0  }
0x30: {  	[sflag:s7] =	ssyncadd.s32 $0xFFFFC000  }
0x31: {  	_ =	sfence.sel $0x180000  }
0x32: {  	[bflag:$0x0] =	sbarrier.arrive $0xFFFF  }
0x33: {  	p0 =	sne.s32 s1, $0x0;
	_ =	strace $0x9000004D  }
0x34: {  	s0 =	sadd.s32 @!p0 $0x100000, s0;
	[bflag:$0x2] =	sbarrier.arrive $0xFFFF  }
0x35: {  	[sflag:s0] =	ssyncadd.tile.s32 @!p0 $0x1;
	_ =	shalt  }
.Lfunc_end2:
_tile_overlayer_lowered:
.L_overlay_start_2:
0x36: {  	(tag) =	ssettag $0x2  }
0x37: {  	s0 =	rddreg [dreg:$0x0];
	s2 =	stileid.u32  }
0x38: {  	s1 =	rddreg [dreg:$0x1];
	p0 =	sne.s32 s2, $0x0  }
0x39: {  	s3 =	rddreg [dreg:$0x2];
	[bflag:$0x3] =	sbarrier.arrive $0xFFFF;
	s2 =	simm.s32 @!p0 $0x1C02  }
0x3a: {  	[timem:s3], [sflag:s2] =	dma.local @!p0 [hbm:s0], s1  }
0x3b: {  	s0 =	simm.s32 @!p0 $0x2  }
0x3c: {  	_ =	swait.ge @!p0 [sflag:s0], s1  }
0x3d: {  	s1 =	ssub.s32 @!p0 $0x0, s1;
	[sflag:s0] =	ssyncset.done @!p0 $0x0  }
0x3e: {  	[sflag:s0] =	ssyncadd.s32 @!p0 s1  }
0x3f: {  	[bflag:$0x3] =	sbarrier.arrive $0xFFFF  }
0x40: {  	_ =	shalt  }

// kernel: kernel.21.cloned.1.call-start
scs
__scs_entry_jumppad:
0x0: {  	(pc) =	sbr.rel $0x88, $3  }
0x1: {  	(tag) =	ssettag $0x0;
	lr =	simm.s32 $0x1  }
0x2: {  	[smem:$0x3F99] =	sst lr;
	_ =	strace $0xD0000000  }
0x3: {  	_ = 	snop  }
0x4: {  	_ = 	snop  }
0x5: {  	_ = 	snop  }
0x6: {  	_ = 	snop  }
0x7: {  	_ = 	snop  }
__scs_overlays_trampoline_lowered:
0x8: {  	[smem:$0x3FA8] =	sst s0  }
0x9: {  	[smem:$0x3FA9] =	sst s1  }
0xa: {  	[smem:$0x3FAA] =	sst s2  }
0xb: {  	[smem:$0x3FAB] =	sst s3  }
0xc: {  	[smem:$0x3FAC] =	sst s4  }
0xd: {  	[smem:$0x3FAD] =	sst s5  }
0xe: {  	[smem:$0x3FAE] =	sst s6  }
0xf: {  	[smem:$0x3FAF] =	sst s7  }
0x10: {  	[smem:$0x3FB0] =	sst s8  }
0x11: {  	[smem:$0x3FB1] =	sst s9;
	s0 =	simm.s32 @!p0 $0x0  }
0x12: {  	s1 =	sld [smem:$0x3F97];
	s0 =	simm.s32 @p0 $0x1  }
0x13: {  	[smem:$0x3FB2] =	sst s0;
	s0 =	simm.s32 @!p1 $0x0  }
0x14: {  	s2 =	sld [smem:$0x3F96];
	s0 =	simm.s32 @p1 $0x1  }
0x15: {  	[smem:$0x3FB3] =	sst s0;
	s0 =	simm.s32 @!p2 $0x0  }
0x16: {  	s3 =	sld [smem:$0x3FDB];
	s0 =	simm.s32 @p2 $0x1  }
0x17: {  	s4 =	simm.s32 $0x1BF5;
	[smem:$0x3FB5] =	sst s0  }
0x18: {  	s0 =	sld [smem:$0x3F98];
	_ =	swait.ge [sflag:s4], $0x0  }
0x19: {  	s7 =	sld [smem:$0x3F99]  }
0x1a: {  	s8 =	sadd.s32 $0xFFFFE003, lr  }
0x1b: {  	s9 =	sadd.s32 $0xFFFFFEF7, lr;
	s5 =	simm.s32 $0xFFFFFFFF;
	p2 =	slt.u32 s8, $0xFFFFF086  }
0x1c: {  	p1 =	slt.u32 s9, $0xF7A;
	s5 =	simm.s32 @!p2 $0x0  }
0x1d: {  	s5 =	simm.s32 @p1 $0x1;
	p0 =	seq.s32 s7, s2  }
0x1e: {  	s7 =	smul.u32 @!p0 $0xF7A, s2;
	p2 =	seq.s32 @!p0 s5, $0x0  }
0x1f: {  	s9 =	smul.u32 $0xF7A, s1;
	s8 =	simm.s32 @!p0 $0x1BF5;
	p2 =	por !p2, p0  }
0x20: {  	[sflag:s8] =	ssyncset.s32 @!p0 $0xFFFFF086;
	s6 =	sadd.s32 @!p0 s3, s7;
	s7 =	simm.s32 @!p0 $0x108  }
0x21: {  	s3 =	sadd.s32 s3, s9;
	s6 =	sadd.s32 @!p0 $0x88, s6;
	s7 =	simm.s32 @p2 $0x1082  }
0x22: {  	[simem:s7], [sflag:s8] =	dma.local @!p0 [hbm:s6], $0xF7A  }
0x23: {  	s9 =	sor.u32 $0xD0000000, s2;
	s6 =	simm.s32 $0x108;
	_ =	swait.ge @!p0 [sflag:s8], $0x0  }
0x24: {  	s3 =	sadd.s32 $0x88, s3;
	s6 =	simm.s32 @!p1 $0x1082;
	[sflag:s4] =	ssyncset.s32 $0xFFFFF086  }
0x25: {  	[simem:s6], [sflag:s4] =	dma.local [hbm:s3], $0xF7A  }
0x26: {  	[smem:$0x3F99] =	sst s1;
	(tag) =	ssettag s2;
	_ =	strace s9  }
0x27: {  	s1 =	sld [smem:$0x3FA9]  }
0x28: {  	s2 =	sld [smem:$0x3FAA]  }
0x29: {  	s4 =	sld [smem:$0x3FAC]  }
0x2a: {  	p0 =	seq.s32 s5, $0x0;
	s5 =	sld [smem:$0x3FAD]  }
0x2b: {  	s6 =	sld [smem:$0x3FAE]  }
0x2c: {  	s7 =	sld [smem:$0x3FAF]  }
0x2d: {  	s3 =	simm.s32 $0x108;
	s8 =	sld [smem:$0x3FB0]  }
0x2e: {  	s3 =	simm.s32 @!p0 $0x1082;
	s9 =	sld [smem:$0x3FB1]  }
0x2f: {  	lr =	sadd.s32 s0, s3;
	s0 =	sld [smem:$0x3FA8]  }
0x30: {  	s3 =	sld [smem:$0x3FAB]  }
0x31: {  	[smem:$0x3FB4] =	sst s10  }
0x32: {  	s10 =	sld [smem:$0x3FB2];
	_ =	sdelay $0x3  }
0x33: {  	p0 =	seq.s32 s10, $0x1;
	s10 =	sld [smem:$0x3FB4];
	_ =	sdelay $0x3  }
0x34: {  	[smem:$0x3FB4] =	sst s10  }
0x35: {  	s10 =	sld [smem:$0x3FB3];
	_ =	sdelay $0x3  }
0x36: {  	p1 =	seq.s32 s10, $0x1;
	s10 =	sld [smem:$0x3FB4];
	_ =	sdelay $0x3  }
0x37: {  	[smem:$0x3FB4] =	sst s10  }
0x38: {  	s10 =	sld [smem:$0x3FB5]  }
0x39: {  	_ = 	snop;
	(pc) =	sbr.ind lr, $3  }
0x3a: {  	_ = 	snop  }
0x3b: {  	_ = 	snop  }
0x3c: {  	p2 =	seq.s32 s10, $0x1;
	s10 =	sld [smem:$0x3FB4]  }
0x3d: {  	_ =	shalt  }
0x3e: {  	_ =	shalt  }
0x3f: {  	_ =	shalt  }
0x40: {  	_ =	shalt  }
0x41: {  	_ =	shalt  }
0x42: {  	_ =	shalt  }
0x43: {  	_ =	shalt  }
0x44: {  	_ =	shalt  }
0x45: {  	_ =	shalt  }
0x46: {  	_ =	shalt  }
0x47: {  	_ =	shalt  }
0x48: {  	_ =	shalt  }
0x49: {  	_ =	shalt  }
0x4a: {  	_ =	shalt  }
0x4b: {  	_ =	shalt  }
0x4c: {  	_ =	shalt  }
0x4d: {  	_ =	shalt  }
0x4e: {  	_ =	shalt  }
0x4f: {  	_ =	shalt  }
0x50: {  	_ =	shalt  }
0x51: {  	_ =	shalt  }
0x52: {  	_ =	shalt  }
0x53: {  	_ =	shalt  }
0x54: {  	_ =	shalt  }
0x55: {  	_ =	shalt  }
0x56: {  	_ =	shalt  }
0x57: {  	_ =	shalt  }
0x58: {  	_ =	shalt  }
0x59: {  	_ =	shalt  }
0x5a: {  	_ =	shalt  }
0x5b: {  	_ =	shalt  }
0x5c: {  	_ =	shalt  }
0x5d: {  	_ =	shalt  }
0x5e: {  	_ =	shalt  }
0x5f: {  	_ =	shalt  }
0x60: {  	_ =	shalt  }
0x61: {  	_ =	shalt  }
0x62: {  	_ =	shalt  }
0x63: {  	_ =	shalt  }
0x64: {  	_ =	shalt  }
0x65: {  	_ =	shalt  }
0x66: {  	_ =	shalt  }
0x67: {  	_ =	shalt  }
0x68: {  	_ =	shalt  }
0x69: {  	_ =	shalt  }
0x6a: {  	_ =	shalt  }
0x6b: {  	_ =	shalt  }
0x6c: {  	_ =	shalt  }
0x6d: {  	_ =	shalt  }
0x6e: {  	_ =	shalt  }
0x6f: {  	_ =	shalt  }
0x70: {  	_ =	shalt  }
0x71: {  	_ =	shalt  }
0x72: {  	_ =	shalt  }
0x73: {  	_ =	shalt  }
0x74: {  	_ =	shalt  }
0x75: {  	_ =	shalt  }
0x76: {  	_ =	shalt  }
0x77: {  	_ =	shalt  }
0x78: {  	_ =	shalt  }
0x79: {  	_ =	shalt  }
0x7a: {  	_ =	shalt  }
0x7b: {  	_ =	shalt  }
0x7c: {  	_ =	shalt  }
0x7d: {  	_ =	shalt  }
0x7e: {  	_ =	shalt  }
0x7f: {  	_ =	shalt  }
0x80: {  	_ =	shalt  }
0x81: {  	_ =	shalt  }
0x82: {  	_ =	shalt  }
0x83: {  	_ =	shalt  }
0x84: {  	_ =	shalt  }
0x85: {  	_ =	shalt  }
0x86: {  	_ =	shalt  }
0x87: {  	_ =	shalt  }
.Lfunc_end0:
.L_simem_size_0:
called_computation.2_lowered:
.L_overlay_start_0:
0x88: {  	s2 =	sld [smem:$0x3FD9]  }
0x89: {  	s3 =	sld [smem:$0x3FFE];
	_ =	sdelay $0x1  }
0x8a: {  	s1 =	srdreg.scid  }
0x8b: {  	s0 =	sand.u32 $0x1, s1  }
0x8c: {  	s17 =	sshll.u32 s0, $0xA;
	s2 =	sadd.s32 s3, s2  }
0x8d: {  	s2 =	sadd.s32 s2, s17  }
0x8e: {  	[smem:$0x3FC0] =	sst s2  }
0x8f: {  	_ = 	snop  }
0x90: {  	(tm) =	ssettm $0x1  }
0x91: {  	s18 =	sld [smem:$0x3FFB];
	_ =	sdelay $0x3  }
0x92: {  	_ =	strace s18  }
0x93: {  	s2 =	sld [smem:$0x3FFC];
	_ =	sdelay $0x3  }
0x94: {  	_ =	strace s2  }
0x95: {  	s2 =	sld [smem:$0x3FFD];
	_ =	sdelay $0x3  }
0x96: {  	_ =	strace s2  }
0x97: {  	_ =	strace $0x8FFFFFFF  }
0x98: {  	s19 =	sld [smem:$0x3FDB];
	_ =	sdelay $0x1  }
0x99: {  	s20 =	simm.s32 $_scs_section_size  }
0x9a: {  	s4 =	simm.s32 $_size__tile_overlayer_lowered;
	s5 =	simm.s32 $_tile_overlayer_lowered  }
0x9b: {  	s6 =	simm.s32 $0x1BFF;
	s21 =	sshll.u32 s5, $0x1;
	s3 =	sadd.s32 s20, s19  }
0x9c: {  	s22 =	simm.s32 $0x0;
	s4 =	sshll.u32 s4, $0x1;
	s5 =	sadd.s32 s21, s3  }
0x9d: {  	[timem:s22], [sflag:s6] =	dma.local [hbm:s5], s4  }
0x9e: {  	_ =	swait.ge [sflag:s6], s4  }
0x9f: {  	s4 =	ssub.s32 $0x0, s4;
	[sflag:s6] =	ssyncset.done $0x0  }
0xa0: {  	[sflag:s6] =	ssyncadd.s32 s4;
	_ =	sdelay $0x1  }
0xa1: {  	s23 =	simm.s32 $0x1B8B  }
0xa2: {  	_ =	swait.ge [sflag:s23], $0x1  }
0xa3: {  	[sflag:s23] =	ssyncset.done $0x0  }
0xa4: {  	[sflag:s23] =	ssyncadd.s32 $0xFFFFFFFF  }
0xa5: {  	s4 =	sld [smem:$0x0]  }
0xa6: {  	s5 =	sand.u32 $0xFFFFFFFE, s1  }
0xa7: {  	p0 =	sne.s32 s1, s5  }
0xa8: {  	s5 =	sshll.u32 @p0 s5, $0xE  }
0xa9: {  	s5 =	sadd.s32 @p0 $0x11B8D, s5;
	s6 =	sshll.u32 @p0 s4, $0x11  }
0xaa: {  	s5 =	sor.u32 @p0 s6, s5  }
0xab: {  	[sflag:s5] =	ssyncadd.remote.s32 @p0 $0x1;
	_ =	sdelay $0x1  }
0xac: {  	s5 =	simm.s32 @p0 $0x1B8D  }
0xad: {  	_ =	swait.eq @p0 [sflag:s5], $0x1  }
0xae: {  	[sflag:s5] =	ssyncadd.s32 @p0 $0xFFFFFFFF  }
0xaf: {  	s6 =	sshll.u32 @!p0 s1, $0xE  }
0xb0: {  	s6 =	sor.u32 @!p0 $0x4000, s6;
	s5 =	simm.s32 @!p0 $0x1B8D  }
0xb1: {  	s4 =	sshll.u32 @!p0 s4, $0x11;
	s6 =	sadd.s32 @!p0 $0x11B8D, s6;
	_ =	swait.eq @!p0 [sflag:s5], $0x1  }
0xb2: {  	s4 =	sor.u32 @!p0 s4, s6;
	[sflag:s5] =	ssyncadd.s32 @!p0 $0xFFFFFFFF  }
0xb3: {  	s25 =	simm.s32 $0x1B8E;
	s24 =	sld [smem:$0x3FFE];
	[sflag:s4] =	ssyncadd.remote.s32 @!p0 $0x1  }
0xb4: {  	s26 =	simm.s32 $execute0_lowered;
	[smem:$0x3FD2] =	sst s25  }
0xb5: {  	s5 =	sshll.u32 s26, $0x1;
	_ =	strace $0x80000049;
	[dreg:$0x1] =	wrdreg $0xFFFFFFFF  }
0xb6: {  	s28 =	simm.s32 $_size_execute0_lowered;
	s3 =	sadd.s32 s3, s5;
	[dreg:$0x0] =	wrdreg $0x0  }
0xb7: {  	s5 =	sshll.u32 s28, $0x1;
	[dreg:$0x2] =	wrdreg s3  }
0xb8: {  	[dreg:$0x3] =	wrdreg s5  }
0xb9: {  	[dreg:$0x4] =	wrdreg $0xC0  }
0xba: {  	_ =	task [dreg:s22], $0x5FFFF  }
0xbb: {  	[dreg:$0x1] =	wrdreg $0xFFFFFFFF  }
0xbc: {  	[dreg:$0x0] =	wrdreg $0x60  }
0xbd: {  	[dreg:$0x2] =	wrdreg s24  }
0xbe: {  	[dreg:$0x3] =	wrdreg $0xB  }
0xbf: {  	_ =	task.clear_ibuf [dreg:s22], $0x4FFFF;
	_ =	strace $0x90000049  }
0xc0: {  	s29 =	simm.s32 $0xB;
	_ =	strace $0x8000004B  }
0xc1: {  	_ =	swait.ge [sflag:s29], $0x1  }
0xc2: {  	[sflag:s29] =	ssyncadd.s32 $0xFFFFFFFF  }
0xc3: {  	_ =	strace $0x9000004B  }
0xc4: {  	_ =	sfence  }
0xc5: {  	s30 =	sld [smem:$0x0];
	_ =	sdelay $0x2  }
0xc6: {  	s31 =	sshll.u32 s1, $0xD;
	s1 =	sshrl.u32 s1, $0x2  }
0xc7: {  	s4 =	sand.u32 $0x4000, s31;
	s1 =	sadd.s32 s1, s30  }
0xc8: {  	s0 =	sor.u32 s4, s0;
	s1 =	sshll.u32 s1, $0x11  }
0xc9: {  	s0 =	sor.u32 s1, s0  }
0xca: {  	s0 =	sadd.s32 $0x8F2B, s0  }
0xcb: {  	[sflag:s0] =	ssyncadd.remote.s32 $0x1  }
0xcc: {  	_ =	sfence.sel $0xFFFF  }
0xcd: {  	[dreg:$0x0] =	wrdreg $0xFFFFFFFF;
	(pc) =	sbr.abs _section_cstart, $3  }
0xce: {  	[dreg:$0x1] =	wrdreg $0xFFFFFFFF  }
0xcf: {  	_ =	task.clear_ibuf [dreg:s22], $0x2FFFF;
	_ =	strace $0x9FFFFFFF  }
0xd0: {  	(tm) =	ssettm $0x7FFFFFFF  }
0xd1: {  	_ =	shalt  }
tec
execute0_lowered:
.L_overlay_start_1:
0x0: {  	(tag) =	ssettag $0x1  }
0x1: {  	s4 =	rddreg [dreg:$0x0]  }
0x2: {  	s0 =	rddreg [dreg:$0x1];
	s2 =	simm.s32 $0x0;
	s3 =	srdreg.scid  }
0x3: {  	s1 =	stileid.u32;
	s10 =	simm.s32 $0x0;
	[smem:$0x7FF] =	sst s2  }
0x4: {  	s5 =	sand.u32 $0x1, s3;
	s6 =	sshll.u32 s1, $0xC;
	s3 =	sadd.s32 $0x44E00, s4  }
0x5: {  	s8 =	sshll.u32 s1, $0x10;
	_ =	strace $0x8000004A;
	s7 =	sshll.u32 s5, $0xB  }
0x6: {  	s31 =	ssub.s32 $0x2, s5;
	s8 =	sadd.s32 s8, s4;
	s5 =	sshll.u32 s5, $0xF  }
0x7: {  	s6 =	sor.u32 s7, s6;
	s9 =	sshrl.u32 s31, $0x1;
	s5 =	sadd.s32 s5, s8  }
0x8: {  	s8 =	simm.s32 $0x80;
	s6 =	sshrl.u32 s6, $0x3;
	s7 =	ssub.s32 s31, s9  }
0x9: {  	s5 =	sadd.s32 $0x186E00, s5;
	s9 =	simm.s32 $0x1;
	s6 =	sadd.s32 s6, s4  }
0xa: {  	s4 =	smax.u32 s7, $0x1;
	s7 =	simm.s32 $0x2;
	s6 =	sadd.s32 $0x184E00, s6  }
.LBB2_1:
0xb: {  	s11 =	sadd.s32 $0x0, s6  }
0xc: {  	[tilespmem:s2], [sflag:$0x2] =	stream.linear.gather [hbm4b:s11+s2], $0x80, $0x38;
	[tilespmem:$0x4080] =	vst v63  }
0xd: {  	_ =	swait.ge [sflag:s7], $0x80  }
0xe: {  	[sflag:s7] =	ssyncset.done $0x0  }
0xf: {  	[sflag:s7] =	ssyncadd.s32 $0xFFFFFF80  }
0x10: {  	[tilespmem:s8], [sflag:$0x1] =	stream.indirect.gather [hbm4b:s3+s8], $0x80, s2, s8, $0xb8;
	[tilespmem:$0x4080] =	vst v63  }
0x11: {  	_ =	swait.ge [sflag:s9], $0x4000  }
0x12: {  	[sflag:s9] =	ssyncset.done $0x0  }
0x13: {  	[sflag:s9] =	ssyncadd.s32 $0xFFFFC000  }
0x14: {  	[hbm4b:s5+s2] =	stream.linear.scatter [tilespmem:s8], [sflag:$0x2], $0x4000, $0x38;
	[tilespmem:$0x4080] =	vst v63  }
0x15: {  	s12 =	simm.s32 $0x10;
	_ =	swait.ge [sflag:s7], $0x4000  }
0x16: {  	s13 =	simm.s32 $0x20;
	s11 =	sadd.s32 $0x800, s5;
	[sflag:s7] =	ssyncset.done $0x0  }
.LBB2_2:
0x17: {  	s14 =	sadd.s32 s12, s6  }
0x18: {  	[sflag:s7] =	ssyncadd.s32 $0xFFFFC000;
	s12 =	smov.u32 s13;
	s15 =	sadd.s32 $0x10, s13  }
0x19: {  	[tilespmem:s2], [sflag:$0x2] =	stream.linear.gather [hbm4b:s14+s2], $0x80, $0x38;
	[tilespmem:$0x4080] =	vst v63  }
0x1a: {  	p0 =	sne.s32 s13, $0xF0;
	_ =	swait.ge [sflag:s7], $0x80  }
0x1b: {  	[sflag:s7] =	ssyncset.done $0x0  }
0x1c: {  	[sflag:s7] =	ssyncadd.s32 $0xFFFFFF80  }
0x1d: {  	[tilespmem:s8], [sflag:$0x1] =	stream.indirect.gather [hbm4b:s3+s8], $0x80, s2, s8, $0xb8;
	[tilespmem:$0x4080] =	vst v63  }
0x1e: {  	_ =	swait.ge [sflag:s9], $0x4000  }
.Ltmp0:
0x1f: {  	[sflag:s9] =	ssyncset.done $0x0;
	(pc) =	sbr.rel @p0 .LBB2_2-.Ltmp0, $4  }
0x20: {  	[sflag:s9] =	ssyncadd.s32 $0xFFFFC000  }
0x21: {  	[hbm4b:s11+s2] =	stream.linear.scatter [tilespmem:s8], [sflag:$0x2], $0x4000, $0x38;
	[tilespmem:$0x4080] =	vst v63  }
0x22: {  	_ =	swait.ge [sflag:s7], $0x4000  }
0x23: {  	s13 =	smov.u32 s15;
	s11 =	sadd.s32 $0x800, s11;
	[sflag:s7] =	ssyncset.done $0x0  }
0x24: {  	s12 =	sadd.s32 s12, s6;
	[sflag:s7] =	ssyncadd.s32 $0xFFFFC000  }
0x25: {  	[tilespmem:s2], [sflag:$0x2] =	stream.linear.gather [hbm4b:s12+s2], $0x80, $0x38;
	[tilespmem:$0x4080] =	vst v63  }
0x26: {  	_ =	swait.ge [sflag:s7], $0x80  }
0x27: {  	[sflag:s7] =	ssyncset.done $0x0  }
0x28: {  	[sflag:s7] =	ssyncadd.s32 $0xFFFFFF80  }
0x29: {  	[tilespmem:s8], [sflag:$0x1] =	stream.indirect.gather [hbm4b:s3+s8], $0x80, s2, s8, $0xb8;
	[tilespmem:$0x4080] =	vst v63  }
0x2a: {  	s10 =	sadd.s32 $0x1, s10;
	_ =	swait.ge [sflag:s9], $0x4000  }
0x2b: {  	p0 =	sne.s32 s10, s4;
	[sflag:s9] =	ssyncset.done $0x0  }
.Ltmp1:
0x2c: {  	[sflag:s9] =	ssyncadd.s32 $0xFFFFC000;
	(pc) =	sbr.rel @p0 .LBB2_1-.Ltmp1, $4  }
0x2d: {  	[hbm4b:s11+s2] =	stream.linear.scatter [tilespmem:s8], [sflag:$0x2], $0x4000, $0x38;
	[tilespmem:$0x4080] =	vst v63  }
0x2e: {  	_ =	swait.ge [sflag:s7], $0x4000  }
0x2f: {  	[sflag:s7] =	ssyncset.done $0x0  }
0x30: {  	[sflag:s7] =	ssyncadd.s32 $0xFFFFC000  }
0x31: {  	_ =	sfence.sel $0x180000  }
0x32: {  	[bflag:$0x0] =	sbarrier.arrive $0xFFFF  }
0x33: {  	p0 =	sne.s32 s1, $0x0;
	_ =	strace $0x9000004A  }
0x34: {  	s0 =	sadd.s32 @!p0 $0x100000, s0;
	[bflag:$0x2] =	sbarrier.arrive $0xFFFF  }
0x35: {  	[sflag:s0] =	ssyncadd.tile.s32 @!p0 $0x1;
	_ =	shalt  }
.Lfunc_end2:
_tile_overlayer_lowered:
.L_overlay_start_2:
0x36: {  	(tag) =	ssettag $0x2  }
0x37: {  	s0 =	rddreg [dreg:$0x0];
	s2 =	stileid.u32  }
0x38: {  	s1 =	rddreg [dreg:$0x1];
	p0 =	sne.s32 s2, $0x0  }
0x39: {  	s3 =	rddreg [dreg:$0x2];
	[bflag:$0x3] =	sbarrier.arrive $0xFFFF;
	s2 =	simm.s32 @!p0 $0x1C02  }
0x3a: {  	[timem:s3], [sflag:s2] =	dma.local @!p0 [hbm:s0], s1  }
0x3b: {  	s0 =	simm.s32 @!p0 $0x2  }
0x3c: {  	_ =	swait.ge @!p0 [sflag:s0], s1  }
0x3d: {  	s1 =	ssub.s32 @!p0 $0x0, s1;
	[sflag:s0] =	ssyncset.done @!p0 $0x0  }
0x3e: {  	[sflag:s0] =	ssyncadd.s32 @!p0 s1  }
0x3f: {  	[bflag:$0x3] =	sbarrier.arrive $0xFFFF  }
0x40: {  	_ =	shalt  }

// kernel: kernel.24.cloned.1.call-start
scs
__scs_entry_jumppad:
0x0: {  	(pc) =	sbr.rel $0x88, $3  }
0x1: {  	(tag) =	ssettag $0x0;
	lr =	simm.s32 $0x1  }
0x2: {  	[smem:$0x3F99] =	sst lr;
	_ =	strace $0xD0000000  }
0x3: {  	_ = 	snop  }
0x4: {  	_ = 	snop  }
0x5: {  	_ = 	snop  }
0x6: {  	_ = 	snop  }
0x7: {  	_ = 	snop  }
__scs_overlays_trampoline_lowered:
0x8: {  	[smem:$0x3FA8] =	sst s0  }
0x9: {  	[smem:$0x3FA9] =	sst s1  }
0xa: {  	[smem:$0x3FAA] =	sst s2  }
0xb: {  	[smem:$0x3FAB] =	sst s3  }
0xc: {  	[smem:$0x3FAC] =	sst s4  }
0xd: {  	[smem:$0x3FAD] =	sst s5  }
0xe: {  	[smem:$0x3FAE] =	sst s6  }
0xf: {  	[smem:$0x3FAF] =	sst s7  }
0x10: {  	[smem:$0x3FB0] =	sst s8  }
0x11: {  	[smem:$0x3FB1] =	sst s9;
	s0 =	simm.s32 @!p0 $0x0  }
0x12: {  	s1 =	sld [smem:$0x3F97];
	s0 =	simm.s32 @p0 $0x1  }
0x13: {  	[smem:$0x3FB2] =	sst s0;
	s0 =	simm.s32 @!p1 $0x0  }
0x14: {  	s2 =	sld [smem:$0x3F96];
	s0 =	simm.s32 @p1 $0x1  }
0x15: {  	[smem:$0x3FB3] =	sst s0;
	s0 =	simm.s32 @!p2 $0x0  }
0x16: {  	s3 =	sld [smem:$0x3FDB];
	s0 =	simm.s32 @p2 $0x1  }
0x17: {  	s4 =	simm.s32 $0x1BF5;
	[smem:$0x3FB5] =	sst s0  }
0x18: {  	s0 =	sld [smem:$0x3F98];
	_ =	swait.ge [sflag:s4], $0x0  }
0x19: {  	s7 =	sld [smem:$0x3F99]  }
0x1a: {  	s8 =	sadd.s32 $0xFFFFE003, lr  }
0x1b: {  	s9 =	sadd.s32 $0xFFFFFEF7, lr;
	s5 =	simm.s32 $0xFFFFFFFF;
	p2 =	slt.u32 s8, $0xFFFFF086  }
0x1c: {  	p1 =	slt.u32 s9, $0xF7A;
	s5 =	simm.s32 @!p2 $0x0  }
0x1d: {  	s5 =	simm.s32 @p1 $0x1;
	p0 =	seq.s32 s7, s2  }
0x1e: {  	s7 =	smul.u32 @!p0 $0xF7A, s2;
	p2 =	seq.s32 @!p0 s5, $0x0  }
0x1f: {  	s9 =	smul.u32 $0xF7A, s1;
	s8 =	simm.s32 @!p0 $0x1BF5;
	p2 =	por !p2, p0  }
0x20: {  	[sflag:s8] =	ssyncset.s32 @!p0 $0xFFFFF086;
	s6 =	sadd.s32 @!p0 s3, s7;
	s7 =	simm.s32 @!p0 $0x108  }
0x21: {  	s3 =	sadd.s32 s3, s9;
	s6 =	sadd.s32 @!p0 $0x88, s6;
	s7 =	simm.s32 @p2 $0x1082  }
0x22: {  	[simem:s7], [sflag:s8] =	dma.local @!p0 [hbm:s6], $0xF7A  }
0x23: {  	s9 =	sor.u32 $0xD0000000, s2;
	s6 =	simm.s32 $0x108;
	_ =	swait.ge @!p0 [sflag:s8], $0x0  }
0x24: {  	s3 =	sadd.s32 $0x88, s3;
	s6 =	simm.s32 @!p1 $0x1082;
	[sflag:s4] =	ssyncset.s32 $0xFFFFF086  }
0x25: {  	[simem:s6], [sflag:s4] =	dma.local [hbm:s3], $0xF7A  }
0x26: {  	[smem:$0x3F99] =	sst s1;
	(tag) =	ssettag s2;
	_ =	strace s9  }
0x27: {  	s1 =	sld [smem:$0x3FA9]  }
0x28: {  	s2 =	sld [smem:$0x3FAA]  }
0x29: {  	s4 =	sld [smem:$0x3FAC]  }
0x2a: {  	p0 =	seq.s32 s5, $0x0;
	s5 =	sld [smem:$0x3FAD]  }
0x2b: {  	s6 =	sld [smem:$0x3FAE]  }
0x2c: {  	s7 =	sld [smem:$0x3FAF]  }
0x2d: {  	s3 =	simm.s32 $0x108;
	s8 =	sld [smem:$0x3FB0]  }
0x2e: {  	s3 =	simm.s32 @!p0 $0x1082;
	s9 =	sld [smem:$0x3FB1]  }
0x2f: {  	lr =	sadd.s32 s0, s3;
	s0 =	sld [smem:$0x3FA8]  }
0x30: {  	s3 =	sld [smem:$0x3FAB]  }
0x31: {  	[smem:$0x3FB4] =	sst s10  }
0x32: {  	s10 =	sld [smem:$0x3FB2];
	_ =	sdelay $0x3  }
0x33: {  	p0 =	seq.s32 s10, $0x1;
	s10 =	sld [smem:$0x3FB4];
	_ =	sdelay $0x3  }
0x34: {  	[smem:$0x3FB4] =	sst s10  }
0x35: {  	s10 =	sld [smem:$0x3FB3];
	_ =	sdelay $0x3  }
0x36: {  	p1 =	seq.s32 s10, $0x1;
	s10 =	sld [smem:$0x3FB4];
	_ =	sdelay $0x3  }
0x37: {  	[smem:$0x3FB4] =	sst s10  }
0x38: {  	s10 =	sld [smem:$0x3FB5]  }
0x39: {  	_ = 	snop;
	(pc) =	sbr.ind lr, $3  }
0x3a: {  	_ = 	snop  }
0x3b: {  	_ = 	snop  }
0x3c: {  	p2 =	seq.s32 s10, $0x1;
	s10 =	sld [smem:$0x3FB4]  }
0x3d: {  	_ =	shalt  }
0x3e: {  	_ =	shalt  }
0x3f: {  	_ =	shalt  }
0x40: {  	_ =	shalt  }
0x41: {  	_ =	shalt  }
0x42: {  	_ =	shalt  }
0x43: {  	_ =	shalt  }
0x44: {  	_ =	shalt  }
0x45: {  	_ =	shalt  }
0x46: {  	_ =	shalt  }
0x47: {  	_ =	shalt  }
0x48: {  	_ =	shalt  }
0x49: {  	_ =	shalt  }
0x4a: {  	_ =	shalt  }
0x4b: {  	_ =	shalt  }
0x4c: {  	_ =	shalt  }
0x4d: {  	_ =	shalt  }
0x4e: {  	_ =	shalt  }
0x4f: {  	_ =	shalt  }
0x50: {  	_ =	shalt  }
0x51: {  	_ =	shalt  }
0x52: {  	_ =	shalt  }
0x53: {  	_ =	shalt  }
0x54: {  	_ =	shalt  }
0x55: {  	_ =	shalt  }
0x56: {  	_ =	shalt  }
0x57: {  	_ =	shalt  }
0x58: {  	_ =	shalt  }
0x59: {  	_ =	shalt  }
0x5a: {  	_ =	shalt  }
0x5b: {  	_ =	shalt  }
0x5c: {  	_ =	shalt  }
0x5d: {  	_ =	shalt  }
0x5e: {  	_ =	shalt  }
0x5f: {  	_ =	shalt  }
0x60: {  	_ =	shalt  }
0x61: {  	_ =	shalt  }
0x62: {  	_ =	shalt  }
0x63: {  	_ =	shalt  }
0x64: {  	_ =	shalt  }
0x65: {  	_ =	shalt  }
0x66: {  	_ =	shalt  }
0x67: {  	_ =	shalt  }
0x68: {  	_ =	shalt  }
0x69: {  	_ =	shalt  }
0x6a: {  	_ =	shalt  }
0x6b: {  	_ =	shalt  }
0x6c: {  	_ =	shalt  }
0x6d: {  	_ =	shalt  }
0x6e: {  	_ =	shalt  }
0x6f: {  	_ =	shalt  }
0x70: {  	_ =	shalt  }
0x71: {  	_ =	shalt  }
0x72: {  	_ =	shalt  }
0x73: {  	_ =	shalt  }
0x74: {  	_ =	shalt  }
0x75: {  	_ =	shalt  }
0x76: {  	_ =	shalt  }
0x77: {  	_ =	shalt  }
0x78: {  	_ =	shalt  }
0x79: {  	_ =	shalt  }
0x7a: {  	_ =	shalt  }
0x7b: {  	_ =	shalt  }
0x7c: {  	_ =	shalt  }
0x7d: {  	_ =	shalt  }
0x7e: {  	_ =	shalt  }
0x7f: {  	_ =	shalt  }
0x80: {  	_ =	shalt  }
0x81: {  	_ =	shalt  }
0x82: {  	_ =	shalt  }
0x83: {  	_ =	shalt  }
0x84: {  	_ =	shalt  }
0x85: {  	_ =	shalt  }
0x86: {  	_ =	shalt  }
0x87: {  	_ =	shalt  }
.Lfunc_end0:
.L_simem_size_0:
called_computation.3_lowered:
.L_overlay_start_0:
0x88: {  	s2 =	sld [smem:$0x3FD9]  }
0x89: {  	s3 =	sld [smem:$0x3FFE];
	_ =	sdelay $0x1  }
0x8a: {  	s1 =	srdreg.scid  }
0x8b: {  	s0 =	sand.u32 $0x1, s1  }
0x8c: {  	s16 =	sshll.u32 s0, $0xA;
	s2 =	sadd.s32 s3, s2  }
0x8d: {  	s2 =	sadd.s32 s2, s16  }
0x8e: {  	[smem:$0x3FC0] =	sst s2  }
0x8f: {  	_ = 	snop  }
0x90: {  	(tm) =	ssettm $0x1  }
0x91: {  	s17 =	sld [smem:$0x3FFB];
	_ =	sdelay $0x3  }
0x92: {  	_ =	strace s17  }
0x93: {  	s2 =	sld [smem:$0x3FFC];
	_ =	sdelay $0x3  }
0x94: {  	_ =	strace s2  }
0x95: {  	s2 =	sld [smem:$0x3FFD];
	_ =	sdelay $0x3  }
0x96: {  	_ =	strace s2  }
0x97: {  	_ =	strace $0x8FFFFFFF  }
0x98: {  	s18 =	sld [smem:$0x3FDB];
	_ =	sdelay $0x1  }
0x99: {  	s19 =	simm.s32 $_scs_section_size  }
0x9a: {  	s4 =	simm.s32 $_size__tile_overlayer_lowered;
	s5 =	simm.s32 $_tile_overlayer_lowered  }
0x9b: {  	s22 =	simm.s32 $0x1BFF;
	s21 =	sshll.u32 s5, $0x1;
	s2 =	sadd.s32 s19, s18  }
0x9c: {  	s6 =	simm.s32 $0x0;
	s20 =	sshll.u32 s4, $0x1;
	s4 =	sadd.s32 s21, s2  }
0x9d: {  	[timem:s6], [sflag:s22] =	dma.local [hbm:s4], s20  }
0x9e: {  	_ =	swait.ge [sflag:s22], s20  }
0x9f: {  	s3 =	ssub.s32 $0x0, s20;
	[sflag:s22] =	ssyncset.done $0x0  }
0xa0: {  	[sflag:s22] =	ssyncadd.s32 s3;
	_ =	sdelay $0x1  }
0xa1: {  	s23 =	simm.s32 $0x1B8B  }
0xa2: {  	_ =	swait.ge [sflag:s23], $0x1  }
0xa3: {  	[sflag:s23] =	ssyncset.done $0x0  }
0xa4: {  	s25 =	simm.s32 $0x1B8E;
	s24 =	sld [smem:$0x3FFE];
	[sflag:s23] =	ssyncadd.s32 $0xFFFFFFFF  }
0xa5: {  	s26 =	simm.s32 $execute0_lowered;
	[smem:$0x3FD2] =	sst s25  }
0xa6: {  	s4 =	sshll.u32 s26, $0x1;
	_ =	strace $0x80000046;
	[dreg:$0x1] =	wrdreg $0xFFFFFFFF  }
0xa7: {  	s28 =	simm.s32 $_size_execute0_lowered;
	s2 =	sadd.s32 s2, s4;
	[dreg:$0x0] =	wrdreg $0x0  }
0xa8: {  	s4 =	sshll.u32 s28, $0x1;
	[dreg:$0x2] =	wrdreg s2  }
0xa9: {  	[dreg:$0x3] =	wrdreg s4  }
0xaa: {  	[dreg:$0x4] =	wrdreg $0xC0  }
0xab: {  	_ =	task [dreg:s6], $0x5FFFF  }
0xac: {  	[dreg:$0x1] =	wrdreg $0xFFFFFFFF  }
0xad: {  	[dreg:$0x0] =	wrdreg $0x60  }
0xae: {  	[dreg:$0x2] =	wrdreg s24  }
0xaf: {  	[dreg:$0x3] =	wrdreg $0xC  }
0xb0: {  	_ =	task.clear_ibuf [dreg:s6], $0x4FFFF;
	_ =	strace $0x90000046  }
0xb1: {  	s29 =	simm.s32 $0xC;
	_ =	strace $0x80000048  }
0xb2: {  	_ =	swait.ge [sflag:s29], $0x1  }
0xb3: {  	[sflag:s29] =	ssyncadd.s32 $0xFFFFFFFF  }
0xb4: {  	_ =	strace $0x90000048  }
0xb5: {  	_ =	sfence  }
0xb6: {  	s30 =	sld [smem:$0x0];
	_ =	sdelay $0x2  }
0xb7: {  	s31 =	sshll.u32 s1, $0xD;
	s1 =	sshrl.u32 s1, $0x2  }
0xb8: {  	s3 =	sand.u32 $0x4000, s31;
	s1 =	sadd.s32 s1, s30  }
0xb9: {  	s0 =	sor.u32 s3, s0;
	s1 =	sshll.u32 s1, $0x11  }
0xba: {  	s0 =	sor.u32 s1, s0  }
0xbb: {  	s0 =	sadd.s32 $0x8F2B, s0  }
0xbc: {  	[sflag:s0] =	ssyncadd.remote.s32 $0x1  }
0xbd: {  	_ =	sfence.sel $0xFFFF  }
0xbe: {  	[dreg:$0x0] =	wrdreg $0xFFFFFFFF;
	(pc) =	sbr.abs _section_cstart, $3  }
0xbf: {  	[dreg:$0x1] =	wrdreg $0xFFFFFFFF  }
0xc0: {  	_ =	task.clear_ibuf [dreg:s6], $0x2FFFF;
	_ =	strace $0x9FFFFFFF  }
0xc1: {  	(tm) =	ssettm $0x7FFFFFFF  }
tec
execute0_lowered:
.L_overlay_start_1:
0x0: {  	(tag) =	ssettag $0x1  }
0x1: {  	s4 =	rddreg [dreg:$0x0]  }
0x2: {  	s0 =	rddreg [dreg:$0x1];
	s2 =	simm.s32 $0x0;
	s3 =	srdreg.scid  }
0x3: {  	s1 =	stileid.u32;
	s10 =	simm.s32 $0x0;
	[smem:$0x7FF] =	sst s2  }
0x4: {  	s5 =	sand.u32 $0x1, s3;
	s6 =	sshll.u32 s1, $0xC;
	s3 =	sadd.s32 $0x44E00, s4  }
0x5: {  	s8 =	sshll.u32 s1, $0x10;
	_ =	strace $0x80000047;
	s7 =	sshll.u32 s5, $0xB  }
0x6: {  	s31 =	ssub.s32 $0x2, s5;
	s8 =	sadd.s32 s8, s4;
	s5 =	sshll.u32 s5, $0xF  }
0x7: {  	s6 =	sor.u32 s7, s6;
	s9 =	sshrl.u32 s31, $0x1;
	s5 =	sadd.s32 s5, s8  }
0x8: {  	s8 =	simm.s32 $0x80;
	s6 =	sshrl.u32 s6, $0x3;
	s7 =	ssub.s32 s31, s9  }
0x9: {  	s5 =	sadd.s32 $0x84E00, s5;
	s9 =	simm.s32 $0x1;
	s6 =	sadd.s32 s6, s4  }
0xa: {  	s4 =	smax.u32 s7, $0x1;
	s7 =	simm.s32 $0x2;
	s6 =	sadd.s32 $0x2E00, s6  }
.LBB2_1:
0xb: {  	s11 =	sadd.s32 $0x0, s6  }
0xc: {  	[tilespmem:s2], [sflag:$0x2] =	stream.linear.gather [hbm4b:s11+s2], $0x80, $0x38;
	[tilespmem:$0x4080] =	vst v63  }
0xd: {  	_ =	swait.ge [sflag:s7], $0x80  }
0xe: {  	[sflag:s7] =	ssyncset.done $0x0  }
0xf: {  	[sflag:s7] =	ssyncadd.s32 $0xFFFFFF80  }
0x10: {  	[tilespmem:s8], [sflag:$0x1] =	stream.indirect.gather [hbm4b:s3+s8], $0x80, s2, s8, $0xb8;
	[tilespmem:$0x4080] =	vst v63  }
0x11: {  	_ =	swait.ge [sflag:s9], $0x4000  }
0x12: {  	[sflag:s9] =	ssyncset.done $0x0  }
0x13: {  	[sflag:s9] =	ssyncadd.s32 $0xFFFFC000  }
0x14: {  	[hbm4b:s5+s2] =	stream.linear.scatter [tilespmem:s8], [sflag:$0x2], $0x4000, $0x38;
	[tilespmem:$0x4080] =	vst v63  }
0x15: {  	s12 =	simm.s32 $0x10;
	_ =	swait.ge [sflag:s7], $0x4000  }
0x16: {  	s13 =	simm.s32 $0x20;
	s11 =	sadd.s32 $0x800, s5;
	[sflag:s7] =	ssyncset.done $0x0  }
.LBB2_2:
0x17: {  	s14 =	sadd.s32 s12, s6  }
0x18: {  	[sflag:s7] =	ssyncadd.s32 $0xFFFFC000;
	s12 =	smov.u32 s13;
	s15 =	sadd.s32 $0x10, s13  }
0x19: {  	[tilespmem:s2], [sflag:$0x2] =	stream.linear.gather [hbm4b:s14+s2], $0x80, $0x38;
	[tilespmem:$0x4080] =	vst v63  }
0x1a: {  	p0 =	sne.s32 s13, $0xF0;
	_ =	swait.ge [sflag:s7], $0x80  }
0x1b: {  	[sflag:s7] =	ssyncset.done $0x0  }
0x1c: {  	[sflag:s7] =	ssyncadd.s32 $0xFFFFFF80  }
0x1d: {  	[tilespmem:s8], [sflag:$0x1] =	stream.indirect.gather [hbm4b:s3+s8], $0x80, s2, s8, $0xb8;
	[tilespmem:$0x4080] =	vst v63  }
0x1e: {  	_ =	swait.ge [sflag:s9], $0x4000  }
.Ltmp0:
0x1f: {  	[sflag:s9] =	ssyncset.done $0x0;
	(pc) =	sbr.rel @p0 .LBB2_2-.Ltmp0, $4  }
0x20: {  	[sflag:s9] =	ssyncadd.s32 $0xFFFFC000  }
0x21: {  	[hbm4b:s11+s2] =	stream.linear.scatter [tilespmem:s8], [sflag:$0x2], $0x4000, $0x38;
	[tilespmem:$0x4080] =	vst v63  }
0x22: {  	_ =	swait.ge [sflag:s7], $0x4000  }
0x23: {  	s13 =	smov.u32 s15;
	s11 =	sadd.s32 $0x800, s11;
	[sflag:s7] =	ssyncset.done $0x0  }
0x24: {  	s12 =	sadd.s32 s12, s6;
	[sflag:s7] =	ssyncadd.s32 $0xFFFFC000  }
0x25: {  	[tilespmem:s2], [sflag:$0x2] =	stream.linear.gather [hbm4b:s12+s2], $0x80, $0x38;
	[tilespmem:$0x4080] =	vst v63  }
0x26: {  	_ =	swait.ge [sflag:s7], $0x80  }
0x27: {  	[sflag:s7] =	ssyncset.done $0x0  }
0x28: {  	[sflag:s7] =	ssyncadd.s32 $0xFFFFFF80  }
0x29: {  	[tilespmem:s8], [sflag:$0x1] =	stream.indirect.gather [hbm4b:s3+s8], $0x80, s2, s8, $0xb8;
	[tilespmem:$0x4080] =	vst v63  }
0x2a: {  	s10 =	sadd.s32 $0x1, s10;
	_ =	swait.ge [sflag:s9], $0x4000  }
0x2b: {  	p0 =	sne.s32 s10, s4;
	[sflag:s9] =	ssyncset.done $0x0  }
.Ltmp1:
0x2c: {  	[sflag:s9] =	ssyncadd.s32 $0xFFFFC000;
	(pc) =	sbr.rel @p0 .LBB2_1-.Ltmp1, $4  }
0x2d: {  	[hbm4b:s11+s2] =	stream.linear.scatter [tilespmem:s8], [sflag:$0x2], $0x4000, $0x38;
	[tilespmem:$0x4080] =	vst v63  }
0x2e: {  	_ =	swait.ge [sflag:s7], $0x4000  }
0x2f: {  	[sflag:s7] =	ssyncset.done $0x0  }
0x30: {  	[sflag:s7] =	ssyncadd.s32 $0xFFFFC000  }
0x31: {  	_ =	sfence.sel $0x180000  }
0x32: {  	[bflag:$0x0] =	sbarrier.arrive $0xFFFF  }
0x33: {  	p0 =	sne.s32 s1, $0x0;
	_ =	strace $0x90000047  }
0x34: {  	s0 =	sadd.s32 @!p0 $0x100000, s0;
	[bflag:$0x2] =	sbarrier.arrive $0xFFFF  }
0x35: {  	[sflag:s0] =	ssyncadd.tile.s32 @!p0 $0x1;
	_ =	shalt  }
.Lfunc_end2:
_tile_overlayer_lowered:
.L_overlay_start_2:
0x36: {  	(tag) =	ssettag $0x2  }
0x37: {  	s0 =	rddreg [dreg:$0x0];
	s2 =	stileid.u32  }
0x38: {  	s1 =	rddreg [dreg:$0x1];
	p0 =	sne.s32 s2, $0x0  }
0x39: {  	s3 =	rddreg [dreg:$0x2];
	[bflag:$0x3] =	sbarrier.arrive $0xFFFF;
	s2 =	simm.s32 @!p0 $0x1C02  }
0x3a: {  	[timem:s3], [sflag:s2] =	dma.local @!p0 [hbm:s0], s1  }
0x3b: {  	s0 =	simm.s32 @!p0 $0x2  }
0x3c: {  	_ =	swait.ge @!p0 [sflag:s0], s1  }
0x3d: {  	s1 =	ssub.s32 @!p0 $0x0, s1;
	[sflag:s0] =	ssyncset.done @!p0 $0x0  }
0x3e: {  	[sflag:s0] =	ssyncadd.s32 @!p0 s1  }
0x3f: {  	[bflag:$0x3] =	sbarrier.arrive $0xFFFF  }
0x40: {  	_ =	shalt  }

</sc_bundles>
